<compile_context>
chip_gen: v7x
topology: tpu7x:2x2x1
jax: 0.10.2.dev20260603
libtpu: 0.0.44.dev20260713+nightly
codegen_flags: <defaults>
</compile_context>

<pallas_src>
import functools

import jax
import jax.numpy as jnp
from jax import lax
from jax.experimental import pallas as pl
from jax.experimental.pallas import tpu as pltpu
from jax.experimental.pallas import tpu_sc as plsc

INPUT_DIM = 1000000
HALF = INPUT_DIM // 2
D = 32

NC = 2
NS = 16
NW = NC * NS
L = 16

SEG = 12800
BLK = 128
CAP = SEG + 160


def _embed_kernel(B: int):
    n_per_w = B // NW
    n_seg = n_per_w // SEG

    mesh = plsc.VectorSubcoreMesh(core_axis_name="c", subcore_axis_name="s")

    @functools.partial(
        pl.kernel,
        out_type=jax.ShapeDtypeStruct((B, D), jnp.float32),
        mesh=mesh,
        compiler_params=pltpu.CompilerParams(use_tc_tiling_on_sc=False,
                                             needs_layout_passes=False),
        scratch_types=[
            pltpu.VMEM((SEG,), jnp.int32),
            pltpu.VMEM((CAP,), jnp.int32),
            pltpu.VMEM((CAP,), jnp.int32),
            pltpu.VMEM((CAP,), jnp.int32),
            pltpu.VMEM((CAP,), jnp.int32),
            pltpu.VMEM((2, BLK, D), jnp.float32),
            pltpu.VMEM((2, BLK), jnp.int32),
            pltpu.SemaphoreType.DMA,
            pltpu.SemaphoreType.DMA,
        ],
    )
    def k(idx_hbm, e1_hbm, e2_hbm, out_hbm,
          idx_v, idxb1, posb1, idxb2, posb2, rows_v, pstage, gsem, ssem):
        wid = lax.axis_index("s") * NC + lax.axis_index("c")
        wbase = wid * n_per_w
        iota = lax.broadcasted_iota(jnp.int32, (L,), 0)

        def run_table(idxb, posb, cnt, table_hbm):
            @pl.when(cnt > 0)
            def _():
                last = cnt - 1
                li = plsc.load_gather(idxb, [jnp.full((L,), last, jnp.int32)])
                lp = plsc.load_gather(posb, [jnp.full((L,), last, jnp.int32)])
                g0 = cnt - (cnt & (L - 1))
                keep = (g0 + iota) < cnt
                idxb[pl.ds(g0, L)] = jnp.where(keep, idxb[pl.ds(g0, L)], li)
                posb[pl.ds(g0, L)] = jnp.where(keep, posb[pl.ds(g0, L)], lp)
                for t in range(1, BLK // L + 1):
                    idxb[pl.ds(g0 + t * L, L)] = li
                    posb[pl.ds(g0 + t * L, L)] = lp

                nb = (cnt + BLK - 1) // BLK

                def fire_gather(b, slot):
                    return pltpu.async_copy(
                        table_hbm.at[idxb.at[pl.ds(b * BLK, BLK)]],
                        rows_v.at[slot], gsem)

                def stage_and_scatter(b, slot):
                    for t in range(BLK // L):
                        pstage[slot, pl.ds(t * L, L)] = (
                            posb[pl.ds(b * BLK + t * L, L)])
                    return pltpu.async_copy(
                        rows_v.at[slot], out_hbm.at[pstage.at[slot]], ssem)

                def body(p, carry):
                    b = p * 2
                    ga = fire_gather(b, 0)
                    ga.wait()
                    sa = stage_and_scatter(b, 0)

                    @pl.when(b + 1 < nb)
                    def _():
                        gb = fire_gather(b + 1, 1)
                        gb.wait()
                        sb = stage_and_scatter(b + 1, 1)
                        sb.wait()

                    sa.wait()
                    return carry

                lax.fori_loop(0, (nb + 1) // 2, body, 0)

        for seg in range(n_seg):
            seg_gbase = wbase + seg * SEG
            pltpu.sync_copy(idx_hbm.at[pl.ds(seg_gbase, SEG)], idx_v)

            def compact(g, carry):
                c1, c2 = carry
                idx16 = idx_v[pl.ds(g * L, L)]
                m = idx16 < HALF
                n1 = plsc.all_reduce_population_count(m)[0]
                pos16 = (seg_gbase + g * L) + iota
                plsc.store_compressed(idxb1.at[pl.ds(c1, L)], idx16, mask=m)
                plsc.store_compressed(posb1.at[pl.ds(c1, L)], pos16, mask=m)
                plsc.store_compressed(idxb2.at[pl.ds(c2, L)], idx16 - HALF,
                                      mask=~m)
                plsc.store_compressed(posb2.at[pl.ds(c2, L)], pos16, mask=~m)
                return (c1 + n1, c2 + (L - n1))

            zero = jnp.int32(0)
            c1, c2 = lax.fori_loop(0, SEG // L, compact, (zero, zero))

            run_table(idxb1, posb1, c1, e1_hbm)
            run_table(idxb2, posb2, c2, e2_hbm)

    return k


def kernel(inputs, e1, e2):
    bsz, hist = inputs.shape
    B = bsz * hist
    idx = inputs.reshape(B).astype(jnp.int32)
    out = _embed_kernel(B)(idx, e1, e2)
    return out.reshape(bsz, hist, D)

# --- scband reference (transcript-rebuilt; emitter-appended) ---
"""Pipeline reference for scband-custom-embedding-17721035064134 (READ-ONLY COPY).

The authoritative reference and input builder live on the scoring server;
editing this copy changes nothing except your own understanding.
"""

import jax, jax.numpy as jnp
import numpy as np

INPUT_DIM = 1000000
OUTPUT_DIM = 32
BATCH = 16384
HIST = 50

def setup_inputs(seed: int = 0) -> dict:
    key = jax.random.key(seed)
    k1, k2, k3 = jax.random.split(key, 3)
    inputs = jax.random.randint(k1, (BATCH, HIST), 0, INPUT_DIM)
    half = INPUT_DIM // 2
    e1 = jax.random.normal(k2, (half, OUTPUT_DIM), dtype=jnp.float32) * 0.05
    e2 = jax.random.normal(k3, (INPUT_DIM - half, OUTPUT_DIM), dtype=jnp.float32) * 0.05
    return {"inputs": inputs, "e1": e1, "e2": e2}

def reference(inputs, e1, e2):
    # Faithful to CustomEmbedding: embeddings = concat(e1, e2, axis=0); lookup
    embeddings = jnp.concatenate((e1, e2), axis=0)
    return jnp.take(embeddings, inputs, axis=0)

if __name__ == "__main__":
    import jax
    _d = setup_inputs()
    print(jax.jit(kernel)(*tuple(_d.values())))

</pallas_src>

<mosaic_0001>
#map = affine_map<(d0, d1) -> (0)>
#map1 = affine_map<(d0, d1) -> (0, 0)>
module attributes {stable_mosaic.version = 14 : i64} {
  func.func @k(%arg0: i32, %arg1: i32, %arg2: memref<819200xi32, #tpu.memory_space<hbm>>, %arg3: memref<500000x32xf32, #tpu.memory_space<hbm>>, %arg4: memref<500000x32xf32, #tpu.memory_space<hbm>>, %arg5: memref<819200x32xf32, #tpu.memory_space<hbm>>, %arg6: memref<12800xi32, #tpu.memory_space<vmem>>, %arg7: memref<12960xi32, #tpu.memory_space<vmem>>, %arg8: memref<12960xi32, #tpu.memory_space<vmem>>, %arg9: memref<12960xi32, #tpu.memory_space<vmem>>, %arg10: memref<12960xi32, #tpu.memory_space<vmem>>, %arg11: memref<2x128x32xf32, #tpu.memory_space<vmem>>, %arg12: memref<2x128xi32, #tpu.memory_space<vmem>>, %arg13: memref<!tpu.dma_semaphore, #tpu.memory_space<semaphore_mem>>, %arg14: memref<!tpu.dma_semaphore, #tpu.memory_space<semaphore_mem>>) attributes {dimension_semantics = [#tpu.dimension_semantics<core_parallel>, #tpu.dimension_semantics<subcore_parallel>], iteration_bounds = array<i64: 2, 16>, scalar_prefetch = 0 : i64, scratch_operands = 9 : i64, tpu.core_type = #tpu.core_type<sc_vector_subcore>, window_params = [{transform_indices = #map}, {transform_indices = #map1}, {transform_indices = #map1}, {transform_indices = #map1}]} {
    %mul3A = arith.constant 2 : i32
    %mul3A_0 = arith.muli %arg1, %mul3A : i32
    %add3A = arith.addi %mul3A_0, %arg0 : i32
    %mul3A_1 = arith.constant 25600 : i32
    %mul3A_2 = arith.muli %add3A, %mul3A_1 : i32
    %iota3A = tpu.iota {dimensions = array<i32: 0>} : vector<16xi32>
    %add3A_3 = arith.constant 0 : i32
    %add3A_4 = arith.addi %mul3A_2, %add3A_3 : i32
    "tpu.region"() ({
      %run_scoped3A = tpu.sem_alloc : memref<!tpu.dma_semaphore, #tpu.memory_space<semaphore_mem>>
      %dma_start3A = tpu.memref_slice %arg2[%add3A_4] : memref<819200xi32, #tpu.memory_space<hbm>> -> memref<12800xi32, #tpu.memory_space<hbm>>
      %dma_start3A_39 = tpu.memref_slice %arg2[%add3A_4] : memref<819200xi32, #tpu.memory_space<hbm>> -> memref<12800xi32, #tpu.memory_space<hbm>>
      tpu.enqueue_dma source(%dma_start3A_39 : memref<12800xi32, #tpu.memory_space<hbm>>) target(%arg6 : memref<12800xi32, #tpu.memory_space<vmem>>) target_semaphore(%run_scoped3A : memref<!tpu.dma_semaphore, #tpu.memory_space<semaphore_mem>>)
      %dma_wait3A = tpu.memref_slice %arg2[%add3A_4] : memref<819200xi32, #tpu.memory_space<hbm>> -> memref<12800xi32, #tpu.memory_space<hbm>>
      %dma_wait3A_40 = tpu.memref_slice %arg2[%add3A_4] : memref<819200xi32, #tpu.memory_space<hbm>> -> memref<12800xi32, #tpu.memory_space<hbm>>
      tpu.wait_dma2 semaphore(%run_scoped3A : memref<!tpu.dma_semaphore, #tpu.memory_space<semaphore_mem>>) src(%dma_wait3A_40 : memref<12800xi32, #tpu.memory_space<hbm>>) dst(%arg6 : memref<12800xi32, #tpu.memory_space<vmem>>)
      tpu.yield
    }) : () -> ()
    %scan3A = arith.constant 0 : i32
    %scan3A_5 = arith.constant 0 : i32
    %scan3A_6 = arith.constant 0 : i32
    %scan3A_7 = arith.constant 800 : i32
    %scan3A_8 = arith.addi %scan3A_6, %scan3A_7 : i32
    %scan3A_9 = arith.constant 1 : i32
    %scan3A_10:2 = scf.for %scan3A_39 = %scan3A_6 to %scan3A_8 step %scan3A_9 iter_args(%scan3A_40 = %scan3A, %scan3A_41 = %scan3A_5) -> (i32, i32)  : i32 {
      %mul3A_42 = arith.constant 16 : i32
      %mul3A_43 = arith.muli %scan3A_39, %mul3A_42 : i32
      %get3A = arith.index_cast %mul3A_43 : i32 to index
      %get3A_44 = tpu.vector_load %arg6[%get3A] {strides = array<i32>} : memref<12800xi32, #tpu.memory_space<vmem>>, vector<16xi32>,
      %lt3A = arith.constant 500000 : i32
      %lt3A_45 = vector.broadcast %lt3A : i32 to vector<16xi32>
      %lt3A_46 = arith.cmpi slt, %get3A_44, %lt3A_45 : vector<16xi32>
      %all_reduce_population_count3A = tpu.all_reduce %lt3A_46 {dim = 0 : i64, kind = #tpu.reduction_kind<sum>} : vector<16xi1> -> vector<16xi32>
      %slice3A = vector.extract_strided_slice %all_reduce_population_count3A {offsets = [0], sizes = [1], strides = [1]} : vector<16xi32> to vector<1xi32>
      %squeeze3A = vector.extract %slice3A[0] : i32 from vector<1xi32>
      %mul3A_47 = arith.constant 16 : i32
      %mul3A_48 = arith.muli %scan3A_39, %mul3A_47 : i32
      %add3A_49 = arith.addi %add3A_4, %mul3A_48 : i32
      %add3A_50 = vector.broadcast %add3A_49 : i32 to vector<16xi32>
      %add3A_51 = arith.addi %add3A_50, %iota3A : vector<16xi32>
      %swap3A = arith.index_cast %scan3A_40 : i32 to index
      %swap3A_52 = tpu.vector_load %arg7[%swap3A] masked %lt3A_46 {strides = array<i32>} : memref<12960xi32, #tpu.memory_space<vmem>>, vector<16xi32>, vector<16xi1>
      tpu.vector_store %arg7[%swap3A], %get3A_44 masked %lt3A_46 {strides = array<i32>} : memref<12960xi32, #tpu.memory_space<vmem>>, vector<16xi32>, vector<16xi1>
      %swap3A_53 = arith.index_cast %scan3A_40 : i32 to index
      %swap3A_54 = tpu.vector_load %arg8[%swap3A_53] masked %lt3A_46 {strides = array<i32>} : memref<12960xi32, #tpu.memory_space<vmem>>, vector<16xi32>, vector<16xi1>
      tpu.vector_store %arg8[%swap3A_53], %add3A_51 masked %lt3A_46 {strides = array<i32>} : memref<12960xi32, #tpu.memory_space<vmem>>, vector<16xi32>, vector<16xi1>
      %sub3A = arith.constant 500000 : i32
      %sub3A_55 = vector.broadcast %sub3A : i32 to vector<16xi32>
      %sub3A_56 = arith.subi %get3A_44, %sub3A_55 : vector<16xi32>
      %not3A = arith.constant dense<true> : vector<16xi1>
      %not3A_57 = arith.xori %lt3A_46, %not3A : vector<16xi1>
      %swap3A_58 = arith.index_cast %scan3A_41 : i32 to index
      %swap3A_59 = tpu.vector_load %arg9[%swap3A_58] masked %not3A_57 {strides = array<i32>} : memref<12960xi32, #tpu.memory_space<vmem>>, vector<16xi32>, vector<16xi1>
      tpu.vector_store %arg9[%swap3A_58], %sub3A_56 masked %not3A_57 {strides = array<i32>} : memref<12960xi32, #tpu.memory_space<vmem>>, vector<16xi32>, vector<16xi1>
      %not3A_60 = arith.constant dense<true> : vector<16xi1>
      %not3A_61 = arith.xori %lt3A_46, %not3A_60 : vector<16xi1>
      %swap3A_62 = arith.index_cast %scan3A_41 : i32 to index
      %swap3A_63 = tpu.vector_load %arg10[%swap3A_62] masked %not3A_61 {strides = array<i32>} : memref<12960xi32, #tpu.memory_space<vmem>>, vector<16xi32>, vector<16xi1>
      tpu.vector_store %arg10[%swap3A_62], %add3A_51 masked %not3A_61 {strides = array<i32>} : memref<12960xi32, #tpu.memory_space<vmem>>, vector<16xi32>, vector<16xi1>
      %add3A_64 = arith.addi %scan3A_40, %squeeze3A : i32
      %sub3A_65 = arith.constant 16 : i32
      %sub3A_66 = arith.subi %sub3A_65, %squeeze3A : i32
      %add3A_67 = arith.addi %scan3A_41, %sub3A_66 : i32
      scf.yield %add3A_64, %add3A_67 : i32, i32
    }
    %scan3A_11 = arith.constant 800 : i32
    %gt3A = arith.constant 0 : i32
    %gt3A_12 = arith.cmpi sgt, %scan3A_10#0, %gt3A : i32
    %convert_element_type3A = arith.extui %gt3A_12 : i1 to i32
    %cond3A = arith.constant 0 : i32
    %cond3A_13 = arith.cmpi ne, %convert_element_type3A, %cond3A : i32
    scf.if %cond3A_13 {
      %sub3A = arith.constant 1 : i32
      %sub3A_39 = arith.subi %scan3A_10#0, %sub3A : i32
      %broadcast_in_dim3A = vector.broadcast %sub3A_39 : i32 to vector<16xi32>
      %gather3A = tpu.vector_load_idx %arg7[%broadcast_in_dim3A] : memref<12960xi32, #tpu.memory_space<vmem>>[vector<16xi32>], vector<16xi32>,
      %broadcast_in_dim3A_40 = vector.broadcast %sub3A_39 : i32 to vector<16xi32>
      %gather3A_41 = tpu.vector_load_idx %arg8[%broadcast_in_dim3A_40] : memref<12960xi32, #tpu.memory_space<vmem>>[vector<16xi32>], vector<16xi32>,
      %and3A = arith.constant 15 : i32
      %and3A_42 = arith.andi %scan3A_10#0, %and3A : i32
      %sub3A_43 = arith.subi %scan3A_10#0, %and3A_42 : i32
      %add3A_44 = vector.broadcast %sub3A_43 : i32 to vector<16xi32>
      %add3A_45 = arith.addi %add3A_44, %iota3A : vector<16xi32>
      %lt3A = vector.broadcast %scan3A_10#0 : i32 to vector<16xi32>
      %lt3A_46 = arith.cmpi slt, %add3A_45, %lt3A : vector<16xi32>
      %get3A = arith.index_cast %sub3A_43 : i32 to index
      %get3A_47 = tpu.vector_load %arg7[%get3A] {strides = array<i32>} : memref<12960xi32, #tpu.memory_space<vmem>>, vector<16xi32>,
      %select_n3A = arith.select %lt3A_46, %get3A_47, %gather3A : vector<16xi1>, vector<16xi32>
      %swap3A = arith.index_cast %sub3A_43 : i32 to index
      %swap3A_48 = tpu.vector_load %arg7[%swap3A] {strides = array<i32>} : memref<12960xi32, #tpu.memory_space<vmem>>, vector<16xi32>,
      tpu.vector_store %arg7[%swap3A], %select_n3A {strides = array<i32>} : memref<12960xi32, #tpu.memory_space<vmem>>, vector<16xi32>,
      %get3A_49 = arith.index_cast %sub3A_43 : i32 to index
      %get3A_50 = tpu.vector_load %arg8[%get3A_49] {strides = array<i32>} : memref<12960xi32, #tpu.memory_space<vmem>>, vector<16xi32>,
      %select_n3A_51 = arith.select %lt3A_46, %get3A_50, %gather3A_41 : vector<16xi1>, vector<16xi32>
      %swap3A_52 = arith.index_cast %sub3A_43 : i32 to index
      %swap3A_53 = tpu.vector_load %arg8[%swap3A_52] {strides = array<i32>} : memref<12960xi32, #tpu.memory_space<vmem>>, vector<16xi32>,
      tpu.vector_store %arg8[%swap3A_52], %select_n3A_51 {strides = array<i32>} : memref<12960xi32, #tpu.memory_space<vmem>>, vector<16xi32>,
      %add3A_54 = arith.constant 16 : i32
      %add3A_55 = arith.addi %sub3A_43, %add3A_54 : i32
      %swap3A_56 = arith.index_cast %add3A_55 : i32 to index
      %swap3A_57 = tpu.vector_load %arg7[%swap3A_56] {strides = array<i32>} : memref<12960xi32, #tpu.memory_space<vmem>>, vector<16xi32>,
      tpu.vector_store %arg7[%swap3A_56], %gather3A {strides = array<i32>} : memref<12960xi32, #tpu.memory_space<vmem>>, vector<16xi32>,
      %add3A_58 = arith.constant 16 : i32
      %add3A_59 = arith.addi %sub3A_43, %add3A_58 : i32
      %swap3A_60 = arith.index_cast %add3A_59 : i32 to index
      %swap3A_61 = tpu.vector_load %arg8[%swap3A_60] {strides = array<i32>} : memref<12960xi32, #tpu.memory_space<vmem>>, vector<16xi32>,
      tpu.vector_store %arg8[%swap3A_60], %gather3A_41 {strides = array<i32>} : memref<12960xi32, #tpu.memory_space<vmem>>, vector<16xi32>,
      %add3A_62 = arith.constant 32 : i32
      %add3A_63 = arith.addi %sub3A_43, %add3A_62 : i32
      %swap3A_64 = arith.index_cast %add3A_63 : i32 to index
      %swap3A_65 = tpu.vector_load %arg7[%swap3A_64] {strides = array<i32>} : memref<12960xi32, #tpu.memory_space<vmem>>, vector<16xi32>,
      tpu.vector_store %arg7[%swap3A_64], %gather3A {strides = array<i32>} : memref<12960xi32, #tpu.memory_space<vmem>>, vector<16xi32>,
      %add3A_66 = arith.constant 32 : i32
      %add3A_67 = arith.addi %sub3A_43, %add3A_66 : i32
      %swap3A_68 = arith.index_cast %add3A_67 : i32 to index
      %swap3A_69 = tpu.vector_load %arg8[%swap3A_68] {strides = array<i32>} : memref<12960xi32, #tpu.memory_space<vmem>>, vector<16xi32>,
      tpu.vector_store %arg8[%swap3A_68], %gather3A_41 {strides = array<i32>} : memref<12960xi32, #tpu.memory_space<vmem>>, vector<16xi32>,
      %add3A_70 = arith.constant 48 : i32
      %add3A_71 = arith.addi %sub3A_43, %add3A_70 : i32
      %swap3A_72 = arith.index_cast %add3A_71 : i32 to index
      %swap3A_73 = tpu.vector_load %arg7[%swap3A_72] {strides = array<i32>} : memref<12960xi32, #tpu.memory_space<vmem>>, vector<16xi32>,
      tpu.vector_store %arg7[%swap3A_72], %gather3A {strides = array<i32>} : memref<12960xi32, #tpu.memory_space<vmem>>, vector<16xi32>,
      %add3A_74 = arith.constant 48 : i32
      %add3A_75 = arith.addi %sub3A_43, %add3A_74 : i32
      %swap3A_76 = arith.index_cast %add3A_75 : i32 to index
      %swap3A_77 = tpu.vector_load %arg8[%swap3A_76] {strides = array<i32>} : memref<12960xi32, #tpu.memory_space<vmem>>, vector<16xi32>,
      tpu.vector_store %arg8[%swap3A_76], %gather3A_41 {strides = array<i32>} : memref<12960xi32, #tpu.memory_space<vmem>>, vector<16xi32>,
      %add3A_78 = arith.constant 64 : i32
      %add3A_79 = arith.addi %sub3A_43, %add3A_78 : i32
      %swap3A_80 = arith.index_cast %add3A_79 : i32 to index
      %swap3A_81 = tpu.vector_load %arg7[%swap3A_80] {strides = array<i32>} : memref<12960xi32, #tpu.memory_space<vmem>>, vector<16xi32>,
      tpu.vector_store %arg7[%swap3A_80], %gather3A {strides = array<i32>} : memref<12960xi32, #tpu.memory_space<vmem>>, vector<16xi32>,
      %add3A_82 = arith.constant 64 : i32
      %add3A_83 = arith.addi %sub3A_43, %add3A_82 : i32
      %swap3A_84 = arith.index_cast %add3A_83 : i32 to index
      %swap3A_85 = tpu.vector_load %arg8[%swap3A_84] {strides = array<i32>} : memref<12960xi32, #tpu.memory_space<vmem>>, vector<16xi32>,
      tpu.vector_store %arg8[%swap3A_84], %gather3A_41 {strides = array<i32>} : memref<12960xi32, #tpu.memory_space<vmem>>, vector<16xi32>,
      %add3A_86 = arith.constant 80 : i32
      %add3A_87 = arith.addi %sub3A_43, %add3A_86 : i32
      %swap3A_88 = arith.index_cast %add3A_87 : i32 to index
      %swap3A_89 = tpu.vector_load %arg7[%swap3A_88] {strides = array<i32>} : memref<12960xi32, #tpu.memory_space<vmem>>, vector<16xi32>,
      tpu.vector_store %arg7[%swap3A_88], %gather3A {strides = array<i32>} : memref<12960xi32, #tpu.memory_space<vmem>>, vector<16xi32>,
      %add3A_90 = arith.constant 80 : i32
      %add3A_91 = arith.addi %sub3A_43, %add3A_90 : i32
      %swap3A_92 = arith.index_cast %add3A_91 : i32 to index
      %swap3A_93 = tpu.vector_load %arg8[%swap3A_92] {strides = array<i32>} : memref<12960xi32, #tpu.memory_space<vmem>>, vector<16xi32>,
      tpu.vector_store %arg8[%swap3A_92], %gather3A_41 {strides = array<i32>} : memref<12960xi32, #tpu.memory_space<vmem>>, vector<16xi32>,
      %add3A_94 = arith.constant 96 : i32
      %add3A_95 = arith.addi %sub3A_43, %add3A_94 : i32
      %swap3A_96 = arith.index_cast %add3A_95 : i32 to index
      %swap3A_97 = tpu.vector_load %arg7[%swap3A_96] {strides = array<i32>} : memref<12960xi32, #tpu.memory_space<vmem>>, vector<16xi32>,
      tpu.vector_store %arg7[%swap3A_96], %gather3A {strides = array<i32>} : memref<12960xi32, #tpu.memory_space<vmem>>, vector<16xi32>,
      %add3A_98 = arith.constant 96 : i32
      %add3A_99 = arith.addi %sub3A_43, %add3A_98 : i32
      %swap3A_100 = arith.index_cast %add3A_99 : i32 to index
      %swap3A_101 = tpu.vector_load %arg8[%swap3A_100] {strides = array<i32>} : memref<12960xi32, #tpu.memory_space<vmem>>, vector<16xi32>,
      tpu.vector_store %arg8[%swap3A_100], %gather3A_41 {strides = array<i32>} : memref<12960xi32, #tpu.memory_space<vmem>>, vector<16xi32>,
      %add3A_102 = arith.constant 112 : i32
      %add3A_103 = arith.addi %sub3A_43, %add3A_102 : i32
      %swap3A_104 = arith.index_cast %add3A_103 : i32 to index
      %swap3A_105 = tpu.vector_load %arg7[%swap3A_104] {strides = array<i32>} : memref<12960xi32, #tpu.memory_space<vmem>>, vector<16xi32>,
      tpu.vector_store %arg7[%swap3A_104], %gather3A {strides = array<i32>} : memref<12960xi32, #tpu.memory_space<vmem>>, vector<16xi32>,
      %add3A_106 = arith.constant 112 : i32
      %add3A_107 = arith.addi %sub3A_43, %add3A_106 : i32
      %swap3A_108 = arith.index_cast %add3A_107 : i32 to index
      %swap3A_109 = tpu.vector_load %arg8[%swap3A_108] {strides = array<i32>} : memref<12960xi32, #tpu.memory_space<vmem>>, vector<16xi32>,
      tpu.vector_store %arg8[%swap3A_108], %gather3A_41 {strides = array<i32>} : memref<12960xi32, #tpu.memory_space<vmem>>, vector<16xi32>,
      %add3A_110 = arith.constant 128 : i32
      %add3A_111 = arith.addi %sub3A_43, %add3A_110 : i32
      %swap3A_112 = arith.index_cast %add3A_111 : i32 to index
      %swap3A_113 = tpu.vector_load %arg7[%swap3A_112] {strides = array<i32>} : memref<12960xi32, #tpu.memory_space<vmem>>, vector<16xi32>,
      tpu.vector_store %arg7[%swap3A_112], %gather3A {strides = array<i32>} : memref<12960xi32, #tpu.memory_space<vmem>>, vector<16xi32>,
      %add3A_114 = arith.constant 128 : i32
      %add3A_115 = arith.addi %sub3A_43, %add3A_114 : i32
      %swap3A_116 = arith.index_cast %add3A_115 : i32 to index
      %swap3A_117 = tpu.vector_load %arg8[%swap3A_116] {strides = array<i32>} : memref<12960xi32, #tpu.memory_space<vmem>>, vector<16xi32>,
      tpu.vector_store %arg8[%swap3A_116], %gather3A_41 {strides = array<i32>} : memref<12960xi32, #tpu.memory_space<vmem>>, vector<16xi32>,
      %add3A_118 = arith.constant 128 : i32
      %add3A_119 = arith.addi %scan3A_10#0, %add3A_118 : i32
      %sub3A_120 = arith.constant 1 : i32
      %sub3A_121 = arith.subi %add3A_119, %sub3A_120 : i32
      %jit3A = arith.constant 128 : i32
      %div3A = arith.divsi %sub3A_121, %jit3A : i32
      %sign3A = arith.constant 0 : i32
      %sign3A_122 = arith.cmpi sgt, %sub3A_121, %sign3A : i32
      %sign3A_123 = arith.extui %sign3A_122 : i1 to i32
      %sign3A_124 = arith.constant 0 : i32
      %sign3A_125 = arith.cmpi slt, %sub3A_121, %sign3A_124 : i32
      %sign3A_126 = arith.extui %sign3A_125 : i1 to i32
      %sign3A_127 = arith.subi %sign3A_123, %sign3A_126 : i32
      %sign3A_128 = arith.constant 0 : i32
      %sign3A_129 = arith.cmpi sgt, %jit3A, %sign3A_128 : i32
      %sign3A_130 = arith.extui %sign3A_129 : i1 to i32
      %sign3A_131 = arith.constant 0 : i32
      %sign3A_132 = arith.cmpi slt, %jit3A, %sign3A_131 : i32
      %sign3A_133 = arith.extui %sign3A_132 : i1 to i32
      %sign3A_134 = arith.subi %sign3A_130, %sign3A_133 : i32
      %ne3A = arith.cmpi ne, %sign3A_127, %sign3A_134 : i32
      %rem3A = arith.remsi %sub3A_121, %jit3A : i32
      %ne3A_135 = arith.constant 0 : i32
      %ne3A_136 = arith.cmpi ne, %rem3A, %ne3A_135 : i32
      %and3A_137 = arith.andi %ne3A, %ne3A_136 : i1
      %sub3A_138 = arith.constant 1 : i32
      %sub3A_139 = arith.subi %div3A, %sub3A_138 : i32
      %select_n3A_140 = arith.select %and3A_137, %sub3A_139, %div3A : i32
      %add3A_141 = arith.constant 1 : i32
      %add3A_142 = arith.addi %select_n3A_140, %add3A_141 : i32
      %jit3A_143 = arith.constant 2 : i32
      %div3A_144 = arith.divsi %add3A_142, %jit3A_143 : i32
      %sign3A_145 = arith.constant 0 : i32
      %sign3A_146 = arith.cmpi sgt, %add3A_142, %sign3A_145 : i32
      %sign3A_147 = arith.extui %sign3A_146 : i1 to i32
      %sign3A_148 = arith.constant 0 : i32
      %sign3A_149 = arith.cmpi slt, %add3A_142, %sign3A_148 : i32
      %sign3A_150 = arith.extui %sign3A_149 : i1 to i32
      %sign3A_151 = arith.subi %sign3A_147, %sign3A_150 : i32
      %sign3A_152 = arith.constant 0 : i32
      %sign3A_153 = arith.cmpi sgt, %jit3A_143, %sign3A_152 : i32
      %sign3A_154 = arith.extui %sign3A_153 : i1 to i32
      %sign3A_155 = arith.constant 0 : i32
      %sign3A_156 = arith.cmpi slt, %jit3A_143, %sign3A_155 : i32
      %sign3A_157 = arith.extui %sign3A_156 : i1 to i32
      %sign3A_158 = arith.subi %sign3A_154, %sign3A_157 : i32
      %ne3A_159 = arith.cmpi ne, %sign3A_151, %sign3A_158 : i32
      %rem3A_160 = arith.remsi %add3A_142, %jit3A_143 : i32
      %ne3A_161 = arith.constant 0 : i32
      %ne3A_162 = arith.cmpi ne, %rem3A_160, %ne3A_161 : i32
      %and3A_163 = arith.andi %ne3A_159, %ne3A_162 : i1
      %sub3A_164 = arith.constant 1 : i32
      %sub3A_165 = arith.subi %div3A_144, %sub3A_164 : i32
      %select_n3A_166 = arith.select %and3A_163, %sub3A_165, %div3A_144 : i32
      %while3A = arith.constant 0 : i32
      %while3A_167 = arith.constant 0 : i32
      %while3A_168 = arith.subi %select_n3A_166, %while3A_167 : i32
      %while3A_169 = arith.addi %while3A_167, %while3A_168 : i32
      %while3A_170 = arith.constant 1 : i32
      %while3A_171 = arith.divsi %while3A_168, %while3A_170 : i32
      %while3A_172 = arith.muli %while3A_171, %while3A_170 : i32
      %while3A_173 = arith.addi %while3A_167, %while3A_172 : i32
      %while3A_174 = arith.constant 1 : i32
      scf.for %while3A_176 = %while3A_167 to %while3A_173 step %while3A_174  : i32 {
        %mul3A_177 = arith.constant 2 : i32
        %mul3A_178 = arith.muli %while3A_176, %mul3A_177 : i32
        %mul3A_179 = arith.constant 128 : i32
        %mul3A_180 = arith.muli %mul3A_178, %mul3A_179 : i32
        %dma_start3A = arith.constant 0 : i32
        %dma_start3A_181 = arith.constant 0 : i32
        %dma_start3A_182 = arith.constant 0 : i32
        %dma_start3A_183 = tpu.memref_slice %arg11[%dma_start3A, %dma_start3A_181, %dma_start3A_182] : memref<2x128x32xf32, #tpu.memory_space<vmem>> -> memref<1x128x32xf32, #tpu.memory_space<vmem>>
        %dma_start3A_184 = tpu.memref_squeeze %dma_start3A_183 : memref<1x128x32xf32, #tpu.memory_space<vmem>> -> memref<128x32xf32, #tpu.memory_space<vmem>>
        %dma_start3A_185 = tpu.memref_slice %arg7[%mul3A_180] : memref<12960xi32, #tpu.memory_space<vmem>> -> memref<128xi32, #tpu.memory_space<vmem>>
        %dma_start3A_186 = arith.constant 0 : i32
        %dma_start3A_187 = arith.constant 0 : i32
        %dma_start3A_188 = tpu.memref_slice %arg3[%dma_start3A_186, %dma_start3A_187] : memref<500000x32xf32, #tpu.memory_space<hbm>> -> memref<500000x32xf32, #tpu.memory_space<hbm>>
        tpu.enqueue_indirect_dma source(%dma_start3A_188 : memref<500000x32xf32, #tpu.memory_space<hbm>>) target(%dma_start3A_184 : memref<128x32xf32, #tpu.memory_space<vmem>>) offsets(%dma_start3A_185 : memref<128xi32, #tpu.memory_space<vmem>>) semaphore(%arg13 : memref<!tpu.dma_semaphore, #tpu.memory_space<semaphore_mem>>)
        %dma_wait3A = arith.constant 0 : i32
        %dma_wait3A_189 = arith.constant 0 : i32
        %dma_wait3A_190 = arith.constant 0 : i32
        %dma_wait3A_191 = tpu.memref_slice %arg11[%dma_wait3A, %dma_wait3A_189, %dma_wait3A_190] : memref<2x128x32xf32, #tpu.memory_space<vmem>> -> memref<1x128x32xf32, #tpu.memory_space<vmem>>
        %dma_wait3A_192 = tpu.memref_squeeze %dma_wait3A_191 : memref<1x128x32xf32, #tpu.memory_space<vmem>> -> memref<128x32xf32, #tpu.memory_space<vmem>>
        %dma_wait3A_193 = tpu.memref_slice %arg7[%mul3A_180] : memref<12960xi32, #tpu.memory_space<vmem>> -> memref<128xi32, #tpu.memory_space<vmem>>
        %dma_wait3A_194 = arith.constant 0 : i32
        %dma_wait3A_195 = arith.constant 0 : i32
        %dma_wait3A_196 = tpu.memref_slice %arg3[%dma_wait3A_194, %dma_wait3A_195] : memref<500000x32xf32, #tpu.memory_space<hbm>> -> memref<500000x32xf32, #tpu.memory_space<hbm>>
        tpu.wait_indirect_dma semaphore(%arg13 : memref<!tpu.dma_semaphore, #tpu.memory_space<semaphore_mem>>) src(%dma_wait3A_196 : memref<500000x32xf32, #tpu.memory_space<hbm>>) dst(%dma_wait3A_192 : memref<128x32xf32, #tpu.memory_space<vmem>>)
        %mul3A_197 = arith.constant 128 : i32
        %mul3A_198 = arith.muli %mul3A_178, %mul3A_197 : i32
        %add3A_199 = arith.constant 0 : i32
        %add3A_200 = arith.addi %mul3A_198, %add3A_199 : i32
        %get3A_201 = arith.index_cast %add3A_200 : i32 to index
        %get3A_202 = tpu.vector_load %arg8[%get3A_201] {strides = array<i32>} : memref<12960xi32, #tpu.memory_space<vmem>>, vector<16xi32>,
        %swap3A_203 = arith.constant 0 : i32
        %swap3A_204 = arith.index_cast %swap3A_203 : i32 to index
        %swap3A_205 = arith.constant 0 : index
        %swap3A_206 = tpu.vector_load %arg12[%swap3A_204, %swap3A_205] {strides = array<i32>} : memref<2x128xi32, #tpu.memory_space<vmem>>, vector<16xi32>,
        tpu.vector_store %arg12[%swap3A_204, %swap3A_205], %get3A_202 {strides = array<i32>} : memref<2x128xi32, #tpu.memory_space<vmem>>, vector<16xi32>,
        %mul3A_207 = arith.constant 128 : i32
        %mul3A_208 = arith.muli %mul3A_178, %mul3A_207 : i32
        %add3A_209 = arith.constant 16 : i32
        %add3A_210 = arith.addi %mul3A_208, %add3A_209 : i32
        %get3A_211 = arith.index_cast %add3A_210 : i32 to index
        %get3A_212 = tpu.vector_load %arg8[%get3A_211] {strides = array<i32>} : memref<12960xi32, #tpu.memory_space<vmem>>, vector<16xi32>,
        %swap3A_213 = arith.constant 0 : i32
        %swap3A_214 = arith.index_cast %swap3A_213 : i32 to index
        %swap3A_215 = arith.constant 16 : index
        %swap3A_216 = tpu.vector_load %arg12[%swap3A_214, %swap3A_215] {strides = array<i32>} : memref<2x128xi32, #tpu.memory_space<vmem>>, vector<16xi32>,
        tpu.vector_store %arg12[%swap3A_214, %swap3A_215], %get3A_212 {strides = array<i32>} : memref<2x128xi32, #tpu.memory_space<vmem>>, vector<16xi32>,
        %mul3A_217 = arith.constant 128 : i32
        %mul3A_218 = arith.muli %mul3A_178, %mul3A_217 : i32
        %add3A_219 = arith.constant 32 : i32
        %add3A_220 = arith.addi %mul3A_218, %add3A_219 : i32
        %get3A_221 = arith.index_cast %add3A_220 : i32 to index
        %get3A_222 = tpu.vector_load %arg8[%get3A_221] {strides = array<i32>} : memref<12960xi32, #tpu.memory_space<vmem>>, vector<16xi32>,
        %swap3A_223 = arith.constant 0 : i32
        %swap3A_224 = arith.index_cast %swap3A_223 : i32 to index
        %swap3A_225 = arith.constant 32 : index
        %swap3A_226 = tpu.vector_load %arg12[%swap3A_224, %swap3A_225] {strides = array<i32>} : memref<2x128xi32, #tpu.memory_space<vmem>>, vector<16xi32>,
        tpu.vector_store %arg12[%swap3A_224, %swap3A_225], %get3A_222 {strides = array<i32>} : memref<2x128xi32, #tpu.memory_space<vmem>>, vector<16xi32>,
        %mul3A_227 = arith.constant 128 : i32
        %mul3A_228 = arith.muli %mul3A_178, %mul3A_227 : i32
        %add3A_229 = arith.constant 48 : i32
        %add3A_230 = arith.addi %mul3A_228, %add3A_229 : i32
        %get3A_231 = arith.index_cast %add3A_230 : i32 to index
        %get3A_232 = tpu.vector_load %arg8[%get3A_231] {strides = array<i32>} : memref<12960xi32, #tpu.memory_space<vmem>>, vector<16xi32>,
        %swap3A_233 = arith.constant 0 : i32
        %swap3A_234 = arith.index_cast %swap3A_233 : i32 to index
        %swap3A_235 = arith.constant 48 : index
        %swap3A_236 = tpu.vector_load %arg12[%swap3A_234, %swap3A_235] {strides = array<i32>} : memref<2x128xi32, #tpu.memory_space<vmem>>, vector<16xi32>,
        tpu.vector_store %arg12[%swap3A_234, %swap3A_235], %get3A_232 {strides = array<i32>} : memref<2x128xi32, #tpu.memory_space<vmem>>, vector<16xi32>,
        %mul3A_237 = arith.constant 128 : i32
        %mul3A_238 = arith.muli %mul3A_178, %mul3A_237 : i32
        %add3A_239 = arith.constant 64 : i32
        %add3A_240 = arith.addi %mul3A_238, %add3A_239 : i32
        %get3A_241 = arith.index_cast %add3A_240 : i32 to index
        %get3A_242 = tpu.vector_load %arg8[%get3A_241] {strides = array<i32>} : memref<12960xi32, #tpu.memory_space<vmem>>, vector<16xi32>,
        %swap3A_243 = arith.constant 0 : i32
        %swap3A_244 = arith.index_cast %swap3A_243 : i32 to index
        %swap3A_245 = arith.constant 64 : index
        %swap3A_246 = tpu.vector_load %arg12[%swap3A_244, %swap3A_245] {strides = array<i32>} : memref<2x128xi32, #tpu.memory_space<vmem>>, vector<16xi32>,
        tpu.vector_store %arg12[%swap3A_244, %swap3A_245], %get3A_242 {strides = array<i32>} : memref<2x128xi32, #tpu.memory_space<vmem>>, vector<16xi32>,
        %mul3A_247 = arith.constant 128 : i32
        %mul3A_248 = arith.muli %mul3A_178, %mul3A_247 : i32
        %add3A_249 = arith.constant 80 : i32
        %add3A_250 = arith.addi %mul3A_248, %add3A_249 : i32
        %get3A_251 = arith.index_cast %add3A_250 : i32 to index
        %get3A_252 = tpu.vector_load %arg8[%get3A_251] {strides = array<i32>} : memref<12960xi32, #tpu.memory_space<vmem>>, vector<16xi32>,
        %swap3A_253 = arith.constant 0 : i32
        %swap3A_254 = arith.index_cast %swap3A_253 : i32 to index
        %swap3A_255 = arith.constant 80 : index
        %swap3A_256 = tpu.vector_load %arg12[%swap3A_254, %swap3A_255] {strides = array<i32>} : memref<2x128xi32, #tpu.memory_space<vmem>>, vector<16xi32>,
        tpu.vector_store %arg12[%swap3A_254, %swap3A_255], %get3A_252 {strides = array<i32>} : memref<2x128xi32, #tpu.memory_space<vmem>>, vector<16xi32>,
        %mul3A_257 = arith.constant 128 : i32
        %mul3A_258 = arith.muli %mul3A_178, %mul3A_257 : i32
        %add3A_259 = arith.constant 96 : i32
        %add3A_260 = arith.addi %mul3A_258, %add3A_259 : i32
        %get3A_261 = arith.index_cast %add3A_260 : i32 to index
        %get3A_262 = tpu.vector_load %arg8[%get3A_261] {strides = array<i32>} : memref<12960xi32, #tpu.memory_space<vmem>>, vector<16xi32>,
        %swap3A_263 = arith.constant 0 : i32
        %swap3A_264 = arith.index_cast %swap3A_263 : i32 to index
        %swap3A_265 = arith.constant 96 : index
        %swap3A_266 = tpu.vector_load %arg12[%swap3A_264, %swap3A_265] {strides = array<i32>} : memref<2x128xi32, #tpu.memory_space<vmem>>, vector<16xi32>,
        tpu.vector_store %arg12[%swap3A_264, %swap3A_265], %get3A_262 {strides = array<i32>} : memref<2x128xi32, #tpu.memory_space<vmem>>, vector<16xi32>,
        %mul3A_267 = arith.constant 128 : i32
        %mul3A_268 = arith.muli %mul3A_178, %mul3A_267 : i32
        %add3A_269 = arith.constant 112 : i32
        %add3A_270 = arith.addi %mul3A_268, %add3A_269 : i32
        %get3A_271 = arith.index_cast %add3A_270 : i32 to index
        %get3A_272 = tpu.vector_load %arg8[%get3A_271] {strides = array<i32>} : memref<12960xi32, #tpu.memory_space<vmem>>, vector<16xi32>,
        %swap3A_273 = arith.constant 0 : i32
        %swap3A_274 = arith.index_cast %swap3A_273 : i32 to index
        %swap3A_275 = arith.constant 112 : index
        %swap3A_276 = tpu.vector_load %arg12[%swap3A_274, %swap3A_275] {strides = array<i32>} : memref<2x128xi32, #tpu.memory_space<vmem>>, vector<16xi32>,
        tpu.vector_store %arg12[%swap3A_274, %swap3A_275], %get3A_272 {strides = array<i32>} : memref<2x128xi32, #tpu.memory_space<vmem>>, vector<16xi32>,
        %dma_start3A_277 = arith.constant 0 : i32
        %dma_start3A_278 = arith.constant 0 : i32
        %dma_start3A_279 = arith.constant 0 : i32
        %dma_start3A_280 = arith.constant 0 : i32
        %dma_start3A_281 = tpu.memref_slice %arg11[%dma_start3A_277, %dma_start3A_279, %dma_start3A_280] : memref<2x128x32xf32, #tpu.memory_space<vmem>> -> memref<1x128x32xf32, #tpu.memory_space<vmem>>
        %dma_start3A_282 = tpu.memref_squeeze %dma_start3A_281 : memref<1x128x32xf32, #tpu.memory_space<vmem>> -> memref<128x32xf32, #tpu.memory_space<vmem>>
        %dma_start3A_283 = arith.constant 0 : i32
        %dma_start3A_284 = tpu.memref_slice %arg12[%dma_start3A_278, %dma_start3A_283] : memref<2x128xi32, #tpu.memory_space<vmem>> -> memref<1x128xi32, #tpu.memory_space<vmem>>
        %dma_start3A_285 = tpu.memref_squeeze %dma_start3A_284 : memref<1x128xi32, #tpu.memory_space<vmem>> -> memref<128xi32, #tpu.memory_space<vmem>>
        %dma_start3A_286 = arith.constant 0 : i32
        %dma_start3A_287 = arith.constant 0 : i32
        %dma_start3A_288 = tpu.memref_slice %arg5[%dma_start3A_286, %dma_start3A_287] : memref<819200x32xf32, #tpu.memory_space<hbm>> -> memref<819200x32xf32, #tpu.memory_space<hbm>>
        tpu.enqueue_indirect_dma source(%dma_start3A_282 : memref<128x32xf32, #tpu.memory_space<vmem>>) target(%dma_start3A_288 : memref<819200x32xf32, #tpu.memory_space<hbm>>) offsets(%dma_start3A_285 : memref<128xi32, #tpu.memory_space<vmem>>) semaphore(%arg14 : memref<!tpu.dma_semaphore, #tpu.memory_space<semaphore_mem>>)
        %add3A_289 = arith.constant 1 : i32
        %add3A_290 = arith.addi %mul3A_178, %add3A_289 : i32
        %lt3A_291 = arith.cmpi slt, %add3A_290, %select_n3A_140 : i32
        %convert_element_type3A_292 = arith.extui %lt3A_291 : i1 to i32
        %cond3A_293 = arith.constant 0 : i32
        %cond3A_294 = arith.cmpi ne, %convert_element_type3A_292, %cond3A_293 : i32
        scf.if %cond3A_294 {
          %add3A_307 = arith.constant 1 : i32
          %add3A_308 = arith.addi %mul3A_178, %add3A_307 : i32
          %mul3A_309 = arith.constant 128 : i32
          %mul3A_310 = arith.muli %add3A_308, %mul3A_309 : i32
          %dma_start3A_311 = arith.constant 1 : i32
          %dma_start3A_312 = arith.constant 0 : i32
          %dma_start3A_313 = arith.constant 0 : i32
          %dma_start3A_314 = tpu.memref_slice %arg11[%dma_start3A_311, %dma_start3A_312, %dma_start3A_313] : memref<2x128x32xf32, #tpu.memory_space<vmem>> -> memref<1x128x32xf32, #tpu.memory_space<vmem>>
          %dma_start3A_315 = tpu.memref_squeeze %dma_start3A_314 : memref<1x128x32xf32, #tpu.memory_space<vmem>> -> memref<128x32xf32, #tpu.memory_space<vmem>>
          %dma_start3A_316 = tpu.memref_slice %arg7[%mul3A_310] : memref<12960xi32, #tpu.memory_space<vmem>> -> memref<128xi32, #tpu.memory_space<vmem>>
          %dma_start3A_317 = arith.constant 0 : i32
          %dma_start3A_318 = arith.constant 0 : i32
          %dma_start3A_319 = tpu.memref_slice %arg3[%dma_start3A_317, %dma_start3A_318] : memref<500000x32xf32, #tpu.memory_space<hbm>> -> memref<500000x32xf32, #tpu.memory_space<hbm>>
          tpu.enqueue_indirect_dma source(%dma_start3A_319 : memref<500000x32xf32, #tpu.memory_space<hbm>>) target(%dma_start3A_315 : memref<128x32xf32, #tpu.memory_space<vmem>>) offsets(%dma_start3A_316 : memref<128xi32, #tpu.memory_space<vmem>>) semaphore(%arg13 : memref<!tpu.dma_semaphore, #tpu.memory_space<semaphore_mem>>)
          %dma_wait3A_320 = arith.constant 1 : i32
          %dma_wait3A_321 = arith.constant 0 : i32
          %dma_wait3A_322 = arith.constant 0 : i32
          %dma_wait3A_323 = tpu.memref_slice %arg11[%dma_wait3A_320, %dma_wait3A_321, %dma_wait3A_322] : memref<2x128x32xf32, #tpu.memory_space<vmem>> -> memref<1x128x32xf32, #tpu.memory_space<vmem>>
          %dma_wait3A_324 = tpu.memref_squeeze %dma_wait3A_323 : memref<1x128x32xf32, #tpu.memory_space<vmem>> -> memref<128x32xf32, #tpu.memory_space<vmem>>
          %dma_wait3A_325 = tpu.memref_slice %arg7[%mul3A_310] : memref<12960xi32, #tpu.memory_space<vmem>> -> memref<128xi32, #tpu.memory_space<vmem>>
          %dma_wait3A_326 = arith.constant 0 : i32
          %dma_wait3A_327 = arith.constant 0 : i32
          %dma_wait3A_328 = tpu.memref_slice %arg3[%dma_wait3A_326, %dma_wait3A_327] : memref<500000x32xf32, #tpu.memory_space<hbm>> -> memref<500000x32xf32, #tpu.memory_space<hbm>>
          tpu.wait_indirect_dma semaphore(%arg13 : memref<!tpu.dma_semaphore, #tpu.memory_space<semaphore_mem>>) src(%dma_wait3A_328 : memref<500000x32xf32, #tpu.memory_space<hbm>>) dst(%dma_wait3A_324 : memref<128x32xf32, #tpu.memory_space<vmem>>)
          %add3A_329 = arith.constant 1 : i32
          %add3A_330 = arith.addi %mul3A_178, %add3A_329 : i32
          %mul3A_331 = arith.constant 128 : i32
          %mul3A_332 = arith.muli %add3A_330, %mul3A_331 : i32
          %add3A_333 = arith.constant 0 : i32
          %add3A_334 = arith.addi %mul3A_332, %add3A_333 : i32
          %get3A_335 = arith.index_cast %add3A_334 : i32 to index
          %get3A_336 = tpu.vector_load %arg8[%get3A_335] {strides = array<i32>} : memref<12960xi32, #tpu.memory_space<vmem>>, vector<16xi32>,
          %swap3A_337 = arith.constant 1 : i32
          %swap3A_338 = arith.index_cast %swap3A_337 : i32 to index
          %swap3A_339 = arith.constant 0 : index
          %swap3A_340 = tpu.vector_load %arg12[%swap3A_338, %swap3A_339] {strides = array<i32>} : memref<2x128xi32, #tpu.memory_space<vmem>>, vector<16xi32>,
          tpu.vector_store %arg12[%swap3A_338, %swap3A_339], %get3A_336 {strides = array<i32>} : memref<2x128xi32, #tpu.memory_space<vmem>>, vector<16xi32>,
          %mul3A_341 = arith.constant 128 : i32
          %mul3A_342 = arith.muli %add3A_330, %mul3A_341 : i32
          %add3A_343 = arith.constant 16 : i32
          %add3A_344 = arith.addi %mul3A_342, %add3A_343 : i32
          %get3A_345 = arith.index_cast %add3A_344 : i32 to index
          %get3A_346 = tpu.vector_load %arg8[%get3A_345] {strides = array<i32>} : memref<12960xi32, #tpu.memory_space<vmem>>, vector<16xi32>,
          %swap3A_347 = arith.constant 1 : i32
          %swap3A_348 = arith.index_cast %swap3A_347 : i32 to index
          %swap3A_349 = arith.constant 16 : index
          %swap3A_350 = tpu.vector_load %arg12[%swap3A_348, %swap3A_349] {strides = array<i32>} : memref<2x128xi32, #tpu.memory_space<vmem>>, vector<16xi32>,
          tpu.vector_store %arg12[%swap3A_348, %swap3A_349], %get3A_346 {strides = array<i32>} : memref<2x128xi32, #tpu.memory_space<vmem>>, vector<16xi32>,
          %mul3A_351 = arith.constant 128 : i32
          %mul3A_352 = arith.muli %add3A_330, %mul3A_351 : i32
          %add3A_353 = arith.constant 32 : i32
          %add3A_354 = arith.addi %mul3A_352, %add3A_353 : i32
          %get3A_355 = arith.index_cast %add3A_354 : i32 to index
          %get3A_356 = tpu.vector_load %arg8[%get3A_355] {strides = array<i32>} : memref<12960xi32, #tpu.memory_space<vmem>>, vector<16xi32>,
          %swap3A_357 = arith.constant 1 : i32
          %swap3A_358 = arith.index_cast %swap3A_357 : i32 to index
          %swap3A_359 = arith.constant 32 : index
          %swap3A_360 = tpu.vector_load %arg12[%swap3A_358, %swap3A_359] {strides = array<i32>} : memref<2x128xi32, #tpu.memory_space<vmem>>, vector<16xi32>,
          tpu.vector_store %arg12[%swap3A_358, %swap3A_359], %get3A_356 {strides = array<i32>} : memref<2x128xi32, #tpu.memory_space<vmem>>, vector<16xi32>,
          %mul3A_361 = arith.constant 128 : i32
          %mul3A_362 = arith.muli %add3A_330, %mul3A_361 : i32
          %add3A_363 = arith.constant 48 : i32
          %add3A_364 = arith.addi %mul3A_362, %add3A_363 : i32
          %get3A_365 = arith.index_cast %add3A_364 : i32 to index
          %get3A_366 = tpu.vector_load %arg8[%get3A_365] {strides = array<i32>} : memref<12960xi32, #tpu.memory_space<vmem>>, vector<16xi32>,
          %swap3A_367 = arith.constant 1 : i32
          %swap3A_368 = arith.index_cast %swap3A_367 : i32 to index
          %swap3A_369 = arith.constant 48 : index
          %swap3A_370 = tpu.vector_load %arg12[%swap3A_368, %swap3A_369] {strides = array<i32>} : memref<2x128xi32, #tpu.memory_space<vmem>>, vector<16xi32>,
          tpu.vector_store %arg12[%swap3A_368, %swap3A_369], %get3A_366 {strides = array<i32>} : memref<2x128xi32, #tpu.memory_space<vmem>>, vector<16xi32>,
          %mul3A_371 = arith.constant 128 : i32
          %mul3A_372 = arith.muli %add3A_330, %mul3A_371 : i32
          %add3A_373 = arith.constant 64 : i32
          %add3A_374 = arith.addi %mul3A_372, %add3A_373 : i32
          %get3A_375 = arith.index_cast %add3A_374 : i32 to index
          %get3A_376 = tpu.vector_load %arg8[%get3A_375] {strides = array<i32>} : memref<12960xi32, #tpu.memory_space<vmem>>, vector<16xi32>,
          %swap3A_377 = arith.constant 1 : i32
          %swap3A_378 = arith.index_cast %swap3A_377 : i32 to index
          %swap3A_379 = arith.constant 64 : index
          %swap3A_380 = tpu.vector_load %arg12[%swap3A_378, %swap3A_379] {strides = array<i32>} : memref<2x128xi32, #tpu.memory_space<vmem>>, vector<16xi32>,
          tpu.vector_store %arg12[%swap3A_378, %swap3A_379], %get3A_376 {strides = array<i32>} : memref<2x128xi32, #tpu.memory_space<vmem>>, vector<16xi32>,
          %mul3A_381 = arith.constant 128 : i32
          %mul3A_382 = arith.muli %add3A_330, %mul3A_381 : i32
          %add3A_383 = arith.constant 80 : i32
          %add3A_384 = arith.addi %mul3A_382, %add3A_383 : i32
          %get3A_385 = arith.index_cast %add3A_384 : i32 to index
          %get3A_386 = tpu.vector_load %arg8[%get3A_385] {strides = array<i32>} : memref<12960xi32, #tpu.memory_space<vmem>>, vector<16xi32>,
          %swap3A_387 = arith.constant 1 : i32
          %swap3A_388 = arith.index_cast %swap3A_387 : i32 to index
          %swap3A_389 = arith.constant 80 : index
          %swap3A_390 = tpu.vector_load %arg12[%swap3A_388, %swap3A_389] {strides = array<i32>} : memref<2x128xi32, #tpu.memory_space<vmem>>, vector<16xi32>,
          tpu.vector_store %arg12[%swap3A_388, %swap3A_389], %get3A_386 {strides = array<i32>} : memref<2x128xi32, #tpu.memory_space<vmem>>, vector<16xi32>,
          %mul3A_391 = arith.constant 128 : i32
          %mul3A_392 = arith.muli %add3A_330, %mul3A_391 : i32
          %add3A_393 = arith.constant 96 : i32
          %add3A_394 = arith.addi %mul3A_392, %add3A_393 : i32
          %get3A_395 = arith.index_cast %add3A_394 : i32 to index
          %get3A_396 = tpu.vector_load %arg8[%get3A_395] {strides = array<i32>} : memref<12960xi32, #tpu.memory_space<vmem>>, vector<16xi32>,
          %swap3A_397 = arith.constant 1 : i32
          %swap3A_398 = arith.index_cast %swap3A_397 : i32 to index
          %swap3A_399 = arith.constant 96 : index
          %swap3A_400 = tpu.vector_load %arg12[%swap3A_398, %swap3A_399] {strides = array<i32>} : memref<2x128xi32, #tpu.memory_space<vmem>>, vector<16xi32>,
          tpu.vector_store %arg12[%swap3A_398, %swap3A_399], %get3A_396 {strides = array<i32>} : memref<2x128xi32, #tpu.memory_space<vmem>>, vector<16xi32>,
          %mul3A_401 = arith.constant 128 : i32
          %mul3A_402 = arith.muli %add3A_330, %mul3A_401 : i32
          %add3A_403 = arith.constant 112 : i32
          %add3A_404 = arith.addi %mul3A_402, %add3A_403 : i32
          %get3A_405 = arith.index_cast %add3A_404 : i32 to index
          %get3A_406 = tpu.vector_load %arg8[%get3A_405] {strides = array<i32>} : memref<12960xi32, #tpu.memory_space<vmem>>, vector<16xi32>,
          %swap3A_407 = arith.constant 1 : i32
          %swap3A_408 = arith.index_cast %swap3A_407 : i32 to index
          %swap3A_409 = arith.constant 112 : index
          %swap3A_410 = tpu.vector_load %arg12[%swap3A_408, %swap3A_409] {strides = array<i32>} : memref<2x128xi32, #tpu.memory_space<vmem>>, vector<16xi32>,
          tpu.vector_store %arg12[%swap3A_408, %swap3A_409], %get3A_406 {strides = array<i32>} : memref<2x128xi32, #tpu.memory_space<vmem>>, vector<16xi32>,
          %dma_start3A_411 = arith.constant 1 : i32
          %dma_start3A_412 = arith.constant 1 : i32
          %dma_start3A_413 = arith.constant 0 : i32
          %dma_start3A_414 = arith.constant 0 : i32
          %dma_start3A_415 = tpu.memref_slice %arg11[%dma_start3A_411, %dma_start3A_413, %dma_start3A_414] : memref<2x128x32xf32, #tpu.memory_space<vmem>> -> memref<1x128x32xf32, #tpu.memory_space<vmem>>
          %dma_start3A_416 = tpu.memref_squeeze %dma_start3A_415 : memref<1x128x32xf32, #tpu.memory_space<vmem>> -> memref<128x32xf32, #tpu.memory_space<vmem>>
          %dma_start3A_417 = arith.constant 0 : i32
          %dma_start3A_418 = tpu.memref_slice %arg12[%dma_start3A_412, %dma_start3A_417] : memref<2x128xi32, #tpu.memory_space<vmem>> -> memref<1x128xi32, #tpu.memory_space<vmem>>
          %dma_start3A_419 = tpu.memref_squeeze %dma_start3A_418 : memref<1x128xi32, #tpu.memory_space<vmem>> -> memref<128xi32, #tpu.memory_space<vmem>>
          %dma_start3A_420 = arith.constant 0 : i32
          %dma_start3A_421 = arith.constant 0 : i32
          %dma_start3A_422 = tpu.memref_slice %arg5[%dma_start3A_420, %dma_start3A_421] : memref<819200x32xf32, #tpu.memory_space<hbm>> -> memref<819200x32xf32, #tpu.memory_space<hbm>>
          tpu.enqueue_indirect_dma source(%dma_start3A_416 : memref<128x32xf32, #tpu.memory_space<vmem>>) target(%dma_start3A_422 : memref<819200x32xf32, #tpu.memory_space<hbm>>) offsets(%dma_start3A_419 : memref<128xi32, #tpu.memory_space<vmem>>) semaphore(%arg14 : memref<!tpu.dma_semaphore, #tpu.memory_space<semaphore_mem>>)
          %dma_wait3A_423 = arith.constant 1 : i32
          %dma_wait3A_424 = arith.constant 1 : i32
          %dma_wait3A_425 = arith.constant 0 : i32
          %dma_wait3A_426 = arith.constant 0 : i32
          %dma_wait3A_427 = tpu.memref_slice %arg11[%dma_wait3A_423, %dma_wait3A_425, %dma_wait3A_426] : memref<2x128x32xf32, #tpu.memory_space<vmem>> -> memref<1x128x32xf32, #tpu.memory_space<vmem>>
          %dma_wait3A_428 = tpu.memref_squeeze %dma_wait3A_427 : memref<1x128x32xf32, #tpu.memory_space<vmem>> -> memref<128x32xf32, #tpu.memory_space<vmem>>
          %dma_wait3A_429 = arith.constant 0 : i32
          %dma_wait3A_430 = tpu.memref_slice %arg12[%dma_wait3A_424, %dma_wait3A_429] : memref<2x128xi32, #tpu.memory_space<vmem>> -> memref<1x128xi32, #tpu.memory_space<vmem>>
          %dma_wait3A_431 = tpu.memref_squeeze %dma_wait3A_430 : memref<1x128xi32, #tpu.memory_space<vmem>> -> memref<128xi32, #tpu.memory_space<vmem>>
          %dma_wait3A_432 = arith.constant 0 : i32
          %dma_wait3A_433 = arith.constant 0 : i32
          %dma_wait3A_434 = tpu.memref_slice %arg5[%dma_wait3A_432, %dma_wait3A_433] : memref<819200x32xf32, #tpu.memory_space<hbm>> -> memref<819200x32xf32, #tpu.memory_space<hbm>>
          tpu.wait_indirect_dma semaphore(%arg14 : memref<!tpu.dma_semaphore, #tpu.memory_space<semaphore_mem>>) src(%dma_wait3A_428 : memref<128x32xf32, #tpu.memory_space<vmem>>) dst(%dma_wait3A_434 : memref<819200x32xf32, #tpu.memory_space<hbm>>)
        } else {
        }
        %dma_wait3A_295 = arith.constant 0 : i32
        %dma_wait3A_296 = arith.constant 0 : i32
        %dma_wait3A_297 = arith.constant 0 : i32
        %dma_wait3A_298 = arith.constant 0 : i32
        %dma_wait3A_299 = tpu.memref_slice %arg11[%dma_wait3A_295, %dma_wait3A_297, %dma_wait3A_298] : memref<2x128x32xf32, #tpu.memory_space<vmem>> -> memref<1x128x32xf32, #tpu.memory_space<vmem>>
        %dma_wait3A_300 = tpu.memref_squeeze %dma_wait3A_299 : memref<1x128x32xf32, #tpu.memory_space<vmem>> -> memref<128x32xf32, #tpu.memory_space<vmem>>
        %dma_wait3A_301 = arith.constant 0 : i32
        %dma_wait3A_302 = tpu.memref_slice %arg12[%dma_wait3A_296, %dma_wait3A_301] : memref<2x128xi32, #tpu.memory_space<vmem>> -> memref<1x128xi32, #tpu.memory_space<vmem>>
        %dma_wait3A_303 = tpu.memref_squeeze %dma_wait3A_302 : memref<1x128xi32, #tpu.memory_space<vmem>> -> memref<128xi32, #tpu.memory_space<vmem>>
        %dma_wait3A_304 = arith.constant 0 : i32
        %dma_wait3A_305 = arith.constant 0 : i32
        %dma_wait3A_306 = tpu.memref_slice %arg5[%dma_wait3A_304, %dma_wait3A_305] : memref<819200x32xf32, #tpu.memory_space<hbm>> -> memref<819200x32xf32, #tpu.memory_space<hbm>>
        tpu.wait_indirect_dma semaphore(%arg14 : memref<!tpu.dma_semaphore, #tpu.memory_space<semaphore_mem>>) src(%dma_wait3A_300 : memref<128x32xf32, #tpu.memory_space<vmem>>) dst(%dma_wait3A_306 : memref<819200x32xf32, #tpu.memory_space<hbm>>)
      }
      %while3A_175 = arith.constant 1 : i32
      scf.for %while3A_176 = %while3A_173 to %while3A_169 step %while3A_175  : i32 {
        %mul3A_177 = arith.constant 2 : i32
        %mul3A_178 = arith.muli %while3A_176, %mul3A_177 : i32
        %mul3A_179 = arith.constant 128 : i32
        %mul3A_180 = arith.muli %mul3A_178, %mul3A_179 : i32
        %dma_start3A = arith.constant 0 : i32
        %dma_start3A_181 = arith.constant 0 : i32
        %dma_start3A_182 = arith.constant 0 : i32
        %dma_start3A_183 = tpu.memref_slice %arg11[%dma_start3A, %dma_start3A_181, %dma_start3A_182] : memref<2x128x32xf32, #tpu.memory_space<vmem>> -> memref<1x128x32xf32, #tpu.memory_space<vmem>>
        %dma_start3A_184 = tpu.memref_squeeze %dma_start3A_183 : memref<1x128x32xf32, #tpu.memory_space<vmem>> -> memref<128x32xf32, #tpu.memory_space<vmem>>
        %dma_start3A_185 = tpu.memref_slice %arg7[%mul3A_180] : memref<12960xi32, #tpu.memory_space<vmem>> -> memref<128xi32, #tpu.memory_space<vmem>>
        %dma_start3A_186 = arith.constant 0 : i32
        %dma_start3A_187 = arith.constant 0 : i32
        %dma_start3A_188 = tpu.memref_slice %arg3[%dma_start3A_186, %dma_start3A_187] : memref<500000x32xf32, #tpu.memory_space<hbm>> -> memref<500000x32xf32, #tpu.memory_space<hbm>>
        tpu.enqueue_indirect_dma source(%dma_start3A_188 : memref<500000x32xf32, #tpu.memory_space<hbm>>) target(%dma_start3A_184 : memref<128x32xf32, #tpu.memory_space<vmem>>) offsets(%dma_start3A_185 : memref<128xi32, #tpu.memory_space<vmem>>) semaphore(%arg13 : memref<!tpu.dma_semaphore, #tpu.memory_space<semaphore_mem>>)
        %dma_wait3A = arith.constant 0 : i32
        %dma_wait3A_189 = arith.constant 0 : i32
        %dma_wait3A_190 = arith.constant 0 : i32
        %dma_wait3A_191 = tpu.memref_slice %arg11[%dma_wait3A, %dma_wait3A_189, %dma_wait3A_190] : memref<2x128x32xf32, #tpu.memory_space<vmem>> -> memref<1x128x32xf32, #tpu.memory_space<vmem>>
        %dma_wait3A_192 = tpu.memref_squeeze %dma_wait3A_191 : memref<1x128x32xf32, #tpu.memory_space<vmem>> -> memref<128x32xf32, #tpu.memory_space<vmem>>
        %dma_wait3A_193 = tpu.memref_slice %arg7[%mul3A_180] : memref<12960xi32, #tpu.memory_space<vmem>> -> memref<128xi32, #tpu.memory_space<vmem>>
        %dma_wait3A_194 = arith.constant 0 : i32
        %dma_wait3A_195 = arith.constant 0 : i32
        %dma_wait3A_196 = tpu.memref_slice %arg3[%dma_wait3A_194, %dma_wait3A_195] : memref<500000x32xf32, #tpu.memory_space<hbm>> -> memref<500000x32xf32, #tpu.memory_space<hbm>>
        tpu.wait_indirect_dma semaphore(%arg13 : memref<!tpu.dma_semaphore, #tpu.memory_space<semaphore_mem>>) src(%dma_wait3A_196 : memref<500000x32xf32, #tpu.memory_space<hbm>>) dst(%dma_wait3A_192 : memref<128x32xf32, #tpu.memory_space<vmem>>)
        %mul3A_197 = arith.constant 128 : i32
        %mul3A_198 = arith.muli %mul3A_178, %mul3A_197 : i32
        %add3A_199 = arith.constant 0 : i32
        %add3A_200 = arith.addi %mul3A_198, %add3A_199 : i32
        %get3A_201 = arith.index_cast %add3A_200 : i32 to index
        %get3A_202 = tpu.vector_load %arg8[%get3A_201] {strides = array<i32>} : memref<12960xi32, #tpu.memory_space<vmem>>, vector<16xi32>,
        %swap3A_203 = arith.constant 0 : i32
        %swap3A_204 = arith.index_cast %swap3A_203 : i32 to index
        %swap3A_205 = arith.constant 0 : index
        %swap3A_206 = tpu.vector_load %arg12[%swap3A_204, %swap3A_205] {strides = array<i32>} : memref<2x128xi32, #tpu.memory_space<vmem>>, vector<16xi32>,
        tpu.vector_store %arg12[%swap3A_204, %swap3A_205], %get3A_202 {strides = array<i32>} : memref<2x128xi32, #tpu.memory_space<vmem>>, vector<16xi32>,
        %mul3A_207 = arith.constant 128 : i32
        %mul3A_208 = arith.muli %mul3A_178, %mul3A_207 : i32
        %add3A_209 = arith.constant 16 : i32
        %add3A_210 = arith.addi %mul3A_208, %add3A_209 : i32
        %get3A_211 = arith.index_cast %add3A_210 : i32 to index
        %get3A_212 = tpu.vector_load %arg8[%get3A_211] {strides = array<i32>} : memref<12960xi32, #tpu.memory_space<vmem>>, vector<16xi32>,
        %swap3A_213 = arith.constant 0 : i32
        %swap3A_214 = arith.index_cast %swap3A_213 : i32 to index
        %swap3A_215 = arith.constant 16 : index
        %swap3A_216 = tpu.vector_load %arg12[%swap3A_214, %swap3A_215] {strides = array<i32>} : memref<2x128xi32, #tpu.memory_space<vmem>>, vector<16xi32>,
        tpu.vector_store %arg12[%swap3A_214, %swap3A_215], %get3A_212 {strides = array<i32>} : memref<2x128xi32, #tpu.memory_space<vmem>>, vector<16xi32>,
        %mul3A_217 = arith.constant 128 : i32
        %mul3A_218 = arith.muli %mul3A_178, %mul3A_217 : i32
        %add3A_219 = arith.constant 32 : i32
        %add3A_220 = arith.addi %mul3A_218, %add3A_219 : i32
        %get3A_221 = arith.index_cast %add3A_220 : i32 to index
        %get3A_222 = tpu.vector_load %arg8[%get3A_221] {strides = array<i32>} : memref<12960xi32, #tpu.memory_space<vmem>>, vector<16xi32>,
        %swap3A_223 = arith.constant 0 : i32
        %swap3A_224 = arith.index_cast %swap3A_223 : i32 to index
        %swap3A_225 = arith.constant 32 : index
        %swap3A_226 = tpu.vector_load %arg12[%swap3A_224, %swap3A_225] {strides = array<i32>} : memref<2x128xi32, #tpu.memory_space<vmem>>, vector<16xi32>,
        tpu.vector_store %arg12[%swap3A_224, %swap3A_225], %get3A_222 {strides = array<i32>} : memref<2x128xi32, #tpu.memory_space<vmem>>, vector<16xi32>,
        %mul3A_227 = arith.constant 128 : i32
        %mul3A_228 = arith.muli %mul3A_178, %mul3A_227 : i32
        %add3A_229 = arith.constant 48 : i32
        %add3A_230 = arith.addi %mul3A_228, %add3A_229 : i32
        %get3A_231 = arith.index_cast %add3A_230 : i32 to index
        %get3A_232 = tpu.vector_load %arg8[%get3A_231] {strides = array<i32>} : memref<12960xi32, #tpu.memory_space<vmem>>, vector<16xi32>,
        %swap3A_233 = arith.constant 0 : i32
        %swap3A_234 = arith.index_cast %swap3A_233 : i32 to index
        %swap3A_235 = arith.constant 48 : index
        %swap3A_236 = tpu.vector_load %arg12[%swap3A_234, %swap3A_235] {strides = array<i32>} : memref<2x128xi32, #tpu.memory_space<vmem>>, vector<16xi32>,
        tpu.vector_store %arg12[%swap3A_234, %swap3A_235], %get3A_232 {strides = array<i32>} : memref<2x128xi32, #tpu.memory_space<vmem>>, vector<16xi32>,
        %mul3A_237 = arith.constant 128 : i32
        %mul3A_238 = arith.muli %mul3A_178, %mul3A_237 : i32
        %add3A_239 = arith.constant 64 : i32
        %add3A_240 = arith.addi %mul3A_238, %add3A_239 : i32
        %get3A_241 = arith.index_cast %add3A_240 : i32 to index
        %get3A_242 = tpu.vector_load %arg8[%get3A_241] {strides = array<i32>} : memref<12960xi32, #tpu.memory_space<vmem>>, vector<16xi32>,
        %swap3A_243 = arith.constant 0 : i32
        %swap3A_244 = arith.index_cast %swap3A_243 : i32 to index
        %swap3A_245 = arith.constant 64 : index
        %swap3A_246 = tpu.vector_load %arg12[%swap3A_244, %swap3A_245] {strides = array<i32>} : memref<2x128xi32, #tpu.memory_space<vmem>>, vector<16xi32>,
        tpu.vector_store %arg12[%swap3A_244, %swap3A_245], %get3A_242 {strides = array<i32>} : memref<2x128xi32, #tpu.memory_space<vmem>>, vector<16xi32>,
        %mul3A_247 = arith.constant 128 : i32
        %mul3A_248 = arith.muli %mul3A_178, %mul3A_247 : i32
        %add3A_249 = arith.constant 80 : i32
        %add3A_250 = arith.addi %mul3A_248, %add3A_249 : i32
        %get3A_251 = arith.index_cast %add3A_250 : i32 to index
        %get3A_252 = tpu.vector_load %arg8[%get3A_251] {strides = array<i32>} : memref<12960xi32, #tpu.memory_space<vmem>>, vector<16xi32>,
        %swap3A_253 = arith.constant 0 : i32
        %swap3A_254 = arith.index_cast %swap3A_253 : i32 to index
        %swap3A_255 = arith.constant 80 : index
        %swap3A_256 = tpu.vector_load %arg12[%swap3A_254, %swap3A_255] {strides = array<i32>} : memref<2x128xi32, #tpu.memory_space<vmem>>, vector<16xi32>,
        tpu.vector_store %arg12[%swap3A_254, %swap3A_255], %get3A_252 {strides = array<i32>} : memref<2x128xi32, #tpu.memory_space<vmem>>, vector<16xi32>,
        %mul3A_257 = arith.constant 128 : i32
        %mul3A_258 = arith.muli %mul3A_178, %mul3A_257 : i32
        %add3A_259 = arith.constant 96 : i32
        %add3A_260 = arith.addi %mul3A_258, %add3A_259 : i32
        %get3A_261 = arith.index_cast %add3A_260 : i32 to index
        %get3A_262 = tpu.vector_load %arg8[%get3A_261] {strides = array<i32>} : memref<12960xi32, #tpu.memory_space<vmem>>, vector<16xi32>,
        %swap3A_263 = arith.constant 0 : i32
        %swap3A_264 = arith.index_cast %swap3A_263 : i32 to index
        %swap3A_265 = arith.constant 96 : index
        %swap3A_266 = tpu.vector_load %arg12[%swap3A_264, %swap3A_265] {strides = array<i32>} : memref<2x128xi32, #tpu.memory_space<vmem>>, vector<16xi32>,
        tpu.vector_store %arg12[%swap3A_264, %swap3A_265], %get3A_262 {strides = array<i32>} : memref<2x128xi32, #tpu.memory_space<vmem>>, vector<16xi32>,
        %mul3A_267 = arith.constant 128 : i32
        %mul3A_268 = arith.muli %mul3A_178, %mul3A_267 : i32
        %add3A_269 = arith.constant 112 : i32
        %add3A_270 = arith.addi %mul3A_268, %add3A_269 : i32
        %get3A_271 = arith.index_cast %add3A_270 : i32 to index
        %get3A_272 = tpu.vector_load %arg8[%get3A_271] {strides = array<i32>} : memref<12960xi32, #tpu.memory_space<vmem>>, vector<16xi32>,
        %swap3A_273 = arith.constant 0 : i32
        %swap3A_274 = arith.index_cast %swap3A_273 : i32 to index
        %swap3A_275 = arith.constant 112 : index
        %swap3A_276 = tpu.vector_load %arg12[%swap3A_274, %swap3A_275] {strides = array<i32>} : memref<2x128xi32, #tpu.memory_space<vmem>>, vector<16xi32>,
        tpu.vector_store %arg12[%swap3A_274, %swap3A_275], %get3A_272 {strides = array<i32>} : memref<2x128xi32, #tpu.memory_space<vmem>>, vector<16xi32>,
        %dma_start3A_277 = arith.constant 0 : i32
        %dma_start3A_278 = arith.constant 0 : i32
        %dma_start3A_279 = arith.constant 0 : i32
        %dma_start3A_280 = arith.constant 0 : i32
        %dma_start3A_281 = tpu.memref_slice %arg11[%dma_start3A_277, %dma_start3A_279, %dma_start3A_280] : memref<2x128x32xf32, #tpu.memory_space<vmem>> -> memref<1x128x32xf32, #tpu.memory_space<vmem>>
        %dma_start3A_282 = tpu.memref_squeeze %dma_start3A_281 : memref<1x128x32xf32, #tpu.memory_space<vmem>> -> memref<128x32xf32, #tpu.memory_space<vmem>>
        %dma_start3A_283 = arith.constant 0 : i32
        %dma_start3A_284 = tpu.memref_slice %arg12[%dma_start3A_278, %dma_start3A_283] : memref<2x128xi32, #tpu.memory_space<vmem>> -> memref<1x128xi32, #tpu.memory_space<vmem>>
        %dma_start3A_285 = tpu.memref_squeeze %dma_start3A_284 : memref<1x128xi32, #tpu.memory_space<vmem>> -> memref<128xi32, #tpu.memory_space<vmem>>
        %dma_start3A_286 = arith.constant 0 : i32
        %dma_start3A_287 = arith.constant 0 : i32
        %dma_start3A_288 = tpu.memref_slice %arg5[%dma_start3A_286, %dma_start3A_287] : memref<819200x32xf32, #tpu.memory_space<hbm>> -> memref<819200x32xf32, #tpu.memory_space<hbm>>
        tpu.enqueue_indirect_dma source(%dma_start3A_282 : memref<128x32xf32, #tpu.memory_space<vmem>>) target(%dma_start3A_288 : memref<819200x32xf32, #tpu.memory_space<hbm>>) offsets(%dma_start3A_285 : memref<128xi32, #tpu.memory_space<vmem>>) semaphore(%arg14 : memref<!tpu.dma_semaphore, #tpu.memory_space<semaphore_mem>>)
        %add3A_289 = arith.constant 1 : i32
        %add3A_290 = arith.addi %mul3A_178, %add3A_289 : i32
        %lt3A_291 = arith.cmpi slt, %add3A_290, %select_n3A_140 : i32
        %convert_element_type3A_292 = arith.extui %lt3A_291 : i1 to i32
        %cond3A_293 = arith.constant 0 : i32
        %cond3A_294 = arith.cmpi ne, %convert_element_type3A_292, %cond3A_293 : i32
        scf.if %cond3A_294 {
          %add3A_307 = arith.constant 1 : i32
          %add3A_308 = arith.addi %mul3A_178, %add3A_307 : i32
          %mul3A_309 = arith.constant 128 : i32
          %mul3A_310 = arith.muli %add3A_308, %mul3A_309 : i32
          %dma_start3A_311 = arith.constant 1 : i32
          %dma_start3A_312 = arith.constant 0 : i32
          %dma_start3A_313 = arith.constant 0 : i32
          %dma_start3A_314 = tpu.memref_slice %arg11[%dma_start3A_311, %dma_start3A_312, %dma_start3A_313] : memref<2x128x32xf32, #tpu.memory_space<vmem>> -> memref<1x128x32xf32, #tpu.memory_space<vmem>>
          %dma_start3A_315 = tpu.memref_squeeze %dma_start3A_314 : memref<1x128x32xf32, #tpu.memory_space<vmem>> -> memref<128x32xf32, #tpu.memory_space<vmem>>
          %dma_start3A_316 = tpu.memref_slice %arg7[%mul3A_310] : memref<12960xi32, #tpu.memory_space<vmem>> -> memref<128xi32, #tpu.memory_space<vmem>>
          %dma_start3A_317 = arith.constant 0 : i32
          %dma_start3A_318 = arith.constant 0 : i32
          %dma_start3A_319 = tpu.memref_slice %arg3[%dma_start3A_317, %dma_start3A_318] : memref<500000x32xf32, #tpu.memory_space<hbm>> -> memref<500000x32xf32, #tpu.memory_space<hbm>>
          tpu.enqueue_indirect_dma source(%dma_start3A_319 : memref<500000x32xf32, #tpu.memory_space<hbm>>) target(%dma_start3A_315 : memref<128x32xf32, #tpu.memory_space<vmem>>) offsets(%dma_start3A_316 : memref<128xi32, #tpu.memory_space<vmem>>) semaphore(%arg13 : memref<!tpu.dma_semaphore, #tpu.memory_space<semaphore_mem>>)
          %dma_wait3A_320 = arith.constant 1 : i32
          %dma_wait3A_321 = arith.constant 0 : i32
          %dma_wait3A_322 = arith.constant 0 : i32
          %dma_wait3A_323 = tpu.memref_slice %arg11[%dma_wait3A_320, %dma_wait3A_321, %dma_wait3A_322] : memref<2x128x32xf32, #tpu.memory_space<vmem>> -> memref<1x128x32xf32, #tpu.memory_space<vmem>>
          %dma_wait3A_324 = tpu.memref_squeeze %dma_wait3A_323 : memref<1x128x32xf32, #tpu.memory_space<vmem>> -> memref<128x32xf32, #tpu.memory_space<vmem>>
          %dma_wait3A_325 = tpu.memref_slice %arg7[%mul3A_310] : memref<12960xi32, #tpu.memory_space<vmem>> -> memref<128xi32, #tpu.memory_space<vmem>>
          %dma_wait3A_326 = arith.constant 0 : i32
          %dma_wait3A_327 = arith.constant 0 : i32
          %dma_wait3A_328 = tpu.memref_slice %arg3[%dma_wait3A_326, %dma_wait3A_327] : memref<500000x32xf32, #tpu.memory_space<hbm>> -> memref<500000x32xf32, #tpu.memory_space<hbm>>
          tpu.wait_indirect_dma semaphore(%arg13 : memref<!tpu.dma_semaphore, #tpu.memory_space<semaphore_mem>>) src(%dma_wait3A_328 : memref<500000x32xf32, #tpu.memory_space<hbm>>) dst(%dma_wait3A_324 : memref<128x32xf32, #tpu.memory_space<vmem>>)
          %add3A_329 = arith.constant 1 : i32
          %add3A_330 = arith.addi %mul3A_178, %add3A_329 : i32
          %mul3A_331 = arith.constant 128 : i32
          %mul3A_332 = arith.muli %add3A_330, %mul3A_331 : i32
          %add3A_333 = arith.constant 0 : i32
          %add3A_334 = arith.addi %mul3A_332, %add3A_333 : i32
          %get3A_335 = arith.index_cast %add3A_334 : i32 to index
          %get3A_336 = tpu.vector_load %arg8[%get3A_335] {strides = array<i32>} : memref<12960xi32, #tpu.memory_space<vmem>>, vector<16xi32>,
          %swap3A_337 = arith.constant 1 : i32
          %swap3A_338 = arith.index_cast %swap3A_337 : i32 to index
          %swap3A_339 = arith.constant 0 : index
          %swap3A_340 = tpu.vector_load %arg12[%swap3A_338, %swap3A_339] {strides = array<i32>} : memref<2x128xi32, #tpu.memory_space<vmem>>, vector<16xi32>,
          tpu.vector_store %arg12[%swap3A_338, %swap3A_339], %get3A_336 {strides = array<i32>} : memref<2x128xi32, #tpu.memory_space<vmem>>, vector<16xi32>,
          %mul3A_341 = arith.constant 128 : i32
          %mul3A_342 = arith.muli %add3A_330, %mul3A_341 : i32
          %add3A_343 = arith.constant 16 : i32
          %add3A_344 = arith.addi %mul3A_342, %add3A_343 : i32
          %get3A_345 = arith.index_cast %add3A_344 : i32 to index
          %get3A_346 = tpu.vector_load %arg8[%get3A_345] {strides = array<i32>} : memref<12960xi32, #tpu.memory_space<vmem>>, vector<16xi32>,
          %swap3A_347 = arith.constant 1 : i32
          %swap3A_348 = arith.index_cast %swap3A_347 : i32 to index
          %swap3A_349 = arith.constant 16 : index
          %swap3A_350 = tpu.vector_load %arg12[%swap3A_348, %swap3A_349] {strides = array<i32>} : memref<2x128xi32, #tpu.memory_space<vmem>>, vector<16xi32>,
          tpu.vector_store %arg12[%swap3A_348, %swap3A_349], %get3A_346 {strides = array<i32>} : memref<2x128xi32, #tpu.memory_space<vmem>>, vector<16xi32>,
          %mul3A_351 = arith.constant 128 : i32
          %mul3A_352 = arith.muli %add3A_330, %mul3A_351 : i32
          %add3A_353 = arith.constant 32 : i32
          %add3A_354 = arith.addi %mul3A_352, %add3A_353 : i32
          %get3A_355 = arith.index_cast %add3A_354 : i32 to index
          %get3A_356 = tpu.vector_load %arg8[%get3A_355] {strides = array<i32>} : memref<12960xi32, #tpu.memory_space<vmem>>, vector<16xi32>,
          %swap3A_357 = arith.constant 1 : i32
          %swap3A_358 = arith.index_cast %swap3A_357 : i32 to index
          %swap3A_359 = arith.constant 32 : index
          %swap3A_360 = tpu.vector_load %arg12[%swap3A_358, %swap3A_359] {strides = array<i32>} : memref<2x128xi32, #tpu.memory_space<vmem>>, vector<16xi32>,
          tpu.vector_store %arg12[%swap3A_358, %swap3A_359], %get3A_356 {strides = array<i32>} : memref<2x128xi32, #tpu.memory_space<vmem>>, vector<16xi32>,
          %mul3A_361 = arith.constant 128 : i32
          %mul3A_362 = arith.muli %add3A_330, %mul3A_361 : i32
          %add3A_363 = arith.constant 48 : i32
          %add3A_364 = arith.addi %mul3A_362, %add3A_363 : i32
          %get3A_365 = arith.index_cast %add3A_364 : i32 to index
          %get3A_366 = tpu.vector_load %arg8[%get3A_365] {strides = array<i32>} : memref<12960xi32, #tpu.memory_space<vmem>>, vector<16xi32>,
          %swap3A_367 = arith.constant 1 : i32
          %swap3A_368 = arith.index_cast %swap3A_367 : i32 to index
          %swap3A_369 = arith.constant 48 : index
          %swap3A_370 = tpu.vector_load %arg12[%swap3A_368, %swap3A_369] {strides = array<i32>} : memref<2x128xi32, #tpu.memory_space<vmem>>, vector<16xi32>,
          tpu.vector_store %arg12[%swap3A_368, %swap3A_369], %get3A_366 {strides = array<i32>} : memref<2x128xi32, #tpu.memory_space<vmem>>, vector<16xi32>,
          %mul3A_371 = arith.constant 128 : i32
          %mul3A_372 = arith.muli %add3A_330, %mul3A_371 : i32
          %add3A_373 = arith.constant 64 : i32
          %add3A_374 = arith.addi %mul3A_372, %add3A_373 : i32
          %get3A_375 = arith.index_cast %add3A_374 : i32 to index
          %get3A_376 = tpu.vector_load %arg8[%get3A_375] {strides = array<i32>} : memref<12960xi32, #tpu.memory_space<vmem>>, vector<16xi32>,
          %swap3A_377 = arith.constant 1 : i32
          %swap3A_378 = arith.index_cast %swap3A_377 : i32 to index
          %swap3A_379 = arith.constant 64 : index
          %swap3A_380 = tpu.vector_load %arg12[%swap3A_378, %swap3A_379] {strides = array<i32>} : memref<2x128xi32, #tpu.memory_space<vmem>>, vector<16xi32>,
          tpu.vector_store %arg12[%swap3A_378, %swap3A_379], %get3A_376 {strides = array<i32>} : memref<2x128xi32, #tpu.memory_space<vmem>>, vector<16xi32>,
          %mul3A_381 = arith.constant 128 : i32
          %mul3A_382 = arith.muli %add3A_330, %mul3A_381 : i32
          %add3A_383 = arith.constant 80 : i32
          %add3A_384 = arith.addi %mul3A_382, %add3A_383 : i32
          %get3A_385 = arith.index_cast %add3A_384 : i32 to index
          %get3A_386 = tpu.vector_load %arg8[%get3A_385] {strides = array<i32>} : memref<12960xi32, #tpu.memory_space<vmem>>, vector<16xi32>,
          %swap3A_387 = arith.constant 1 : i32
          %swap3A_388 = arith.index_cast %swap3A_387 : i32 to index
          %swap3A_389 = arith.constant 80 : index
          %swap3A_390 = tpu.vector_load %arg12[%swap3A_388, %swap3A_389] {strides = array<i32>} : memref<2x128xi32, #tpu.memory_space<vmem>>, vector<16xi32>,
          tpu.vector_store %arg12[%swap3A_388, %swap3A_389], %get3A_386 {strides = array<i32>} : memref<2x128xi32, #tpu.memory_space<vmem>>, vector<16xi32>,
          %mul3A_391 = arith.constant 128 : i32
          %mul3A_392 = arith.muli %add3A_330, %mul3A_391 : i32
          %add3A_393 = arith.constant 96 : i32
          %add3A_394 = arith.addi %mul3A_392, %add3A_393 : i32
          %get3A_395 = arith.index_cast %add3A_394 : i32 to index
          %get3A_396 = tpu.vector_load %arg8[%get3A_395] {strides = array<i32>} : memref<12960xi32, #tpu.memory_space<vmem>>, vector<16xi32>,
          %swap3A_397 = arith.constant 1 : i32
          %swap3A_398 = arith.index_cast %swap3A_397 : i32 to index
          %swap3A_399 = arith.constant 96 : index
          %swap3A_400 = tpu.vector_load %arg12[%swap3A_398, %swap3A_399] {strides = array<i32>} : memref<2x128xi32, #tpu.memory_space<vmem>>, vector<16xi32>,
          tpu.vector_store %arg12[%swap3A_398, %swap3A_399], %get3A_396 {strides = array<i32>} : memref<2x128xi32, #tpu.memory_space<vmem>>, vector<16xi32>,
          %mul3A_401 = arith.constant 128 : i32
          %mul3A_402 = arith.muli %add3A_330, %mul3A_401 : i32
          %add3A_403 = arith.constant 112 : i32
          %add3A_404 = arith.addi %mul3A_402, %add3A_403 : i32
          %get3A_405 = arith.index_cast %add3A_404 : i32 to index
          %get3A_406 = tpu.vector_load %arg8[%get3A_405] {strides = array<i32>} : memref<12960xi32, #tpu.memory_space<vmem>>, vector<16xi32>,
          %swap3A_407 = arith.constant 1 : i32
          %swap3A_408 = arith.index_cast %swap3A_407 : i32 to index
          %swap3A_409 = arith.constant 112 : index
          %swap3A_410 = tpu.vector_load %arg12[%swap3A_408, %swap3A_409] {strides = array<i32>} : memref<2x128xi32, #tpu.memory_space<vmem>>, vector<16xi32>,
          tpu.vector_store %arg12[%swap3A_408, %swap3A_409], %get3A_406 {strides = array<i32>} : memref<2x128xi32, #tpu.memory_space<vmem>>, vector<16xi32>,
          %dma_start3A_411 = arith.constant 1 : i32
          %dma_start3A_412 = arith.constant 1 : i32
          %dma_start3A_413 = arith.constant 0 : i32
          %dma_start3A_414 = arith.constant 0 : i32
          %dma_start3A_415 = tpu.memref_slice %arg11[%dma_start3A_411, %dma_start3A_413, %dma_start3A_414] : memref<2x128x32xf32, #tpu.memory_space<vmem>> -> memref<1x128x32xf32, #tpu.memory_space<vmem>>
          %dma_start3A_416 = tpu.memref_squeeze %dma_start3A_415 : memref<1x128x32xf32, #tpu.memory_space<vmem>> -> memref<128x32xf32, #tpu.memory_space<vmem>>
          %dma_start3A_417 = arith.constant 0 : i32
          %dma_start3A_418 = tpu.memref_slice %arg12[%dma_start3A_412, %dma_start3A_417] : memref<2x128xi32, #tpu.memory_space<vmem>> -> memref<1x128xi32, #tpu.memory_space<vmem>>
          %dma_start3A_419 = tpu.memref_squeeze %dma_start3A_418 : memref<1x128xi32, #tpu.memory_space<vmem>> -> memref<128xi32, #tpu.memory_space<vmem>>
          %dma_start3A_420 = arith.constant 0 : i32
          %dma_start3A_421 = arith.constant 0 : i32
          %dma_start3A_422 = tpu.memref_slice %arg5[%dma_start3A_420, %dma_start3A_421] : memref<819200x32xf32, #tpu.memory_space<hbm>> -> memref<819200x32xf32, #tpu.memory_space<hbm>>
          tpu.enqueue_indirect_dma source(%dma_start3A_416 : memref<128x32xf32, #tpu.memory_space<vmem>>) target(%dma_start3A_422 : memref<819200x32xf32, #tpu.memory_space<hbm>>) offsets(%dma_start3A_419 : memref<128xi32, #tpu.memory_space<vmem>>) semaphore(%arg14 : memref<!tpu.dma_semaphore, #tpu.memory_space<semaphore_mem>>)
          %dma_wait3A_423 = arith.constant 1 : i32
          %dma_wait3A_424 = arith.constant 1 : i32
          %dma_wait3A_425 = arith.constant 0 : i32
          %dma_wait3A_426 = arith.constant 0 : i32
          %dma_wait3A_427 = tpu.memref_slice %arg11[%dma_wait3A_423, %dma_wait3A_425, %dma_wait3A_426] : memref<2x128x32xf32, #tpu.memory_space<vmem>> -> memref<1x128x32xf32, #tpu.memory_space<vmem>>
          %dma_wait3A_428 = tpu.memref_squeeze %dma_wait3A_427 : memref<1x128x32xf32, #tpu.memory_space<vmem>> -> memref<128x32xf32, #tpu.memory_space<vmem>>
          %dma_wait3A_429 = arith.constant 0 : i32
          %dma_wait3A_430 = tpu.memref_slice %arg12[%dma_wait3A_424, %dma_wait3A_429] : memref<2x128xi32, #tpu.memory_space<vmem>> -> memref<1x128xi32, #tpu.memory_space<vmem>>
          %dma_wait3A_431 = tpu.memref_squeeze %dma_wait3A_430 : memref<1x128xi32, #tpu.memory_space<vmem>> -> memref<128xi32, #tpu.memory_space<vmem>>
          %dma_wait3A_432 = arith.constant 0 : i32
          %dma_wait3A_433 = arith.constant 0 : i32
          %dma_wait3A_434 = tpu.memref_slice %arg5[%dma_wait3A_432, %dma_wait3A_433] : memref<819200x32xf32, #tpu.memory_space<hbm>> -> memref<819200x32xf32, #tpu.memory_space<hbm>>
          tpu.wait_indirect_dma semaphore(%arg14 : memref<!tpu.dma_semaphore, #tpu.memory_space<semaphore_mem>>) src(%dma_wait3A_428 : memref<128x32xf32, #tpu.memory_space<vmem>>) dst(%dma_wait3A_434 : memref<819200x32xf32, #tpu.memory_space<hbm>>)
        } else {
        }
        %dma_wait3A_295 = arith.constant 0 : i32
        %dma_wait3A_296 = arith.constant 0 : i32
        %dma_wait3A_297 = arith.constant 0 : i32
        %dma_wait3A_298 = arith.constant 0 : i32
        %dma_wait3A_299 = tpu.memref_slice %arg11[%dma_wait3A_295, %dma_wait3A_297, %dma_wait3A_298] : memref<2x128x32xf32, #tpu.memory_space<vmem>> -> memref<1x128x32xf32, #tpu.memory_space<vmem>>
        %dma_wait3A_300 = tpu.memref_squeeze %dma_wait3A_299 : memref<1x128x32xf32, #tpu.memory_space<vmem>> -> memref<128x32xf32, #tpu.memory_space<vmem>>
        %dma_wait3A_301 = arith.constant 0 : i32
        %dma_wait3A_302 = tpu.memref_slice %arg12[%dma_wait3A_296, %dma_wait3A_301] : memref<2x128xi32, #tpu.memory_space<vmem>> -> memref<1x128xi32, #tpu.memory_space<vmem>>
        %dma_wait3A_303 = tpu.memref_squeeze %dma_wait3A_302 : memref<1x128xi32, #tpu.memory_space<vmem>> -> memref<128xi32, #tpu.memory_space<vmem>>
        %dma_wait3A_304 = arith.constant 0 : i32
        %dma_wait3A_305 = arith.constant 0 : i32
        %dma_wait3A_306 = tpu.memref_slice %arg5[%dma_wait3A_304, %dma_wait3A_305] : memref<819200x32xf32, #tpu.memory_space<hbm>> -> memref<819200x32xf32, #tpu.memory_space<hbm>>
        tpu.wait_indirect_dma semaphore(%arg14 : memref<!tpu.dma_semaphore, #tpu.memory_space<semaphore_mem>>) src(%dma_wait3A_300 : memref<128x32xf32, #tpu.memory_space<vmem>>) dst(%dma_wait3A_306 : memref<819200x32xf32, #tpu.memory_space<hbm>>)
      }
    } else {
    }
    %gt3A_14 = arith.constant 0 : i32
    %gt3A_15 = arith.cmpi sgt, %scan3A_10#1, %gt3A_14 : i32
    %convert_element_type3A_16 = arith.extui %gt3A_15 : i1 to i32
    %cond3A_17 = arith.constant 0 : i32
    %cond3A_18 = arith.cmpi ne, %convert_element_type3A_16, %cond3A_17 : i32
    scf.if %cond3A_18 {
      %sub3A = arith.constant 1 : i32
      %sub3A_39 = arith.subi %scan3A_10#1, %sub3A : i32
      %broadcast_in_dim3A = vector.broadcast %sub3A_39 : i32 to vector<16xi32>
      %gather3A = tpu.vector_load_idx %arg9[%broadcast_in_dim3A] : memref<12960xi32, #tpu.memory_space<vmem>>[vector<16xi32>], vector<16xi32>,
      %broadcast_in_dim3A_40 = vector.broadcast %sub3A_39 : i32 to vector<16xi32>
      %gather3A_41 = tpu.vector_load_idx %arg10[%broadcast_in_dim3A_40] : memref<12960xi32, #tpu.memory_space<vmem>>[vector<16xi32>], vector<16xi32>,
      %and3A = arith.constant 15 : i32
      %and3A_42 = arith.andi %scan3A_10#1, %and3A : i32
      %sub3A_43 = arith.subi %scan3A_10#1, %and3A_42 : i32
      %add3A_44 = vector.broadcast %sub3A_43 : i32 to vector<16xi32>
      %add3A_45 = arith.addi %add3A_44, %iota3A : vector<16xi32>
      %lt3A = vector.broadcast %scan3A_10#1 : i32 to vector<16xi32>
      %lt3A_46 = arith.cmpi slt, %add3A_45, %lt3A : vector<16xi32>
      %get3A = arith.index_cast %sub3A_43 : i32 to index
      %get3A_47 = tpu.vector_load %arg9[%get3A] {strides = array<i32>} : memref<12960xi32, #tpu.memory_space<vmem>>, vector<16xi32>,
      %select_n3A = arith.select %lt3A_46, %get3A_47, %gather3A : vector<16xi1>, vector<16xi32>
      %swap3A = arith.index_cast %sub3A_43 : i32 to index
      %swap3A_48 = tpu.vector_load %arg9[%swap3A] {strides = array<i32>} : memref<12960xi32, #tpu.memory_space<vmem>>, vector<16xi32>,
      tpu.vector_store %arg9[%swap3A], %select_n3A {strides = array<i32>} : memref<12960xi32, #tpu.memory_space<vmem>>, vector<16xi32>,
      %get3A_49 = arith.index_cast %sub3A_43 : i32 to index
      %get3A_50 = tpu.vector_load %arg10[%get3A_49] {strides = array<i32>} : memref<12960xi32, #tpu.memory_space<vmem>>, vector<16xi32>,
      %select_n3A_51 = arith.select %lt3A_46, %get3A_50, %gather3A_41 : vector<16xi1>, vector<16xi32>
      %swap3A_52 = arith.index_cast %sub3A_43 : i32 to index
      %swap3A_53 = tpu.vector_load %arg10[%swap3A_52] {strides = array<i32>} : memref<12960xi32, #tpu.memory_space<vmem>>, vector<16xi32>,
      tpu.vector_store %arg10[%swap3A_52], %select_n3A_51 {strides = array<i32>} : memref<12960xi32, #tpu.memory_space<vmem>>, vector<16xi32>,
      %add3A_54 = arith.constant 16 : i32
      %add3A_55 = arith.addi %sub3A_43, %add3A_54 : i32
      %swap3A_56 = arith.index_cast %add3A_55 : i32 to index
      %swap3A_57 = tpu.vector_load %arg9[%swap3A_56] {strides = array<i32>} : memref<12960xi32, #tpu.memory_space<vmem>>, vector<16xi32>,
      tpu.vector_store %arg9[%swap3A_56], %gather3A {strides = array<i32>} : memref<12960xi32, #tpu.memory_space<vmem>>, vector<16xi32>,
      %add3A_58 = arith.constant 16 : i32
      %add3A_59 = arith.addi %sub3A_43, %add3A_58 : i32
      %swap3A_60 = arith.index_cast %add3A_59 : i32 to index
      %swap3A_61 = tpu.vector_load %arg10[%swap3A_60] {strides = array<i32>} : memref<12960xi32, #tpu.memory_space<vmem>>, vector<16xi32>,
      tpu.vector_store %arg10[%swap3A_60], %gather3A_41 {strides = array<i32>} : memref<12960xi32, #tpu.memory_space<vmem>>, vector<16xi32>,
      %add3A_62 = arith.constant 32 : i32
      %add3A_63 = arith.addi %sub3A_43, %add3A_62 : i32
      %swap3A_64 = arith.index_cast %add3A_63 : i32 to index
      %swap3A_65 = tpu.vector_load %arg9[%swap3A_64] {strides = array<i32>} : memref<12960xi32, #tpu.memory_space<vmem>>, vector<16xi32>,
      tpu.vector_store %arg9[%swap3A_64], %gather3A {strides = array<i32>} : memref<12960xi32, #tpu.memory_space<vmem>>, vector<16xi32>,
      %add3A_66 = arith.constant 32 : i32
      %add3A_67 = arith.addi %sub3A_43, %add3A_66 : i32
      %swap3A_68 = arith.index_cast %add3A_67 : i32 to index
      %swap3A_69 = tpu.vector_load %arg10[%swap3A_68] {strides = array<i32>} : memref<12960xi32, #tpu.memory_space<vmem>>, vector<16xi32>,
      tpu.vector_store %arg10[%swap3A_68], %gather3A_41 {strides = array<i32>} : memref<12960xi32, #tpu.memory_space<vmem>>, vector<16xi32>,
      %add3A_70 = arith.constant 48 : i32
      %add3A_71 = arith.addi %sub3A_43, %add3A_70 : i32
      %swap3A_72 = arith.index_cast %add3A_71 : i32 to index
      %swap3A_73 = tpu.vector_load %arg9[%swap3A_72] {strides = array<i32>} : memref<12960xi32, #tpu.memory_space<vmem>>, vector<16xi32>,
      tpu.vector_store %arg9[%swap3A_72], %gather3A {strides = array<i32>} : memref<12960xi32, #tpu.memory_space<vmem>>, vector<16xi32>,
      %add3A_74 = arith.constant 48 : i32
      %add3A_75 = arith.addi %sub3A_43, %add3A_74 : i32
      %swap3A_76 = arith.index_cast %add3A_75 : i32 to index
      %swap3A_77 = tpu.vector_load %arg10[%swap3A_76] {strides = array<i32>} : memref<12960xi32, #tpu.memory_space<vmem>>, vector<16xi32>,
      tpu.vector_store %arg10[%swap3A_76], %gather3A_41 {strides = array<i32>} : memref<12960xi32, #tpu.memory_space<vmem>>, vector<16xi32>,
      %add3A_78 = arith.constant 64 : i32
      %add3A_79 = arith.addi %sub3A_43, %add3A_78 : i32
      %swap3A_80 = arith.index_cast %add3A_79 : i32 to index
      %swap3A_81 = tpu.vector_load %arg9[%swap3A_80] {strides = array<i32>} : memref<12960xi32, #tpu.memory_space<vmem>>, vector<16xi32>,
      tpu.vector_store %arg9[%swap3A_80], %gather3A {strides = array<i32>} : memref<12960xi32, #tpu.memory_space<vmem>>, vector<16xi32>,
      %add3A_82 = arith.constant 64 : i32
      %add3A_83 = arith.addi %sub3A_43, %add3A_82 : i32
      %swap3A_84 = arith.index_cast %add3A_83 : i32 to index
      %swap3A_85 = tpu.vector_load %arg10[%swap3A_84] {strides = array<i32>} : memref<12960xi32, #tpu.memory_space<vmem>>, vector<16xi32>,
      tpu.vector_store %arg10[%swap3A_84], %gather3A_41 {strides = array<i32>} : memref<12960xi32, #tpu.memory_space<vmem>>, vector<16xi32>,
      %add3A_86 = arith.constant 80 : i32
      %add3A_87 = arith.addi %sub3A_43, %add3A_86 : i32
      %swap3A_88 = arith.index_cast %add3A_87 : i32 to index
      %swap3A_89 = tpu.vector_load %arg9[%swap3A_88] {strides = array<i32>} : memref<12960xi32, #tpu.memory_space<vmem>>, vector<16xi32>,
      tpu.vector_store %arg9[%swap3A_88], %gather3A {strides = array<i32>} : memref<12960xi32, #tpu.memory_space<vmem>>, vector<16xi32>,
      %add3A_90 = arith.constant 80 : i32
      %add3A_91 = arith.addi %sub3A_43, %add3A_90 : i32
      %swap3A_92 = arith.index_cast %add3A_91 : i32 to index
      %swap3A_93 = tpu.vector_load %arg10[%swap3A_92] {strides = array<i32>} : memref<12960xi32, #tpu.memory_space<vmem>>, vector<16xi32>,
      tpu.vector_store %arg10[%swap3A_92], %gather3A_41 {strides = array<i32>} : memref<12960xi32, #tpu.memory_space<vmem>>, vector<16xi32>,
      %add3A_94 = arith.constant 96 : i32
      %add3A_95 = arith.addi %sub3A_43, %add3A_94 : i32
      %swap3A_96 = arith.index_cast %add3A_95 : i32 to index
      %swap3A_97 = tpu.vector_load %arg9[%swap3A_96] {strides = array<i32>} : memref<12960xi32, #tpu.memory_space<vmem>>, vector<16xi32>,
      tpu.vector_store %arg9[%swap3A_96], %gather3A {strides = array<i32>} : memref<12960xi32, #tpu.memory_space<vmem>>, vector<16xi32>,
      %add3A_98 = arith.constant 96 : i32
      %add3A_99 = arith.addi %sub3A_43, %add3A_98 : i32
      %swap3A_100 = arith.index_cast %add3A_99 : i32 to index
      %swap3A_101 = tpu.vector_load %arg10[%swap3A_100] {strides = array<i32>} : memref<12960xi32, #tpu.memory_space<vmem>>, vector<16xi32>,
      tpu.vector_store %arg10[%swap3A_100], %gather3A_41 {strides = array<i32>} : memref<12960xi32, #tpu.memory_space<vmem>>, vector<16xi32>,
      %add3A_102 = arith.constant 112 : i32
      %add3A_103 = arith.addi %sub3A_43, %add3A_102 : i32
      %swap3A_104 = arith.index_cast %add3A_103 : i32 to index
      %swap3A_105 = tpu.vector_load %arg9[%swap3A_104] {strides = array<i32>} : memref<12960xi32, #tpu.memory_space<vmem>>, vector<16xi32>,
      tpu.vector_store %arg9[%swap3A_104], %gather3A {strides = array<i32>} : memref<12960xi32, #tpu.memory_space<vmem>>, vector<16xi32>,
      %add3A_106 = arith.constant 112 : i32
      %add3A_107 = arith.addi %sub3A_43, %add3A_106 : i32
      %swap3A_108 = arith.index_cast %add3A_107 : i32 to index
      %swap3A_109 = tpu.vector_load %arg10[%swap3A_108] {strides = array<i32>} : memref<12960xi32, #tpu.memory_space<vmem>>, vector<16xi32>,
      tpu.vector_store %arg10[%swap3A_108], %gather3A_41 {strides = array<i32>} : memref<12960xi32, #tpu.memory_space<vmem>>, vector<16xi32>,
      %add3A_110 = arith.constant 128 : i32
      %add3A_111 = arith.addi %sub3A_43, %add3A_110 : i32
      %swap3A_112 = arith.index_cast %add3A_111 : i32 to index
      %swap3A_113 = tpu.vector_load %arg9[%swap3A_112] {strides = array<i32>} : memref<12960xi32, #tpu.memory_space<vmem>>, vector<16xi32>,
      tpu.vector_store %arg9[%swap3A_112], %gather3A {strides = array<i32>} : memref<12960xi32, #tpu.memory_space<vmem>>, vector<16xi32>,
      %add3A_114 = arith.constant 128 : i32
      %add3A_115 = arith.addi %sub3A_43, %add3A_114 : i32
      %swap3A_116 = arith.index_cast %add3A_115 : i32 to index
      %swap3A_117 = tpu.vector_load %arg10[%swap3A_116] {strides = array<i32>} : memref<12960xi32, #tpu.memory_space<vmem>>, vector<16xi32>,
      tpu.vector_store %arg10[%swap3A_116], %gather3A_41 {strides = array<i32>} : memref<12960xi32, #tpu.memory_space<vmem>>, vector<16xi32>,
      %add3A_118 = arith.constant 128 : i32
      %add3A_119 = arith.addi %scan3A_10#1, %add3A_118 : i32
      %sub3A_120 = arith.constant 1 : i32
      %sub3A_121 = arith.subi %add3A_119, %sub3A_120 : i32
      %jit3A = arith.constant 128 : i32
      %div3A = arith.divsi %sub3A_121, %jit3A : i32
      %sign3A = arith.constant 0 : i32
      %sign3A_122 = arith.cmpi sgt, %sub3A_121, %sign3A : i32
      %sign3A_123 = arith.extui %sign3A_122 : i1 to i32
      %sign3A_124 = arith.constant 0 : i32
      %sign3A_125 = arith.cmpi slt, %sub3A_121, %sign3A_124 : i32
      %sign3A_126 = arith.extui %sign3A_125 : i1 to i32
      %sign3A_127 = arith.subi %sign3A_123, %sign3A_126 : i32
      %sign3A_128 = arith.constant 0 : i32
      %sign3A_129 = arith.cmpi sgt, %jit3A, %sign3A_128 : i32
      %sign3A_130 = arith.extui %sign3A_129 : i1 to i32
      %sign3A_131 = arith.constant 0 : i32
      %sign3A_132 = arith.cmpi slt, %jit3A, %sign3A_131 : i32
      %sign3A_133 = arith.extui %sign3A_132 : i1 to i32
      %sign3A_134 = arith.subi %sign3A_130, %sign3A_133 : i32
      %ne3A = arith.cmpi ne, %sign3A_127, %sign3A_134 : i32
      %rem3A = arith.remsi %sub3A_121, %jit3A : i32
      %ne3A_135 = arith.constant 0 : i32
      %ne3A_136 = arith.cmpi ne, %rem3A, %ne3A_135 : i32
      %and3A_137 = arith.andi %ne3A, %ne3A_136 : i1
      %sub3A_138 = arith.constant 1 : i32
      %sub3A_139 = arith.subi %div3A, %sub3A_138 : i32
      %select_n3A_140 = arith.select %and3A_137, %sub3A_139, %div3A : i32
      %add3A_141 = arith.constant 1 : i32
      %add3A_142 = arith.addi %select_n3A_140, %add3A_141 : i32
      %jit3A_143 = arith.constant 2 : i32
      %div3A_144 = arith.divsi %add3A_142, %jit3A_143 : i32
      %sign3A_145 = arith.constant 0 : i32
      %sign3A_146 = arith.cmpi sgt, %add3A_142, %sign3A_145 : i32
      %sign3A_147 = arith.extui %sign3A_146 : i1 to i32
      %sign3A_148 = arith.constant 0 : i32
      %sign3A_149 = arith.cmpi slt, %add3A_142, %sign3A_148 : i32
      %sign3A_150 = arith.extui %sign3A_149 : i1 to i32
      %sign3A_151 = arith.subi %sign3A_147, %sign3A_150 : i32
      %sign3A_152 = arith.constant 0 : i32
      %sign3A_153 = arith.cmpi sgt, %jit3A_143, %sign3A_152 : i32
      %sign3A_154 = arith.extui %sign3A_153 : i1 to i32
      %sign3A_155 = arith.constant 0 : i32
      %sign3A_156 = arith.cmpi slt, %jit3A_143, %sign3A_155 : i32
      %sign3A_157 = arith.extui %sign3A_156 : i1 to i32
      %sign3A_158 = arith.subi %sign3A_154, %sign3A_157 : i32
      %ne3A_159 = arith.cmpi ne, %sign3A_151, %sign3A_158 : i32
      %rem3A_160 = arith.remsi %add3A_142, %jit3A_143 : i32
      %ne3A_161 = arith.constant 0 : i32
      %ne3A_162 = arith.cmpi ne, %rem3A_160, %ne3A_161 : i32
      %and3A_163 = arith.andi %ne3A_159, %ne3A_162 : i1
      %sub3A_164 = arith.constant 1 : i32
      %sub3A_165 = arith.subi %div3A_144, %sub3A_164 : i32
      %select_n3A_166 = arith.select %and3A_163, %sub3A_165, %div3A_144 : i32
      %while3A = arith.constant 0 : i32
      %while3A_167 = arith.constant 0 : i32
      %while3A_168 = arith.subi %select_n3A_166, %while3A_167 : i32
      %while3A_169 = arith.addi %while3A_167, %while3A_168 : i32
      %while3A_170 = arith.constant 1 : i32
      %while3A_171 = arith.divsi %while3A_168, %while3A_170 : i32
      %while3A_172 = arith.muli %while3A_171, %while3A_170 : i32
      %while3A_173 = arith.addi %while3A_167, %while3A_172 : i32
      %while3A_174 = arith.constant 1 : i32
      scf.for %while3A_176 = %while3A_167 to %while3A_173 step %while3A_174  : i32 {
        %mul3A_177 = arith.constant 2 : i32
        %mul3A_178 = arith.muli %while3A_176, %mul3A_177 : i32
        %mul3A_179 = arith.constant 128 : i32
        %mul3A_180 = arith.muli %mul3A_178, %mul3A_179 : i32
        %dma_start3A = arith.constant 0 : i32
        %dma_start3A_181 = arith.constant 0 : i32
        %dma_start3A_182 = arith.constant 0 : i32
        %dma_start3A_183 = tpu.memref_slice %arg11[%dma_start3A, %dma_start3A_181, %dma_start3A_182] : memref<2x128x32xf32, #tpu.memory_space<vmem>> -> memref<1x128x32xf32, #tpu.memory_space<vmem>>
        %dma_start3A_184 = tpu.memref_squeeze %dma_start3A_183 : memref<1x128x32xf32, #tpu.memory_space<vmem>> -> memref<128x32xf32, #tpu.memory_space<vmem>>
        %dma_start3A_185 = tpu.memref_slice %arg9[%mul3A_180] : memref<12960xi32, #tpu.memory_space<vmem>> -> memref<128xi32, #tpu.memory_space<vmem>>
        %dma_start3A_186 = arith.constant 0 : i32
        %dma_start3A_187 = arith.constant 0 : i32
        %dma_start3A_188 = tpu.memref_slice %arg4[%dma_start3A_186, %dma_start3A_187] : memref<500000x32xf32, #tpu.memory_space<hbm>> -> memref<500000x32xf32, #tpu.memory_space<hbm>>
        tpu.enqueue_indirect_dma source(%dma_start3A_188 : memref<500000x32xf32, #tpu.memory_space<hbm>>) target(%dma_start3A_184 : memref<128x32xf32, #tpu.memory_space<vmem>>) offsets(%dma_start3A_185 : memref<128xi32, #tpu.memory_space<vmem>>) semaphore(%arg13 : memref<!tpu.dma_semaphore, #tpu.memory_space<semaphore_mem>>)
        %dma_wait3A = arith.constant 0 : i32
        %dma_wait3A_189 = arith.constant 0 : i32
        %dma_wait3A_190 = arith.constant 0 : i32
        %dma_wait3A_191 = tpu.memref_slice %arg11[%dma_wait3A, %dma_wait3A_189, %dma_wait3A_190] : memref<2x128x32xf32, #tpu.memory_space<vmem>> -> memref<1x128x32xf32, #tpu.memory_space<vmem>>
        %dma_wait3A_192 = tpu.memref_squeeze %dma_wait3A_191 : memref<1x128x32xf32, #tpu.memory_space<vmem>> -> memref<128x32xf32, #tpu.memory_space<vmem>>
        %dma_wait3A_193 = tpu.memref_slice %arg9[%mul3A_180] : memref<12960xi32, #tpu.memory_space<vmem>> -> memref<128xi32, #tpu.memory_space<vmem>>
        %dma_wait3A_194 = arith.constant 0 : i32
        %dma_wait3A_195 = arith.constant 0 : i32
        %dma_wait3A_196 = tpu.memref_slice %arg4[%dma_wait3A_194, %dma_wait3A_195] : memref<500000x32xf32, #tpu.memory_space<hbm>> -> memref<500000x32xf32, #tpu.memory_space<hbm>>
        tpu.wait_indirect_dma semaphore(%arg13 : memref<!tpu.dma_semaphore, #tpu.memory_space<semaphore_mem>>) src(%dma_wait3A_196 : memref<500000x32xf32, #tpu.memory_space<hbm>>) dst(%dma_wait3A_192 : memref<128x32xf32, #tpu.memory_space<vmem>>)
        %mul3A_197 = arith.constant 128 : i32
        %mul3A_198 = arith.muli %mul3A_178, %mul3A_197 : i32
        %add3A_199 = arith.constant 0 : i32
        %add3A_200 = arith.addi %mul3A_198, %add3A_199 : i32
        %get3A_201 = arith.index_cast %add3A_200 : i32 to index
        %get3A_202 = tpu.vector_load %arg10[%get3A_201] {strides = array<i32>} : memref<12960xi32, #tpu.memory_space<vmem>>, vector<16xi32>,
        %swap3A_203 = arith.constant 0 : i32
        %swap3A_204 = arith.index_cast %swap3A_203 : i32 to index
        %swap3A_205 = arith.constant 0 : index
        %swap3A_206 = tpu.vector_load %arg12[%swap3A_204, %swap3A_205] {strides = array<i32>} : memref<2x128xi32, #tpu.memory_space<vmem>>, vector<16xi32>,
        tpu.vector_store %arg12[%swap3A_204, %swap3A_205], %get3A_202 {strides = array<i32>} : memref<2x128xi32, #tpu.memory_space<vmem>>, vector<16xi32>,
        %mul3A_207 = arith.constant 128 : i32
        %mul3A_208 = arith.muli %mul3A_178, %mul3A_207 : i32
        %add3A_209 = arith.constant 16 : i32
        %add3A_210 = arith.addi %mul3A_208, %add3A_209 : i32
        %get3A_211 = arith.index_cast %add3A_210 : i32 to index
        %get3A_212 = tpu.vector_load %arg10[%get3A_211] {strides = array<i32>} : memref<12960xi32, #tpu.memory_space<vmem>>, vector<16xi32>,
        %swap3A_213 = arith.constant 0 : i32
        %swap3A_214 = arith.index_cast %swap3A_213 : i32 to index
        %swap3A_215 = arith.constant 16 : index
        %swap3A_216 = tpu.vector_load %arg12[%swap3A_214, %swap3A_215] {strides = array<i32>} : memref<2x128xi32, #tpu.memory_space<vmem>>, vector<16xi32>,
        tpu.vector_store %arg12[%swap3A_214, %swap3A_215], %get3A_212 {strides = array<i32>} : memref<2x128xi32, #tpu.memory_space<vmem>>, vector<16xi32>,
        %mul3A_217 = arith.constant 128 : i32
        %mul3A_218 = arith.muli %mul3A_178, %mul3A_217 : i32
        %add3A_219 = arith.constant 32 : i32
        %add3A_220 = arith.addi %mul3A_218, %add3A_219 : i32
        %get3A_221 = arith.index_cast %add3A_220 : i32 to index
        %get3A_222 = tpu.vector_load %arg10[%get3A_221] {strides = array<i32>} : memref<12960xi32, #tpu.memory_space<vmem>>, vector<16xi32>,
        %swap3A_223 = arith.constant 0 : i32
        %swap3A_224 = arith.index_cast %swap3A_223 : i32 to index
        %swap3A_225 = arith.constant 32 : index
        %swap3A_226 = tpu.vector_load %arg12[%swap3A_224, %swap3A_225] {strides = array<i32>} : memref<2x128xi32, #tpu.memory_space<vmem>>, vector<16xi32>,
        tpu.vector_store %arg12[%swap3A_224, %swap3A_225], %get3A_222 {strides = array<i32>} : memref<2x128xi32, #tpu.memory_space<vmem>>, vector<16xi32>,
        %mul3A_227 = arith.constant 128 : i32
        %mul3A_228 = arith.muli %mul3A_178, %mul3A_227 : i32
        %add3A_229 = arith.constant 48 : i32
        %add3A_230 = arith.addi %mul3A_228, %add3A_229 : i32
        %get3A_231 = arith.index_cast %add3A_230 : i32 to index
        %get3A_232 = tpu.vector_load %arg10[%get3A_231] {strides = array<i32>} : memref<12960xi32, #tpu.memory_space<vmem>>, vector<16xi32>,
        %swap3A_233 = arith.constant 0 : i32
        %swap3A_234 = arith.index_cast %swap3A_233 : i32 to index
        %swap3A_235 = arith.constant 48 : index
        %swap3A_236 = tpu.vector_load %arg12[%swap3A_234, %swap3A_235] {strides = array<i32>} : memref<2x128xi32, #tpu.memory_space<vmem>>, vector<16xi32>,
        tpu.vector_store %arg12[%swap3A_234, %swap3A_235], %get3A_232 {strides = array<i32>} : memref<2x128xi32, #tpu.memory_space<vmem>>, vector<16xi32>,
        %mul3A_237 = arith.constant 128 : i32
        %mul3A_238 = arith.muli %mul3A_178, %mul3A_237 : i32
        %add3A_239 = arith.constant 64 : i32
        %add3A_240 = arith.addi %mul3A_238, %add3A_239 : i32
        %get3A_241 = arith.index_cast %add3A_240 : i32 to index
        %get3A_242 = tpu.vector_load %arg10[%get3A_241] {strides = array<i32>} : memref<12960xi32, #tpu.memory_space<vmem>>, vector<16xi32>,
        %swap3A_243 = arith.constant 0 : i32
        %swap3A_244 = arith.index_cast %swap3A_243 : i32 to index
        %swap3A_245 = arith.constant 64 : index
        %swap3A_246 = tpu.vector_load %arg12[%swap3A_244, %swap3A_245] {strides = array<i32>} : memref<2x128xi32, #tpu.memory_space<vmem>>, vector<16xi32>,
        tpu.vector_store %arg12[%swap3A_244, %swap3A_245], %get3A_242 {strides = array<i32>} : memref<2x128xi32, #tpu.memory_space<vmem>>, vector<16xi32>,
        %mul3A_247 = arith.constant 128 : i32
        %mul3A_248 = arith.muli %mul3A_178, %mul3A_247 : i32
        %add3A_249 = arith.constant 80 : i32
        %add3A_250 = arith.addi %mul3A_248, %add3A_249 : i32
        %get3A_251 = arith.index_cast %add3A_250 : i32 to index
        %get3A_252 = tpu.vector_load %arg10[%get3A_251] {strides = array<i32>} : memref<12960xi32, #tpu.memory_space<vmem>>, vector<16xi32>,
        %swap3A_253 = arith.constant 0 : i32
        %swap3A_254 = arith.index_cast %swap3A_253 : i32 to index
        %swap3A_255 = arith.constant 80 : index
        %swap3A_256 = tpu.vector_load %arg12[%swap3A_254, %swap3A_255] {strides = array<i32>} : memref<2x128xi32, #tpu.memory_space<vmem>>, vector<16xi32>,
        tpu.vector_store %arg12[%swap3A_254, %swap3A_255], %get3A_252 {strides = array<i32>} : memref<2x128xi32, #tpu.memory_space<vmem>>, vector<16xi32>,
        %mul3A_257 = arith.constant 128 : i32
        %mul3A_258 = arith.muli %mul3A_178, %mul3A_257 : i32
        %add3A_259 = arith.constant 96 : i32
        %add3A_260 = arith.addi %mul3A_258, %add3A_259 : i32
        %get3A_261 = arith.index_cast %add3A_260 : i32 to index
        %get3A_262 = tpu.vector_load %arg10[%get3A_261] {strides = array<i32>} : memref<12960xi32, #tpu.memory_space<vmem>>, vector<16xi32>,
        %swap3A_263 = arith.constant 0 : i32
        %swap3A_264 = arith.index_cast %swap3A_263 : i32 to index
        %swap3A_265 = arith.constant 96 : index
        %swap3A_266 = tpu.vector_load %arg12[%swap3A_264, %swap3A_265] {strides = array<i32>} : memref<2x128xi32, #tpu.memory_space<vmem>>, vector<16xi32>,
        tpu.vector_store %arg12[%swap3A_264, %swap3A_265], %get3A_262 {strides = array<i32>} : memref<2x128xi32, #tpu.memory_space<vmem>>, vector<16xi32>,
        %mul3A_267 = arith.constant 128 : i32
        %mul3A_268 = arith.muli %mul3A_178, %mul3A_267 : i32
        %add3A_269 = arith.constant 112 : i32
        %add3A_270 = arith.addi %mul3A_268, %add3A_269 : i32
        %get3A_271 = arith.index_cast %add3A_270 : i32 to index
        %get3A_272 = tpu.vector_load %arg10[%get3A_271] {strides = array<i32>} : memref<12960xi32, #tpu.memory_space<vmem>>, vector<16xi32>,
        %swap3A_273 = arith.constant 0 : i32
        %swap3A_274 = arith.index_cast %swap3A_273 : i32 to index
        %swap3A_275 = arith.constant 112 : index
        %swap3A_276 = tpu.vector_load %arg12[%swap3A_274, %swap3A_275] {strides = array<i32>} : memref<2x128xi32, #tpu.memory_space<vmem>>, vector<16xi32>,
        tpu.vector_store %arg12[%swap3A_274, %swap3A_275], %get3A_272 {strides = array<i32>} : memref<2x128xi32, #tpu.memory_space<vmem>>, vector<16xi32>,
        %dma_start3A_277 = arith.constant 0 : i32
        %dma_start3A_278 = arith.constant 0 : i32
        %dma_start3A_279 = arith.constant 0 : i32
        %dma_start3A_280 = arith.constant 0 : i32
        %dma_start3A_281 = tpu.memref_slice %arg11[%dma_start3A_277, %dma_start3A_279, %dma_start3A_280] : memref<2x128x32xf32, #tpu.memory_space<vmem>> -> memref<1x128x32xf32, #tpu.memory_space<vmem>>
        %dma_start3A_282 = tpu.memref_squeeze %dma_start3A_281 : memref<1x128x32xf32, #tpu.memory_space<vmem>> -> memref<128x32xf32, #tpu.memory_space<vmem>>
        %dma_start3A_283 = arith.constant 0 : i32
        %dma_start3A_284 = tpu.memref_slice %arg12[%dma_start3A_278, %dma_start3A_283] : memref<2x128xi32, #tpu.memory_space<vmem>> -> memref<1x128xi32, #tpu.memory_space<vmem>>
        %dma_start3A_285 = tpu.memref_squeeze %dma_start3A_284 : memref<1x128xi32, #tpu.memory_space<vmem>> -> memref<128xi32, #tpu.memory_space<vmem>>
        %dma_start3A_286 = arith.constant 0 : i32
        %dma_start3A_287 = arith.constant 0 : i32
        %dma_start3A_288 = tpu.memref_slice %arg5[%dma_start3A_286, %dma_start3A_287] : memref<819200x32xf32, #tpu.memory_space<hbm>> -> memref<819200x32xf32, #tpu.memory_space<hbm>>
        tpu.enqueue_indirect_dma source(%dma_start3A_282 : memref<128x32xf32, #tpu.memory_space<vmem>>) target(%dma_start3A_288 : memref<819200x32xf32, #tpu.memory_space<hbm>>) offsets(%dma_start3A_285 : memref<128xi32, #tpu.memory_space<vmem>>) semaphore(%arg14 : memref<!tpu.dma_semaphore, #tpu.memory_space<semaphore_mem>>)
        %add3A_289 = arith.constant 1 : i32
        %add3A_290 = arith.addi %mul3A_178, %add3A_289 : i32
        %lt3A_291 = arith.cmpi slt, %add3A_290, %select_n3A_140 : i32
        %convert_element_type3A_292 = arith.extui %lt3A_291 : i1 to i32
        %cond3A_293 = arith.constant 0 : i32
        %cond3A_294 = arith.cmpi ne, %convert_element_type3A_292, %cond3A_293 : i32
        scf.if %cond3A_294 {
          %add3A_307 = arith.constant 1 : i32
          %add3A_308 = arith.addi %mul3A_178, %add3A_307 : i32
          %mul3A_309 = arith.constant 128 : i32
          %mul3A_310 = arith.muli %add3A_308, %mul3A_309 : i32
          %dma_start3A_311 = arith.constant 1 : i32
          %dma_start3A_312 = arith.constant 0 : i32
          %dma_start3A_313 = arith.constant 0 : i32
          %dma_start3A_314 = tpu.memref_slice %arg11[%dma_start3A_311, %dma_start3A_312, %dma_start3A_313] : memref<2x128x32xf32, #tpu.memory_space<vmem>> -> memref<1x128x32xf32, #tpu.memory_space<vmem>>
          %dma_start3A_315 = tpu.memref_squeeze %dma_start3A_314 : memref<1x128x32xf32, #tpu.memory_space<vmem>> -> memref<128x32xf32, #tpu.memory_space<vmem>>
          %dma_start3A_316 = tpu.memref_slice %arg9[%mul3A_310] : memref<12960xi32, #tpu.memory_space<vmem>> -> memref<128xi32, #tpu.memory_space<vmem>>
          %dma_start3A_317 = arith.constant 0 : i32
          %dma_start3A_318 = arith.constant 0 : i32
          %dma_start3A_319 = tpu.memref_slice %arg4[%dma_start3A_317, %dma_start3A_318] : memref<500000x32xf32, #tpu.memory_space<hbm>> -> memref<500000x32xf32, #tpu.memory_space<hbm>>
          tpu.enqueue_indirect_dma source(%dma_start3A_319 : memref<500000x32xf32, #tpu.memory_space<hbm>>) target(%dma_start3A_315 : memref<128x32xf32, #tpu.memory_space<vmem>>) offsets(%dma_start3A_316 : memref<128xi32, #tpu.memory_space<vmem>>) semaphore(%arg13 : memref<!tpu.dma_semaphore, #tpu.memory_space<semaphore_mem>>)
          %dma_wait3A_320 = arith.constant 1 : i32
          %dma_wait3A_321 = arith.constant 0 : i32
          %dma_wait3A_322 = arith.constant 0 : i32
          %dma_wait3A_323 = tpu.memref_slice %arg11[%dma_wait3A_320, %dma_wait3A_321, %dma_wait3A_322] : memref<2x128x32xf32, #tpu.memory_space<vmem>> -> memref<1x128x32xf32, #tpu.memory_space<vmem>>
          %dma_wait3A_324 = tpu.memref_squeeze %dma_wait3A_323 : memref<1x128x32xf32, #tpu.memory_space<vmem>> -> memref<128x32xf32, #tpu.memory_space<vmem>>
          %dma_wait3A_325 = tpu.memref_slice %arg9[%mul3A_310] : memref<12960xi32, #tpu.memory_space<vmem>> -> memref<128xi32, #tpu.memory_space<vmem>>
          %dma_wait3A_326 = arith.constant 0 : i32
          %dma_wait3A_327 = arith.constant 0 : i32
          %dma_wait3A_328 = tpu.memref_slice %arg4[%dma_wait3A_326, %dma_wait3A_327] : memref<500000x32xf32, #tpu.memory_space<hbm>> -> memref<500000x32xf32, #tpu.memory_space<hbm>>
          tpu.wait_indirect_dma semaphore(%arg13 : memref<!tpu.dma_semaphore, #tpu.memory_space<semaphore_mem>>) src(%dma_wait3A_328 : memref<500000x32xf32, #tpu.memory_space<hbm>>) dst(%dma_wait3A_324 : memref<128x32xf32, #tpu.memory_space<vmem>>)
          %add3A_329 = arith.constant 1 : i32
          %add3A_330 = arith.addi %mul3A_178, %add3A_329 : i32
          %mul3A_331 = arith.constant 128 : i32
          %mul3A_332 = arith.muli %add3A_330, %mul3A_331 : i32
          %add3A_333 = arith.constant 0 : i32
          %add3A_334 = arith.addi %mul3A_332, %add3A_333 : i32
          %get3A_335 = arith.index_cast %add3A_334 : i32 to index
          %get3A_336 = tpu.vector_load %arg10[%get3A_335] {strides = array<i32>} : memref<12960xi32, #tpu.memory_space<vmem>>, vector<16xi32>,
          %swap3A_337 = arith.constant 1 : i32
          %swap3A_338 = arith.index_cast %swap3A_337 : i32 to index
          %swap3A_339 = arith.constant 0 : index
          %swap3A_340 = tpu.vector_load %arg12[%swap3A_338, %swap3A_339] {strides = array<i32>} : memref<2x128xi32, #tpu.memory_space<vmem>>, vector<16xi32>,
          tpu.vector_store %arg12[%swap3A_338, %swap3A_339], %get3A_336 {strides = array<i32>} : memref<2x128xi32, #tpu.memory_space<vmem>>, vector<16xi32>,
          %mul3A_341 = arith.constant 128 : i32
          %mul3A_342 = arith.muli %add3A_330, %mul3A_341 : i32
          %add3A_343 = arith.constant 16 : i32
          %add3A_344 = arith.addi %mul3A_342, %add3A_343 : i32
          %get3A_345 = arith.index_cast %add3A_344 : i32 to index
          %get3A_346 = tpu.vector_load %arg10[%get3A_345] {strides = array<i32>} : memref<12960xi32, #tpu.memory_space<vmem>>, vector<16xi32>,
          %swap3A_347 = arith.constant 1 : i32
          %swap3A_348 = arith.index_cast %swap3A_347 : i32 to index
          %swap3A_349 = arith.constant 16 : index
          %swap3A_350 = tpu.vector_load %arg12[%swap3A_348, %swap3A_349] {strides = array<i32>} : memref<2x128xi32, #tpu.memory_space<vmem>>, vector<16xi32>,
          tpu.vector_store %arg12[%swap3A_348, %swap3A_349], %get3A_346 {strides = array<i32>} : memref<2x128xi32, #tpu.memory_space<vmem>>, vector<16xi32>,
          %mul3A_351 = arith.constant 128 : i32
          %mul3A_352 = arith.muli %add3A_330, %mul3A_351 : i32
          %add3A_353 = arith.constant 32 : i32
          %add3A_354 = arith.addi %mul3A_352, %add3A_353 : i32
          %get3A_355 = arith.index_cast %add3A_354 : i32 to index
          %get3A_356 = tpu.vector_load %arg10[%get3A_355] {strides = array<i32>} : memref<12960xi32, #tpu.memory_space<vmem>>, vector<16xi32>,
          %swap3A_357 = arith.constant 1 : i32
          %swap3A_358 = arith.index_cast %swap3A_357 : i32 to index
          %swap3A_359 = arith.constant 32 : index
          %swap3A_360 = tpu.vector_load %arg12[%swap3A_358, %swap3A_359] {strides = array<i32>} : memref<2x128xi32, #tpu.memory_space<vmem>>, vector<16xi32>,
          tpu.vector_store %arg12[%swap3A_358, %swap3A_359], %get3A_356 {strides = array<i32>} : memref<2x128xi32, #tpu.memory_space<vmem>>, vector<16xi32>,
          %mul3A_361 = arith.constant 128 : i32
          %mul3A_362 = arith.muli %add3A_330, %mul3A_361 : i32
          %add3A_363 = arith.constant 48 : i32
          %add3A_364 = arith.addi %mul3A_362, %add3A_363 : i32
          %get3A_365 = arith.index_cast %add3A_364 : i32 to index
          %get3A_366 = tpu.vector_load %arg10[%get3A_365] {strides = array<i32>} : memref<12960xi32, #tpu.memory_space<vmem>>, vector<16xi32>,
          %swap3A_367 = arith.constant 1 : i32
          %swap3A_368 = arith.index_cast %swap3A_367 : i32 to index
          %swap3A_369 = arith.constant 48 : index
          %swap3A_370 = tpu.vector_load %arg12[%swap3A_368, %swap3A_369] {strides = array<i32>} : memref<2x128xi32, #tpu.memory_space<vmem>>, vector<16xi32>,
          tpu.vector_store %arg12[%swap3A_368, %swap3A_369], %get3A_366 {strides = array<i32>} : memref<2x128xi32, #tpu.memory_space<vmem>>, vector<16xi32>,
          %mul3A_371 = arith.constant 128 : i32
          %mul3A_372 = arith.muli %add3A_330, %mul3A_371 : i32
          %add3A_373 = arith.constant 64 : i32
          %add3A_374 = arith.addi %mul3A_372, %add3A_373 : i32
          %get3A_375 = arith.index_cast %add3A_374 : i32 to index
          %get3A_376 = tpu.vector_load %arg10[%get3A_375] {strides = array<i32>} : memref<12960xi32, #tpu.memory_space<vmem>>, vector<16xi32>,
          %swap3A_377 = arith.constant 1 : i32
          %swap3A_378 = arith.index_cast %swap3A_377 : i32 to index
          %swap3A_379 = arith.constant 64 : index
          %swap3A_380 = tpu.vector_load %arg12[%swap3A_378, %swap3A_379] {strides = array<i32>} : memref<2x128xi32, #tpu.memory_space<vmem>>, vector<16xi32>,
          tpu.vector_store %arg12[%swap3A_378, %swap3A_379], %get3A_376 {strides = array<i32>} : memref<2x128xi32, #tpu.memory_space<vmem>>, vector<16xi32>,
          %mul3A_381 = arith.constant 128 : i32
          %mul3A_382 = arith.muli %add3A_330, %mul3A_381 : i32
          %add3A_383 = arith.constant 80 : i32
          %add3A_384 = arith.addi %mul3A_382, %add3A_383 : i32
          %get3A_385 = arith.index_cast %add3A_384 : i32 to index
          %get3A_386 = tpu.vector_load %arg10[%get3A_385] {strides = array<i32>} : memref<12960xi32, #tpu.memory_space<vmem>>, vector<16xi32>,
          %swap3A_387 = arith.constant 1 : i32
          %swap3A_388 = arith.index_cast %swap3A_387 : i32 to index
          %swap3A_389 = arith.constant 80 : index
          %swap3A_390 = tpu.vector_load %arg12[%swap3A_388, %swap3A_389] {strides = array<i32>} : memref<2x128xi32, #tpu.memory_space<vmem>>, vector<16xi32>,
          tpu.vector_store %arg12[%swap3A_388, %swap3A_389], %get3A_386 {strides = array<i32>} : memref<2x128xi32, #tpu.memory_space<vmem>>, vector<16xi32>,
          %mul3A_391 = arith.constant 128 : i32
          %mul3A_392 = arith.muli %add3A_330, %mul3A_391 : i32
          %add3A_393 = arith.constant 96 : i32
          %add3A_394 = arith.addi %mul3A_392, %add3A_393 : i32
          %get3A_395 = arith.index_cast %add3A_394 : i32 to index
          %get3A_396 = tpu.vector_load %arg10[%get3A_395] {strides = array<i32>} : memref<12960xi32, #tpu.memory_space<vmem>>, vector<16xi32>,
          %swap3A_397 = arith.constant 1 : i32
          %swap3A_398 = arith.index_cast %swap3A_397 : i32 to index
          %swap3A_399 = arith.constant 96 : index
          %swap3A_400 = tpu.vector_load %arg12[%swap3A_398, %swap3A_399] {strides = array<i32>} : memref<2x128xi32, #tpu.memory_space<vmem>>, vector<16xi32>,
          tpu.vector_store %arg12[%swap3A_398, %swap3A_399], %get3A_396 {strides = array<i32>} : memref<2x128xi32, #tpu.memory_space<vmem>>, vector<16xi32>,
          %mul3A_401 = arith.constant 128 : i32
          %mul3A_402 = arith.muli %add3A_330, %mul3A_401 : i32
          %add3A_403 = arith.constant 112 : i32
          %add3A_404 = arith.addi %mul3A_402, %add3A_403 : i32
          %get3A_405 = arith.index_cast %add3A_404 : i32 to index
          %get3A_406 = tpu.vector_load %arg10[%get3A_405] {strides = array<i32>} : memref<12960xi32, #tpu.memory_space<vmem>>, vector<16xi32>,
          %swap3A_407 = arith.constant 1 : i32
          %swap3A_408 = arith.index_cast %swap3A_407 : i32 to index
          %swap3A_409 = arith.constant 112 : index
          %swap3A_410 = tpu.vector_load %arg12[%swap3A_408, %swap3A_409] {strides = array<i32>} : memref<2x128xi32, #tpu.memory_space<vmem>>, vector<16xi32>,
          tpu.vector_store %arg12[%swap3A_408, %swap3A_409], %get3A_406 {strides = array<i32>} : memref<2x128xi32, #tpu.memory_space<vmem>>, vector<16xi32>,
          %dma_start3A_411 = arith.constant 1 : i32
          %dma_start3A_412 = arith.constant 1 : i32
          %dma_start3A_413 = arith.constant 0 : i32
          %dma_start3A_414 = arith.constant 0 : i32
          %dma_start3A_415 = tpu.memref_slice %arg11[%dma_start3A_411, %dma_start3A_413, %dma_start3A_414] : memref<2x128x32xf32, #tpu.memory_space<vmem>> -> memref<1x128x32xf32, #tpu.memory_space<vmem>>
          %dma_start3A_416 = tpu.memref_squeeze %dma_start3A_415 : memref<1x128x32xf32, #tpu.memory_space<vmem>> -> memref<128x32xf32, #tpu.memory_space<vmem>>
          %dma_start3A_417 = arith.constant 0 : i32
          %dma_start3A_418 = tpu.memref_slice %arg12[%dma_start3A_412, %dma_start3A_417] : memref<2x128xi32, #tpu.memory_space<vmem>> -> memref<1x128xi32, #tpu.memory_space<vmem>>
          %dma_start3A_419 = tpu.memref_squeeze %dma_start3A_418 : memref<1x128xi32, #tpu.memory_space<vmem>> -> memref<128xi32, #tpu.memory_space<vmem>>
          %dma_start3A_420 = arith.constant 0 : i32
          %dma_start3A_421 = arith.constant 0 : i32
          %dma_start3A_422 = tpu.memref_slice %arg5[%dma_start3A_420, %dma_start3A_421] : memref<819200x32xf32, #tpu.memory_space<hbm>> -> memref<819200x32xf32, #tpu.memory_space<hbm>>
          tpu.enqueue_indirect_dma source(%dma_start3A_416 : memref<128x32xf32, #tpu.memory_space<vmem>>) target(%dma_start3A_422 : memref<819200x32xf32, #tpu.memory_space<hbm>>) offsets(%dma_start3A_419 : memref<128xi32, #tpu.memory_space<vmem>>) semaphore(%arg14 : memref<!tpu.dma_semaphore, #tpu.memory_space<semaphore_mem>>)
          %dma_wait3A_423 = arith.constant 1 : i32
          %dma_wait3A_424 = arith.constant 1 : i32
          %dma_wait3A_425 = arith.constant 0 : i32
          %dma_wait3A_426 = arith.constant 0 : i32
          %dma_wait3A_427 = tpu.memref_slice %arg11[%dma_wait3A_423, %dma_wait3A_425, %dma_wait3A_426] : memref<2x128x32xf32, #tpu.memory_space<vmem>> -> memref<1x128x32xf32, #tpu.memory_space<vmem>>
          %dma_wait3A_428 = tpu.memref_squeeze %dma_wait3A_427 : memref<1x128x32xf32, #tpu.memory_space<vmem>> -> memref<128x32xf32, #tpu.memory_space<vmem>>
          %dma_wait3A_429 = arith.constant 0 : i32
          %dma_wait3A_430 = tpu.memref_slice %arg12[%dma_wait3A_424, %dma_wait3A_429] : memref<2x128xi32, #tpu.memory_space<vmem>> -> memref<1x128xi32, #tpu.memory_space<vmem>>
          %dma_wait3A_431 = tpu.memref_squeeze %dma_wait3A_430 : memref<1x128xi32, #tpu.memory_space<vmem>> -> memref<128xi32, #tpu.memory_space<vmem>>
          %dma_wait3A_432 = arith.constant 0 : i32
          %dma_wait3A_433 = arith.constant 0 : i32
          %dma_wait3A_434 = tpu.memref_slice %arg5[%dma_wait3A_432, %dma_wait3A_433] : memref<819200x32xf32, #tpu.memory_space<hbm>> -> memref<819200x32xf32, #tpu.memory_space<hbm>>
          tpu.wait_indirect_dma semaphore(%arg14 : memref<!tpu.dma_semaphore, #tpu.memory_space<semaphore_mem>>) src(%dma_wait3A_428 : memref<128x32xf32, #tpu.memory_space<vmem>>) dst(%dma_wait3A_434 : memref<819200x32xf32, #tpu.memory_space<hbm>>)
        } else {
        }
        %dma_wait3A_295 = arith.constant 0 : i32
        %dma_wait3A_296 = arith.constant 0 : i32
        %dma_wait3A_297 = arith.constant 0 : i32
        %dma_wait3A_298 = arith.constant 0 : i32
        %dma_wait3A_299 = tpu.memref_slice %arg11[%dma_wait3A_295, %dma_wait3A_297, %dma_wait3A_298] : memref<2x128x32xf32, #tpu.memory_space<vmem>> -> memref<1x128x32xf32, #tpu.memory_space<vmem>>
        %dma_wait3A_300 = tpu.memref_squeeze %dma_wait3A_299 : memref<1x128x32xf32, #tpu.memory_space<vmem>> -> memref<128x32xf32, #tpu.memory_space<vmem>>
        %dma_wait3A_301 = arith.constant 0 : i32
        %dma_wait3A_302 = tpu.memref_slice %arg12[%dma_wait3A_296, %dma_wait3A_301] : memref<2x128xi32, #tpu.memory_space<vmem>> -> memref<1x128xi32, #tpu.memory_space<vmem>>
        %dma_wait3A_303 = tpu.memref_squeeze %dma_wait3A_302 : memref<1x128xi32, #tpu.memory_space<vmem>> -> memref<128xi32, #tpu.memory_space<vmem>>
        %dma_wait3A_304 = arith.constant 0 : i32
        %dma_wait3A_305 = arith.constant 0 : i32
        %dma_wait3A_306 = tpu.memref_slice %arg5[%dma_wait3A_304, %dma_wait3A_305] : memref<819200x32xf32, #tpu.memory_space<hbm>> -> memref<819200x32xf32, #tpu.memory_space<hbm>>
        tpu.wait_indirect_dma semaphore(%arg14 : memref<!tpu.dma_semaphore, #tpu.memory_space<semaphore_mem>>) src(%dma_wait3A_300 : memref<128x32xf32, #tpu.memory_space<vmem>>) dst(%dma_wait3A_306 : memref<819200x32xf32, #tpu.memory_space<hbm>>)
      }
      %while3A_175 = arith.constant 1 : i32
      scf.for %while3A_176 = %while3A_173 to %while3A_169 step %while3A_175  : i32 {
        %mul3A_177 = arith.constant 2 : i32
        %mul3A_178 = arith.muli %while3A_176, %mul3A_177 : i32
        %mul3A_179 = arith.constant 128 : i32
        %mul3A_180 = arith.muli %mul3A_178, %mul3A_179 : i32
        %dma_start3A = arith.constant 0 : i32
        %dma_start3A_181 = arith.constant 0 : i32
        %dma_start3A_182 = arith.constant 0 : i32
        %dma_start3A_183 = tpu.memref_slice %arg11[%dma_start3A, %dma_start3A_181, %dma_start3A_182] : memref<2x128x32xf32, #tpu.memory_space<vmem>> -> memref<1x128x32xf32, #tpu.memory_space<vmem>>
        %dma_start3A_184 = tpu.memref_squeeze %dma_start3A_183 : memref<1x128x32xf32, #tpu.memory_space<vmem>> -> memref<128x32xf32, #tpu.memory_space<vmem>>
        %dma_start3A_185 = tpu.memref_slice %arg9[%mul3A_180] : memref<12960xi32, #tpu.memory_space<vmem>> -> memref<128xi32, #tpu.memory_space<vmem>>
        %dma_start3A_186 = arith.constant 0 : i32
        %dma_start3A_187 = arith.constant 0 : i32
        %dma_start3A_188 = tpu.memref_slice %arg4[%dma_start3A_186, %dma_start3A_187] : memref<500000x32xf32, #tpu.memory_space<hbm>> -> memref<500000x32xf32, #tpu.memory_space<hbm>>
        tpu.enqueue_indirect_dma source(%dma_start3A_188 : memref<500000x32xf32, #tpu.memory_space<hbm>>) target(%dma_start3A_184 : memref<128x32xf32, #tpu.memory_space<vmem>>) offsets(%dma_start3A_185 : memref<128xi32, #tpu.memory_space<vmem>>) semaphore(%arg13 : memref<!tpu.dma_semaphore, #tpu.memory_space<semaphore_mem>>)
        %dma_wait3A = arith.constant 0 : i32
        %dma_wait3A_189 = arith.constant 0 : i32
        %dma_wait3A_190 = arith.constant 0 : i32
        %dma_wait3A_191 = tpu.memref_slice %arg11[%dma_wait3A, %dma_wait3A_189, %dma_wait3A_190] : memref<2x128x32xf32, #tpu.memory_space<vmem>> -> memref<1x128x32xf32, #tpu.memory_space<vmem>>
        %dma_wait3A_192 = tpu.memref_squeeze %dma_wait3A_191 : memref<1x128x32xf32, #tpu.memory_space<vmem>> -> memref<128x32xf32, #tpu.memory_space<vmem>>
        %dma_wait3A_193 = tpu.memref_slice %arg9[%mul3A_180] : memref<12960xi32, #tpu.memory_space<vmem>> -> memref<128xi32, #tpu.memory_space<vmem>>
        %dma_wait3A_194 = arith.constant 0 : i32
        %dma_wait3A_195 = arith.constant 0 : i32
        %dma_wait3A_196 = tpu.memref_slice %arg4[%dma_wait3A_194, %dma_wait3A_195] : memref<500000x32xf32, #tpu.memory_space<hbm>> -> memref<500000x32xf32, #tpu.memory_space<hbm>>
        tpu.wait_indirect_dma semaphore(%arg13 : memref<!tpu.dma_semaphore, #tpu.memory_space<semaphore_mem>>) src(%dma_wait3A_196 : memref<500000x32xf32, #tpu.memory_space<hbm>>) dst(%dma_wait3A_192 : memref<128x32xf32, #tpu.memory_space<vmem>>)
        %mul3A_197 = arith.constant 128 : i32
        %mul3A_198 = arith.muli %mul3A_178, %mul3A_197 : i32
        %add3A_199 = arith.constant 0 : i32
        %add3A_200 = arith.addi %mul3A_198, %add3A_199 : i32
        %get3A_201 = arith.index_cast %add3A_200 : i32 to index
        %get3A_202 = tpu.vector_load %arg10[%get3A_201] {strides = array<i32>} : memref<12960xi32, #tpu.memory_space<vmem>>, vector<16xi32>,
        %swap3A_203 = arith.constant 0 : i32
        %swap3A_204 = arith.index_cast %swap3A_203 : i32 to index
        %swap3A_205 = arith.constant 0 : index
        %swap3A_206 = tpu.vector_load %arg12[%swap3A_204, %swap3A_205] {strides = array<i32>} : memref<2x128xi32, #tpu.memory_space<vmem>>, vector<16xi32>,
        tpu.vector_store %arg12[%swap3A_204, %swap3A_205], %get3A_202 {strides = array<i32>} : memref<2x128xi32, #tpu.memory_space<vmem>>, vector<16xi32>,
        %mul3A_207 = arith.constant 128 : i32
        %mul3A_208 = arith.muli %mul3A_178, %mul3A_207 : i32
        %add3A_209 = arith.constant 16 : i32
        %add3A_210 = arith.addi %mul3A_208, %add3A_209 : i32
        %get3A_211 = arith.index_cast %add3A_210 : i32 to index
        %get3A_212 = tpu.vector_load %arg10[%get3A_211] {strides = array<i32>} : memref<12960xi32, #tpu.memory_space<vmem>>, vector<16xi32>,
        %swap3A_213 = arith.constant 0 : i32
        %swap3A_214 = arith.index_cast %swap3A_213 : i32 to index
        %swap3A_215 = arith.constant 16 : index
        %swap3A_216 = tpu.vector_load %arg12[%swap3A_214, %swap3A_215] {strides = array<i32>} : memref<2x128xi32, #tpu.memory_space<vmem>>, vector<16xi32>,
        tpu.vector_store %arg12[%swap3A_214, %swap3A_215], %get3A_212 {strides = array<i32>} : memref<2x128xi32, #tpu.memory_space<vmem>>, vector<16xi32>,
        %mul3A_217 = arith.constant 128 : i32
        %mul3A_218 = arith.muli %mul3A_178, %mul3A_217 : i32
        %add3A_219 = arith.constant 32 : i32
        %add3A_220 = arith.addi %mul3A_218, %add3A_219 : i32
        %get3A_221 = arith.index_cast %add3A_220 : i32 to index
        %get3A_222 = tpu.vector_load %arg10[%get3A_221] {strides = array<i32>} : memref<12960xi32, #tpu.memory_space<vmem>>, vector<16xi32>,
        %swap3A_223 = arith.constant 0 : i32
        %swap3A_224 = arith.index_cast %swap3A_223 : i32 to index
        %swap3A_225 = arith.constant 32 : index
        %swap3A_226 = tpu.vector_load %arg12[%swap3A_224, %swap3A_225] {strides = array<i32>} : memref<2x128xi32, #tpu.memory_space<vmem>>, vector<16xi32>,
        tpu.vector_store %arg12[%swap3A_224, %swap3A_225], %get3A_222 {strides = array<i32>} : memref<2x128xi32, #tpu.memory_space<vmem>>, vector<16xi32>,
        %mul3A_227 = arith.constant 128 : i32
        %mul3A_228 = arith.muli %mul3A_178, %mul3A_227 : i32
        %add3A_229 = arith.constant 48 : i32
        %add3A_230 = arith.addi %mul3A_228, %add3A_229 : i32
        %get3A_231 = arith.index_cast %add3A_230 : i32 to index
        %get3A_232 = tpu.vector_load %arg10[%get3A_231] {strides = array<i32>} : memref<12960xi32, #tpu.memory_space<vmem>>, vector<16xi32>,
        %swap3A_233 = arith.constant 0 : i32
        %swap3A_234 = arith.index_cast %swap3A_233 : i32 to index
        %swap3A_235 = arith.constant 48 : index
        %swap3A_236 = tpu.vector_load %arg12[%swap3A_234, %swap3A_235] {strides = array<i32>} : memref<2x128xi32, #tpu.memory_space<vmem>>, vector<16xi32>,
        tpu.vector_store %arg12[%swap3A_234, %swap3A_235], %get3A_232 {strides = array<i32>} : memref<2x128xi32, #tpu.memory_space<vmem>>, vector<16xi32>,
        %mul3A_237 = arith.constant 128 : i32
        %mul3A_238 = arith.muli %mul3A_178, %mul3A_237 : i32
        %add3A_239 = arith.constant 64 : i32
        %add3A_240 = arith.addi %mul3A_238, %add3A_239 : i32
        %get3A_241 = arith.index_cast %add3A_240 : i32 to index
        %get3A_242 = tpu.vector_load %arg10[%get3A_241] {strides = array<i32>} : memref<12960xi32, #tpu.memory_space<vmem>>, vector<16xi32>,
        %swap3A_243 = arith.constant 0 : i32
        %swap3A_244 = arith.index_cast %swap3A_243 : i32 to index
        %swap3A_245 = arith.constant 64 : index
        %swap3A_246 = tpu.vector_load %arg12[%swap3A_244, %swap3A_245] {strides = array<i32>} : memref<2x128xi32, #tpu.memory_space<vmem>>, vector<16xi32>,
        tpu.vector_store %arg12[%swap3A_244, %swap3A_245], %get3A_242 {strides = array<i32>} : memref<2x128xi32, #tpu.memory_space<vmem>>, vector<16xi32>,
        %mul3A_247 = arith.constant 128 : i32
        %mul3A_248 = arith.muli %mul3A_178, %mul3A_247 : i32
        %add3A_249 = arith.constant 80 : i32
        %add3A_250 = arith.addi %mul3A_248, %add3A_249 : i32
        %get3A_251 = arith.index_cast %add3A_250 : i32 to index
        %get3A_252 = tpu.vector_load %arg10[%get3A_251] {strides = array<i32>} : memref<12960xi32, #tpu.memory_space<vmem>>, vector<16xi32>,
        %swap3A_253 = arith.constant 0 : i32
        %swap3A_254 = arith.index_cast %swap3A_253 : i32 to index
        %swap3A_255 = arith.constant 80 : index
        %swap3A_256 = tpu.vector_load %arg12[%swap3A_254, %swap3A_255] {strides = array<i32>} : memref<2x128xi32, #tpu.memory_space<vmem>>, vector<16xi32>,
        tpu.vector_store %arg12[%swap3A_254, %swap3A_255], %get3A_252 {strides = array<i32>} : memref<2x128xi32, #tpu.memory_space<vmem>>, vector<16xi32>,
        %mul3A_257 = arith.constant 128 : i32
        %mul3A_258 = arith.muli %mul3A_178, %mul3A_257 : i32
        %add3A_259 = arith.constant 96 : i32
        %add3A_260 = arith.addi %mul3A_258, %add3A_259 : i32
        %get3A_261 = arith.index_cast %add3A_260 : i32 to index
        %get3A_262 = tpu.vector_load %arg10[%get3A_261] {strides = array<i32>} : memref<12960xi32, #tpu.memory_space<vmem>>, vector<16xi32>,
        %swap3A_263 = arith.constant 0 : i32
        %swap3A_264 = arith.index_cast %swap3A_263 : i32 to index
        %swap3A_265 = arith.constant 96 : index
        %swap3A_266 = tpu.vector_load %arg12[%swap3A_264, %swap3A_265] {strides = array<i32>} : memref<2x128xi32, #tpu.memory_space<vmem>>, vector<16xi32>,
        tpu.vector_store %arg12[%swap3A_264, %swap3A_265], %get3A_262 {strides = array<i32>} : memref<2x128xi32, #tpu.memory_space<vmem>>, vector<16xi32>,
        %mul3A_267 = arith.constant 128 : i32
        %mul3A_268 = arith.muli %mul3A_178, %mul3A_267 : i32
        %add3A_269 = arith.constant 112 : i32
        %add3A_270 = arith.addi %mul3A_268, %add3A_269 : i32
        %get3A_271 = arith.index_cast %add3A_270 : i32 to index
        %get3A_272 = tpu.vector_load %arg10[%get3A_271] {strides = array<i32>} : memref<12960xi32, #tpu.memory_space<vmem>>, vector<16xi32>,
        %swap3A_273 = arith.constant 0 : i32
        %swap3A_274 = arith.index_cast %swap3A_273 : i32 to index
        %swap3A_275 = arith.constant 112 : index
        %swap3A_276 = tpu.vector_load %arg12[%swap3A_274, %swap3A_275] {strides = array<i32>} : memref<2x128xi32, #tpu.memory_space<vmem>>, vector<16xi32>,
        tpu.vector_store %arg12[%swap3A_274, %swap3A_275], %get3A_272 {strides = array<i32>} : memref<2x128xi32, #tpu.memory_space<vmem>>, vector<16xi32>,
        %dma_start3A_277 = arith.constant 0 : i32
        %dma_start3A_278 = arith.constant 0 : i32
        %dma_start3A_279 = arith.constant 0 : i32
        %dma_start3A_280 = arith.constant 0 : i32
        %dma_start3A_281 = tpu.memref_slice %arg11[%dma_start3A_277, %dma_start3A_279, %dma_start3A_280] : memref<2x128x32xf32, #tpu.memory_space<vmem>> -> memref<1x128x32xf32, #tpu.memory_space<vmem>>
        %dma_start3A_282 = tpu.memref_squeeze %dma_start3A_281 : memref<1x128x32xf32, #tpu.memory_space<vmem>> -> memref<128x32xf32, #tpu.memory_space<vmem>>
        %dma_start3A_283 = arith.constant 0 : i32
        %dma_start3A_284 = tpu.memref_slice %arg12[%dma_start3A_278, %dma_start3A_283] : memref<2x128xi32, #tpu.memory_space<vmem>> -> memref<1x128xi32, #tpu.memory_space<vmem>>
        %dma_start3A_285 = tpu.memref_squeeze %dma_start3A_284 : memref<1x128xi32, #tpu.memory_space<vmem>> -> memref<128xi32, #tpu.memory_space<vmem>>
        %dma_start3A_286 = arith.constant 0 : i32
        %dma_start3A_287 = arith.constant 0 : i32
        %dma_start3A_288 = tpu.memref_slice %arg5[%dma_start3A_286, %dma_start3A_287] : memref<819200x32xf32, #tpu.memory_space<hbm>> -> memref<819200x32xf32, #tpu.memory_space<hbm>>
        tpu.enqueue_indirect_dma source(%dma_start3A_282 : memref<128x32xf32, #tpu.memory_space<vmem>>) target(%dma_start3A_288 : memref<819200x32xf32, #tpu.memory_space<hbm>>) offsets(%dma_start3A_285 : memref<128xi32, #tpu.memory_space<vmem>>) semaphore(%arg14 : memref<!tpu.dma_semaphore, #tpu.memory_space<semaphore_mem>>)
        %add3A_289 = arith.constant 1 : i32
        %add3A_290 = arith.addi %mul3A_178, %add3A_289 : i32
        %lt3A_291 = arith.cmpi slt, %add3A_290, %select_n3A_140 : i32
        %convert_element_type3A_292 = arith.extui %lt3A_291 : i1 to i32
        %cond3A_293 = arith.constant 0 : i32
        %cond3A_294 = arith.cmpi ne, %convert_element_type3A_292, %cond3A_293 : i32
        scf.if %cond3A_294 {
          %add3A_307 = arith.constant 1 : i32
          %add3A_308 = arith.addi %mul3A_178, %add3A_307 : i32
          %mul3A_309 = arith.constant 128 : i32
          %mul3A_310 = arith.muli %add3A_308, %mul3A_309 : i32
          %dma_start3A_311 = arith.constant 1 : i32
          %dma_start3A_312 = arith.constant 0 : i32
          %dma_start3A_313 = arith.constant 0 : i32
          %dma_start3A_314 = tpu.memref_slice %arg11[%dma_start3A_311, %dma_start3A_312, %dma_start3A_313] : memref<2x128x32xf32, #tpu.memory_space<vmem>> -> memref<1x128x32xf32, #tpu.memory_space<vmem>>
          %dma_start3A_315 = tpu.memref_squeeze %dma_start3A_314 : memref<1x128x32xf32, #tpu.memory_space<vmem>> -> memref<128x32xf32, #tpu.memory_space<vmem>>
          %dma_start3A_316 = tpu.memref_slice %arg9[%mul3A_310] : memref<12960xi32, #tpu.memory_space<vmem>> -> memref<128xi32, #tpu.memory_space<vmem>>
          %dma_start3A_317 = arith.constant 0 : i32
          %dma_start3A_318 = arith.constant 0 : i32
          %dma_start3A_319 = tpu.memref_slice %arg4[%dma_start3A_317, %dma_start3A_318] : memref<500000x32xf32, #tpu.memory_space<hbm>> -> memref<500000x32xf32, #tpu.memory_space<hbm>>
          tpu.enqueue_indirect_dma source(%dma_start3A_319 : memref<500000x32xf32, #tpu.memory_space<hbm>>) target(%dma_start3A_315 : memref<128x32xf32, #tpu.memory_space<vmem>>) offsets(%dma_start3A_316 : memref<128xi32, #tpu.memory_space<vmem>>) semaphore(%arg13 : memref<!tpu.dma_semaphore, #tpu.memory_space<semaphore_mem>>)
          %dma_wait3A_320 = arith.constant 1 : i32
          %dma_wait3A_321 = arith.constant 0 : i32
          %dma_wait3A_322 = arith.constant 0 : i32
          %dma_wait3A_323 = tpu.memref_slice %arg11[%dma_wait3A_320, %dma_wait3A_321, %dma_wait3A_322] : memref<2x128x32xf32, #tpu.memory_space<vmem>> -> memref<1x128x32xf32, #tpu.memory_space<vmem>>
          %dma_wait3A_324 = tpu.memref_squeeze %dma_wait3A_323 : memref<1x128x32xf32, #tpu.memory_space<vmem>> -> memref<128x32xf32, #tpu.memory_space<vmem>>
          %dma_wait3A_325 = tpu.memref_slice %arg9[%mul3A_310] : memref<12960xi32, #tpu.memory_space<vmem>> -> memref<128xi32, #tpu.memory_space<vmem>>
          %dma_wait3A_326 = arith.constant 0 : i32
          %dma_wait3A_327 = arith.constant 0 : i32
          %dma_wait3A_328 = tpu.memref_slice %arg4[%dma_wait3A_326, %dma_wait3A_327] : memref<500000x32xf32, #tpu.memory_space<hbm>> -> memref<500000x32xf32, #tpu.memory_space<hbm>>
          tpu.wait_indirect_dma semaphore(%arg13 : memref<!tpu.dma_semaphore, #tpu.memory_space<semaphore_mem>>) src(%dma_wait3A_328 : memref<500000x32xf32, #tpu.memory_space<hbm>>) dst(%dma_wait3A_324 : memref<128x32xf32, #tpu.memory_space<vmem>>)
          %add3A_329 = arith.constant 1 : i32
          %add3A_330 = arith.addi %mul3A_178, %add3A_329 : i32
          %mul3A_331 = arith.constant 128 : i32
          %mul3A_332 = arith.muli %add3A_330, %mul3A_331 : i32
          %add3A_333 = arith.constant 0 : i32
          %add3A_334 = arith.addi %mul3A_332, %add3A_333 : i32
          %get3A_335 = arith.index_cast %add3A_334 : i32 to index
          %get3A_336 = tpu.vector_load %arg10[%get3A_335] {strides = array<i32>} : memref<12960xi32, #tpu.memory_space<vmem>>, vector<16xi32>,
          %swap3A_337 = arith.constant 1 : i32
          %swap3A_338 = arith.index_cast %swap3A_337 : i32 to index
          %swap3A_339 = arith.constant 0 : index
          %swap3A_340 = tpu.vector_load %arg12[%swap3A_338, %swap3A_339] {strides = array<i32>} : memref<2x128xi32, #tpu.memory_space<vmem>>, vector<16xi32>,
          tpu.vector_store %arg12[%swap3A_338, %swap3A_339], %get3A_336 {strides = array<i32>} : memref<2x128xi32, #tpu.memory_space<vmem>>, vector<16xi32>,
          %mul3A_341 = arith.constant 128 : i32
          %mul3A_342 = arith.muli %add3A_330, %mul3A_341 : i32
          %add3A_343 = arith.constant 16 : i32
          %add3A_344 = arith.addi %mul3A_342, %add3A_343 : i32
          %get3A_345 = arith.index_cast %add3A_344 : i32 to index
          %get3A_346 = tpu.vector_load %arg10[%get3A_345] {strides = array<i32>} : memref<12960xi32, #tpu.memory_space<vmem>>, vector<16xi32>,
          %swap3A_347 = arith.constant 1 : i32
          %swap3A_348 = arith.index_cast %swap3A_347 : i32 to index
          %swap3A_349 = arith.constant 16 : index
          %swap3A_350 = tpu.vector_load %arg12[%swap3A_348, %swap3A_349] {strides = array<i32>} : memref<2x128xi32, #tpu.memory_space<vmem>>, vector<16xi32>,
          tpu.vector_store %arg12[%swap3A_348, %swap3A_349], %get3A_346 {strides = array<i32>} : memref<2x128xi32, #tpu.memory_space<vmem>>, vector<16xi32>,
          %mul3A_351 = arith.constant 128 : i32
          %mul3A_352 = arith.muli %add3A_330, %mul3A_351 : i32
          %add3A_353 = arith.constant 32 : i32
          %add3A_354 = arith.addi %mul3A_352, %add3A_353 : i32
          %get3A_355 = arith.index_cast %add3A_354 : i32 to index
          %get3A_356 = tpu.vector_load %arg10[%get3A_355] {strides = array<i32>} : memref<12960xi32, #tpu.memory_space<vmem>>, vector<16xi32>,
          %swap3A_357 = arith.constant 1 : i32
          %swap3A_358 = arith.index_cast %swap3A_357 : i32 to index
          %swap3A_359 = arith.constant 32 : index
          %swap3A_360 = tpu.vector_load %arg12[%swap3A_358, %swap3A_359] {strides = array<i32>} : memref<2x128xi32, #tpu.memory_space<vmem>>, vector<16xi32>,
          tpu.vector_store %arg12[%swap3A_358, %swap3A_359], %get3A_356 {strides = array<i32>} : memref<2x128xi32, #tpu.memory_space<vmem>>, vector<16xi32>,
          %mul3A_361 = arith.constant 128 : i32
          %mul3A_362 = arith.muli %add3A_330, %mul3A_361 : i32
          %add3A_363 = arith.constant 48 : i32
          %add3A_364 = arith.addi %mul3A_362, %add3A_363 : i32
          %get3A_365 = arith.index_cast %add3A_364 : i32 to index
          %get3A_366 = tpu.vector_load %arg10[%get3A_365] {strides = array<i32>} : memref<12960xi32, #tpu.memory_space<vmem>>, vector<16xi32>,
          %swap3A_367 = arith.constant 1 : i32
          %swap3A_368 = arith.index_cast %swap3A_367 : i32 to index
          %swap3A_369 = arith.constant 48 : index
          %swap3A_370 = tpu.vector_load %arg12[%swap3A_368, %swap3A_369] {strides = array<i32>} : memref<2x128xi32, #tpu.memory_space<vmem>>, vector<16xi32>,
          tpu.vector_store %arg12[%swap3A_368, %swap3A_369], %get3A_366 {strides = array<i32>} : memref<2x128xi32, #tpu.memory_space<vmem>>, vector<16xi32>,
          %mul3A_371 = arith.constant 128 : i32
          %mul3A_372 = arith.muli %add3A_330, %mul3A_371 : i32
          %add3A_373 = arith.constant 64 : i32
          %add3A_374 = arith.addi %mul3A_372, %add3A_373 : i32
          %get3A_375 = arith.index_cast %add3A_374 : i32 to index
          %get3A_376 = tpu.vector_load %arg10[%get3A_375] {strides = array<i32>} : memref<12960xi32, #tpu.memory_space<vmem>>, vector<16xi32>,
          %swap3A_377 = arith.constant 1 : i32
          %swap3A_378 = arith.index_cast %swap3A_377 : i32 to index
          %swap3A_379 = arith.constant 64 : index
          %swap3A_380 = tpu.vector_load %arg12[%swap3A_378, %swap3A_379] {strides = array<i32>} : memref<2x128xi32, #tpu.memory_space<vmem>>, vector<16xi32>,
          tpu.vector_store %arg12[%swap3A_378, %swap3A_379], %get3A_376 {strides = array<i32>} : memref<2x128xi32, #tpu.memory_space<vmem>>, vector<16xi32>,
          %mul3A_381 = arith.constant 128 : i32
          %mul3A_382 = arith.muli %add3A_330, %mul3A_381 : i32
          %add3A_383 = arith.constant 80 : i32
          %add3A_384 = arith.addi %mul3A_382, %add3A_383 : i32
          %get3A_385 = arith.index_cast %add3A_384 : i32 to index
          %get3A_386 = tpu.vector_load %arg10[%get3A_385] {strides = array<i32>} : memref<12960xi32, #tpu.memory_space<vmem>>, vector<16xi32>,
          %swap3A_387 = arith.constant 1 : i32
          %swap3A_388 = arith.index_cast %swap3A_387 : i32 to index
          %swap3A_389 = arith.constant 80 : index
          %swap3A_390 = tpu.vector_load %arg12[%swap3A_388, %swap3A_389] {strides = array<i32>} : memref<2x128xi32, #tpu.memory_space<vmem>>, vector<16xi32>,
          tpu.vector_store %arg12[%swap3A_388, %swap3A_389], %get3A_386 {strides = array<i32>} : memref<2x128xi32, #tpu.memory_space<vmem>>, vector<16xi32>,
          %mul3A_391 = arith.constant 128 : i32
          %mul3A_392 = arith.muli %add3A_330, %mul3A_391 : i32
          %add3A_393 = arith.constant 96 : i32
          %add3A_394 = arith.addi %mul3A_392, %add3A_393 : i32
          %get3A_395 = arith.index_cast %add3A_394 : i32 to index
          %get3A_396 = tpu.vector_load %arg10[%get3A_395] {strides = array<i32>} : memref<12960xi32, #tpu.memory_space<vmem>>, vector<16xi32>,
          %swap3A_397 = arith.constant 1 : i32
          %swap3A_398 = arith.index_cast %swap3A_397 : i32 to index
          %swap3A_399 = arith.constant 96 : index
          %swap3A_400 = tpu.vector_load %arg12[%swap3A_398, %swap3A_399] {strides = array<i32>} : memref<2x128xi32, #tpu.memory_space<vmem>>, vector<16xi32>,
          tpu.vector_store %arg12[%swap3A_398, %swap3A_399], %get3A_396 {strides = array<i32>} : memref<2x128xi32, #tpu.memory_space<vmem>>, vector<16xi32>,
          %mul3A_401 = arith.constant 128 : i32
          %mul3A_402 = arith.muli %add3A_330, %mul3A_401 : i32
          %add3A_403 = arith.constant 112 : i32
          %add3A_404 = arith.addi %mul3A_402, %add3A_403 : i32
          %get3A_405 = arith.index_cast %add3A_404 : i32 to index
          %get3A_406 = tpu.vector_load %arg10[%get3A_405] {strides = array<i32>} : memref<12960xi32, #tpu.memory_space<vmem>>, vector<16xi32>,
          %swap3A_407 = arith.constant 1 : i32
          %swap3A_408 = arith.index_cast %swap3A_407 : i32 to index
          %swap3A_409 = arith.constant 112 : index
          %swap3A_410 = tpu.vector_load %arg12[%swap3A_408, %swap3A_409] {strides = array<i32>} : memref<2x128xi32, #tpu.memory_space<vmem>>, vector<16xi32>,
          tpu.vector_store %arg12[%swap3A_408, %swap3A_409], %get3A_406 {strides = array<i32>} : memref<2x128xi32, #tpu.memory_space<vmem>>, vector<16xi32>,
          %dma_start3A_411 = arith.constant 1 : i32
          %dma_start3A_412 = arith.constant 1 : i32
          %dma_start3A_413 = arith.constant 0 : i32
          %dma_start3A_414 = arith.constant 0 : i32
          %dma_start3A_415 = tpu.memref_slice %arg11[%dma_start3A_411, %dma_start3A_413, %dma_start3A_414] : memref<2x128x32xf32, #tpu.memory_space<vmem>> -> memref<1x128x32xf32, #tpu.memory_space<vmem>>
          %dma_start3A_416 = tpu.memref_squeeze %dma_start3A_415 : memref<1x128x32xf32, #tpu.memory_space<vmem>> -> memref<128x32xf32, #tpu.memory_space<vmem>>
          %dma_start3A_417 = arith.constant 0 : i32
          %dma_start3A_418 = tpu.memref_slice %arg12[%dma_start3A_412, %dma_start3A_417] : memref<2x128xi32, #tpu.memory_space<vmem>> -> memref<1x128xi32, #tpu.memory_space<vmem>>
          %dma_start3A_419 = tpu.memref_squeeze %dma_start3A_418 : memref<1x128xi32, #tpu.memory_space<vmem>> -> memref<128xi32, #tpu.memory_space<vmem>>
          %dma_start3A_420 = arith.constant 0 : i32
          %dma_start3A_421 = arith.constant 0 : i32
          %dma_start3A_422 = tpu.memref_slice %arg5[%dma_start3A_420, %dma_start3A_421] : memref<819200x32xf32, #tpu.memory_space<hbm>> -> memref<819200x32xf32, #tpu.memory_space<hbm>>
          tpu.enqueue_indirect_dma source(%dma_start3A_416 : memref<128x32xf32, #tpu.memory_space<vmem>>) target(%dma_start3A_422 : memref<819200x32xf32, #tpu.memory_space<hbm>>) offsets(%dma_start3A_419 : memref<128xi32, #tpu.memory_space<vmem>>) semaphore(%arg14 : memref<!tpu.dma_semaphore, #tpu.memory_space<semaphore_mem>>)
          %dma_wait3A_423 = arith.constant 1 : i32
          %dma_wait3A_424 = arith.constant 1 : i32
          %dma_wait3A_425 = arith.constant 0 : i32
          %dma_wait3A_426 = arith.constant 0 : i32
          %dma_wait3A_427 = tpu.memref_slice %arg11[%dma_wait3A_423, %dma_wait3A_425, %dma_wait3A_426] : memref<2x128x32xf32, #tpu.memory_space<vmem>> -> memref<1x128x32xf32, #tpu.memory_space<vmem>>
          %dma_wait3A_428 = tpu.memref_squeeze %dma_wait3A_427 : memref<1x128x32xf32, #tpu.memory_space<vmem>> -> memref<128x32xf32, #tpu.memory_space<vmem>>
          %dma_wait3A_429 = arith.constant 0 : i32
          %dma_wait3A_430 = tpu.memref_slice %arg12[%dma_wait3A_424, %dma_wait3A_429] : memref<2x128xi32, #tpu.memory_space<vmem>> -> memref<1x128xi32, #tpu.memory_space<vmem>>
          %dma_wait3A_431 = tpu.memref_squeeze %dma_wait3A_430 : memref<1x128xi32, #tpu.memory_space<vmem>> -> memref<128xi32, #tpu.memory_space<vmem>>
          %dma_wait3A_432 = arith.constant 0 : i32
          %dma_wait3A_433 = arith.constant 0 : i32
          %dma_wait3A_434 = tpu.memref_slice %arg5[%dma_wait3A_432, %dma_wait3A_433] : memref<819200x32xf32, #tpu.memory_space<hbm>> -> memref<819200x32xf32, #tpu.memory_space<hbm>>
          tpu.wait_indirect_dma semaphore(%arg14 : memref<!tpu.dma_semaphore, #tpu.memory_space<semaphore_mem>>) src(%dma_wait3A_428 : memref<128x32xf32, #tpu.memory_space<vmem>>) dst(%dma_wait3A_434 : memref<819200x32xf32, #tpu.memory_space<hbm>>)
        } else {
        }
        %dma_wait3A_295 = arith.constant 0 : i32
        %dma_wait3A_296 = arith.constant 0 : i32
        %dma_wait3A_297 = arith.constant 0 : i32
        %dma_wait3A_298 = arith.constant 0 : i32
        %dma_wait3A_299 = tpu.memref_slice %arg11[%dma_wait3A_295, %dma_wait3A_297, %dma_wait3A_298] : memref<2x128x32xf32, #tpu.memory_space<vmem>> -> memref<1x128x32xf32, #tpu.memory_space<vmem>>
        %dma_wait3A_300 = tpu.memref_squeeze %dma_wait3A_299 : memref<1x128x32xf32, #tpu.memory_space<vmem>> -> memref<128x32xf32, #tpu.memory_space<vmem>>
        %dma_wait3A_301 = arith.constant 0 : i32
        %dma_wait3A_302 = tpu.memref_slice %arg12[%dma_wait3A_296, %dma_wait3A_301] : memref<2x128xi32, #tpu.memory_space<vmem>> -> memref<1x128xi32, #tpu.memory_space<vmem>>
        %dma_wait3A_303 = tpu.memref_squeeze %dma_wait3A_302 : memref<1x128xi32, #tpu.memory_space<vmem>> -> memref<128xi32, #tpu.memory_space<vmem>>
        %dma_wait3A_304 = arith.constant 0 : i32
        %dma_wait3A_305 = arith.constant 0 : i32
        %dma_wait3A_306 = tpu.memref_slice %arg5[%dma_wait3A_304, %dma_wait3A_305] : memref<819200x32xf32, #tpu.memory_space<hbm>> -> memref<819200x32xf32, #tpu.memory_space<hbm>>
        tpu.wait_indirect_dma semaphore(%arg14 : memref<!tpu.dma_semaphore, #tpu.memory_space<semaphore_mem>>) src(%dma_wait3A_300 : memref<128x32xf32, #tpu.memory_space<vmem>>) dst(%dma_wait3A_306 : memref<819200x32xf32, #tpu.memory_space<hbm>>)
      }
    } else {
    }
    %add3A_19 = arith.constant 12800 : i32
    %add3A_20 = arith.addi %mul3A_2, %add3A_19 : i32
    "tpu.region"() ({
      %run_scoped3A = tpu.sem_alloc : memref<!tpu.dma_semaphore, #tpu.memory_space<semaphore_mem>>
      %dma_start3A = tpu.memref_slice %arg2[%add3A_20] : memref<819200xi32, #tpu.memory_space<hbm>> -> memref<12800xi32, #tpu.memory_space<hbm>>
      %dma_start3A_39 = tpu.memref_slice %arg2[%add3A_20] : memref<819200xi32, #tpu.memory_space<hbm>> -> memref<12800xi32, #tpu.memory_space<hbm>>
      tpu.enqueue_dma source(%dma_start3A_39 : memref<12800xi32, #tpu.memory_space<hbm>>) target(%arg6 : memref<12800xi32, #tpu.memory_space<vmem>>) target_semaphore(%run_scoped3A : memref<!tpu.dma_semaphore, #tpu.memory_space<semaphore_mem>>)
      %dma_wait3A = tpu.memref_slice %arg2[%add3A_20] : memref<819200xi32, #tpu.memory_space<hbm>> -> memref<12800xi32, #tpu.memory_space<hbm>>
      %dma_wait3A_40 = tpu.memref_slice %arg2[%add3A_20] : memref<819200xi32, #tpu.memory_space<hbm>> -> memref<12800xi32, #tpu.memory_space<hbm>>
      tpu.wait_dma2 semaphore(%run_scoped3A : memref<!tpu.dma_semaphore, #tpu.memory_space<semaphore_mem>>) src(%dma_wait3A_40 : memref<12800xi32, #tpu.memory_space<hbm>>) dst(%arg6 : memref<12800xi32, #tpu.memory_space<vmem>>)
      tpu.yield
    }) : () -> ()
    %scan3A_21 = arith.constant 0 : i32
    %scan3A_22 = arith.constant 0 : i32
    %scan3A_23 = arith.constant 0 : i32
    %scan3A_24 = arith.constant 800 : i32
    %scan3A_25 = arith.addi %scan3A_23, %scan3A_24 : i32
    %scan3A_26 = arith.constant 1 : i32
    %scan3A_27:2 = scf.for %scan3A_39 = %scan3A_23 to %scan3A_25 step %scan3A_26 iter_args(%scan3A_40 = %scan3A_21, %scan3A_41 = %scan3A_22) -> (i32, i32)  : i32 {
      %mul3A_42 = arith.constant 16 : i32
      %mul3A_43 = arith.muli %scan3A_39, %mul3A_42 : i32
      %get3A = arith.index_cast %mul3A_43 : i32 to index
      %get3A_44 = tpu.vector_load %arg6[%get3A] {strides = array<i32>} : memref<12800xi32, #tpu.memory_space<vmem>>, vector<16xi32>,
      %lt3A = arith.constant 500000 : i32
      %lt3A_45 = vector.broadcast %lt3A : i32 to vector<16xi32>
      %lt3A_46 = arith.cmpi slt, %get3A_44, %lt3A_45 : vector<16xi32>
      %all_reduce_population_count3A = tpu.all_reduce %lt3A_46 {dim = 0 : i64, kind = #tpu.reduction_kind<sum>} : vector<16xi1> -> vector<16xi32>
      %slice3A = vector.extract_strided_slice %all_reduce_population_count3A {offsets = [0], sizes = [1], strides = [1]} : vector<16xi32> to vector<1xi32>
      %squeeze3A = vector.extract %slice3A[0] : i32 from vector<1xi32>
      %mul3A_47 = arith.constant 16 : i32
      %mul3A_48 = arith.muli %scan3A_39, %mul3A_47 : i32
      %add3A_49 = arith.addi %add3A_20, %mul3A_48 : i32
      %add3A_50 = vector.broadcast %add3A_49 : i32 to vector<16xi32>
      %add3A_51 = arith.addi %add3A_50, %iota3A : vector<16xi32>
      %swap3A = arith.index_cast %scan3A_40 : i32 to index
      %swap3A_52 = tpu.vector_load %arg7[%swap3A] masked %lt3A_46 {strides = array<i32>} : memref<12960xi32, #tpu.memory_space<vmem>>, vector<16xi32>, vector<16xi1>
      tpu.vector_store %arg7[%swap3A], %get3A_44 masked %lt3A_46 {strides = array<i32>} : memref<12960xi32, #tpu.memory_space<vmem>>, vector<16xi32>, vector<16xi1>
      %swap3A_53 = arith.index_cast %scan3A_40 : i32 to index
      %swap3A_54 = tpu.vector_load %arg8[%swap3A_53] masked %lt3A_46 {strides = array<i32>} : memref<12960xi32, #tpu.memory_space<vmem>>, vector<16xi32>, vector<16xi1>
      tpu.vector_store %arg8[%swap3A_53], %add3A_51 masked %lt3A_46 {strides = array<i32>} : memref<12960xi32, #tpu.memory_space<vmem>>, vector<16xi32>, vector<16xi1>
      %sub3A = arith.constant 500000 : i32
      %sub3A_55 = vector.broadcast %sub3A : i32 to vector<16xi32>
      %sub3A_56 = arith.subi %get3A_44, %sub3A_55 : vector<16xi32>
      %not3A = arith.constant dense<true> : vector<16xi1>
      %not3A_57 = arith.xori %lt3A_46, %not3A : vector<16xi1>
      %swap3A_58 = arith.index_cast %scan3A_41 : i32 to index
      %swap3A_59 = tpu.vector_load %arg9[%swap3A_58] masked %not3A_57 {strides = array<i32>} : memref<12960xi32, #tpu.memory_space<vmem>>, vector<16xi32>, vector<16xi1>
      tpu.vector_store %arg9[%swap3A_58], %sub3A_56 masked %not3A_57 {strides = array<i32>} : memref<12960xi32, #tpu.memory_space<vmem>>, vector<16xi32>, vector<16xi1>
      %not3A_60 = arith.constant dense<true> : vector<16xi1>
      %not3A_61 = arith.xori %lt3A_46, %not3A_60 : vector<16xi1>
      %swap3A_62 = arith.index_cast %scan3A_41 : i32 to index
      %swap3A_63 = tpu.vector_load %arg10[%swap3A_62] masked %not3A_61 {strides = array<i32>} : memref<12960xi32, #tpu.memory_space<vmem>>, vector<16xi32>, vector<16xi1>
      tpu.vector_store %arg10[%swap3A_62], %add3A_51 masked %not3A_61 {strides = array<i32>} : memref<12960xi32, #tpu.memory_space<vmem>>, vector<16xi32>, vector<16xi1>
      %add3A_64 = arith.addi %scan3A_40, %squeeze3A : i32
      %sub3A_65 = arith.constant 16 : i32
      %sub3A_66 = arith.subi %sub3A_65, %squeeze3A : i32
      %add3A_67 = arith.addi %scan3A_41, %sub3A_66 : i32
      scf.yield %add3A_64, %add3A_67 : i32, i32
    }
    %scan3A_28 = arith.constant 800 : i32
    %gt3A_29 = arith.constant 0 : i32
    %gt3A_30 = arith.cmpi sgt, %scan3A_27#0, %gt3A_29 : i32
    %convert_element_type3A_31 = arith.extui %gt3A_30 : i1 to i32
    %cond3A_32 = arith.constant 0 : i32
    %cond3A_33 = arith.cmpi ne, %convert_element_type3A_31, %cond3A_32 : i32
    scf.if %cond3A_33 {
      %sub3A = arith.constant 1 : i32
      %sub3A_39 = arith.subi %scan3A_27#0, %sub3A : i32
      %broadcast_in_dim3A = vector.broadcast %sub3A_39 : i32 to vector<16xi32>
      %gather3A = tpu.vector_load_idx %arg7[%broadcast_in_dim3A] : memref<12960xi32, #tpu.memory_space<vmem>>[vector<16xi32>], vector<16xi32>,
      %broadcast_in_dim3A_40 = vector.broadcast %sub3A_39 : i32 to vector<16xi32>
      %gather3A_41 = tpu.vector_load_idx %arg8[%broadcast_in_dim3A_40] : memref<12960xi32, #tpu.memory_space<vmem>>[vector<16xi32>], vector<16xi32>,
      %and3A = arith.constant 15 : i32
      %and3A_42 = arith.andi %scan3A_27#0, %and3A : i32
      %sub3A_43 = arith.subi %scan3A_27#0, %and3A_42 : i32
      %add3A_44 = vector.broadcast %sub3A_43 : i32 to vector<16xi32>
      %add3A_45 = arith.addi %add3A_44, %iota3A : vector<16xi32>
      %lt3A = vector.broadcast %scan3A_27#0 : i32 to vector<16xi32>
      %lt3A_46 = arith.cmpi slt, %add3A_45, %lt3A : vector<16xi32>
      %get3A = arith.index_cast %sub3A_43 : i32 to index
      %get3A_47 = tpu.vector_load %arg7[%get3A] {strides = array<i32>} : memref<12960xi32, #tpu.memory_space<vmem>>, vector<16xi32>,
      %select_n3A = arith.select %lt3A_46, %get3A_47, %gather3A : vector<16xi1>, vector<16xi32>
      %swap3A = arith.index_cast %sub3A_43 : i32 to index
      %swap3A_48 = tpu.vector_load %arg7[%swap3A] {strides = array<i32>} : memref<12960xi32, #tpu.memory_space<vmem>>, vector<16xi32>,
      tpu.vector_store %arg7[%swap3A], %select_n3A {strides = array<i32>} : memref<12960xi32, #tpu.memory_space<vmem>>, vector<16xi32>,
      %get3A_49 = arith.index_cast %sub3A_43 : i32 to index
      %get3A_50 = tpu.vector_load %arg8[%get3A_49] {strides = array<i32>} : memref<12960xi32, #tpu.memory_space<vmem>>, vector<16xi32>,
      %select_n3A_51 = arith.select %lt3A_46, %get3A_50, %gather3A_41 : vector<16xi1>, vector<16xi32>
      %swap3A_52 = arith.index_cast %sub3A_43 : i32 to index
      %swap3A_53 = tpu.vector_load %arg8[%swap3A_52] {strides = array<i32>} : memref<12960xi32, #tpu.memory_space<vmem>>, vector<16xi32>,
      tpu.vector_store %arg8[%swap3A_52], %select_n3A_51 {strides = array<i32>} : memref<12960xi32, #tpu.memory_space<vmem>>, vector<16xi32>,
      %add3A_54 = arith.constant 16 : i32
      %add3A_55 = arith.addi %sub3A_43, %add3A_54 : i32
      %swap3A_56 = arith.index_cast %add3A_55 : i32 to index
      %swap3A_57 = tpu.vector_load %arg7[%swap3A_56] {strides = array<i32>} : memref<12960xi32, #tpu.memory_space<vmem>>, vector<16xi32>,
      tpu.vector_store %arg7[%swap3A_56], %gather3A {strides = array<i32>} : memref<12960xi32, #tpu.memory_space<vmem>>, vector<16xi32>,
      %add3A_58 = arith.constant 16 : i32
      %add3A_59 = arith.addi %sub3A_43, %add3A_58 : i32
      %swap3A_60 = arith.index_cast %add3A_59 : i32 to index
      %swap3A_61 = tpu.vector_load %arg8[%swap3A_60] {strides = array<i32>} : memref<12960xi32, #tpu.memory_space<vmem>>, vector<16xi32>,
      tpu.vector_store %arg8[%swap3A_60], %gather3A_41 {strides = array<i32>} : memref<12960xi32, #tpu.memory_space<vmem>>, vector<16xi32>,
      %add3A_62 = arith.constant 32 : i32
      %add3A_63 = arith.addi %sub3A_43, %add3A_62 : i32
      %swap3A_64 = arith.index_cast %add3A_63 : i32 to index
      %swap3A_65 = tpu.vector_load %arg7[%swap3A_64] {strides = array<i32>} : memref<12960xi32, #tpu.memory_space<vmem>>, vector<16xi32>,
      tpu.vector_store %arg7[%swap3A_64], %gather3A {strides = array<i32>} : memref<12960xi32, #tpu.memory_space<vmem>>, vector<16xi32>,
      %add3A_66 = arith.constant 32 : i32
      %add3A_67 = arith.addi %sub3A_43, %add3A_66 : i32
      %swap3A_68 = arith.index_cast %add3A_67 : i32 to index
      %swap3A_69 = tpu.vector_load %arg8[%swap3A_68] {strides = array<i32>} : memref<12960xi32, #tpu.memory_space<vmem>>, vector<16xi32>,
      tpu.vector_store %arg8[%swap3A_68], %gather3A_41 {strides = array<i32>} : memref<12960xi32, #tpu.memory_space<vmem>>, vector<16xi32>,
      %add3A_70 = arith.constant 48 : i32
      %add3A_71 = arith.addi %sub3A_43, %add3A_70 : i32
      %swap3A_72 = arith.index_cast %add3A_71 : i32 to index
      %swap3A_73 = tpu.vector_load %arg7[%swap3A_72] {strides = array<i32>} : memref<12960xi32, #tpu.memory_space<vmem>>, vector<16xi32>,
      tpu.vector_store %arg7[%swap3A_72], %gather3A {strides = array<i32>} : memref<12960xi32, #tpu.memory_space<vmem>>, vector<16xi32>,
      %add3A_74 = arith.constant 48 : i32
      %add3A_75 = arith.addi %sub3A_43, %add3A_74 : i32
      %swap3A_76 = arith.index_cast %add3A_75 : i32 to index
      %swap3A_77 = tpu.vector_load %arg8[%swap3A_76] {strides = array<i32>} : memref<12960xi32, #tpu.memory_space<vmem>>, vector<16xi32>,
      tpu.vector_store %arg8[%swap3A_76], %gather3A_41 {strides = array<i32>} : memref<12960xi32, #tpu.memory_space<vmem>>, vector<16xi32>,
      %add3A_78 = arith.constant 64 : i32
      %add3A_79 = arith.addi %sub3A_43, %add3A_78 : i32
      %swap3A_80 = arith.index_cast %add3A_79 : i32 to index
      %swap3A_81 = tpu.vector_load %arg7[%swap3A_80] {strides = array<i32>} : memref<12960xi32, #tpu.memory_space<vmem>>, vector<16xi32>,
      tpu.vector_store %arg7[%swap3A_80], %gather3A {strides = array<i32>} : memref<12960xi32, #tpu.memory_space<vmem>>, vector<16xi32>,
      %add3A_82 = arith.constant 64 : i32
      %add3A_83 = arith.addi %sub3A_43, %add3A_82 : i32
      %swap3A_84 = arith.index_cast %add3A_83 : i32 to index
      %swap3A_85 = tpu.vector_load %arg8[%swap3A_84] {strides = array<i32>} : memref<12960xi32, #tpu.memory_space<vmem>>, vector<16xi32>,
      tpu.vector_store %arg8[%swap3A_84], %gather3A_41 {strides = array<i32>} : memref<12960xi32, #tpu.memory_space<vmem>>, vector<16xi32>,
      %add3A_86 = arith.constant 80 : i32
      %add3A_87 = arith.addi %sub3A_43, %add3A_86 : i32
      %swap3A_88 = arith.index_cast %add3A_87 : i32 to index
      %swap3A_89 = tpu.vector_load %arg7[%swap3A_88] {strides = array<i32>} : memref<12960xi32, #tpu.memory_space<vmem>>, vector<16xi32>,
      tpu.vector_store %arg7[%swap3A_88], %gather3A {strides = array<i32>} : memref<12960xi32, #tpu.memory_space<vmem>>, vector<16xi32>,
      %add3A_90 = arith.constant 80 : i32
      %add3A_91 = arith.addi %sub3A_43, %add3A_90 : i32
      %swap3A_92 = arith.index_cast %add3A_91 : i32 to index
      %swap3A_93 = tpu.vector_load %arg8[%swap3A_92] {strides = array<i32>} : memref<12960xi32, #tpu.memory_space<vmem>>, vector<16xi32>,
      tpu.vector_store %arg8[%swap3A_92], %gather3A_41 {strides = array<i32>} : memref<12960xi32, #tpu.memory_space<vmem>>, vector<16xi32>,
      %add3A_94 = arith.constant 96 : i32
      %add3A_95 = arith.addi %sub3A_43, %add3A_94 : i32
      %swap3A_96 = arith.index_cast %add3A_95 : i32 to index
      %swap3A_97 = tpu.vector_load %arg7[%swap3A_96] {strides = array<i32>} : memref<12960xi32, #tpu.memory_space<vmem>>, vector<16xi32>,
      tpu.vector_store %arg7[%swap3A_96], %gather3A {strides = array<i32>} : memref<12960xi32, #tpu.memory_space<vmem>>, vector<16xi32>,
      %add3A_98 = arith.constant 96 : i32
      %add3A_99 = arith.addi %sub3A_43, %add3A_98 : i32
      %swap3A_100 = arith.index_cast %add3A_99 : i32 to index
      %swap3A_101 = tpu.vector_load %arg8[%swap3A_100] {strides = array<i32>} : memref<12960xi32, #tpu.memory_space<vmem>>, vector<16xi32>,
      tpu.vector_store %arg8[%swap3A_100], %gather3A_41 {strides = array<i32>} : memref<12960xi32, #tpu.memory_space<vmem>>, vector<16xi32>,
      %add3A_102 = arith.constant 112 : i32
      %add3A_103 = arith.addi %sub3A_43, %add3A_102 : i32
      %swap3A_104 = arith.index_cast %add3A_103 : i32 to index
      %swap3A_105 = tpu.vector_load %arg7[%swap3A_104] {strides = array<i32>} : memref<12960xi32, #tpu.memory_space<vmem>>, vector<16xi32>,
      tpu.vector_store %arg7[%swap3A_104], %gather3A {strides = array<i32>} : memref<12960xi32, #tpu.memory_space<vmem>>, vector<16xi32>,
      %add3A_106 = arith.constant 112 : i32
      %add3A_107 = arith.addi %sub3A_43, %add3A_106 : i32
      %swap3A_108 = arith.index_cast %add3A_107 : i32 to index
      %swap3A_109 = tpu.vector_load %arg8[%swap3A_108] {strides = array<i32>} : memref<12960xi32, #tpu.memory_space<vmem>>, vector<16xi32>,
      tpu.vector_store %arg8[%swap3A_108], %gather3A_41 {strides = array<i32>} : memref<12960xi32, #tpu.memory_space<vmem>>, vector<16xi32>,
      %add3A_110 = arith.constant 128 : i32
      %add3A_111 = arith.addi %sub3A_43, %add3A_110 : i32
      %swap3A_112 = arith.index_cast %add3A_111 : i32 to index
      %swap3A_113 = tpu.vector_load %arg7[%swap3A_112] {strides = array<i32>} : memref<12960xi32, #tpu.memory_space<vmem>>, vector<16xi32>,
      tpu.vector_store %arg7[%swap3A_112], %gather3A {strides = array<i32>} : memref<12960xi32, #tpu.memory_space<vmem>>, vector<16xi32>,
      %add3A_114 = arith.constant 128 : i32
      %add3A_115 = arith.addi %sub3A_43, %add3A_114 : i32
      %swap3A_116 = arith.index_cast %add3A_115 : i32 to index
      %swap3A_117 = tpu.vector_load %arg8[%swap3A_116] {strides = array<i32>} : memref<12960xi32, #tpu.memory_space<vmem>>, vector<16xi32>,
      tpu.vector_store %arg8[%swap3A_116], %gather3A_41 {strides = array<i32>} : memref<12960xi32, #tpu.memory_space<vmem>>, vector<16xi32>,
      %add3A_118 = arith.constant 128 : i32
      %add3A_119 = arith.addi %scan3A_27#0, %add3A_118 : i32
      %sub3A_120 = arith.constant 1 : i32
      %sub3A_121 = arith.subi %add3A_119, %sub3A_120 : i32
      %jit3A = arith.constant 128 : i32
      %div3A = arith.divsi %sub3A_121, %jit3A : i32
      %sign3A = arith.constant 0 : i32
      %sign3A_122 = arith.cmpi sgt, %sub3A_121, %sign3A : i32
      %sign3A_123 = arith.extui %sign3A_122 : i1 to i32
      %sign3A_124 = arith.constant 0 : i32
      %sign3A_125 = arith.cmpi slt, %sub3A_121, %sign3A_124 : i32
      %sign3A_126 = arith.extui %sign3A_125 : i1 to i32
      %sign3A_127 = arith.subi %sign3A_123, %sign3A_126 : i32
      %sign3A_128 = arith.constant 0 : i32
      %sign3A_129 = arith.cmpi sgt, %jit3A, %sign3A_128 : i32
      %sign3A_130 = arith.extui %sign3A_129 : i1 to i32
      %sign3A_131 = arith.constant 0 : i32
      %sign3A_132 = arith.cmpi slt, %jit3A, %sign3A_131 : i32
      %sign3A_133 = arith.extui %sign3A_132 : i1 to i32
      %sign3A_134 = arith.subi %sign3A_130, %sign3A_133 : i32
      %ne3A = arith.cmpi ne, %sign3A_127, %sign3A_134 : i32
      %rem3A = arith.remsi %sub3A_121, %jit3A : i32
      %ne3A_135 = arith.constant 0 : i32
      %ne3A_136 = arith.cmpi ne, %rem3A, %ne3A_135 : i32
      %and3A_137 = arith.andi %ne3A, %ne3A_136 : i1
      %sub3A_138 = arith.constant 1 : i32
      %sub3A_139 = arith.subi %div3A, %sub3A_138 : i32
      %select_n3A_140 = arith.select %and3A_137, %sub3A_139, %div3A : i32
      %add3A_141 = arith.constant 1 : i32
      %add3A_142 = arith.addi %select_n3A_140, %add3A_141 : i32
      %jit3A_143 = arith.constant 2 : i32
      %div3A_144 = arith.divsi %add3A_142, %jit3A_143 : i32
      %sign3A_145 = arith.constant 0 : i32
      %sign3A_146 = arith.cmpi sgt, %add3A_142, %sign3A_145 : i32
      %sign3A_147 = arith.extui %sign3A_146 : i1 to i32
      %sign3A_148 = arith.constant 0 : i32
      %sign3A_149 = arith.cmpi slt, %add3A_142, %sign3A_148 : i32
      %sign3A_150 = arith.extui %sign3A_149 : i1 to i32
      %sign3A_151 = arith.subi %sign3A_147, %sign3A_150 : i32
      %sign3A_152 = arith.constant 0 : i32
      %sign3A_153 = arith.cmpi sgt, %jit3A_143, %sign3A_152 : i32
      %sign3A_154 = arith.extui %sign3A_153 : i1 to i32
      %sign3A_155 = arith.constant 0 : i32
      %sign3A_156 = arith.cmpi slt, %jit3A_143, %sign3A_155 : i32
      %sign3A_157 = arith.extui %sign3A_156 : i1 to i32
      %sign3A_158 = arith.subi %sign3A_154, %sign3A_157 : i32
      %ne3A_159 = arith.cmpi ne, %sign3A_151, %sign3A_158 : i32
      %rem3A_160 = arith.remsi %add3A_142, %jit3A_143 : i32
      %ne3A_161 = arith.constant 0 : i32
      %ne3A_162 = arith.cmpi ne, %rem3A_160, %ne3A_161 : i32
      %and3A_163 = arith.andi %ne3A_159, %ne3A_162 : i1
      %sub3A_164 = arith.constant 1 : i32
      %sub3A_165 = arith.subi %div3A_144, %sub3A_164 : i32
      %select_n3A_166 = arith.select %and3A_163, %sub3A_165, %div3A_144 : i32
      %while3A = arith.constant 0 : i32
      %while3A_167 = arith.constant 0 : i32
      %while3A_168 = arith.subi %select_n3A_166, %while3A_167 : i32
      %while3A_169 = arith.addi %while3A_167, %while3A_168 : i32
      %while3A_170 = arith.constant 1 : i32
      %while3A_171 = arith.divsi %while3A_168, %while3A_170 : i32
      %while3A_172 = arith.muli %while3A_171, %while3A_170 : i32
      %while3A_173 = arith.addi %while3A_167, %while3A_172 : i32
      %while3A_174 = arith.constant 1 : i32
      scf.for %while3A_176 = %while3A_167 to %while3A_173 step %while3A_174  : i32 {
        %mul3A_177 = arith.constant 2 : i32
        %mul3A_178 = arith.muli %while3A_176, %mul3A_177 : i32
        %mul3A_179 = arith.constant 128 : i32
        %mul3A_180 = arith.muli %mul3A_178, %mul3A_179 : i32
        %dma_start3A = arith.constant 0 : i32
        %dma_start3A_181 = arith.constant 0 : i32
        %dma_start3A_182 = arith.constant 0 : i32
        %dma_start3A_183 = tpu.memref_slice %arg11[%dma_start3A, %dma_start3A_181, %dma_start3A_182] : memref<2x128x32xf32, #tpu.memory_space<vmem>> -> memref<1x128x32xf32, #tpu.memory_space<vmem>>
        %dma_start3A_184 = tpu.memref_squeeze %dma_start3A_183 : memref<1x128x32xf32, #tpu.memory_space<vmem>> -> memref<128x32xf32, #tpu.memory_space<vmem>>
        %dma_start3A_185 = tpu.memref_slice %arg7[%mul3A_180] : memref<12960xi32, #tpu.memory_space<vmem>> -> memref<128xi32, #tpu.memory_space<vmem>>
        %dma_start3A_186 = arith.constant 0 : i32
        %dma_start3A_187 = arith.constant 0 : i32
        %dma_start3A_188 = tpu.memref_slice %arg3[%dma_start3A_186, %dma_start3A_187] : memref<500000x32xf32, #tpu.memory_space<hbm>> -> memref<500000x32xf32, #tpu.memory_space<hbm>>
        tpu.enqueue_indirect_dma source(%dma_start3A_188 : memref<500000x32xf32, #tpu.memory_space<hbm>>) target(%dma_start3A_184 : memref<128x32xf32, #tpu.memory_space<vmem>>) offsets(%dma_start3A_185 : memref<128xi32, #tpu.memory_space<vmem>>) semaphore(%arg13 : memref<!tpu.dma_semaphore, #tpu.memory_space<semaphore_mem>>)
        %dma_wait3A = arith.constant 0 : i32
        %dma_wait3A_189 = arith.constant 0 : i32
        %dma_wait3A_190 = arith.constant 0 : i32
        %dma_wait3A_191 = tpu.memref_slice %arg11[%dma_wait3A, %dma_wait3A_189, %dma_wait3A_190] : memref<2x128x32xf32, #tpu.memory_space<vmem>> -> memref<1x128x32xf32, #tpu.memory_space<vmem>>
        %dma_wait3A_192 = tpu.memref_squeeze %dma_wait3A_191 : memref<1x128x32xf32, #tpu.memory_space<vmem>> -> memref<128x32xf32, #tpu.memory_space<vmem>>
        %dma_wait3A_193 = tpu.memref_slice %arg7[%mul3A_180] : memref<12960xi32, #tpu.memory_space<vmem>> -> memref<128xi32, #tpu.memory_space<vmem>>
        %dma_wait3A_194 = arith.constant 0 : i32
        %dma_wait3A_195 = arith.constant 0 : i32
        %dma_wait3A_196 = tpu.memref_slice %arg3[%dma_wait3A_194, %dma_wait3A_195] : memref<500000x32xf32, #tpu.memory_space<hbm>> -> memref<500000x32xf32, #tpu.memory_space<hbm>>
        tpu.wait_indirect_dma semaphore(%arg13 : memref<!tpu.dma_semaphore, #tpu.memory_space<semaphore_mem>>) src(%dma_wait3A_196 : memref<500000x32xf32, #tpu.memory_space<hbm>>) dst(%dma_wait3A_192 : memref<128x32xf32, #tpu.memory_space<vmem>>)
        %mul3A_197 = arith.constant 128 : i32
        %mul3A_198 = arith.muli %mul3A_178, %mul3A_197 : i32
        %add3A_199 = arith.constant 0 : i32
        %add3A_200 = arith.addi %mul3A_198, %add3A_199 : i32
        %get3A_201 = arith.index_cast %add3A_200 : i32 to index
        %get3A_202 = tpu.vector_load %arg8[%get3A_201] {strides = array<i32>} : memref<12960xi32, #tpu.memory_space<vmem>>, vector<16xi32>,
        %swap3A_203 = arith.constant 0 : i32
        %swap3A_204 = arith.index_cast %swap3A_203 : i32 to index
        %swap3A_205 = arith.constant 0 : index
        %swap3A_206 = tpu.vector_load %arg12[%swap3A_204, %swap3A_205] {strides = array<i32>} : memref<2x128xi32, #tpu.memory_space<vmem>>, vector<16xi32>,
        tpu.vector_store %arg12[%swap3A_204, %swap3A_205], %get3A_202 {strides = array<i32>} : memref<2x128xi32, #tpu.memory_space<vmem>>, vector<16xi32>,
        %mul3A_207 = arith.constant 128 : i32
        %mul3A_208 = arith.muli %mul3A_178, %mul3A_207 : i32
        %add3A_209 = arith.constant 16 : i32
        %add3A_210 = arith.addi %mul3A_208, %add3A_209 : i32
        %get3A_211 = arith.index_cast %add3A_210 : i32 to index
        %get3A_212 = tpu.vector_load %arg8[%get3A_211] {strides = array<i32>} : memref<12960xi32, #tpu.memory_space<vmem>>, vector<16xi32>,
        %swap3A_213 = arith.constant 0 : i32
        %swap3A_214 = arith.index_cast %swap3A_213 : i32 to index
        %swap3A_215 = arith.constant 16 : index
        %swap3A_216 = tpu.vector_load %arg12[%swap3A_214, %swap3A_215] {strides = array<i32>} : memref<2x128xi32, #tpu.memory_space<vmem>>, vector<16xi32>,
        tpu.vector_store %arg12[%swap3A_214, %swap3A_215], %get3A_212 {strides = array<i32>} : memref<2x128xi32, #tpu.memory_space<vmem>>, vector<16xi32>,
        %mul3A_217 = arith.constant 128 : i32
        %mul3A_218 = arith.muli %mul3A_178, %mul3A_217 : i32
        %add3A_219 = arith.constant 32 : i32
        %add3A_220 = arith.addi %mul3A_218, %add3A_219 : i32
        %get3A_221 = arith.index_cast %add3A_220 : i32 to index
        %get3A_222 = tpu.vector_load %arg8[%get3A_221] {strides = array<i32>} : memref<12960xi32, #tpu.memory_space<vmem>>, vector<16xi32>,
        %swap3A_223 = arith.constant 0 : i32
        %swap3A_224 = arith.index_cast %swap3A_223 : i32 to index
        %swap3A_225 = arith.constant 32 : index
        %swap3A_226 = tpu.vector_load %arg12[%swap3A_224, %swap3A_225] {strides = array<i32>} : memref<2x128xi32, #tpu.memory_space<vmem>>, vector<16xi32>,
        tpu.vector_store %arg12[%swap3A_224, %swap3A_225], %get3A_222 {strides = array<i32>} : memref<2x128xi32, #tpu.memory_space<vmem>>, vector<16xi32>,
        %mul3A_227 = arith.constant 128 : i32
        %mul3A_228 = arith.muli %mul3A_178, %mul3A_227 : i32
        %add3A_229 = arith.constant 48 : i32
        %add3A_230 = arith.addi %mul3A_228, %add3A_229 : i32
        %get3A_231 = arith.index_cast %add3A_230 : i32 to index
        %get3A_232 = tpu.vector_load %arg8[%get3A_231] {strides = array<i32>} : memref<12960xi32, #tpu.memory_space<vmem>>, vector<16xi32>,
        %swap3A_233 = arith.constant 0 : i32
        %swap3A_234 = arith.index_cast %swap3A_233 : i32 to index
        %swap3A_235 = arith.constant 48 : index
        %swap3A_236 = tpu.vector_load %arg12[%swap3A_234, %swap3A_235] {strides = array<i32>} : memref<2x128xi32, #tpu.memory_space<vmem>>, vector<16xi32>,
        tpu.vector_store %arg12[%swap3A_234, %swap3A_235], %get3A_232 {strides = array<i32>} : memref<2x128xi32, #tpu.memory_space<vmem>>, vector<16xi32>,
        %mul3A_237 = arith.constant 128 : i32
        %mul3A_238 = arith.muli %mul3A_178, %mul3A_237 : i32
        %add3A_239 = arith.constant 64 : i32
        %add3A_240 = arith.addi %mul3A_238, %add3A_239 : i32
        %get3A_241 = arith.index_cast %add3A_240 : i32 to index
        %get3A_242 = tpu.vector_load %arg8[%get3A_241] {strides = array<i32>} : memref<12960xi32, #tpu.memory_space<vmem>>, vector<16xi32>,
        %swap3A_243 = arith.constant 0 : i32
        %swap3A_244 = arith.index_cast %swap3A_243 : i32 to index
        %swap3A_245 = arith.constant 64 : index
        %swap3A_246 = tpu.vector_load %arg12[%swap3A_244, %swap3A_245] {strides = array<i32>} : memref<2x128xi32, #tpu.memory_space<vmem>>, vector<16xi32>,
        tpu.vector_store %arg12[%swap3A_244, %swap3A_245], %get3A_242 {strides = array<i32>} : memref<2x128xi32, #tpu.memory_space<vmem>>, vector<16xi32>,
        %mul3A_247 = arith.constant 128 : i32
        %mul3A_248 = arith.muli %mul3A_178, %mul3A_247 : i32
        %add3A_249 = arith.constant 80 : i32
        %add3A_250 = arith.addi %mul3A_248, %add3A_249 : i32
        %get3A_251 = arith.index_cast %add3A_250 : i32 to index
        %get3A_252 = tpu.vector_load %arg8[%get3A_251] {strides = array<i32>} : memref<12960xi32, #tpu.memory_space<vmem>>, vector<16xi32>,
        %swap3A_253 = arith.constant 0 : i32
        %swap3A_254 = arith.index_cast %swap3A_253 : i32 to index
        %swap3A_255 = arith.constant 80 : index
        %swap3A_256 = tpu.vector_load %arg12[%swap3A_254, %swap3A_255] {strides = array<i32>} : memref<2x128xi32, #tpu.memory_space<vmem>>, vector<16xi32>,
        tpu.vector_store %arg12[%swap3A_254, %swap3A_255], %get3A_252 {strides = array<i32>} : memref<2x128xi32, #tpu.memory_space<vmem>>, vector<16xi32>,
        %mul3A_257 = arith.constant 128 : i32
        %mul3A_258 = arith.muli %mul3A_178, %mul3A_257 : i32
        %add3A_259 = arith.constant 96 : i32
        %add3A_260 = arith.addi %mul3A_258, %add3A_259 : i32
        %get3A_261 = arith.index_cast %add3A_260 : i32 to index
        %get3A_262 = tpu.vector_load %arg8[%get3A_261] {strides = array<i32>} : memref<12960xi32, #tpu.memory_space<vmem>>, vector<16xi32>,
        %swap3A_263 = arith.constant 0 : i32
        %swap3A_264 = arith.index_cast %swap3A_263 : i32 to index
        %swap3A_265 = arith.constant 96 : index
        %swap3A_266 = tpu.vector_load %arg12[%swap3A_264, %swap3A_265] {strides = array<i32>} : memref<2x128xi32, #tpu.memory_space<vmem>>, vector<16xi32>,
        tpu.vector_store %arg12[%swap3A_264, %swap3A_265], %get3A_262 {strides = array<i32>} : memref<2x128xi32, #tpu.memory_space<vmem>>, vector<16xi32>,
        %mul3A_267 = arith.constant 128 : i32
        %mul3A_268 = arith.muli %mul3A_178, %mul3A_267 : i32
        %add3A_269 = arith.constant 112 : i32
        %add3A_270 = arith.addi %mul3A_268, %add3A_269 : i32
        %get3A_271 = arith.index_cast %add3A_270 : i32 to index
        %get3A_272 = tpu.vector_load %arg8[%get3A_271] {strides = array<i32>} : memref<12960xi32, #tpu.memory_space<vmem>>, vector<16xi32>,
        %swap3A_273 = arith.constant 0 : i32
        %swap3A_274 = arith.index_cast %swap3A_273 : i32 to index
        %swap3A_275 = arith.constant 112 : index
        %swap3A_276 = tpu.vector_load %arg12[%swap3A_274, %swap3A_275] {strides = array<i32>} : memref<2x128xi32, #tpu.memory_space<vmem>>, vector<16xi32>,
        tpu.vector_store %arg12[%swap3A_274, %swap3A_275], %get3A_272 {strides = array<i32>} : memref<2x128xi32, #tpu.memory_space<vmem>>, vector<16xi32>,
        %dma_start3A_277 = arith.constant 0 : i32
        %dma_start3A_278 = arith.constant 0 : i32
        %dma_start3A_279 = arith.constant 0 : i32
        %dma_start3A_280 = arith.constant 0 : i32
        %dma_start3A_281 = tpu.memref_slice %arg11[%dma_start3A_277, %dma_start3A_279, %dma_start3A_280] : memref<2x128x32xf32, #tpu.memory_space<vmem>> -> memref<1x128x32xf32, #tpu.memory_space<vmem>>
        %dma_start3A_282 = tpu.memref_squeeze %dma_start3A_281 : memref<1x128x32xf32, #tpu.memory_space<vmem>> -> memref<128x32xf32, #tpu.memory_space<vmem>>
        %dma_start3A_283 = arith.constant 0 : i32
        %dma_start3A_284 = tpu.memref_slice %arg12[%dma_start3A_278, %dma_start3A_283] : memref<2x128xi32, #tpu.memory_space<vmem>> -> memref<1x128xi32, #tpu.memory_space<vmem>>
        %dma_start3A_285 = tpu.memref_squeeze %dma_start3A_284 : memref<1x128xi32, #tpu.memory_space<vmem>> -> memref<128xi32, #tpu.memory_space<vmem>>
        %dma_start3A_286 = arith.constant 0 : i32
        %dma_start3A_287 = arith.constant 0 : i32
        %dma_start3A_288 = tpu.memref_slice %arg5[%dma_start3A_286, %dma_start3A_287] : memref<819200x32xf32, #tpu.memory_space<hbm>> -> memref<819200x32xf32, #tpu.memory_space<hbm>>
        tpu.enqueue_indirect_dma source(%dma_start3A_282 : memref<128x32xf32, #tpu.memory_space<vmem>>) target(%dma_start3A_288 : memref<819200x32xf32, #tpu.memory_space<hbm>>) offsets(%dma_start3A_285 : memref<128xi32, #tpu.memory_space<vmem>>) semaphore(%arg14 : memref<!tpu.dma_semaphore, #tpu.memory_space<semaphore_mem>>)
        %add3A_289 = arith.constant 1 : i32
        %add3A_290 = arith.addi %mul3A_178, %add3A_289 : i32
        %lt3A_291 = arith.cmpi slt, %add3A_290, %select_n3A_140 : i32
        %convert_element_type3A_292 = arith.extui %lt3A_291 : i1 to i32
        %cond3A_293 = arith.constant 0 : i32
        %cond3A_294 = arith.cmpi ne, %convert_element_type3A_292, %cond3A_293 : i32
        scf.if %cond3A_294 {
          %add3A_307 = arith.constant 1 : i32
          %add3A_308 = arith.addi %mul3A_178, %add3A_307 : i32
          %mul3A_309 = arith.constant 128 : i32
          %mul3A_310 = arith.muli %add3A_308, %mul3A_309 : i32
          %dma_start3A_311 = arith.constant 1 : i32
          %dma_start3A_312 = arith.constant 0 : i32
          %dma_start3A_313 = arith.constant 0 : i32
          %dma_start3A_314 = tpu.memref_slice %arg11[%dma_start3A_311, %dma_start3A_312, %dma_start3A_313] : memref<2x128x32xf32, #tpu.memory_space<vmem>> -> memref<1x128x32xf32, #tpu.memory_space<vmem>>
          %dma_start3A_315 = tpu.memref_squeeze %dma_start3A_314 : memref<1x128x32xf32, #tpu.memory_space<vmem>> -> memref<128x32xf32, #tpu.memory_space<vmem>>
          %dma_start3A_316 = tpu.memref_slice %arg7[%mul3A_310] : memref<12960xi32, #tpu.memory_space<vmem>> -> memref<128xi32, #tpu.memory_space<vmem>>
          %dma_start3A_317 = arith.constant 0 : i32
          %dma_start3A_318 = arith.constant 0 : i32
          %dma_start3A_319 = tpu.memref_slice %arg3[%dma_start3A_317, %dma_start3A_318] : memref<500000x32xf32, #tpu.memory_space<hbm>> -> memref<500000x32xf32, #tpu.memory_space<hbm>>
          tpu.enqueue_indirect_dma source(%dma_start3A_319 : memref<500000x32xf32, #tpu.memory_space<hbm>>) target(%dma_start3A_315 : memref<128x32xf32, #tpu.memory_space<vmem>>) offsets(%dma_start3A_316 : memref<128xi32, #tpu.memory_space<vmem>>) semaphore(%arg13 : memref<!tpu.dma_semaphore, #tpu.memory_space<semaphore_mem>>)
          %dma_wait3A_320 = arith.constant 1 : i32
          %dma_wait3A_321 = arith.constant 0 : i32
          %dma_wait3A_322 = arith.constant 0 : i32
          %dma_wait3A_323 = tpu.memref_slice %arg11[%dma_wait3A_320, %dma_wait3A_321, %dma_wait3A_322] : memref<2x128x32xf32, #tpu.memory_space<vmem>> -> memref<1x128x32xf32, #tpu.memory_space<vmem>>
          %dma_wait3A_324 = tpu.memref_squeeze %dma_wait3A_323 : memref<1x128x32xf32, #tpu.memory_space<vmem>> -> memref<128x32xf32, #tpu.memory_space<vmem>>
          %dma_wait3A_325 = tpu.memref_slice %arg7[%mul3A_310] : memref<12960xi32, #tpu.memory_space<vmem>> -> memref<128xi32, #tpu.memory_space<vmem>>
          %dma_wait3A_326 = arith.constant 0 : i32
          %dma_wait3A_327 = arith.constant 0 : i32
          %dma_wait3A_328 = tpu.memref_slice %arg3[%dma_wait3A_326, %dma_wait3A_327] : memref<500000x32xf32, #tpu.memory_space<hbm>> -> memref<500000x32xf32, #tpu.memory_space<hbm>>
          tpu.wait_indirect_dma semaphore(%arg13 : memref<!tpu.dma_semaphore, #tpu.memory_space<semaphore_mem>>) src(%dma_wait3A_328 : memref<500000x32xf32, #tpu.memory_space<hbm>>) dst(%dma_wait3A_324 : memref<128x32xf32, #tpu.memory_space<vmem>>)
          %add3A_329 = arith.constant 1 : i32
          %add3A_330 = arith.addi %mul3A_178, %add3A_329 : i32
          %mul3A_331 = arith.constant 128 : i32
          %mul3A_332 = arith.muli %add3A_330, %mul3A_331 : i32
          %add3A_333 = arith.constant 0 : i32
          %add3A_334 = arith.addi %mul3A_332, %add3A_333 : i32
          %get3A_335 = arith.index_cast %add3A_334 : i32 to index
          %get3A_336 = tpu.vector_load %arg8[%get3A_335] {strides = array<i32>} : memref<12960xi32, #tpu.memory_space<vmem>>, vector<16xi32>,
          %swap3A_337 = arith.constant 1 : i32
          %swap3A_338 = arith.index_cast %swap3A_337 : i32 to index
          %swap3A_339 = arith.constant 0 : index
          %swap3A_340 = tpu.vector_load %arg12[%swap3A_338, %swap3A_339] {strides = array<i32>} : memref<2x128xi32, #tpu.memory_space<vmem>>, vector<16xi32>,
          tpu.vector_store %arg12[%swap3A_338, %swap3A_339], %get3A_336 {strides = array<i32>} : memref<2x128xi32, #tpu.memory_space<vmem>>, vector<16xi32>,
          %mul3A_341 = arith.constant 128 : i32
          %mul3A_342 = arith.muli %add3A_330, %mul3A_341 : i32
          %add3A_343 = arith.constant 16 : i32
          %add3A_344 = arith.addi %mul3A_342, %add3A_343 : i32
          %get3A_345 = arith.index_cast %add3A_344 : i32 to index
          %get3A_346 = tpu.vector_load %arg8[%get3A_345] {strides = array<i32>} : memref<12960xi32, #tpu.memory_space<vmem>>, vector<16xi32>,
          %swap3A_347 = arith.constant 1 : i32
          %swap3A_348 = arith.index_cast %swap3A_347 : i32 to index
          %swap3A_349 = arith.constant 16 : index
          %swap3A_350 = tpu.vector_load %arg12[%swap3A_348, %swap3A_349] {strides = array<i32>} : memref<2x128xi32, #tpu.memory_space<vmem>>, vector<16xi32>,
          tpu.vector_store %arg12[%swap3A_348, %swap3A_349], %get3A_346 {strides = array<i32>} : memref<2x128xi32, #tpu.memory_space<vmem>>, vector<16xi32>,
          %mul3A_351 = arith.constant 128 : i32
          %mul3A_352 = arith.muli %add3A_330, %mul3A_351 : i32
          %add3A_353 = arith.constant 32 : i32
          %add3A_354 = arith.addi %mul3A_352, %add3A_353 : i32
          %get3A_355 = arith.index_cast %add3A_354 : i32 to index
          %get3A_356 = tpu.vector_load %arg8[%get3A_355] {strides = array<i32>} : memref<12960xi32, #tpu.memory_space<vmem>>, vector<16xi32>,
          %swap3A_357 = arith.constant 1 : i32
          %swap3A_358 = arith.index_cast %swap3A_357 : i32 to index
          %swap3A_359 = arith.constant 32 : index
          %swap3A_360 = tpu.vector_load %arg12[%swap3A_358, %swap3A_359] {strides = array<i32>} : memref<2x128xi32, #tpu.memory_space<vmem>>, vector<16xi32>,
          tpu.vector_store %arg12[%swap3A_358, %swap3A_359], %get3A_356 {strides = array<i32>} : memref<2x128xi32, #tpu.memory_space<vmem>>, vector<16xi32>,
          %mul3A_361 = arith.constant 128 : i32
          %mul3A_362 = arith.muli %add3A_330, %mul3A_361 : i32
          %add3A_363 = arith.constant 48 : i32
          %add3A_364 = arith.addi %mul3A_362, %add3A_363 : i32
          %get3A_365 = arith.index_cast %add3A_364 : i32 to index
          %get3A_366 = tpu.vector_load %arg8[%get3A_365] {strides = array<i32>} : memref<12960xi32, #tpu.memory_space<vmem>>, vector<16xi32>,
          %swap3A_367 = arith.constant 1 : i32
          %swap3A_368 = arith.index_cast %swap3A_367 : i32 to index
          %swap3A_369 = arith.constant 48 : index
          %swap3A_370 = tpu.vector_load %arg12[%swap3A_368, %swap3A_369] {strides = array<i32>} : memref<2x128xi32, #tpu.memory_space<vmem>>, vector<16xi32>,
          tpu.vector_store %arg12[%swap3A_368, %swap3A_369], %get3A_366 {strides = array<i32>} : memref<2x128xi32, #tpu.memory_space<vmem>>, vector<16xi32>,
          %mul3A_371 = arith.constant 128 : i32
          %mul3A_372 = arith.muli %add3A_330, %mul3A_371 : i32
          %add3A_373 = arith.constant 64 : i32
          %add3A_374 = arith.addi %mul3A_372, %add3A_373 : i32
          %get3A_375 = arith.index_cast %add3A_374 : i32 to index
          %get3A_376 = tpu.vector_load %arg8[%get3A_375] {strides = array<i32>} : memref<12960xi32, #tpu.memory_space<vmem>>, vector<16xi32>,
          %swap3A_377 = arith.constant 1 : i32
          %swap3A_378 = arith.index_cast %swap3A_377 : i32 to index
          %swap3A_379 = arith.constant 64 : index
          %swap3A_380 = tpu.vector_load %arg12[%swap3A_378, %swap3A_379] {strides = array<i32>} : memref<2x128xi32, #tpu.memory_space<vmem>>, vector<16xi32>,
          tpu.vector_store %arg12[%swap3A_378, %swap3A_379], %get3A_376 {strides = array<i32>} : memref<2x128xi32, #tpu.memory_space<vmem>>, vector<16xi32>,
          %mul3A_381 = arith.constant 128 : i32
          %mul3A_382 = arith.muli %add3A_330, %mul3A_381 : i32
          %add3A_383 = arith.constant 80 : i32
          %add3A_384 = arith.addi %mul3A_382, %add3A_383 : i32
          %get3A_385 = arith.index_cast %add3A_384 : i32 to index
          %get3A_386 = tpu.vector_load %arg8[%get3A_385] {strides = array<i32>} : memref<12960xi32, #tpu.memory_space<vmem>>, vector<16xi32>,
          %swap3A_387 = arith.constant 1 : i32
          %swap3A_388 = arith.index_cast %swap3A_387 : i32 to index
          %swap3A_389 = arith.constant 80 : index
          %swap3A_390 = tpu.vector_load %arg12[%swap3A_388, %swap3A_389] {strides = array<i32>} : memref<2x128xi32, #tpu.memory_space<vmem>>, vector<16xi32>,
          tpu.vector_store %arg12[%swap3A_388, %swap3A_389], %get3A_386 {strides = array<i32>} : memref<2x128xi32, #tpu.memory_space<vmem>>, vector<16xi32>,
          %mul3A_391 = arith.constant 128 : i32
          %mul3A_392 = arith.muli %add3A_330, %mul3A_391 : i32
          %add3A_393 = arith.constant 96 : i32
          %add3A_394 = arith.addi %mul3A_392, %add3A_393 : i32
          %get3A_395 = arith.index_cast %add3A_394 : i32 to index
          %get3A_396 = tpu.vector_load %arg8[%get3A_395] {strides = array<i32>} : memref<12960xi32, #tpu.memory_space<vmem>>, vector<16xi32>,
          %swap3A_397 = arith.constant 1 : i32
          %swap3A_398 = arith.index_cast %swap3A_397 : i32 to index
          %swap3A_399 = arith.constant 96 : index
          %swap3A_400 = tpu.vector_load %arg12[%swap3A_398, %swap3A_399] {strides = array<i32>} : memref<2x128xi32, #tpu.memory_space<vmem>>, vector<16xi32>,
          tpu.vector_store %arg12[%swap3A_398, %swap3A_399], %get3A_396 {strides = array<i32>} : memref<2x128xi32, #tpu.memory_space<vmem>>, vector<16xi32>,
          %mul3A_401 = arith.constant 128 : i32
          %mul3A_402 = arith.muli %add3A_330, %mul3A_401 : i32
          %add3A_403 = arith.constant 112 : i32
          %add3A_404 = arith.addi %mul3A_402, %add3A_403 : i32
          %get3A_405 = arith.index_cast %add3A_404 : i32 to index
          %get3A_406 = tpu.vector_load %arg8[%get3A_405] {strides = array<i32>} : memref<12960xi32, #tpu.memory_space<vmem>>, vector<16xi32>,
          %swap3A_407 = arith.constant 1 : i32
          %swap3A_408 = arith.index_cast %swap3A_407 : i32 to index
          %swap3A_409 = arith.constant 112 : index
          %swap3A_410 = tpu.vector_load %arg12[%swap3A_408, %swap3A_409] {strides = array<i32>} : memref<2x128xi32, #tpu.memory_space<vmem>>, vector<16xi32>,
          tpu.vector_store %arg12[%swap3A_408, %swap3A_409], %get3A_406 {strides = array<i32>} : memref<2x128xi32, #tpu.memory_space<vmem>>, vector<16xi32>,
          %dma_start3A_411 = arith.constant 1 : i32
          %dma_start3A_412 = arith.constant 1 : i32
          %dma_start3A_413 = arith.constant 0 : i32
          %dma_start3A_414 = arith.constant 0 : i32
          %dma_start3A_415 = tpu.memref_slice %arg11[%dma_start3A_411, %dma_start3A_413, %dma_start3A_414] : memref<2x128x32xf32, #tpu.memory_space<vmem>> -> memref<1x128x32xf32, #tpu.memory_space<vmem>>
          %dma_start3A_416 = tpu.memref_squeeze %dma_start3A_415 : memref<1x128x32xf32, #tpu.memory_space<vmem>> -> memref<128x32xf32, #tpu.memory_space<vmem>>
          %dma_start3A_417 = arith.constant 0 : i32
          %dma_start3A_418 = tpu.memref_slice %arg12[%dma_start3A_412, %dma_start3A_417] : memref<2x128xi32, #tpu.memory_space<vmem>> -> memref<1x128xi32, #tpu.memory_space<vmem>>
          %dma_start3A_419 = tpu.memref_squeeze %dma_start3A_418 : memref<1x128xi32, #tpu.memory_space<vmem>> -> memref<128xi32, #tpu.memory_space<vmem>>
          %dma_start3A_420 = arith.constant 0 : i32
          %dma_start3A_421 = arith.constant 0 : i32
          %dma_start3A_422 = tpu.memref_slice %arg5[%dma_start3A_420, %dma_start3A_421] : memref<819200x32xf32, #tpu.memory_space<hbm>> -> memref<819200x32xf32, #tpu.memory_space<hbm>>
          tpu.enqueue_indirect_dma source(%dma_start3A_416 : memref<128x32xf32, #tpu.memory_space<vmem>>) target(%dma_start3A_422 : memref<819200x32xf32, #tpu.memory_space<hbm>>) offsets(%dma_start3A_419 : memref<128xi32, #tpu.memory_space<vmem>>) semaphore(%arg14 : memref<!tpu.dma_semaphore, #tpu.memory_space<semaphore_mem>>)
          %dma_wait3A_423 = arith.constant 1 : i32
          %dma_wait3A_424 = arith.constant 1 : i32
          %dma_wait3A_425 = arith.constant 0 : i32
          %dma_wait3A_426 = arith.constant 0 : i32
          %dma_wait3A_427 = tpu.memref_slice %arg11[%dma_wait3A_423, %dma_wait3A_425, %dma_wait3A_426] : memref<2x128x32xf32, #tpu.memory_space<vmem>> -> memref<1x128x32xf32, #tpu.memory_space<vmem>>
          %dma_wait3A_428 = tpu.memref_squeeze %dma_wait3A_427 : memref<1x128x32xf32, #tpu.memory_space<vmem>> -> memref<128x32xf32, #tpu.memory_space<vmem>>
          %dma_wait3A_429 = arith.constant 0 : i32
          %dma_wait3A_430 = tpu.memref_slice %arg12[%dma_wait3A_424, %dma_wait3A_429] : memref<2x128xi32, #tpu.memory_space<vmem>> -> memref<1x128xi32, #tpu.memory_space<vmem>>
          %dma_wait3A_431 = tpu.memref_squeeze %dma_wait3A_430 : memref<1x128xi32, #tpu.memory_space<vmem>> -> memref<128xi32, #tpu.memory_space<vmem>>
          %dma_wait3A_432 = arith.constant 0 : i32
          %dma_wait3A_433 = arith.constant 0 : i32
          %dma_wait3A_434 = tpu.memref_slice %arg5[%dma_wait3A_432, %dma_wait3A_433] : memref<819200x32xf32, #tpu.memory_space<hbm>> -> memref<819200x32xf32, #tpu.memory_space<hbm>>
          tpu.wait_indirect_dma semaphore(%arg14 : memref<!tpu.dma_semaphore, #tpu.memory_space<semaphore_mem>>) src(%dma_wait3A_428 : memref<128x32xf32, #tpu.memory_space<vmem>>) dst(%dma_wait3A_434 : memref<819200x32xf32, #tpu.memory_space<hbm>>)
        } else {
        }
        %dma_wait3A_295 = arith.constant 0 : i32
        %dma_wait3A_296 = arith.constant 0 : i32
        %dma_wait3A_297 = arith.constant 0 : i32
        %dma_wait3A_298 = arith.constant 0 : i32
        %dma_wait3A_299 = tpu.memref_slice %arg11[%dma_wait3A_295, %dma_wait3A_297, %dma_wait3A_298] : memref<2x128x32xf32, #tpu.memory_space<vmem>> -> memref<1x128x32xf32, #tpu.memory_space<vmem>>
        %dma_wait3A_300 = tpu.memref_squeeze %dma_wait3A_299 : memref<1x128x32xf32, #tpu.memory_space<vmem>> -> memref<128x32xf32, #tpu.memory_space<vmem>>
        %dma_wait3A_301 = arith.constant 0 : i32
        %dma_wait3A_302 = tpu.memref_slice %arg12[%dma_wait3A_296, %dma_wait3A_301] : memref<2x128xi32, #tpu.memory_space<vmem>> -> memref<1x128xi32, #tpu.memory_space<vmem>>
        %dma_wait3A_303 = tpu.memref_squeeze %dma_wait3A_302 : memref<1x128xi32, #tpu.memory_space<vmem>> -> memref<128xi32, #tpu.memory_space<vmem>>
        %dma_wait3A_304 = arith.constant 0 : i32
        %dma_wait3A_305 = arith.constant 0 : i32
        %dma_wait3A_306 = tpu.memref_slice %arg5[%dma_wait3A_304, %dma_wait3A_305] : memref<819200x32xf32, #tpu.memory_space<hbm>> -> memref<819200x32xf32, #tpu.memory_space<hbm>>
        tpu.wait_indirect_dma semaphore(%arg14 : memref<!tpu.dma_semaphore, #tpu.memory_space<semaphore_mem>>) src(%dma_wait3A_300 : memref<128x32xf32, #tpu.memory_space<vmem>>) dst(%dma_wait3A_306 : memref<819200x32xf32, #tpu.memory_space<hbm>>)
      }
      %while3A_175 = arith.constant 1 : i32
      scf.for %while3A_176 = %while3A_173 to %while3A_169 step %while3A_175  : i32 {
        %mul3A_177 = arith.constant 2 : i32
        %mul3A_178 = arith.muli %while3A_176, %mul3A_177 : i32
        %mul3A_179 = arith.constant 128 : i32
        %mul3A_180 = arith.muli %mul3A_178, %mul3A_179 : i32
        %dma_start3A = arith.constant 0 : i32
        %dma_start3A_181 = arith.constant 0 : i32
        %dma_start3A_182 = arith.constant 0 : i32
        %dma_start3A_183 = tpu.memref_slice %arg11[%dma_start3A, %dma_start3A_181, %dma_start3A_182] : memref<2x128x32xf32, #tpu.memory_space<vmem>> -> memref<1x128x32xf32, #tpu.memory_space<vmem>>
        %dma_start3A_184 = tpu.memref_squeeze %dma_start3A_183 : memref<1x128x32xf32, #tpu.memory_space<vmem>> -> memref<128x32xf32, #tpu.memory_space<vmem>>
        %dma_start3A_185 = tpu.memref_slice %arg7[%mul3A_180] : memref<12960xi32, #tpu.memory_space<vmem>> -> memref<128xi32, #tpu.memory_space<vmem>>
        %dma_start3A_186 = arith.constant 0 : i32
        %dma_start3A_187 = arith.constant 0 : i32
        %dma_start3A_188 = tpu.memref_slice %arg3[%dma_start3A_186, %dma_start3A_187] : memref<500000x32xf32, #tpu.memory_space<hbm>> -> memref<500000x32xf32, #tpu.memory_space<hbm>>
        tpu.enqueue_indirect_dma source(%dma_start3A_188 : memref<500000x32xf32, #tpu.memory_space<hbm>>) target(%dma_start3A_184 : memref<128x32xf32, #tpu.memory_space<vmem>>) offsets(%dma_start3A_185 : memref<128xi32, #tpu.memory_space<vmem>>) semaphore(%arg13 : memref<!tpu.dma_semaphore, #tpu.memory_space<semaphore_mem>>)
        %dma_wait3A = arith.constant 0 : i32
        %dma_wait3A_189 = arith.constant 0 : i32
        %dma_wait3A_190 = arith.constant 0 : i32
        %dma_wait3A_191 = tpu.memref_slice %arg11[%dma_wait3A, %dma_wait3A_189, %dma_wait3A_190] : memref<2x128x32xf32, #tpu.memory_space<vmem>> -> memref<1x128x32xf32, #tpu.memory_space<vmem>>
        %dma_wait3A_192 = tpu.memref_squeeze %dma_wait3A_191 : memref<1x128x32xf32, #tpu.memory_space<vmem>> -> memref<128x32xf32, #tpu.memory_space<vmem>>
        %dma_wait3A_193 = tpu.memref_slice %arg7[%mul3A_180] : memref<12960xi32, #tpu.memory_space<vmem>> -> memref<128xi32, #tpu.memory_space<vmem>>
        %dma_wait3A_194 = arith.constant 0 : i32
        %dma_wait3A_195 = arith.constant 0 : i32
        %dma_wait3A_196 = tpu.memref_slice %arg3[%dma_wait3A_194, %dma_wait3A_195] : memref<500000x32xf32, #tpu.memory_space<hbm>> -> memref<500000x32xf32, #tpu.memory_space<hbm>>
        tpu.wait_indirect_dma semaphore(%arg13 : memref<!tpu.dma_semaphore, #tpu.memory_space<semaphore_mem>>) src(%dma_wait3A_196 : memref<500000x32xf32, #tpu.memory_space<hbm>>) dst(%dma_wait3A_192 : memref<128x32xf32, #tpu.memory_space<vmem>>)
        %mul3A_197 = arith.constant 128 : i32
        %mul3A_198 = arith.muli %mul3A_178, %mul3A_197 : i32
        %add3A_199 = arith.constant 0 : i32
        %add3A_200 = arith.addi %mul3A_198, %add3A_199 : i32
        %get3A_201 = arith.index_cast %add3A_200 : i32 to index
        %get3A_202 = tpu.vector_load %arg8[%get3A_201] {strides = array<i32>} : memref<12960xi32, #tpu.memory_space<vmem>>, vector<16xi32>,
        %swap3A_203 = arith.constant 0 : i32
        %swap3A_204 = arith.index_cast %swap3A_203 : i32 to index
        %swap3A_205 = arith.constant 0 : index
        %swap3A_206 = tpu.vector_load %arg12[%swap3A_204, %swap3A_205] {strides = array<i32>} : memref<2x128xi32, #tpu.memory_space<vmem>>, vector<16xi32>,
        tpu.vector_store %arg12[%swap3A_204, %swap3A_205], %get3A_202 {strides = array<i32>} : memref<2x128xi32, #tpu.memory_space<vmem>>, vector<16xi32>,
        %mul3A_207 = arith.constant 128 : i32
        %mul3A_208 = arith.muli %mul3A_178, %mul3A_207 : i32
        %add3A_209 = arith.constant 16 : i32
        %add3A_210 = arith.addi %mul3A_208, %add3A_209 : i32
        %get3A_211 = arith.index_cast %add3A_210 : i32 to index
        %get3A_212 = tpu.vector_load %arg8[%get3A_211] {strides = array<i32>} : memref<12960xi32, #tpu.memory_space<vmem>>, vector<16xi32>,
        %swap3A_213 = arith.constant 0 : i32
        %swap3A_214 = arith.index_cast %swap3A_213 : i32 to index
        %swap3A_215 = arith.constant 16 : index
        %swap3A_216 = tpu.vector_load %arg12[%swap3A_214, %swap3A_215] {strides = array<i32>} : memref<2x128xi32, #tpu.memory_space<vmem>>, vector<16xi32>,
        tpu.vector_store %arg12[%swap3A_214, %swap3A_215], %get3A_212 {strides = array<i32>} : memref<2x128xi32, #tpu.memory_space<vmem>>, vector<16xi32>,
        %mul3A_217 = arith.constant 128 : i32
        %mul3A_218 = arith.muli %mul3A_178, %mul3A_217 : i32
        %add3A_219 = arith.constant 32 : i32
        %add3A_220 = arith.addi %mul3A_218, %add3A_219 : i32
        %get3A_221 = arith.index_cast %add3A_220 : i32 to index
        %get3A_222 = tpu.vector_load %arg8[%get3A_221] {strides = array<i32>} : memref<12960xi32, #tpu.memory_space<vmem>>, vector<16xi32>,
        %swap3A_223 = arith.constant 0 : i32
        %swap3A_224 = arith.index_cast %swap3A_223 : i32 to index
        %swap3A_225 = arith.constant 32 : index
        %swap3A_226 = tpu.vector_load %arg12[%swap3A_224, %swap3A_225] {strides = array<i32>} : memref<2x128xi32, #tpu.memory_space<vmem>>, vector<16xi32>,
        tpu.vector_store %arg12[%swap3A_224, %swap3A_225], %get3A_222 {strides = array<i32>} : memref<2x128xi32, #tpu.memory_space<vmem>>, vector<16xi32>,
        %mul3A_227 = arith.constant 128 : i32
        %mul3A_228 = arith.muli %mul3A_178, %mul3A_227 : i32
        %add3A_229 = arith.constant 48 : i32
        %add3A_230 = arith.addi %mul3A_228, %add3A_229 : i32
        %get3A_231 = arith.index_cast %add3A_230 : i32 to index
        %get3A_232 = tpu.vector_load %arg8[%get3A_231] {strides = array<i32>} : memref<12960xi32, #tpu.memory_space<vmem>>, vector<16xi32>,
        %swap3A_233 = arith.constant 0 : i32
        %swap3A_234 = arith.index_cast %swap3A_233 : i32 to index
        %swap3A_235 = arith.constant 48 : index
        %swap3A_236 = tpu.vector_load %arg12[%swap3A_234, %swap3A_235] {strides = array<i32>} : memref<2x128xi32, #tpu.memory_space<vmem>>, vector<16xi32>,
        tpu.vector_store %arg12[%swap3A_234, %swap3A_235], %get3A_232 {strides = array<i32>} : memref<2x128xi32, #tpu.memory_space<vmem>>, vector<16xi32>,
        %mul3A_237 = arith.constant 128 : i32
        %mul3A_238 = arith.muli %mul3A_178, %mul3A_237 : i32
        %add3A_239 = arith.constant 64 : i32
        %add3A_240 = arith.addi %mul3A_238, %add3A_239 : i32
        %get3A_241 = arith.index_cast %add3A_240 : i32 to index
        %get3A_242 = tpu.vector_load %arg8[%get3A_241] {strides = array<i32>} : memref<12960xi32, #tpu.memory_space<vmem>>, vector<16xi32>,
        %swap3A_243 = arith.constant 0 : i32
        %swap3A_244 = arith.index_cast %swap3A_243 : i32 to index
        %swap3A_245 = arith.constant 64 : index
        %swap3A_246 = tpu.vector_load %arg12[%swap3A_244, %swap3A_245] {strides = array<i32>} : memref<2x128xi32, #tpu.memory_space<vmem>>, vector<16xi32>,
        tpu.vector_store %arg12[%swap3A_244, %swap3A_245], %get3A_242 {strides = array<i32>} : memref<2x128xi32, #tpu.memory_space<vmem>>, vector<16xi32>,
        %mul3A_247 = arith.constant 128 : i32
        %mul3A_248 = arith.muli %mul3A_178, %mul3A_247 : i32
        %add3A_249 = arith.constant 80 : i32
        %add3A_250 = arith.addi %mul3A_248, %add3A_249 : i32
        %get3A_251 = arith.index_cast %add3A_250 : i32 to index
        %get3A_252 = tpu.vector_load %arg8[%get3A_251] {strides = array<i32>} : memref<12960xi32, #tpu.memory_space<vmem>>, vector<16xi32>,
        %swap3A_253 = arith.constant 0 : i32
        %swap3A_254 = arith.index_cast %swap3A_253 : i32 to index
        %swap3A_255 = arith.constant 80 : index
        %swap3A_256 = tpu.vector_load %arg12[%swap3A_254, %swap3A_255] {strides = array<i32>} : memref<2x128xi32, #tpu.memory_space<vmem>>, vector<16xi32>,
        tpu.vector_store %arg12[%swap3A_254, %swap3A_255], %get3A_252 {strides = array<i32>} : memref<2x128xi32, #tpu.memory_space<vmem>>, vector<16xi32>,
        %mul3A_257 = arith.constant 128 : i32
        %mul3A_258 = arith.muli %mul3A_178, %mul3A_257 : i32
        %add3A_259 = arith.constant 96 : i32
        %add3A_260 = arith.addi %mul3A_258, %add3A_259 : i32
        %get3A_261 = arith.index_cast %add3A_260 : i32 to index
        %get3A_262 = tpu.vector_load %arg8[%get3A_261] {strides = array<i32>} : memref<12960xi32, #tpu.memory_space<vmem>>, vector<16xi32>,
        %swap3A_263 = arith.constant 0 : i32
        %swap3A_264 = arith.index_cast %swap3A_263 : i32 to index
        %swap3A_265 = arith.constant 96 : index
        %swap3A_266 = tpu.vector_load %arg12[%swap3A_264, %swap3A_265] {strides = array<i32>} : memref<2x128xi32, #tpu.memory_space<vmem>>, vector<16xi32>,
        tpu.vector_store %arg12[%swap3A_264, %swap3A_265], %get3A_262 {strides = array<i32>} : memref<2x128xi32, #tpu.memory_space<vmem>>, vector<16xi32>,
        %mul3A_267 = arith.constant 128 : i32
        %mul3A_268 = arith.muli %mul3A_178, %mul3A_267 : i32
        %add3A_269 = arith.constant 112 : i32
        %add3A_270 = arith.addi %mul3A_268, %add3A_269 : i32
        %get3A_271 = arith.index_cast %add3A_270 : i32 to index
        %get3A_272 = tpu.vector_load %arg8[%get3A_271] {strides = array<i32>} : memref<12960xi32, #tpu.memory_space<vmem>>, vector<16xi32>,
        %swap3A_273 = arith.constant 0 : i32
        %swap3A_274 = arith.index_cast %swap3A_273 : i32 to index
        %swap3A_275 = arith.constant 112 : index
        %swap3A_276 = tpu.vector_load %arg12[%swap3A_274, %swap3A_275] {strides = array<i32>} : memref<2x128xi32, #tpu.memory_space<vmem>>, vector<16xi32>,
        tpu.vector_store %arg12[%swap3A_274, %swap3A_275], %get3A_272 {strides = array<i32>} : memref<2x128xi32, #tpu.memory_space<vmem>>, vector<16xi32>,
        %dma_start3A_277 = arith.constant 0 : i32
        %dma_start3A_278 = arith.constant 0 : i32
        %dma_start3A_279 = arith.constant 0 : i32
        %dma_start3A_280 = arith.constant 0 : i32
        %dma_start3A_281 = tpu.memref_slice %arg11[%dma_start3A_277, %dma_start3A_279, %dma_start3A_280] : memref<2x128x32xf32, #tpu.memory_space<vmem>> -> memref<1x128x32xf32, #tpu.memory_space<vmem>>
        %dma_start3A_282 = tpu.memref_squeeze %dma_start3A_281 : memref<1x128x32xf32, #tpu.memory_space<vmem>> -> memref<128x32xf32, #tpu.memory_space<vmem>>
        %dma_start3A_283 = arith.constant 0 : i32
        %dma_start3A_284 = tpu.memref_slice %arg12[%dma_start3A_278, %dma_start3A_283] : memref<2x128xi32, #tpu.memory_space<vmem>> -> memref<1x128xi32, #tpu.memory_space<vmem>>
        %dma_start3A_285 = tpu.memref_squeeze %dma_start3A_284 : memref<1x128xi32, #tpu.memory_space<vmem>> -> memref<128xi32, #tpu.memory_space<vmem>>
        %dma_start3A_286 = arith.constant 0 : i32
        %dma_start3A_287 = arith.constant 0 : i32
        %dma_start3A_288 = tpu.memref_slice %arg5[%dma_start3A_286, %dma_start3A_287] : memref<819200x32xf32, #tpu.memory_space<hbm>> -> memref<819200x32xf32, #tpu.memory_space<hbm>>
        tpu.enqueue_indirect_dma source(%dma_start3A_282 : memref<128x32xf32, #tpu.memory_space<vmem>>) target(%dma_start3A_288 : memref<819200x32xf32, #tpu.memory_space<hbm>>) offsets(%dma_start3A_285 : memref<128xi32, #tpu.memory_space<vmem>>) semaphore(%arg14 : memref<!tpu.dma_semaphore, #tpu.memory_space<semaphore_mem>>)
        %add3A_289 = arith.constant 1 : i32
        %add3A_290 = arith.addi %mul3A_178, %add3A_289 : i32
        %lt3A_291 = arith.cmpi slt, %add3A_290, %select_n3A_140 : i32
        %convert_element_type3A_292 = arith.extui %lt3A_291 : i1 to i32
        %cond3A_293 = arith.constant 0 : i32
        %cond3A_294 = arith.cmpi ne, %convert_element_type3A_292, %cond3A_293 : i32
        scf.if %cond3A_294 {
          %add3A_307 = arith.constant 1 : i32
          %add3A_308 = arith.addi %mul3A_178, %add3A_307 : i32
          %mul3A_309 = arith.constant 128 : i32
          %mul3A_310 = arith.muli %add3A_308, %mul3A_309 : i32
          %dma_start3A_311 = arith.constant 1 : i32
          %dma_start3A_312 = arith.constant 0 : i32
          %dma_start3A_313 = arith.constant 0 : i32
          %dma_start3A_314 = tpu.memref_slice %arg11[%dma_start3A_311, %dma_start3A_312, %dma_start3A_313] : memref<2x128x32xf32, #tpu.memory_space<vmem>> -> memref<1x128x32xf32, #tpu.memory_space<vmem>>
          %dma_start3A_315 = tpu.memref_squeeze %dma_start3A_314 : memref<1x128x32xf32, #tpu.memory_space<vmem>> -> memref<128x32xf32, #tpu.memory_space<vmem>>
          %dma_start3A_316 = tpu.memref_slice %arg7[%mul3A_310] : memref<12960xi32, #tpu.memory_space<vmem>> -> memref<128xi32, #tpu.memory_space<vmem>>
          %dma_start3A_317 = arith.constant 0 : i32
          %dma_start3A_318 = arith.constant 0 : i32
          %dma_start3A_319 = tpu.memref_slice %arg3[%dma_start3A_317, %dma_start3A_318] : memref<500000x32xf32, #tpu.memory_space<hbm>> -> memref<500000x32xf32, #tpu.memory_space<hbm>>
          tpu.enqueue_indirect_dma source(%dma_start3A_319 : memref<500000x32xf32, #tpu.memory_space<hbm>>) target(%dma_start3A_315 : memref<128x32xf32, #tpu.memory_space<vmem>>) offsets(%dma_start3A_316 : memref<128xi32, #tpu.memory_space<vmem>>) semaphore(%arg13 : memref<!tpu.dma_semaphore, #tpu.memory_space<semaphore_mem>>)
          %dma_wait3A_320 = arith.constant 1 : i32
          %dma_wait3A_321 = arith.constant 0 : i32
          %dma_wait3A_322 = arith.constant 0 : i32
          %dma_wait3A_323 = tpu.memref_slice %arg11[%dma_wait3A_320, %dma_wait3A_321, %dma_wait3A_322] : memref<2x128x32xf32, #tpu.memory_space<vmem>> -> memref<1x128x32xf32, #tpu.memory_space<vmem>>
          %dma_wait3A_324 = tpu.memref_squeeze %dma_wait3A_323 : memref<1x128x32xf32, #tpu.memory_space<vmem>> -> memref<128x32xf32, #tpu.memory_space<vmem>>
          %dma_wait3A_325 = tpu.memref_slice %arg7[%mul3A_310] : memref<12960xi32, #tpu.memory_space<vmem>> -> memref<128xi32, #tpu.memory_space<vmem>>
          %dma_wait3A_326 = arith.constant 0 : i32
          %dma_wait3A_327 = arith.constant 0 : i32
          %dma_wait3A_328 = tpu.memref_slice %arg3[%dma_wait3A_326, %dma_wait3A_327] : memref<500000x32xf32, #tpu.memory_space<hbm>> -> memref<500000x32xf32, #tpu.memory_space<hbm>>
          tpu.wait_indirect_dma semaphore(%arg13 : memref<!tpu.dma_semaphore, #tpu.memory_space<semaphore_mem>>) src(%dma_wait3A_328 : memref<500000x32xf32, #tpu.memory_space<hbm>>) dst(%dma_wait3A_324 : memref<128x32xf32, #tpu.memory_space<vmem>>)
          %add3A_329 = arith.constant 1 : i32
          %add3A_330 = arith.addi %mul3A_178, %add3A_329 : i32
          %mul3A_331 = arith.constant 128 : i32
          %mul3A_332 = arith.muli %add3A_330, %mul3A_331 : i32
          %add3A_333 = arith.constant 0 : i32
          %add3A_334 = arith.addi %mul3A_332, %add3A_333 : i32
          %get3A_335 = arith.index_cast %add3A_334 : i32 to index
          %get3A_336 = tpu.vector_load %arg8[%get3A_335] {strides = array<i32>} : memref<12960xi32, #tpu.memory_space<vmem>>, vector<16xi32>,
          %swap3A_337 = arith.constant 1 : i32
          %swap3A_338 = arith.index_cast %swap3A_337 : i32 to index
          %swap3A_339 = arith.constant 0 : index
          %swap3A_340 = tpu.vector_load %arg12[%swap3A_338, %swap3A_339] {strides = array<i32>} : memref<2x128xi32, #tpu.memory_space<vmem>>, vector<16xi32>,
          tpu.vector_store %arg12[%swap3A_338, %swap3A_339], %get3A_336 {strides = array<i32>} : memref<2x128xi32, #tpu.memory_space<vmem>>, vector<16xi32>,
          %mul3A_341 = arith.constant 128 : i32
          %mul3A_342 = arith.muli %add3A_330, %mul3A_341 : i32
          %add3A_343 = arith.constant 16 : i32
          %add3A_344 = arith.addi %mul3A_342, %add3A_343 : i32
          %get3A_345 = arith.index_cast %add3A_344 : i32 to index
          %get3A_346 = tpu.vector_load %arg8[%get3A_345] {strides = array<i32>} : memref<12960xi32, #tpu.memory_space<vmem>>, vector<16xi32>,
          %swap3A_347 = arith.constant 1 : i32
          %swap3A_348 = arith.index_cast %swap3A_347 : i32 to index
          %swap3A_349 = arith.constant 16 : index
          %swap3A_350 = tpu.vector_load %arg12[%swap3A_348, %swap3A_349] {strides = array<i32>} : memref<2x128xi32, #tpu.memory_space<vmem>>, vector<16xi32>,
          tpu.vector_store %arg12[%swap3A_348, %swap3A_349], %get3A_346 {strides = array<i32>} : memref<2x128xi32, #tpu.memory_space<vmem>>, vector<16xi32>,
          %mul3A_351 = arith.constant 128 : i32
          %mul3A_352 = arith.muli %add3A_330, %mul3A_351 : i32
          %add3A_353 = arith.constant 32 : i32
          %add3A_354 = arith.addi %mul3A_352, %add3A_353 : i32
          %get3A_355 = arith.index_cast %add3A_354 : i32 to index
          %get3A_356 = tpu.vector_load %arg8[%get3A_355] {strides = array<i32>} : memref<12960xi32, #tpu.memory_space<vmem>>, vector<16xi32>,
          %swap3A_357 = arith.constant 1 : i32
          %swap3A_358 = arith.index_cast %swap3A_357 : i32 to index
          %swap3A_359 = arith.constant 32 : index
          %swap3A_360 = tpu.vector_load %arg12[%swap3A_358, %swap3A_359] {strides = array<i32>} : memref<2x128xi32, #tpu.memory_space<vmem>>, vector<16xi32>,
          tpu.vector_store %arg12[%swap3A_358, %swap3A_359], %get3A_356 {strides = array<i32>} : memref<2x128xi32, #tpu.memory_space<vmem>>, vector<16xi32>,
          %mul3A_361 = arith.constant 128 : i32
          %mul3A_362 = arith.muli %add3A_330, %mul3A_361 : i32
          %add3A_363 = arith.constant 48 : i32
          %add3A_364 = arith.addi %mul3A_362, %add3A_363 : i32
          %get3A_365 = arith.index_cast %add3A_364 : i32 to index
          %get3A_366 = tpu.vector_load %arg8[%get3A_365] {strides = array<i32>} : memref<12960xi32, #tpu.memory_space<vmem>>, vector<16xi32>,
          %swap3A_367 = arith.constant 1 : i32
          %swap3A_368 = arith.index_cast %swap3A_367 : i32 to index
          %swap3A_369 = arith.constant 48 : index
          %swap3A_370 = tpu.vector_load %arg12[%swap3A_368, %swap3A_369] {strides = array<i32>} : memref<2x128xi32, #tpu.memory_space<vmem>>, vector<16xi32>,
          tpu.vector_store %arg12[%swap3A_368, %swap3A_369], %get3A_366 {strides = array<i32>} : memref<2x128xi32, #tpu.memory_space<vmem>>, vector<16xi32>,
          %mul3A_371 = arith.constant 128 : i32
          %mul3A_372 = arith.muli %add3A_330, %mul3A_371 : i32
          %add3A_373 = arith.constant 64 : i32
          %add3A_374 = arith.addi %mul3A_372, %add3A_373 : i32
          %get3A_375 = arith.index_cast %add3A_374 : i32 to index
          %get3A_376 = tpu.vector_load %arg8[%get3A_375] {strides = array<i32>} : memref<12960xi32, #tpu.memory_space<vmem>>, vector<16xi32>,
          %swap3A_377 = arith.constant 1 : i32
          %swap3A_378 = arith.index_cast %swap3A_377 : i32 to index
          %swap3A_379 = arith.constant 64 : index
          %swap3A_380 = tpu.vector_load %arg12[%swap3A_378, %swap3A_379] {strides = array<i32>} : memref<2x128xi32, #tpu.memory_space<vmem>>, vector<16xi32>,
          tpu.vector_store %arg12[%swap3A_378, %swap3A_379], %get3A_376 {strides = array<i32>} : memref<2x128xi32, #tpu.memory_space<vmem>>, vector<16xi32>,
          %mul3A_381 = arith.constant 128 : i32
          %mul3A_382 = arith.muli %add3A_330, %mul3A_381 : i32
          %add3A_383 = arith.constant 80 : i32
          %add3A_384 = arith.addi %mul3A_382, %add3A_383 : i32
          %get3A_385 = arith.index_cast %add3A_384 : i32 to index
          %get3A_386 = tpu.vector_load %arg8[%get3A_385] {strides = array<i32>} : memref<12960xi32, #tpu.memory_space<vmem>>, vector<16xi32>,
          %swap3A_387 = arith.constant 1 : i32
          %swap3A_388 = arith.index_cast %swap3A_387 : i32 to index
          %swap3A_389 = arith.constant 80 : index
          %swap3A_390 = tpu.vector_load %arg12[%swap3A_388, %swap3A_389] {strides = array<i32>} : memref<2x128xi32, #tpu.memory_space<vmem>>, vector<16xi32>,
          tpu.vector_store %arg12[%swap3A_388, %swap3A_389], %get3A_386 {strides = array<i32>} : memref<2x128xi32, #tpu.memory_space<vmem>>, vector<16xi32>,
          %mul3A_391 = arith.constant 128 : i32
          %mul3A_392 = arith.muli %add3A_330, %mul3A_391 : i32
          %add3A_393 = arith.constant 96 : i32
          %add3A_394 = arith.addi %mul3A_392, %add3A_393 : i32
          %get3A_395 = arith.index_cast %add3A_394 : i32 to index
          %get3A_396 = tpu.vector_load %arg8[%get3A_395] {strides = array<i32>} : memref<12960xi32, #tpu.memory_space<vmem>>, vector<16xi32>,
          %swap3A_397 = arith.constant 1 : i32
          %swap3A_398 = arith.index_cast %swap3A_397 : i32 to index
          %swap3A_399 = arith.constant 96 : index
          %swap3A_400 = tpu.vector_load %arg12[%swap3A_398, %swap3A_399] {strides = array<i32>} : memref<2x128xi32, #tpu.memory_space<vmem>>, vector<16xi32>,
          tpu.vector_store %arg12[%swap3A_398, %swap3A_399], %get3A_396 {strides = array<i32>} : memref<2x128xi32, #tpu.memory_space<vmem>>, vector<16xi32>,
          %mul3A_401 = arith.constant 128 : i32
          %mul3A_402 = arith.muli %add3A_330, %mul3A_401 : i32
          %add3A_403 = arith.constant 112 : i32
          %add3A_404 = arith.addi %mul3A_402, %add3A_403 : i32
          %get3A_405 = arith.index_cast %add3A_404 : i32 to index
          %get3A_406 = tpu.vector_load %arg8[%get3A_405] {strides = array<i32>} : memref<12960xi32, #tpu.memory_space<vmem>>, vector<16xi32>,
          %swap3A_407 = arith.constant 1 : i32
          %swap3A_408 = arith.index_cast %swap3A_407 : i32 to index
          %swap3A_409 = arith.constant 112 : index
          %swap3A_410 = tpu.vector_load %arg12[%swap3A_408, %swap3A_409] {strides = array<i32>} : memref<2x128xi32, #tpu.memory_space<vmem>>, vector<16xi32>,
          tpu.vector_store %arg12[%swap3A_408, %swap3A_409], %get3A_406 {strides = array<i32>} : memref<2x128xi32, #tpu.memory_space<vmem>>, vector<16xi32>,
          %dma_start3A_411 = arith.constant 1 : i32
          %dma_start3A_412 = arith.constant 1 : i32
          %dma_start3A_413 = arith.constant 0 : i32
          %dma_start3A_414 = arith.constant 0 : i32
          %dma_start3A_415 = tpu.memref_slice %arg11[%dma_start3A_411, %dma_start3A_413, %dma_start3A_414] : memref<2x128x32xf32, #tpu.memory_space<vmem>> -> memref<1x128x32xf32, #tpu.memory_space<vmem>>
          %dma_start3A_416 = tpu.memref_squeeze %dma_start3A_415 : memref<1x128x32xf32, #tpu.memory_space<vmem>> -> memref<128x32xf32, #tpu.memory_space<vmem>>
          %dma_start3A_417 = arith.constant 0 : i32
          %dma_start3A_418 = tpu.memref_slice %arg12[%dma_start3A_412, %dma_start3A_417] : memref<2x128xi32, #tpu.memory_space<vmem>> -> memref<1x128xi32, #tpu.memory_space<vmem>>
          %dma_start3A_419 = tpu.memref_squeeze %dma_start3A_418 : memref<1x128xi32, #tpu.memory_space<vmem>> -> memref<128xi32, #tpu.memory_space<vmem>>
          %dma_start3A_420 = arith.constant 0 : i32
          %dma_start3A_421 = arith.constant 0 : i32
          %dma_start3A_422 = tpu.memref_slice %arg5[%dma_start3A_420, %dma_start3A_421] : memref<819200x32xf32, #tpu.memory_space<hbm>> -> memref<819200x32xf32, #tpu.memory_space<hbm>>
          tpu.enqueue_indirect_dma source(%dma_start3A_416 : memref<128x32xf32, #tpu.memory_space<vmem>>) target(%dma_start3A_422 : memref<819200x32xf32, #tpu.memory_space<hbm>>) offsets(%dma_start3A_419 : memref<128xi32, #tpu.memory_space<vmem>>) semaphore(%arg14 : memref<!tpu.dma_semaphore, #tpu.memory_space<semaphore_mem>>)
          %dma_wait3A_423 = arith.constant 1 : i32
          %dma_wait3A_424 = arith.constant 1 : i32
          %dma_wait3A_425 = arith.constant 0 : i32
          %dma_wait3A_426 = arith.constant 0 : i32
          %dma_wait3A_427 = tpu.memref_slice %arg11[%dma_wait3A_423, %dma_wait3A_425, %dma_wait3A_426] : memref<2x128x32xf32, #tpu.memory_space<vmem>> -> memref<1x128x32xf32, #tpu.memory_space<vmem>>
          %dma_wait3A_428 = tpu.memref_squeeze %dma_wait3A_427 : memref<1x128x32xf32, #tpu.memory_space<vmem>> -> memref<128x32xf32, #tpu.memory_space<vmem>>
          %dma_wait3A_429 = arith.constant 0 : i32
          %dma_wait3A_430 = tpu.memref_slice %arg12[%dma_wait3A_424, %dma_wait3A_429] : memref<2x128xi32, #tpu.memory_space<vmem>> -> memref<1x128xi32, #tpu.memory_space<vmem>>
          %dma_wait3A_431 = tpu.memref_squeeze %dma_wait3A_430 : memref<1x128xi32, #tpu.memory_space<vmem>> -> memref<128xi32, #tpu.memory_space<vmem>>
          %dma_wait3A_432 = arith.constant 0 : i32
          %dma_wait3A_433 = arith.constant 0 : i32
          %dma_wait3A_434 = tpu.memref_slice %arg5[%dma_wait3A_432, %dma_wait3A_433] : memref<819200x32xf32, #tpu.memory_space<hbm>> -> memref<819200x32xf32, #tpu.memory_space<hbm>>
          tpu.wait_indirect_dma semaphore(%arg14 : memref<!tpu.dma_semaphore, #tpu.memory_space<semaphore_mem>>) src(%dma_wait3A_428 : memref<128x32xf32, #tpu.memory_space<vmem>>) dst(%dma_wait3A_434 : memref<819200x32xf32, #tpu.memory_space<hbm>>)
        } else {
        }
        %dma_wait3A_295 = arith.constant 0 : i32
        %dma_wait3A_296 = arith.constant 0 : i32
        %dma_wait3A_297 = arith.constant 0 : i32
        %dma_wait3A_298 = arith.constant 0 : i32
        %dma_wait3A_299 = tpu.memref_slice %arg11[%dma_wait3A_295, %dma_wait3A_297, %dma_wait3A_298] : memref<2x128x32xf32, #tpu.memory_space<vmem>> -> memref<1x128x32xf32, #tpu.memory_space<vmem>>
        %dma_wait3A_300 = tpu.memref_squeeze %dma_wait3A_299 : memref<1x128x32xf32, #tpu.memory_space<vmem>> -> memref<128x32xf32, #tpu.memory_space<vmem>>
        %dma_wait3A_301 = arith.constant 0 : i32
        %dma_wait3A_302 = tpu.memref_slice %arg12[%dma_wait3A_296, %dma_wait3A_301] : memref<2x128xi32, #tpu.memory_space<vmem>> -> memref<1x128xi32, #tpu.memory_space<vmem>>
        %dma_wait3A_303 = tpu.memref_squeeze %dma_wait3A_302 : memref<1x128xi32, #tpu.memory_space<vmem>> -> memref<128xi32, #tpu.memory_space<vmem>>
        %dma_wait3A_304 = arith.constant 0 : i32
        %dma_wait3A_305 = arith.constant 0 : i32
        %dma_wait3A_306 = tpu.memref_slice %arg5[%dma_wait3A_304, %dma_wait3A_305] : memref<819200x32xf32, #tpu.memory_space<hbm>> -> memref<819200x32xf32, #tpu.memory_space<hbm>>
        tpu.wait_indirect_dma semaphore(%arg14 : memref<!tpu.dma_semaphore, #tpu.memory_space<semaphore_mem>>) src(%dma_wait3A_300 : memref<128x32xf32, #tpu.memory_space<vmem>>) dst(%dma_wait3A_306 : memref<819200x32xf32, #tpu.memory_space<hbm>>)
      }
    } else {
    }
    %gt3A_34 = arith.constant 0 : i32
    %gt3A_35 = arith.cmpi sgt, %scan3A_27#1, %gt3A_34 : i32
    %convert_element_type3A_36 = arith.extui %gt3A_35 : i1 to i32
    %cond3A_37 = arith.constant 0 : i32
    %cond3A_38 = arith.cmpi ne, %convert_element_type3A_36, %cond3A_37 : i32
    scf.if %cond3A_38 {
      %sub3A = arith.constant 1 : i32
      %sub3A_39 = arith.subi %scan3A_27#1, %sub3A : i32
      %broadcast_in_dim3A = vector.broadcast %sub3A_39 : i32 to vector<16xi32>
      %gather3A = tpu.vector_load_idx %arg9[%broadcast_in_dim3A] : memref<12960xi32, #tpu.memory_space<vmem>>[vector<16xi32>], vector<16xi32>,
      %broadcast_in_dim3A_40 = vector.broadcast %sub3A_39 : i32 to vector<16xi32>
      %gather3A_41 = tpu.vector_load_idx %arg10[%broadcast_in_dim3A_40] : memref<12960xi32, #tpu.memory_space<vmem>>[vector<16xi32>], vector<16xi32>,
      %and3A = arith.constant 15 : i32
      %and3A_42 = arith.andi %scan3A_27#1, %and3A : i32
      %sub3A_43 = arith.subi %scan3A_27#1, %and3A_42 : i32
      %add3A_44 = vector.broadcast %sub3A_43 : i32 to vector<16xi32>
      %add3A_45 = arith.addi %add3A_44, %iota3A : vector<16xi32>
      %lt3A = vector.broadcast %scan3A_27#1 : i32 to vector<16xi32>
      %lt3A_46 = arith.cmpi slt, %add3A_45, %lt3A : vector<16xi32>
      %get3A = arith.index_cast %sub3A_43 : i32 to index
      %get3A_47 = tpu.vector_load %arg9[%get3A] {strides = array<i32>} : memref<12960xi32, #tpu.memory_space<vmem>>, vector<16xi32>,
      %select_n3A = arith.select %lt3A_46, %get3A_47, %gather3A : vector<16xi1>, vector<16xi32>
      %swap3A = arith.index_cast %sub3A_43 : i32 to index
      %swap3A_48 = tpu.vector_load %arg9[%swap3A] {strides = array<i32>} : memref<12960xi32, #tpu.memory_space<vmem>>, vector<16xi32>,
      tpu.vector_store %arg9[%swap3A], %select_n3A {strides = array<i32>} : memref<12960xi32, #tpu.memory_space<vmem>>, vector<16xi32>,
      %get3A_49 = arith.index_cast %sub3A_43 : i32 to index
      %get3A_50 = tpu.vector_load %arg10[%get3A_49] {strides = array<i32>} : memref<12960xi32, #tpu.memory_space<vmem>>, vector<16xi32>,
      %select_n3A_51 = arith.select %lt3A_46, %get3A_50, %gather3A_41 : vector<16xi1>, vector<16xi32>
      %swap3A_52 = arith.index_cast %sub3A_43 : i32 to index
      %swap3A_53 = tpu.vector_load %arg10[%swap3A_52] {strides = array<i32>} : memref<12960xi32, #tpu.memory_space<vmem>>, vector<16xi32>,
      tpu.vector_store %arg10[%swap3A_52], %select_n3A_51 {strides = array<i32>} : memref<12960xi32, #tpu.memory_space<vmem>>, vector<16xi32>,
      %add3A_54 = arith.constant 16 : i32
      %add3A_55 = arith.addi %sub3A_43, %add3A_54 : i32
      %swap3A_56 = arith.index_cast %add3A_55 : i32 to index
      %swap3A_57 = tpu.vector_load %arg9[%swap3A_56] {strides = array<i32>} : memref<12960xi32, #tpu.memory_space<vmem>>, vector<16xi32>,
      tpu.vector_store %arg9[%swap3A_56], %gather3A {strides = array<i32>} : memref<12960xi32, #tpu.memory_space<vmem>>, vector<16xi32>,
      %add3A_58 = arith.constant 16 : i32
      %add3A_59 = arith.addi %sub3A_43, %add3A_58 : i32
      %swap3A_60 = arith.index_cast %add3A_59 : i32 to index
      %swap3A_61 = tpu.vector_load %arg10[%swap3A_60] {strides = array<i32>} : memref<12960xi32, #tpu.memory_space<vmem>>, vector<16xi32>,
      tpu.vector_store %arg10[%swap3A_60], %gather3A_41 {strides = array<i32>} : memref<12960xi32, #tpu.memory_space<vmem>>, vector<16xi32>,
      %add3A_62 = arith.constant 32 : i32
      %add3A_63 = arith.addi %sub3A_43, %add3A_62 : i32
      %swap3A_64 = arith.index_cast %add3A_63 : i32 to index
      %swap3A_65 = tpu.vector_load %arg9[%swap3A_64] {strides = array<i32>} : memref<12960xi32, #tpu.memory_space<vmem>>, vector<16xi32>,
      tpu.vector_store %arg9[%swap3A_64], %gather3A {strides = array<i32>} : memref<12960xi32, #tpu.memory_space<vmem>>, vector<16xi32>,
      %add3A_66 = arith.constant 32 : i32
      %add3A_67 = arith.addi %sub3A_43, %add3A_66 : i32
      %swap3A_68 = arith.index_cast %add3A_67 : i32 to index
      %swap3A_69 = tpu.vector_load %arg10[%swap3A_68] {strides = array<i32>} : memref<12960xi32, #tpu.memory_space<vmem>>, vector<16xi32>,
      tpu.vector_store %arg10[%swap3A_68], %gather3A_41 {strides = array<i32>} : memref<12960xi32, #tpu.memory_space<vmem>>, vector<16xi32>,
      %add3A_70 = arith.constant 48 : i32
      %add3A_71 = arith.addi %sub3A_43, %add3A_70 : i32
      %swap3A_72 = arith.index_cast %add3A_71 : i32 to index
      %swap3A_73 = tpu.vector_load %arg9[%swap3A_72] {strides = array<i32>} : memref<12960xi32, #tpu.memory_space<vmem>>, vector<16xi32>,
      tpu.vector_store %arg9[%swap3A_72], %gather3A {strides = array<i32>} : memref<12960xi32, #tpu.memory_space<vmem>>, vector<16xi32>,
      %add3A_74 = arith.constant 48 : i32
      %add3A_75 = arith.addi %sub3A_43, %add3A_74 : i32
      %swap3A_76 = arith.index_cast %add3A_75 : i32 to index
      %swap3A_77 = tpu.vector_load %arg10[%swap3A_76] {strides = array<i32>} : memref<12960xi32, #tpu.memory_space<vmem>>, vector<16xi32>,
      tpu.vector_store %arg10[%swap3A_76], %gather3A_41 {strides = array<i32>} : memref<12960xi32, #tpu.memory_space<vmem>>, vector<16xi32>,
      %add3A_78 = arith.constant 64 : i32
      %add3A_79 = arith.addi %sub3A_43, %add3A_78 : i32
      %swap3A_80 = arith.index_cast %add3A_79 : i32 to index
      %swap3A_81 = tpu.vector_load %arg9[%swap3A_80] {strides = array<i32>} : memref<12960xi32, #tpu.memory_space<vmem>>, vector<16xi32>,
      tpu.vector_store %arg9[%swap3A_80], %gather3A {strides = array<i32>} : memref<12960xi32, #tpu.memory_space<vmem>>, vector<16xi32>,
      %add3A_82 = arith.constant 64 : i32
      %add3A_83 = arith.addi %sub3A_43, %add3A_82 : i32
      %swap3A_84 = arith.index_cast %add3A_83 : i32 to index
      %swap3A_85 = tpu.vector_load %arg10[%swap3A_84] {strides = array<i32>} : memref<12960xi32, #tpu.memory_space<vmem>>, vector<16xi32>,
      tpu.vector_store %arg10[%swap3A_84], %gather3A_41 {strides = array<i32>} : memref<12960xi32, #tpu.memory_space<vmem>>, vector<16xi32>,
      %add3A_86 = arith.constant 80 : i32
      %add3A_87 = arith.addi %sub3A_43, %add3A_86 : i32
      %swap3A_88 = arith.index_cast %add3A_87 : i32 to index
      %swap3A_89 = tpu.vector_load %arg9[%swap3A_88] {strides = array<i32>} : memref<12960xi32, #tpu.memory_space<vmem>>, vector<16xi32>,
      tpu.vector_store %arg9[%swap3A_88], %gather3A {strides = array<i32>} : memref<12960xi32, #tpu.memory_space<vmem>>, vector<16xi32>,
      %add3A_90 = arith.constant 80 : i32
      %add3A_91 = arith.addi %sub3A_43, %add3A_90 : i32
      %swap3A_92 = arith.index_cast %add3A_91 : i32 to index
      %swap3A_93 = tpu.vector_load %arg10[%swap3A_92] {strides = array<i32>} : memref<12960xi32, #tpu.memory_space<vmem>>, vector<16xi32>,
      tpu.vector_store %arg10[%swap3A_92], %gather3A_41 {strides = array<i32>} : memref<12960xi32, #tpu.memory_space<vmem>>, vector<16xi32>,
      %add3A_94 = arith.constant 96 : i32
      %add3A_95 = arith.addi %sub3A_43, %add3A_94 : i32
      %swap3A_96 = arith.index_cast %add3A_95 : i32 to index
      %swap3A_97 = tpu.vector_load %arg9[%swap3A_96] {strides = array<i32>} : memref<12960xi32, #tpu.memory_space<vmem>>, vector<16xi32>,
      tpu.vector_store %arg9[%swap3A_96], %gather3A {strides = array<i32>} : memref<12960xi32, #tpu.memory_space<vmem>>, vector<16xi32>,
      %add3A_98 = arith.constant 96 : i32
      %add3A_99 = arith.addi %sub3A_43, %add3A_98 : i32
      %swap3A_100 = arith.index_cast %add3A_99 : i32 to index
      %swap3A_101 = tpu.vector_load %arg10[%swap3A_100] {strides = array<i32>} : memref<12960xi32, #tpu.memory_space<vmem>>, vector<16xi32>,
      tpu.vector_store %arg10[%swap3A_100], %gather3A_41 {strides = array<i32>} : memref<12960xi32, #tpu.memory_space<vmem>>, vector<16xi32>,
      %add3A_102 = arith.constant 112 : i32
      %add3A_103 = arith.addi %sub3A_43, %add3A_102 : i32
      %swap3A_104 = arith.index_cast %add3A_103 : i32 to index
      %swap3A_105 = tpu.vector_load %arg9[%swap3A_104] {strides = array<i32>} : memref<12960xi32, #tpu.memory_space<vmem>>, vector<16xi32>,
      tpu.vector_store %arg9[%swap3A_104], %gather3A {strides = array<i32>} : memref<12960xi32, #tpu.memory_space<vmem>>, vector<16xi32>,
      %add3A_106 = arith.constant 112 : i32
      %add3A_107 = arith.addi %sub3A_43, %add3A_106 : i32
      %swap3A_108 = arith.index_cast %add3A_107 : i32 to index
      %swap3A_109 = tpu.vector_load %arg10[%swap3A_108] {strides = array<i32>} : memref<12960xi32, #tpu.memory_space<vmem>>, vector<16xi32>,
      tpu.vector_store %arg10[%swap3A_108], %gather3A_41 {strides = array<i32>} : memref<12960xi32, #tpu.memory_space<vmem>>, vector<16xi32>,
      %add3A_110 = arith.constant 128 : i32
      %add3A_111 = arith.addi %sub3A_43, %add3A_110 : i32
      %swap3A_112 = arith.index_cast %add3A_111 : i32 to index
      %swap3A_113 = tpu.vector_load %arg9[%swap3A_112] {strides = array<i32>} : memref<12960xi32, #tpu.memory_space<vmem>>, vector<16xi32>,
      tpu.vector_store %arg9[%swap3A_112], %gather3A {strides = array<i32>} : memref<12960xi32, #tpu.memory_space<vmem>>, vector<16xi32>,
      %add3A_114 = arith.constant 128 : i32
      %add3A_115 = arith.addi %sub3A_43, %add3A_114 : i32
      %swap3A_116 = arith.index_cast %add3A_115 : i32 to index
      %swap3A_117 = tpu.vector_load %arg10[%swap3A_116] {strides = array<i32>} : memref<12960xi32, #tpu.memory_space<vmem>>, vector<16xi32>,
      tpu.vector_store %arg10[%swap3A_116], %gather3A_41 {strides = array<i32>} : memref<12960xi32, #tpu.memory_space<vmem>>, vector<16xi32>,
      %add3A_118 = arith.constant 128 : i32
      %add3A_119 = arith.addi %scan3A_27#1, %add3A_118 : i32
      %sub3A_120 = arith.constant 1 : i32
      %sub3A_121 = arith.subi %add3A_119, %sub3A_120 : i32
      %jit3A = arith.constant 128 : i32
      %div3A = arith.divsi %sub3A_121, %jit3A : i32
      %sign3A = arith.constant 0 : i32
      %sign3A_122 = arith.cmpi sgt, %sub3A_121, %sign3A : i32
      %sign3A_123 = arith.extui %sign3A_122 : i1 to i32
      %sign3A_124 = arith.constant 0 : i32
      %sign3A_125 = arith.cmpi slt, %sub3A_121, %sign3A_124 : i32
      %sign3A_126 = arith.extui %sign3A_125 : i1 to i32
      %sign3A_127 = arith.subi %sign3A_123, %sign3A_126 : i32
      %sign3A_128 = arith.constant 0 : i32
      %sign3A_129 = arith.cmpi sgt, %jit3A, %sign3A_128 : i32
      %sign3A_130 = arith.extui %sign3A_129 : i1 to i32
      %sign3A_131 = arith.constant 0 : i32
      %sign3A_132 = arith.cmpi slt, %jit3A, %sign3A_131 : i32
      %sign3A_133 = arith.extui %sign3A_132 : i1 to i32
      %sign3A_134 = arith.subi %sign3A_130, %sign3A_133 : i32
      %ne3A = arith.cmpi ne, %sign3A_127, %sign3A_134 : i32
      %rem3A = arith.remsi %sub3A_121, %jit3A : i32
      %ne3A_135 = arith.constant 0 : i32
      %ne3A_136 = arith.cmpi ne, %rem3A, %ne3A_135 : i32
      %and3A_137 = arith.andi %ne3A, %ne3A_136 : i1
      %sub3A_138 = arith.constant 1 : i32
      %sub3A_139 = arith.subi %div3A, %sub3A_138 : i32
      %select_n3A_140 = arith.select %and3A_137, %sub3A_139, %div3A : i32
      %add3A_141 = arith.constant 1 : i32
      %add3A_142 = arith.addi %select_n3A_140, %add3A_141 : i32
      %jit3A_143 = arith.constant 2 : i32
      %div3A_144 = arith.divsi %add3A_142, %jit3A_143 : i32
      %sign3A_145 = arith.constant 0 : i32
      %sign3A_146 = arith.cmpi sgt, %add3A_142, %sign3A_145 : i32
      %sign3A_147 = arith.extui %sign3A_146 : i1 to i32
      %sign3A_148 = arith.constant 0 : i32
      %sign3A_149 = arith.cmpi slt, %add3A_142, %sign3A_148 : i32
      %sign3A_150 = arith.extui %sign3A_149 : i1 to i32
      %sign3A_151 = arith.subi %sign3A_147, %sign3A_150 : i32
      %sign3A_152 = arith.constant 0 : i32
      %sign3A_153 = arith.cmpi sgt, %jit3A_143, %sign3A_152 : i32
      %sign3A_154 = arith.extui %sign3A_153 : i1 to i32
      %sign3A_155 = arith.constant 0 : i32
      %sign3A_156 = arith.cmpi slt, %jit3A_143, %sign3A_155 : i32
      %sign3A_157 = arith.extui %sign3A_156 : i1 to i32
      %sign3A_158 = arith.subi %sign3A_154, %sign3A_157 : i32
      %ne3A_159 = arith.cmpi ne, %sign3A_151, %sign3A_158 : i32
      %rem3A_160 = arith.remsi %add3A_142, %jit3A_143 : i32
      %ne3A_161 = arith.constant 0 : i32
      %ne3A_162 = arith.cmpi ne, %rem3A_160, %ne3A_161 : i32
      %and3A_163 = arith.andi %ne3A_159, %ne3A_162 : i1
      %sub3A_164 = arith.constant 1 : i32
      %sub3A_165 = arith.subi %div3A_144, %sub3A_164 : i32
      %select_n3A_166 = arith.select %and3A_163, %sub3A_165, %div3A_144 : i32
      %while3A = arith.constant 0 : i32
      %while3A_167 = arith.constant 0 : i32
      %while3A_168 = arith.subi %select_n3A_166, %while3A_167 : i32
      %while3A_169 = arith.addi %while3A_167, %while3A_168 : i32
      %while3A_170 = arith.constant 1 : i32
      %while3A_171 = arith.divsi %while3A_168, %while3A_170 : i32
      %while3A_172 = arith.muli %while3A_171, %while3A_170 : i32
      %while3A_173 = arith.addi %while3A_167, %while3A_172 : i32
      %while3A_174 = arith.constant 1 : i32
      scf.for %while3A_176 = %while3A_167 to %while3A_173 step %while3A_174  : i32 {
        %mul3A_177 = arith.constant 2 : i32
        %mul3A_178 = arith.muli %while3A_176, %mul3A_177 : i32
        %mul3A_179 = arith.constant 128 : i32
        %mul3A_180 = arith.muli %mul3A_178, %mul3A_179 : i32
        %dma_start3A = arith.constant 0 : i32
        %dma_start3A_181 = arith.constant 0 : i32
        %dma_start3A_182 = arith.constant 0 : i32
        %dma_start3A_183 = tpu.memref_slice %arg11[%dma_start3A, %dma_start3A_181, %dma_start3A_182] : memref<2x128x32xf32, #tpu.memory_space<vmem>> -> memref<1x128x32xf32, #tpu.memory_space<vmem>>
        %dma_start3A_184 = tpu.memref_squeeze %dma_start3A_183 : memref<1x128x32xf32, #tpu.memory_space<vmem>> -> memref<128x32xf32, #tpu.memory_space<vmem>>
        %dma_start3A_185 = tpu.memref_slice %arg9[%mul3A_180] : memref<12960xi32, #tpu.memory_space<vmem>> -> memref<128xi32, #tpu.memory_space<vmem>>
        %dma_start3A_186 = arith.constant 0 : i32
        %dma_start3A_187 = arith.constant 0 : i32
        %dma_start3A_188 = tpu.memref_slice %arg4[%dma_start3A_186, %dma_start3A_187] : memref<500000x32xf32, #tpu.memory_space<hbm>> -> memref<500000x32xf32, #tpu.memory_space<hbm>>
        tpu.enqueue_indirect_dma source(%dma_start3A_188 : memref<500000x32xf32, #tpu.memory_space<hbm>>) target(%dma_start3A_184 : memref<128x32xf32, #tpu.memory_space<vmem>>) offsets(%dma_start3A_185 : memref<128xi32, #tpu.memory_space<vmem>>) semaphore(%arg13 : memref<!tpu.dma_semaphore, #tpu.memory_space<semaphore_mem>>)
        %dma_wait3A = arith.constant 0 : i32
        %dma_wait3A_189 = arith.constant 0 : i32
        %dma_wait3A_190 = arith.constant 0 : i32
        %dma_wait3A_191 = tpu.memref_slice %arg11[%dma_wait3A, %dma_wait3A_189, %dma_wait3A_190] : memref<2x128x32xf32, #tpu.memory_space<vmem>> -> memref<1x128x32xf32, #tpu.memory_space<vmem>>
        %dma_wait3A_192 = tpu.memref_squeeze %dma_wait3A_191 : memref<1x128x32xf32, #tpu.memory_space<vmem>> -> memref<128x32xf32, #tpu.memory_space<vmem>>
        %dma_wait3A_193 = tpu.memref_slice %arg9[%mul3A_180] : memref<12960xi32, #tpu.memory_space<vmem>> -> memref<128xi32, #tpu.memory_space<vmem>>
        %dma_wait3A_194 = arith.constant 0 : i32
        %dma_wait3A_195 = arith.constant 0 : i32
        %dma_wait3A_196 = tpu.memref_slice %arg4[%dma_wait3A_194, %dma_wait3A_195] : memref<500000x32xf32, #tpu.memory_space<hbm>> -> memref<500000x32xf32, #tpu.memory_space<hbm>>
        tpu.wait_indirect_dma semaphore(%arg13 : memref<!tpu.dma_semaphore, #tpu.memory_space<semaphore_mem>>) src(%dma_wait3A_196 : memref<500000x32xf32, #tpu.memory_space<hbm>>) dst(%dma_wait3A_192 : memref<128x32xf32, #tpu.memory_space<vmem>>)
        %mul3A_197 = arith.constant 128 : i32
        %mul3A_198 = arith.muli %mul3A_178, %mul3A_197 : i32
        %add3A_199 = arith.constant 0 : i32
        %add3A_200 = arith.addi %mul3A_198, %add3A_199 : i32
        %get3A_201 = arith.index_cast %add3A_200 : i32 to index
        %get3A_202 = tpu.vector_load %arg10[%get3A_201] {strides = array<i32>} : memref<12960xi32, #tpu.memory_space<vmem>>, vector<16xi32>,
        %swap3A_203 = arith.constant 0 : i32
        %swap3A_204 = arith.index_cast %swap3A_203 : i32 to index
        %swap3A_205 = arith.constant 0 : index
        %swap3A_206 = tpu.vector_load %arg12[%swap3A_204, %swap3A_205] {strides = array<i32>} : memref<2x128xi32, #tpu.memory_space<vmem>>, vector<16xi32>,
        tpu.vector_store %arg12[%swap3A_204, %swap3A_205], %get3A_202 {strides = array<i32>} : memref<2x128xi32, #tpu.memory_space<vmem>>, vector<16xi32>,
        %mul3A_207 = arith.constant 128 : i32
        %mul3A_208 = arith.muli %mul3A_178, %mul3A_207 : i32
        %add3A_209 = arith.constant 16 : i32
        %add3A_210 = arith.addi %mul3A_208, %add3A_209 : i32
        %get3A_211 = arith.index_cast %add3A_210 : i32 to index
        %get3A_212 = tpu.vector_load %arg10[%get3A_211] {strides = array<i32>} : memref<12960xi32, #tpu.memory_space<vmem>>, vector<16xi32>,
        %swap3A_213 = arith.constant 0 : i32
        %swap3A_214 = arith.index_cast %swap3A_213 : i32 to index
        %swap3A_215 = arith.constant 16 : index
        %swap3A_216 = tpu.vector_load %arg12[%swap3A_214, %swap3A_215] {strides = array<i32>} : memref<2x128xi32, #tpu.memory_space<vmem>>, vector<16xi32>,
        tpu.vector_store %arg12[%swap3A_214, %swap3A_215], %get3A_212 {strides = array<i32>} : memref<2x128xi32, #tpu.memory_space<vmem>>, vector<16xi32>,
        %mul3A_217 = arith.constant 128 : i32
        %mul3A_218 = arith.muli %mul3A_178, %mul3A_217 : i32
        %add3A_219 = arith.constant 32 : i32
        %add3A_220 = arith.addi %mul3A_218, %add3A_219 : i32
        %get3A_221 = arith.index_cast %add3A_220 : i32 to index
        %get3A_222 = tpu.vector_load %arg10[%get3A_221] {strides = array<i32>} : memref<12960xi32, #tpu.memory_space<vmem>>, vector<16xi32>,
        %swap3A_223 = arith.constant 0 : i32
        %swap3A_224 = arith.index_cast %swap3A_223 : i32 to index
        %swap3A_225 = arith.constant 32 : index
        %swap3A_226 = tpu.vector_load %arg12[%swap3A_224, %swap3A_225] {strides = array<i32>} : memref<2x128xi32, #tpu.memory_space<vmem>>, vector<16xi32>,
        tpu.vector_store %arg12[%swap3A_224, %swap3A_225], %get3A_222 {strides = array<i32>} : memref<2x128xi32, #tpu.memory_space<vmem>>, vector<16xi32>,
        %mul3A_227 = arith.constant 128 : i32
        %mul3A_228 = arith.muli %mul3A_178, %mul3A_227 : i32
        %add3A_229 = arith.constant 48 : i32
        %add3A_230 = arith.addi %mul3A_228, %add3A_229 : i32
        %get3A_231 = arith.index_cast %add3A_230 : i32 to index
        %get3A_232 = tpu.vector_load %arg10[%get3A_231] {strides = array<i32>} : memref<12960xi32, #tpu.memory_space<vmem>>, vector<16xi32>,
        %swap3A_233 = arith.constant 0 : i32
        %swap3A_234 = arith.index_cast %swap3A_233 : i32 to index
        %swap3A_235 = arith.constant 48 : index
        %swap3A_236 = tpu.vector_load %arg12[%swap3A_234, %swap3A_235] {strides = array<i32>} : memref<2x128xi32, #tpu.memory_space<vmem>>, vector<16xi32>,
        tpu.vector_store %arg12[%swap3A_234, %swap3A_235], %get3A_232 {strides = array<i32>} : memref<2x128xi32, #tpu.memory_space<vmem>>, vector<16xi32>,
        %mul3A_237 = arith.constant 128 : i32
        %mul3A_238 = arith.muli %mul3A_178, %mul3A_237 : i32
        %add3A_239 = arith.constant 64 : i32
        %add3A_240 = arith.addi %mul3A_238, %add3A_239 : i32
        %get3A_241 = arith.index_cast %add3A_240 : i32 to index
        %get3A_242 = tpu.vector_load %arg10[%get3A_241] {strides = array<i32>} : memref<12960xi32, #tpu.memory_space<vmem>>, vector<16xi32>,
        %swap3A_243 = arith.constant 0 : i32
        %swap3A_244 = arith.index_cast %swap3A_243 : i32 to index
        %swap3A_245 = arith.constant 64 : index
        %swap3A_246 = tpu.vector_load %arg12[%swap3A_244, %swap3A_245] {strides = array<i32>} : memref<2x128xi32, #tpu.memory_space<vmem>>, vector<16xi32>,
        tpu.vector_store %arg12[%swap3A_244, %swap3A_245], %get3A_242 {strides = array<i32>} : memref<2x128xi32, #tpu.memory_space<vmem>>, vector<16xi32>,
        %mul3A_247 = arith.constant 128 : i32
        %mul3A_248 = arith.muli %mul3A_178, %mul3A_247 : i32
        %add3A_249 = arith.constant 80 : i32
        %add3A_250 = arith.addi %mul3A_248, %add3A_249 : i32
        %get3A_251 = arith.index_cast %add3A_250 : i32 to index
        %get3A_252 = tpu.vector_load %arg10[%get3A_251] {strides = array<i32>} : memref<12960xi32, #tpu.memory_space<vmem>>, vector<16xi32>,
        %swap3A_253 = arith.constant 0 : i32
        %swap3A_254 = arith.index_cast %swap3A_253 : i32 to index
        %swap3A_255 = arith.constant 80 : index
        %swap3A_256 = tpu.vector_load %arg12[%swap3A_254, %swap3A_255] {strides = array<i32>} : memref<2x128xi32, #tpu.memory_space<vmem>>, vector<16xi32>,
        tpu.vector_store %arg12[%swap3A_254, %swap3A_255], %get3A_252 {strides = array<i32>} : memref<2x128xi32, #tpu.memory_space<vmem>>, vector<16xi32>,
        %mul3A_257 = arith.constant 128 : i32
        %mul3A_258 = arith.muli %mul3A_178, %mul3A_257 : i32
        %add3A_259 = arith.constant 96 : i32
        %add3A_260 = arith.addi %mul3A_258, %add3A_259 : i32
        %get3A_261 = arith.index_cast %add3A_260 : i32 to index
        %get3A_262 = tpu.vector_load %arg10[%get3A_261] {strides = array<i32>} : memref<12960xi32, #tpu.memory_space<vmem>>, vector<16xi32>,
        %swap3A_263 = arith.constant 0 : i32
        %swap3A_264 = arith.index_cast %swap3A_263 : i32 to index
        %swap3A_265 = arith.constant 96 : index
        %swap3A_266 = tpu.vector_load %arg12[%swap3A_264, %swap3A_265] {strides = array<i32>} : memref<2x128xi32, #tpu.memory_space<vmem>>, vector<16xi32>,
        tpu.vector_store %arg12[%swap3A_264, %swap3A_265], %get3A_262 {strides = array<i32>} : memref<2x128xi32, #tpu.memory_space<vmem>>, vector<16xi32>,
        %mul3A_267 = arith.constant 128 : i32
        %mul3A_268 = arith.muli %mul3A_178, %mul3A_267 : i32
        %add3A_269 = arith.constant 112 : i32
        %add3A_270 = arith.addi %mul3A_268, %add3A_269 : i32
        %get3A_271 = arith.index_cast %add3A_270 : i32 to index
        %get3A_272 = tpu.vector_load %arg10[%get3A_271] {strides = array<i32>} : memref<12960xi32, #tpu.memory_space<vmem>>, vector<16xi32>,
        %swap3A_273 = arith.constant 0 : i32
        %swap3A_274 = arith.index_cast %swap3A_273 : i32 to index
        %swap3A_275 = arith.constant 112 : index
        %swap3A_276 = tpu.vector_load %arg12[%swap3A_274, %swap3A_275] {strides = array<i32>} : memref<2x128xi32, #tpu.memory_space<vmem>>, vector<16xi32>,
        tpu.vector_store %arg12[%swap3A_274, %swap3A_275], %get3A_272 {strides = array<i32>} : memref<2x128xi32, #tpu.memory_space<vmem>>, vector<16xi32>,
        %dma_start3A_277 = arith.constant 0 : i32
        %dma_start3A_278 = arith.constant 0 : i32
        %dma_start3A_279 = arith.constant 0 : i32
        %dma_start3A_280 = arith.constant 0 : i32
        %dma_start3A_281 = tpu.memref_slice %arg11[%dma_start3A_277, %dma_start3A_279, %dma_start3A_280] : memref<2x128x32xf32, #tpu.memory_space<vmem>> -> memref<1x128x32xf32, #tpu.memory_space<vmem>>
        %dma_start3A_282 = tpu.memref_squeeze %dma_start3A_281 : memref<1x128x32xf32, #tpu.memory_space<vmem>> -> memref<128x32xf32, #tpu.memory_space<vmem>>
        %dma_start3A_283 = arith.constant 0 : i32
        %dma_start3A_284 = tpu.memref_slice %arg12[%dma_start3A_278, %dma_start3A_283] : memref<2x128xi32, #tpu.memory_space<vmem>> -> memref<1x128xi32, #tpu.memory_space<vmem>>
        %dma_start3A_285 = tpu.memref_squeeze %dma_start3A_284 : memref<1x128xi32, #tpu.memory_space<vmem>> -> memref<128xi32, #tpu.memory_space<vmem>>
        %dma_start3A_286 = arith.constant 0 : i32
        %dma_start3A_287 = arith.constant 0 : i32
        %dma_start3A_288 = tpu.memref_slice %arg5[%dma_start3A_286, %dma_start3A_287] : memref<819200x32xf32, #tpu.memory_space<hbm>> -> memref<819200x32xf32, #tpu.memory_space<hbm>>
        tpu.enqueue_indirect_dma source(%dma_start3A_282 : memref<128x32xf32, #tpu.memory_space<vmem>>) target(%dma_start3A_288 : memref<819200x32xf32, #tpu.memory_space<hbm>>) offsets(%dma_start3A_285 : memref<128xi32, #tpu.memory_space<vmem>>) semaphore(%arg14 : memref<!tpu.dma_semaphore, #tpu.memory_space<semaphore_mem>>)
        %add3A_289 = arith.constant 1 : i32
        %add3A_290 = arith.addi %mul3A_178, %add3A_289 : i32
        %lt3A_291 = arith.cmpi slt, %add3A_290, %select_n3A_140 : i32
        %convert_element_type3A_292 = arith.extui %lt3A_291 : i1 to i32
        %cond3A_293 = arith.constant 0 : i32
        %cond3A_294 = arith.cmpi ne, %convert_element_type3A_292, %cond3A_293 : i32
        scf.if %cond3A_294 {
          %add3A_307 = arith.constant 1 : i32
          %add3A_308 = arith.addi %mul3A_178, %add3A_307 : i32
          %mul3A_309 = arith.constant 128 : i32
          %mul3A_310 = arith.muli %add3A_308, %mul3A_309 : i32
          %dma_start3A_311 = arith.constant 1 : i32
          %dma_start3A_312 = arith.constant 0 : i32
          %dma_start3A_313 = arith.constant 0 : i32
          %dma_start3A_314 = tpu.memref_slice %arg11[%dma_start3A_311, %dma_start3A_312, %dma_start3A_313] : memref<2x128x32xf32, #tpu.memory_space<vmem>> -> memref<1x128x32xf32, #tpu.memory_space<vmem>>
          %dma_start3A_315 = tpu.memref_squeeze %dma_start3A_314 : memref<1x128x32xf32, #tpu.memory_space<vmem>> -> memref<128x32xf32, #tpu.memory_space<vmem>>
          %dma_start3A_316 = tpu.memref_slice %arg9[%mul3A_310] : memref<12960xi32, #tpu.memory_space<vmem>> -> memref<128xi32, #tpu.memory_space<vmem>>
          %dma_start3A_317 = arith.constant 0 : i32
          %dma_start3A_318 = arith.constant 0 : i32
          %dma_start3A_319 = tpu.memref_slice %arg4[%dma_start3A_317, %dma_start3A_318] : memref<500000x32xf32, #tpu.memory_space<hbm>> -> memref<500000x32xf32, #tpu.memory_space<hbm>>
          tpu.enqueue_indirect_dma source(%dma_start3A_319 : memref<500000x32xf32, #tpu.memory_space<hbm>>) target(%dma_start3A_315 : memref<128x32xf32, #tpu.memory_space<vmem>>) offsets(%dma_start3A_316 : memref<128xi32, #tpu.memory_space<vmem>>) semaphore(%arg13 : memref<!tpu.dma_semaphore, #tpu.memory_space<semaphore_mem>>)
          %dma_wait3A_320 = arith.constant 1 : i32
          %dma_wait3A_321 = arith.constant 0 : i32
          %dma_wait3A_322 = arith.constant 0 : i32
          %dma_wait3A_323 = tpu.memref_slice %arg11[%dma_wait3A_320, %dma_wait3A_321, %dma_wait3A_322] : memref<2x128x32xf32, #tpu.memory_space<vmem>> -> memref<1x128x32xf32, #tpu.memory_space<vmem>>
          %dma_wait3A_324 = tpu.memref_squeeze %dma_wait3A_323 : memref<1x128x32xf32, #tpu.memory_space<vmem>> -> memref<128x32xf32, #tpu.memory_space<vmem>>
          %dma_wait3A_325 = tpu.memref_slice %arg9[%mul3A_310] : memref<12960xi32, #tpu.memory_space<vmem>> -> memref<128xi32, #tpu.memory_space<vmem>>
          %dma_wait3A_326 = arith.constant 0 : i32
          %dma_wait3A_327 = arith.constant 0 : i32
          %dma_wait3A_328 = tpu.memref_slice %arg4[%dma_wait3A_326, %dma_wait3A_327] : memref<500000x32xf32, #tpu.memory_space<hbm>> -> memref<500000x32xf32, #tpu.memory_space<hbm>>
          tpu.wait_indirect_dma semaphore(%arg13 : memref<!tpu.dma_semaphore, #tpu.memory_space<semaphore_mem>>) src(%dma_wait3A_328 : memref<500000x32xf32, #tpu.memory_space<hbm>>) dst(%dma_wait3A_324 : memref<128x32xf32, #tpu.memory_space<vmem>>)
          %add3A_329 = arith.constant 1 : i32
          %add3A_330 = arith.addi %mul3A_178, %add3A_329 : i32
          %mul3A_331 = arith.constant 128 : i32
          %mul3A_332 = arith.muli %add3A_330, %mul3A_331 : i32
          %add3A_333 = arith.constant 0 : i32
          %add3A_334 = arith.addi %mul3A_332, %add3A_333 : i32
          %get3A_335 = arith.index_cast %add3A_334 : i32 to index
          %get3A_336 = tpu.vector_load %arg10[%get3A_335] {strides = array<i32>} : memref<12960xi32, #tpu.memory_space<vmem>>, vector<16xi32>,
          %swap3A_337 = arith.constant 1 : i32
          %swap3A_338 = arith.index_cast %swap3A_337 : i32 to index
          %swap3A_339 = arith.constant 0 : index
          %swap3A_340 = tpu.vector_load %arg12[%swap3A_338, %swap3A_339] {strides = array<i32>} : memref<2x128xi32, #tpu.memory_space<vmem>>, vector<16xi32>,
          tpu.vector_store %arg12[%swap3A_338, %swap3A_339], %get3A_336 {strides = array<i32>} : memref<2x128xi32, #tpu.memory_space<vmem>>, vector<16xi32>,
          %mul3A_341 = arith.constant 128 : i32
          %mul3A_342 = arith.muli %add3A_330, %mul3A_341 : i32
          %add3A_343 = arith.constant 16 : i32
          %add3A_344 = arith.addi %mul3A_342, %add3A_343 : i32
          %get3A_345 = arith.index_cast %add3A_344 : i32 to index
          %get3A_346 = tpu.vector_load %arg10[%get3A_345] {strides = array<i32>} : memref<12960xi32, #tpu.memory_space<vmem>>, vector<16xi32>,
          %swap3A_347 = arith.constant 1 : i32
          %swap3A_348 = arith.index_cast %swap3A_347 : i32 to index
          %swap3A_349 = arith.constant 16 : index
          %swap3A_350 = tpu.vector_load %arg12[%swap3A_348, %swap3A_349] {strides = array<i32>} : memref<2x128xi32, #tpu.memory_space<vmem>>, vector<16xi32>,
          tpu.vector_store %arg12[%swap3A_348, %swap3A_349], %get3A_346 {strides = array<i32>} : memref<2x128xi32, #tpu.memory_space<vmem>>, vector<16xi32>,
          %mul3A_351 = arith.constant 128 : i32
          %mul3A_352 = arith.muli %add3A_330, %mul3A_351 : i32
          %add3A_353 = arith.constant 32 : i32
          %add3A_354 = arith.addi %mul3A_352, %add3A_353 : i32
          %get3A_355 = arith.index_cast %add3A_354 : i32 to index
          %get3A_356 = tpu.vector_load %arg10[%get3A_355] {strides = array<i32>} : memref<12960xi32, #tpu.memory_space<vmem>>, vector<16xi32>,
          %swap3A_357 = arith.constant 1 : i32
          %swap3A_358 = arith.index_cast %swap3A_357 : i32 to index
          %swap3A_359 = arith.constant 32 : index
          %swap3A_360 = tpu.vector_load %arg12[%swap3A_358, %swap3A_359] {strides = array<i32>} : memref<2x128xi32, #tpu.memory_space<vmem>>, vector<16xi32>,
          tpu.vector_store %arg12[%swap3A_358, %swap3A_359], %get3A_356 {strides = array<i32>} : memref<2x128xi32, #tpu.memory_space<vmem>>, vector<16xi32>,
          %mul3A_361 = arith.constant 128 : i32
          %mul3A_362 = arith.muli %add3A_330, %mul3A_361 : i32
          %add3A_363 = arith.constant 48 : i32
          %add3A_364 = arith.addi %mul3A_362, %add3A_363 : i32
          %get3A_365 = arith.index_cast %add3A_364 : i32 to index
          %get3A_366 = tpu.vector_load %arg10[%get3A_365] {strides = array<i32>} : memref<12960xi32, #tpu.memory_space<vmem>>, vector<16xi32>,
          %swap3A_367 = arith.constant 1 : i32
          %swap3A_368 = arith.index_cast %swap3A_367 : i32 to index
          %swap3A_369 = arith.constant 48 : index
          %swap3A_370 = tpu.vector_load %arg12[%swap3A_368, %swap3A_369] {strides = array<i32>} : memref<2x128xi32, #tpu.memory_space<vmem>>, vector<16xi32>,
          tpu.vector_store %arg12[%swap3A_368, %swap3A_369], %get3A_366 {strides = array<i32>} : memref<2x128xi32, #tpu.memory_space<vmem>>, vector<16xi32>,
          %mul3A_371 = arith.constant 128 : i32
          %mul3A_372 = arith.muli %add3A_330, %mul3A_371 : i32
          %add3A_373 = arith.constant 64 : i32
          %add3A_374 = arith.addi %mul3A_372, %add3A_373 : i32
          %get3A_375 = arith.index_cast %add3A_374 : i32 to index
          %get3A_376 = tpu.vector_load %arg10[%get3A_375] {strides = array<i32>} : memref<12960xi32, #tpu.memory_space<vmem>>, vector<16xi32>,
          %swap3A_377 = arith.constant 1 : i32
          %swap3A_378 = arith.index_cast %swap3A_377 : i32 to index
          %swap3A_379 = arith.constant 64 : index
          %swap3A_380 = tpu.vector_load %arg12[%swap3A_378, %swap3A_379] {strides = array<i32>} : memref<2x128xi32, #tpu.memory_space<vmem>>, vector<16xi32>,
          tpu.vector_store %arg12[%swap3A_378, %swap3A_379], %get3A_376 {strides = array<i32>} : memref<2x128xi32, #tpu.memory_space<vmem>>, vector<16xi32>,
          %mul3A_381 = arith.constant 128 : i32
          %mul3A_382 = arith.muli %add3A_330, %mul3A_381 : i32
          %add3A_383 = arith.constant 80 : i32
          %add3A_384 = arith.addi %mul3A_382, %add3A_383 : i32
          %get3A_385 = arith.index_cast %add3A_384 : i32 to index
          %get3A_386 = tpu.vector_load %arg10[%get3A_385] {strides = array<i32>} : memref<12960xi32, #tpu.memory_space<vmem>>, vector<16xi32>,
          %swap3A_387 = arith.constant 1 : i32
          %swap3A_388 = arith.index_cast %swap3A_387 : i32 to index
          %swap3A_389 = arith.constant 80 : index
          %swap3A_390 = tpu.vector_load %arg12[%swap3A_388, %swap3A_389] {strides = array<i32>} : memref<2x128xi32, #tpu.memory_space<vmem>>, vector<16xi32>,
          tpu.vector_store %arg12[%swap3A_388, %swap3A_389], %get3A_386 {strides = array<i32>} : memref<2x128xi32, #tpu.memory_space<vmem>>, vector<16xi32>,
          %mul3A_391 = arith.constant 128 : i32
          %mul3A_392 = arith.muli %add3A_330, %mul3A_391 : i32
          %add3A_393 = arith.constant 96 : i32
          %add3A_394 = arith.addi %mul3A_392, %add3A_393 : i32
          %get3A_395 = arith.index_cast %add3A_394 : i32 to index
          %get3A_396 = tpu.vector_load %arg10[%get3A_395] {strides = array<i32>} : memref<12960xi32, #tpu.memory_space<vmem>>, vector<16xi32>,
          %swap3A_397 = arith.constant 1 : i32
          %swap3A_398 = arith.index_cast %swap3A_397 : i32 to index
          %swap3A_399 = arith.constant 96 : index
          %swap3A_400 = tpu.vector_load %arg12[%swap3A_398, %swap3A_399] {strides = array<i32>} : memref<2x128xi32, #tpu.memory_space<vmem>>, vector<16xi32>,
          tpu.vector_store %arg12[%swap3A_398, %swap3A_399], %get3A_396 {strides = array<i32>} : memref<2x128xi32, #tpu.memory_space<vmem>>, vector<16xi32>,
          %mul3A_401 = arith.constant 128 : i32
          %mul3A_402 = arith.muli %add3A_330, %mul3A_401 : i32
          %add3A_403 = arith.constant 112 : i32
          %add3A_404 = arith.addi %mul3A_402, %add3A_403 : i32
          %get3A_405 = arith.index_cast %add3A_404 : i32 to index
          %get3A_406 = tpu.vector_load %arg10[%get3A_405] {strides = array<i32>} : memref<12960xi32, #tpu.memory_space<vmem>>, vector<16xi32>,
          %swap3A_407 = arith.constant 1 : i32
          %swap3A_408 = arith.index_cast %swap3A_407 : i32 to index
          %swap3A_409 = arith.constant 112 : index
          %swap3A_410 = tpu.vector_load %arg12[%swap3A_408, %swap3A_409] {strides = array<i32>} : memref<2x128xi32, #tpu.memory_space<vmem>>, vector<16xi32>,
          tpu.vector_store %arg12[%swap3A_408, %swap3A_409], %get3A_406 {strides = array<i32>} : memref<2x128xi32, #tpu.memory_space<vmem>>, vector<16xi32>,
          %dma_start3A_411 = arith.constant 1 : i32
          %dma_start3A_412 = arith.constant 1 : i32
          %dma_start3A_413 = arith.constant 0 : i32
          %dma_start3A_414 = arith.constant 0 : i32
          %dma_start3A_415 = tpu.memref_slice %arg11[%dma_start3A_411, %dma_start3A_413, %dma_start3A_414] : memref<2x128x32xf32, #tpu.memory_space<vmem>> -> memref<1x128x32xf32, #tpu.memory_space<vmem>>
          %dma_start3A_416 = tpu.memref_squeeze %dma_start3A_415 : memref<1x128x32xf32, #tpu.memory_space<vmem>> -> memref<128x32xf32, #tpu.memory_space<vmem>>
          %dma_start3A_417 = arith.constant 0 : i32
          %dma_start3A_418 = tpu.memref_slice %arg12[%dma_start3A_412, %dma_start3A_417] : memref<2x128xi32, #tpu.memory_space<vmem>> -> memref<1x128xi32, #tpu.memory_space<vmem>>
          %dma_start3A_419 = tpu.memref_squeeze %dma_start3A_418 : memref<1x128xi32, #tpu.memory_space<vmem>> -> memref<128xi32, #tpu.memory_space<vmem>>
          %dma_start3A_420 = arith.constant 0 : i32
          %dma_start3A_421 = arith.constant 0 : i32
          %dma_start3A_422 = tpu.memref_slice %arg5[%dma_start3A_420, %dma_start3A_421] : memref<819200x32xf32, #tpu.memory_space<hbm>> -> memref<819200x32xf32, #tpu.memory_space<hbm>>
          tpu.enqueue_indirect_dma source(%dma_start3A_416 : memref<128x32xf32, #tpu.memory_space<vmem>>) target(%dma_start3A_422 : memref<819200x32xf32, #tpu.memory_space<hbm>>) offsets(%dma_start3A_419 : memref<128xi32, #tpu.memory_space<vmem>>) semaphore(%arg14 : memref<!tpu.dma_semaphore, #tpu.memory_space<semaphore_mem>>)
          %dma_wait3A_423 = arith.constant 1 : i32
          %dma_wait3A_424 = arith.constant 1 : i32
          %dma_wait3A_425 = arith.constant 0 : i32
          %dma_wait3A_426 = arith.constant 0 : i32
          %dma_wait3A_427 = tpu.memref_slice %arg11[%dma_wait3A_423, %dma_wait3A_425, %dma_wait3A_426] : memref<2x128x32xf32, #tpu.memory_space<vmem>> -> memref<1x128x32xf32, #tpu.memory_space<vmem>>
          %dma_wait3A_428 = tpu.memref_squeeze %dma_wait3A_427 : memref<1x128x32xf32, #tpu.memory_space<vmem>> -> memref<128x32xf32, #tpu.memory_space<vmem>>
          %dma_wait3A_429 = arith.constant 0 : i32
          %dma_wait3A_430 = tpu.memref_slice %arg12[%dma_wait3A_424, %dma_wait3A_429] : memref<2x128xi32, #tpu.memory_space<vmem>> -> memref<1x128xi32, #tpu.memory_space<vmem>>
          %dma_wait3A_431 = tpu.memref_squeeze %dma_wait3A_430 : memref<1x128xi32, #tpu.memory_space<vmem>> -> memref<128xi32, #tpu.memory_space<vmem>>
          %dma_wait3A_432 = arith.constant 0 : i32
          %dma_wait3A_433 = arith.constant 0 : i32
          %dma_wait3A_434 = tpu.memref_slice %arg5[%dma_wait3A_432, %dma_wait3A_433] : memref<819200x32xf32, #tpu.memory_space<hbm>> -> memref<819200x32xf32, #tpu.memory_space<hbm>>
          tpu.wait_indirect_dma semaphore(%arg14 : memref<!tpu.dma_semaphore, #tpu.memory_space<semaphore_mem>>) src(%dma_wait3A_428 : memref<128x32xf32, #tpu.memory_space<vmem>>) dst(%dma_wait3A_434 : memref<819200x32xf32, #tpu.memory_space<hbm>>)
        } else {
        }
        %dma_wait3A_295 = arith.constant 0 : i32
        %dma_wait3A_296 = arith.constant 0 : i32
        %dma_wait3A_297 = arith.constant 0 : i32
        %dma_wait3A_298 = arith.constant 0 : i32
        %dma_wait3A_299 = tpu.memref_slice %arg11[%dma_wait3A_295, %dma_wait3A_297, %dma_wait3A_298] : memref<2x128x32xf32, #tpu.memory_space<vmem>> -> memref<1x128x32xf32, #tpu.memory_space<vmem>>
        %dma_wait3A_300 = tpu.memref_squeeze %dma_wait3A_299 : memref<1x128x32xf32, #tpu.memory_space<vmem>> -> memref<128x32xf32, #tpu.memory_space<vmem>>
        %dma_wait3A_301 = arith.constant 0 : i32
        %dma_wait3A_302 = tpu.memref_slice %arg12[%dma_wait3A_296, %dma_wait3A_301] : memref<2x128xi32, #tpu.memory_space<vmem>> -> memref<1x128xi32, #tpu.memory_space<vmem>>
        %dma_wait3A_303 = tpu.memref_squeeze %dma_wait3A_302 : memref<1x128xi32, #tpu.memory_space<vmem>> -> memref<128xi32, #tpu.memory_space<vmem>>
        %dma_wait3A_304 = arith.constant 0 : i32
        %dma_wait3A_305 = arith.constant 0 : i32
        %dma_wait3A_306 = tpu.memref_slice %arg5[%dma_wait3A_304, %dma_wait3A_305] : memref<819200x32xf32, #tpu.memory_space<hbm>> -> memref<819200x32xf32, #tpu.memory_space<hbm>>
        tpu.wait_indirect_dma semaphore(%arg14 : memref<!tpu.dma_semaphore, #tpu.memory_space<semaphore_mem>>) src(%dma_wait3A_300 : memref<128x32xf32, #tpu.memory_space<vmem>>) dst(%dma_wait3A_306 : memref<819200x32xf32, #tpu.memory_space<hbm>>)
      }
      %while3A_175 = arith.constant 1 : i32
      scf.for %while3A_176 = %while3A_173 to %while3A_169 step %while3A_175  : i32 {
        %mul3A_177 = arith.constant 2 : i32
        %mul3A_178 = arith.muli %while3A_176, %mul3A_177 : i32
        %mul3A_179 = arith.constant 128 : i32
        %mul3A_180 = arith.muli %mul3A_178, %mul3A_179 : i32
        %dma_start3A = arith.constant 0 : i32
        %dma_start3A_181 = arith.constant 0 : i32
        %dma_start3A_182 = arith.constant 0 : i32
        %dma_start3A_183 = tpu.memref_slice %arg11[%dma_start3A, %dma_start3A_181, %dma_start3A_182] : memref<2x128x32xf32, #tpu.memory_space<vmem>> -> memref<1x128x32xf32, #tpu.memory_space<vmem>>
        %dma_start3A_184 = tpu.memref_squeeze %dma_start3A_183 : memref<1x128x32xf32, #tpu.memory_space<vmem>> -> memref<128x32xf32, #tpu.memory_space<vmem>>
        %dma_start3A_185 = tpu.memref_slice %arg9[%mul3A_180] : memref<12960xi32, #tpu.memory_space<vmem>> -> memref<128xi32, #tpu.memory_space<vmem>>
        %dma_start3A_186 = arith.constant 0 : i32
        %dma_start3A_187 = arith.constant 0 : i32
        %dma_start3A_188 = tpu.memref_slice %arg4[%dma_start3A_186, %dma_start3A_187] : memref<500000x32xf32, #tpu.memory_space<hbm>> -> memref<500000x32xf32, #tpu.memory_space<hbm>>
        tpu.enqueue_indirect_dma source(%dma_start3A_188 : memref<500000x32xf32, #tpu.memory_space<hbm>>) target(%dma_start3A_184 : memref<128x32xf32, #tpu.memory_space<vmem>>) offsets(%dma_start3A_185 : memref<128xi32, #tpu.memory_space<vmem>>) semaphore(%arg13 : memref<!tpu.dma_semaphore, #tpu.memory_space<semaphore_mem>>)
        %dma_wait3A = arith.constant 0 : i32
        %dma_wait3A_189 = arith.constant 0 : i32
        %dma_wait3A_190 = arith.constant 0 : i32
        %dma_wait3A_191 = tpu.memref_slice %arg11[%dma_wait3A, %dma_wait3A_189, %dma_wait3A_190] : memref<2x128x32xf32, #tpu.memory_space<vmem>> -> memref<1x128x32xf32, #tpu.memory_space<vmem>>
        %dma_wait3A_192 = tpu.memref_squeeze %dma_wait3A_191 : memref<1x128x32xf32, #tpu.memory_space<vmem>> -> memref<128x32xf32, #tpu.memory_space<vmem>>
        %dma_wait3A_193 = tpu.memref_slice %arg9[%mul3A_180] : memref<12960xi32, #tpu.memory_space<vmem>> -> memref<128xi32, #tpu.memory_space<vmem>>
        %dma_wait3A_194 = arith.constant 0 : i32
        %dma_wait3A_195 = arith.constant 0 : i32
        %dma_wait3A_196 = tpu.memref_slice %arg4[%dma_wait3A_194, %dma_wait3A_195] : memref<500000x32xf32, #tpu.memory_space<hbm>> -> memref<500000x32xf32, #tpu.memory_space<hbm>>
        tpu.wait_indirect_dma semaphore(%arg13 : memref<!tpu.dma_semaphore, #tpu.memory_space<semaphore_mem>>) src(%dma_wait3A_196 : memref<500000x32xf32, #tpu.memory_space<hbm>>) dst(%dma_wait3A_192 : memref<128x32xf32, #tpu.memory_space<vmem>>)
        %mul3A_197 = arith.constant 128 : i32
        %mul3A_198 = arith.muli %mul3A_178, %mul3A_197 : i32
        %add3A_199 = arith.constant 0 : i32
        %add3A_200 = arith.addi %mul3A_198, %add3A_199 : i32
        %get3A_201 = arith.index_cast %add3A_200 : i32 to index
        %get3A_202 = tpu.vector_load %arg10[%get3A_201] {strides = array<i32>} : memref<12960xi32, #tpu.memory_space<vmem>>, vector<16xi32>,
        %swap3A_203 = arith.constant 0 : i32
        %swap3A_204 = arith.index_cast %swap3A_203 : i32 to index
        %swap3A_205 = arith.constant 0 : index
        %swap3A_206 = tpu.vector_load %arg12[%swap3A_204, %swap3A_205] {strides = array<i32>} : memref<2x128xi32, #tpu.memory_space<vmem>>, vector<16xi32>,
        tpu.vector_store %arg12[%swap3A_204, %swap3A_205], %get3A_202 {strides = array<i32>} : memref<2x128xi32, #tpu.memory_space<vmem>>, vector<16xi32>,
        %mul3A_207 = arith.constant 128 : i32
        %mul3A_208 = arith.muli %mul3A_178, %mul3A_207 : i32
        %add3A_209 = arith.constant 16 : i32
        %add3A_210 = arith.addi %mul3A_208, %add3A_209 : i32
        %get3A_211 = arith.index_cast %add3A_210 : i32 to index
        %get3A_212 = tpu.vector_load %arg10[%get3A_211] {strides = array<i32>} : memref<12960xi32, #tpu.memory_space<vmem>>, vector<16xi32>,
        %swap3A_213 = arith.constant 0 : i32
        %swap3A_214 = arith.index_cast %swap3A_213 : i32 to index
        %swap3A_215 = arith.constant 16 : index
        %swap3A_216 = tpu.vector_load %arg12[%swap3A_214, %swap3A_215] {strides = array<i32>} : memref<2x128xi32, #tpu.memory_space<vmem>>, vector<16xi32>,
        tpu.vector_store %arg12[%swap3A_214, %swap3A_215], %get3A_212 {strides = array<i32>} : memref<2x128xi32, #tpu.memory_space<vmem>>, vector<16xi32>,
        %mul3A_217 = arith.constant 128 : i32
        %mul3A_218 = arith.muli %mul3A_178, %mul3A_217 : i32
        %add3A_219 = arith.constant 32 : i32
        %add3A_220 = arith.addi %mul3A_218, %add3A_219 : i32
        %get3A_221 = arith.index_cast %add3A_220 : i32 to index
        %get3A_222 = tpu.vector_load %arg10[%get3A_221] {strides = array<i32>} : memref<12960xi32, #tpu.memory_space<vmem>>, vector<16xi32>,
        %swap3A_223 = arith.constant 0 : i32
        %swap3A_224 = arith.index_cast %swap3A_223 : i32 to index
        %swap3A_225 = arith.constant 32 : index
        %swap3A_226 = tpu.vector_load %arg12[%swap3A_224, %swap3A_225] {strides = array<i32>} : memref<2x128xi32, #tpu.memory_space<vmem>>, vector<16xi32>,
        tpu.vector_store %arg12[%swap3A_224, %swap3A_225], %get3A_222 {strides = array<i32>} : memref<2x128xi32, #tpu.memory_space<vmem>>, vector<16xi32>,
        %mul3A_227 = arith.constant 128 : i32
        %mul3A_228 = arith.muli %mul3A_178, %mul3A_227 : i32
        %add3A_229 = arith.constant 48 : i32
        %add3A_230 = arith.addi %mul3A_228, %add3A_229 : i32
        %get3A_231 = arith.index_cast %add3A_230 : i32 to index
        %get3A_232 = tpu.vector_load %arg10[%get3A_231] {strides = array<i32>} : memref<12960xi32, #tpu.memory_space<vmem>>, vector<16xi32>,
        %swap3A_233 = arith.constant 0 : i32
        %swap3A_234 = arith.index_cast %swap3A_233 : i32 to index
        %swap3A_235 = arith.constant 48 : index
        %swap3A_236 = tpu.vector_load %arg12[%swap3A_234, %swap3A_235] {strides = array<i32>} : memref<2x128xi32, #tpu.memory_space<vmem>>, vector<16xi32>,
        tpu.vector_store %arg12[%swap3A_234, %swap3A_235], %get3A_232 {strides = array<i32>} : memref<2x128xi32, #tpu.memory_space<vmem>>, vector<16xi32>,
        %mul3A_237 = arith.constant 128 : i32
        %mul3A_238 = arith.muli %mul3A_178, %mul3A_237 : i32
        %add3A_239 = arith.constant 64 : i32
        %add3A_240 = arith.addi %mul3A_238, %add3A_239 : i32
        %get3A_241 = arith.index_cast %add3A_240 : i32 to index
        %get3A_242 = tpu.vector_load %arg10[%get3A_241] {strides = array<i32>} : memref<12960xi32, #tpu.memory_space<vmem>>, vector<16xi32>,
        %swap3A_243 = arith.constant 0 : i32
        %swap3A_244 = arith.index_cast %swap3A_243 : i32 to index
        %swap3A_245 = arith.constant 64 : index
        %swap3A_246 = tpu.vector_load %arg12[%swap3A_244, %swap3A_245] {strides = array<i32>} : memref<2x128xi32, #tpu.memory_space<vmem>>, vector<16xi32>,
        tpu.vector_store %arg12[%swap3A_244, %swap3A_245], %get3A_242 {strides = array<i32>} : memref<2x128xi32, #tpu.memory_space<vmem>>, vector<16xi32>,
        %mul3A_247 = arith.constant 128 : i32
        %mul3A_248 = arith.muli %mul3A_178, %mul3A_247 : i32
        %add3A_249 = arith.constant 80 : i32
        %add3A_250 = arith.addi %mul3A_248, %add3A_249 : i32
        %get3A_251 = arith.index_cast %add3A_250 : i32 to index
        %get3A_252 = tpu.vector_load %arg10[%get3A_251] {strides = array<i32>} : memref<12960xi32, #tpu.memory_space<vmem>>, vector<16xi32>,
        %swap3A_253 = arith.constant 0 : i32
        %swap3A_254 = arith.index_cast %swap3A_253 : i32 to index
        %swap3A_255 = arith.constant 80 : index
        %swap3A_256 = tpu.vector_load %arg12[%swap3A_254, %swap3A_255] {strides = array<i32>} : memref<2x128xi32, #tpu.memory_space<vmem>>, vector<16xi32>,
        tpu.vector_store %arg12[%swap3A_254, %swap3A_255], %get3A_252 {strides = array<i32>} : memref<2x128xi32, #tpu.memory_space<vmem>>, vector<16xi32>,
        %mul3A_257 = arith.constant 128 : i32
        %mul3A_258 = arith.muli %mul3A_178, %mul3A_257 : i32
        %add3A_259 = arith.constant 96 : i32
        %add3A_260 = arith.addi %mul3A_258, %add3A_259 : i32
        %get3A_261 = arith.index_cast %add3A_260 : i32 to index
        %get3A_262 = tpu.vector_load %arg10[%get3A_261] {strides = array<i32>} : memref<12960xi32, #tpu.memory_space<vmem>>, vector<16xi32>,
        %swap3A_263 = arith.constant 0 : i32
        %swap3A_264 = arith.index_cast %swap3A_263 : i32 to index
        %swap3A_265 = arith.constant 96 : index
        %swap3A_266 = tpu.vector_load %arg12[%swap3A_264, %swap3A_265] {strides = array<i32>} : memref<2x128xi32, #tpu.memory_space<vmem>>, vector<16xi32>,
        tpu.vector_store %arg12[%swap3A_264, %swap3A_265], %get3A_262 {strides = array<i32>} : memref<2x128xi32, #tpu.memory_space<vmem>>, vector<16xi32>,
        %mul3A_267 = arith.constant 128 : i32
        %mul3A_268 = arith.muli %mul3A_178, %mul3A_267 : i32
        %add3A_269 = arith.constant 112 : i32
        %add3A_270 = arith.addi %mul3A_268, %add3A_269 : i32
        %get3A_271 = arith.index_cast %add3A_270 : i32 to index
        %get3A_272 = tpu.vector_load %arg10[%get3A_271] {strides = array<i32>} : memref<12960xi32, #tpu.memory_space<vmem>>, vector<16xi32>,
        %swap3A_273 = arith.constant 0 : i32
        %swap3A_274 = arith.index_cast %swap3A_273 : i32 to index
        %swap3A_275 = arith.constant 112 : index
        %swap3A_276 = tpu.vector_load %arg12[%swap3A_274, %swap3A_275] {strides = array<i32>} : memref<2x128xi32, #tpu.memory_space<vmem>>, vector<16xi32>,
        tpu.vector_store %arg12[%swap3A_274, %swap3A_275], %get3A_272 {strides = array<i32>} : memref<2x128xi32, #tpu.memory_space<vmem>>, vector<16xi32>,
        %dma_start3A_277 = arith.constant 0 : i32
        %dma_start3A_278 = arith.constant 0 : i32
        %dma_start3A_279 = arith.constant 0 : i32
        %dma_start3A_280 = arith.constant 0 : i32
        %dma_start3A_281 = tpu.memref_slice %arg11[%dma_start3A_277, %dma_start3A_279, %dma_start3A_280] : memref<2x128x32xf32, #tpu.memory_space<vmem>> -> memref<1x128x32xf32, #tpu.memory_space<vmem>>
        %dma_start3A_282 = tpu.memref_squeeze %dma_start3A_281 : memref<1x128x32xf32, #tpu.memory_space<vmem>> -> memref<128x32xf32, #tpu.memory_space<vmem>>
        %dma_start3A_283 = arith.constant 0 : i32
        %dma_start3A_284 = tpu.memref_slice %arg12[%dma_start3A_278, %dma_start3A_283] : memref<2x128xi32, #tpu.memory_space<vmem>> -> memref<1x128xi32, #tpu.memory_space<vmem>>
        %dma_start3A_285 = tpu.memref_squeeze %dma_start3A_284 : memref<1x128xi32, #tpu.memory_space<vmem>> -> memref<128xi32, #tpu.memory_space<vmem>>
        %dma_start3A_286 = arith.constant 0 : i32
        %dma_start3A_287 = arith.constant 0 : i32
        %dma_start3A_288 = tpu.memref_slice %arg5[%dma_start3A_286, %dma_start3A_287] : memref<819200x32xf32, #tpu.memory_space<hbm>> -> memref<819200x32xf32, #tpu.memory_space<hbm>>
        tpu.enqueue_indirect_dma source(%dma_start3A_282 : memref<128x32xf32, #tpu.memory_space<vmem>>) target(%dma_start3A_288 : memref<819200x32xf32, #tpu.memory_space<hbm>>) offsets(%dma_start3A_285 : memref<128xi32, #tpu.memory_space<vmem>>) semaphore(%arg14 : memref<!tpu.dma_semaphore, #tpu.memory_space<semaphore_mem>>)
        %add3A_289 = arith.constant 1 : i32
        %add3A_290 = arith.addi %mul3A_178, %add3A_289 : i32
        %lt3A_291 = arith.cmpi slt, %add3A_290, %select_n3A_140 : i32
        %convert_element_type3A_292 = arith.extui %lt3A_291 : i1 to i32
        %cond3A_293 = arith.constant 0 : i32
        %cond3A_294 = arith.cmpi ne, %convert_element_type3A_292, %cond3A_293 : i32
        scf.if %cond3A_294 {
          %add3A_307 = arith.constant 1 : i32
          %add3A_308 = arith.addi %mul3A_178, %add3A_307 : i32
          %mul3A_309 = arith.constant 128 : i32
          %mul3A_310 = arith.muli %add3A_308, %mul3A_309 : i32
          %dma_start3A_311 = arith.constant 1 : i32
          %dma_start3A_312 = arith.constant 0 : i32
          %dma_start3A_313 = arith.constant 0 : i32
          %dma_start3A_314 = tpu.memref_slice %arg11[%dma_start3A_311, %dma_start3A_312, %dma_start3A_313] : memref<2x128x32xf32, #tpu.memory_space<vmem>> -> memref<1x128x32xf32, #tpu.memory_space<vmem>>
          %dma_start3A_315 = tpu.memref_squeeze %dma_start3A_314 : memref<1x128x32xf32, #tpu.memory_space<vmem>> -> memref<128x32xf32, #tpu.memory_space<vmem>>
          %dma_start3A_316 = tpu.memref_slice %arg9[%mul3A_310] : memref<12960xi32, #tpu.memory_space<vmem>> -> memref<128xi32, #tpu.memory_space<vmem>>
          %dma_start3A_317 = arith.constant 0 : i32
          %dma_start3A_318 = arith.constant 0 : i32
          %dma_start3A_319 = tpu.memref_slice %arg4[%dma_start3A_317, %dma_start3A_318] : memref<500000x32xf32, #tpu.memory_space<hbm>> -> memref<500000x32xf32, #tpu.memory_space<hbm>>
          tpu.enqueue_indirect_dma source(%dma_start3A_319 : memref<500000x32xf32, #tpu.memory_space<hbm>>) target(%dma_start3A_315 : memref<128x32xf32, #tpu.memory_space<vmem>>) offsets(%dma_start3A_316 : memref<128xi32, #tpu.memory_space<vmem>>) semaphore(%arg13 : memref<!tpu.dma_semaphore, #tpu.memory_space<semaphore_mem>>)
          %dma_wait3A_320 = arith.constant 1 : i32
          %dma_wait3A_321 = arith.constant 0 : i32
          %dma_wait3A_322 = arith.constant 0 : i32
          %dma_wait3A_323 = tpu.memref_slice %arg11[%dma_wait3A_320, %dma_wait3A_321, %dma_wait3A_322] : memref<2x128x32xf32, #tpu.memory_space<vmem>> -> memref<1x128x32xf32, #tpu.memory_space<vmem>>
          %dma_wait3A_324 = tpu.memref_squeeze %dma_wait3A_323 : memref<1x128x32xf32, #tpu.memory_space<vmem>> -> memref<128x32xf32, #tpu.memory_space<vmem>>
          %dma_wait3A_325 = tpu.memref_slice %arg9[%mul3A_310] : memref<12960xi32, #tpu.memory_space<vmem>> -> memref<128xi32, #tpu.memory_space<vmem>>
          %dma_wait3A_326 = arith.constant 0 : i32
          %dma_wait3A_327 = arith.constant 0 : i32
          %dma_wait3A_328 = tpu.memref_slice %arg4[%dma_wait3A_326, %dma_wait3A_327] : memref<500000x32xf32, #tpu.memory_space<hbm>> -> memref<500000x32xf32, #tpu.memory_space<hbm>>
          tpu.wait_indirect_dma semaphore(%arg13 : memref<!tpu.dma_semaphore, #tpu.memory_space<semaphore_mem>>) src(%dma_wait3A_328 : memref<500000x32xf32, #tpu.memory_space<hbm>>) dst(%dma_wait3A_324 : memref<128x32xf32, #tpu.memory_space<vmem>>)
          %add3A_329 = arith.constant 1 : i32
          %add3A_330 = arith.addi %mul3A_178, %add3A_329 : i32
          %mul3A_331 = arith.constant 128 : i32
          %mul3A_332 = arith.muli %add3A_330, %mul3A_331 : i32
          %add3A_333 = arith.constant 0 : i32
          %add3A_334 = arith.addi %mul3A_332, %add3A_333 : i32
          %get3A_335 = arith.index_cast %add3A_334 : i32 to index
          %get3A_336 = tpu.vector_load %arg10[%get3A_335] {strides = array<i32>} : memref<12960xi32, #tpu.memory_space<vmem>>, vector<16xi32>,
          %swap3A_337 = arith.constant 1 : i32
          %swap3A_338 = arith.index_cast %swap3A_337 : i32 to index
          %swap3A_339 = arith.constant 0 : index
          %swap3A_340 = tpu.vector_load %arg12[%swap3A_338, %swap3A_339] {strides = array<i32>} : memref<2x128xi32, #tpu.memory_space<vmem>>, vector<16xi32>,
          tpu.vector_store %arg12[%swap3A_338, %swap3A_339], %get3A_336 {strides = array<i32>} : memref<2x128xi32, #tpu.memory_space<vmem>>, vector<16xi32>,
          %mul3A_341 = arith.constant 128 : i32
          %mul3A_342 = arith.muli %add3A_330, %mul3A_341 : i32
          %add3A_343 = arith.constant 16 : i32
          %add3A_344 = arith.addi %mul3A_342, %add3A_343 : i32
          %get3A_345 = arith.index_cast %add3A_344 : i32 to index
          %get3A_346 = tpu.vector_load %arg10[%get3A_345] {strides = array<i32>} : memref<12960xi32, #tpu.memory_space<vmem>>, vector<16xi32>,
          %swap3A_347 = arith.constant 1 : i32
          %swap3A_348 = arith.index_cast %swap3A_347 : i32 to index
          %swap3A_349 = arith.constant 16 : index
          %swap3A_350 = tpu.vector_load %arg12[%swap3A_348, %swap3A_349] {strides = array<i32>} : memref<2x128xi32, #tpu.memory_space<vmem>>, vector<16xi32>,
          tpu.vector_store %arg12[%swap3A_348, %swap3A_349], %get3A_346 {strides = array<i32>} : memref<2x128xi32, #tpu.memory_space<vmem>>, vector<16xi32>,
          %mul3A_351 = arith.constant 128 : i32
          %mul3A_352 = arith.muli %add3A_330, %mul3A_351 : i32
          %add3A_353 = arith.constant 32 : i32
          %add3A_354 = arith.addi %mul3A_352, %add3A_353 : i32
          %get3A_355 = arith.index_cast %add3A_354 : i32 to index
          %get3A_356 = tpu.vector_load %arg10[%get3A_355] {strides = array<i32>} : memref<12960xi32, #tpu.memory_space<vmem>>, vector<16xi32>,
          %swap3A_357 = arith.constant 1 : i32
          %swap3A_358 = arith.index_cast %swap3A_357 : i32 to index
          %swap3A_359 = arith.constant 32 : index
          %swap3A_360 = tpu.vector_load %arg12[%swap3A_358, %swap3A_359] {strides = array<i32>} : memref<2x128xi32, #tpu.memory_space<vmem>>, vector<16xi32>,
          tpu.vector_store %arg12[%swap3A_358, %swap3A_359], %get3A_356 {strides = array<i32>} : memref<2x128xi32, #tpu.memory_space<vmem>>, vector<16xi32>,
          %mul3A_361 = arith.constant 128 : i32
          %mul3A_362 = arith.muli %add3A_330, %mul3A_361 : i32
          %add3A_363 = arith.constant 48 : i32
          %add3A_364 = arith.addi %mul3A_362, %add3A_363 : i32
          %get3A_365 = arith.index_cast %add3A_364 : i32 to index
          %get3A_366 = tpu.vector_load %arg10[%get3A_365] {strides = array<i32>} : memref<12960xi32, #tpu.memory_space<vmem>>, vector<16xi32>,
          %swap3A_367 = arith.constant 1 : i32
          %swap3A_368 = arith.index_cast %swap3A_367 : i32 to index
          %swap3A_369 = arith.constant 48 : index
          %swap3A_370 = tpu.vector_load %arg12[%swap3A_368, %swap3A_369] {strides = array<i32>} : memref<2x128xi32, #tpu.memory_space<vmem>>, vector<16xi32>,
          tpu.vector_store %arg12[%swap3A_368, %swap3A_369], %get3A_366 {strides = array<i32>} : memref<2x128xi32, #tpu.memory_space<vmem>>, vector<16xi32>,
          %mul3A_371 = arith.constant 128 : i32
          %mul3A_372 = arith.muli %add3A_330, %mul3A_371 : i32
          %add3A_373 = arith.constant 64 : i32
          %add3A_374 = arith.addi %mul3A_372, %add3A_373 : i32
          %get3A_375 = arith.index_cast %add3A_374 : i32 to index
          %get3A_376 = tpu.vector_load %arg10[%get3A_375] {strides = array<i32>} : memref<12960xi32, #tpu.memory_space<vmem>>, vector<16xi32>,
          %swap3A_377 = arith.constant 1 : i32
          %swap3A_378 = arith.index_cast %swap3A_377 : i32 to index
          %swap3A_379 = arith.constant 64 : index
          %swap3A_380 = tpu.vector_load %arg12[%swap3A_378, %swap3A_379] {strides = array<i32>} : memref<2x128xi32, #tpu.memory_space<vmem>>, vector<16xi32>,
          tpu.vector_store %arg12[%swap3A_378, %swap3A_379], %get3A_376 {strides = array<i32>} : memref<2x128xi32, #tpu.memory_space<vmem>>, vector<16xi32>,
          %mul3A_381 = arith.constant 128 : i32
          %mul3A_382 = arith.muli %add3A_330, %mul3A_381 : i32
          %add3A_383 = arith.constant 80 : i32
          %add3A_384 = arith.addi %mul3A_382, %add3A_383 : i32
          %get3A_385 = arith.index_cast %add3A_384 : i32 to index
          %get3A_386 = tpu.vector_load %arg10[%get3A_385] {strides = array<i32>} : memref<12960xi32, #tpu.memory_space<vmem>>, vector<16xi32>,
          %swap3A_387 = arith.constant 1 : i32
          %swap3A_388 = arith.index_cast %swap3A_387 : i32 to index
          %swap3A_389 = arith.constant 80 : index
          %swap3A_390 = tpu.vector_load %arg12[%swap3A_388, %swap3A_389] {strides = array<i32>} : memref<2x128xi32, #tpu.memory_space<vmem>>, vector<16xi32>,
          tpu.vector_store %arg12[%swap3A_388, %swap3A_389], %get3A_386 {strides = array<i32>} : memref<2x128xi32, #tpu.memory_space<vmem>>, vector<16xi32>,
          %mul3A_391 = arith.constant 128 : i32
          %mul3A_392 = arith.muli %add3A_330, %mul3A_391 : i32
          %add3A_393 = arith.constant 96 : i32
          %add3A_394 = arith.addi %mul3A_392, %add3A_393 : i32
          %get3A_395 = arith.index_cast %add3A_394 : i32 to index
          %get3A_396 = tpu.vector_load %arg10[%get3A_395] {strides = array<i32>} : memref<12960xi32, #tpu.memory_space<vmem>>, vector<16xi32>,
          %swap3A_397 = arith.constant 1 : i32
          %swap3A_398 = arith.index_cast %swap3A_397 : i32 to index
          %swap3A_399 = arith.constant 96 : index
          %swap3A_400 = tpu.vector_load %arg12[%swap3A_398, %swap3A_399] {strides = array<i32>} : memref<2x128xi32, #tpu.memory_space<vmem>>, vector<16xi32>,
          tpu.vector_store %arg12[%swap3A_398, %swap3A_399], %get3A_396 {strides = array<i32>} : memref<2x128xi32, #tpu.memory_space<vmem>>, vector<16xi32>,
          %mul3A_401 = arith.constant 128 : i32
          %mul3A_402 = arith.muli %add3A_330, %mul3A_401 : i32
          %add3A_403 = arith.constant 112 : i32
          %add3A_404 = arith.addi %mul3A_402, %add3A_403 : i32
          %get3A_405 = arith.index_cast %add3A_404 : i32 to index
          %get3A_406 = tpu.vector_load %arg10[%get3A_405] {strides = array<i32>} : memref<12960xi32, #tpu.memory_space<vmem>>, vector<16xi32>,
          %swap3A_407 = arith.constant 1 : i32
          %swap3A_408 = arith.index_cast %swap3A_407 : i32 to index
          %swap3A_409 = arith.constant 112 : index
          %swap3A_410 = tpu.vector_load %arg12[%swap3A_408, %swap3A_409] {strides = array<i32>} : memref<2x128xi32, #tpu.memory_space<vmem>>, vector<16xi32>,
          tpu.vector_store %arg12[%swap3A_408, %swap3A_409], %get3A_406 {strides = array<i32>} : memref<2x128xi32, #tpu.memory_space<vmem>>, vector<16xi32>,
          %dma_start3A_411 = arith.constant 1 : i32
          %dma_start3A_412 = arith.constant 1 : i32
          %dma_start3A_413 = arith.constant 0 : i32
          %dma_start3A_414 = arith.constant 0 : i32
          %dma_start3A_415 = tpu.memref_slice %arg11[%dma_start3A_411, %dma_start3A_413, %dma_start3A_414] : memref<2x128x32xf32, #tpu.memory_space<vmem>> -> memref<1x128x32xf32, #tpu.memory_space<vmem>>
          %dma_start3A_416 = tpu.memref_squeeze %dma_start3A_415 : memref<1x128x32xf32, #tpu.memory_space<vmem>> -> memref<128x32xf32, #tpu.memory_space<vmem>>
          %dma_start3A_417 = arith.constant 0 : i32
          %dma_start3A_418 = tpu.memref_slice %arg12[%dma_start3A_412, %dma_start3A_417] : memref<2x128xi32, #tpu.memory_space<vmem>> -> memref<1x128xi32, #tpu.memory_space<vmem>>
          %dma_start3A_419 = tpu.memref_squeeze %dma_start3A_418 : memref<1x128xi32, #tpu.memory_space<vmem>> -> memref<128xi32, #tpu.memory_space<vmem>>
          %dma_start3A_420 = arith.constant 0 : i32
          %dma_start3A_421 = arith.constant 0 : i32
          %dma_start3A_422 = tpu.memref_slice %arg5[%dma_start3A_420, %dma_start3A_421] : memref<819200x32xf32, #tpu.memory_space<hbm>> -> memref<819200x32xf32, #tpu.memory_space<hbm>>
          tpu.enqueue_indirect_dma source(%dma_start3A_416 : memref<128x32xf32, #tpu.memory_space<vmem>>) target(%dma_start3A_422 : memref<819200x32xf32, #tpu.memory_space<hbm>>) offsets(%dma_start3A_419 : memref<128xi32, #tpu.memory_space<vmem>>) semaphore(%arg14 : memref<!tpu.dma_semaphore, #tpu.memory_space<semaphore_mem>>)
          %dma_wait3A_423 = arith.constant 1 : i32
          %dma_wait3A_424 = arith.constant 1 : i32
          %dma_wait3A_425 = arith.constant 0 : i32
          %dma_wait3A_426 = arith.constant 0 : i32
          %dma_wait3A_427 = tpu.memref_slice %arg11[%dma_wait3A_423, %dma_wait3A_425, %dma_wait3A_426] : memref<2x128x32xf32, #tpu.memory_space<vmem>> -> memref<1x128x32xf32, #tpu.memory_space<vmem>>
          %dma_wait3A_428 = tpu.memref_squeeze %dma_wait3A_427 : memref<1x128x32xf32, #tpu.memory_space<vmem>> -> memref<128x32xf32, #tpu.memory_space<vmem>>
          %dma_wait3A_429 = arith.constant 0 : i32
          %dma_wait3A_430 = tpu.memref_slice %arg12[%dma_wait3A_424, %dma_wait3A_429] : memref<2x128xi32, #tpu.memory_space<vmem>> -> memref<1x128xi32, #tpu.memory_space<vmem>>
          %dma_wait3A_431 = tpu.memref_squeeze %dma_wait3A_430 : memref<1x128xi32, #tpu.memory_space<vmem>> -> memref<128xi32, #tpu.memory_space<vmem>>
          %dma_wait3A_432 = arith.constant 0 : i32
          %dma_wait3A_433 = arith.constant 0 : i32
          %dma_wait3A_434 = tpu.memref_slice %arg5[%dma_wait3A_432, %dma_wait3A_433] : memref<819200x32xf32, #tpu.memory_space<hbm>> -> memref<819200x32xf32, #tpu.memory_space<hbm>>
          tpu.wait_indirect_dma semaphore(%arg14 : memref<!tpu.dma_semaphore, #tpu.memory_space<semaphore_mem>>) src(%dma_wait3A_428 : memref<128x32xf32, #tpu.memory_space<vmem>>) dst(%dma_wait3A_434 : memref<819200x32xf32, #tpu.memory_space<hbm>>)
        } else {
        }
        %dma_wait3A_295 = arith.constant 0 : i32
        %dma_wait3A_296 = arith.constant 0 : i32
        %dma_wait3A_297 = arith.constant 0 : i32
        %dma_wait3A_298 = arith.constant 0 : i32
        %dma_wait3A_299 = tpu.memref_slice %arg11[%dma_wait3A_295, %dma_wait3A_297, %dma_wait3A_298] : memref<2x128x32xf32, #tpu.memory_space<vmem>> -> memref<1x128x32xf32, #tpu.memory_space<vmem>>
        %dma_wait3A_300 = tpu.memref_squeeze %dma_wait3A_299 : memref<1x128x32xf32, #tpu.memory_space<vmem>> -> memref<128x32xf32, #tpu.memory_space<vmem>>
        %dma_wait3A_301 = arith.constant 0 : i32
        %dma_wait3A_302 = tpu.memref_slice %arg12[%dma_wait3A_296, %dma_wait3A_301] : memref<2x128xi32, #tpu.memory_space<vmem>> -> memref<1x128xi32, #tpu.memory_space<vmem>>
        %dma_wait3A_303 = tpu.memref_squeeze %dma_wait3A_302 : memref<1x128xi32, #tpu.memory_space<vmem>> -> memref<128xi32, #tpu.memory_space<vmem>>
        %dma_wait3A_304 = arith.constant 0 : i32
        %dma_wait3A_305 = arith.constant 0 : i32
        %dma_wait3A_306 = tpu.memref_slice %arg5[%dma_wait3A_304, %dma_wait3A_305] : memref<819200x32xf32, #tpu.memory_space<hbm>> -> memref<819200x32xf32, #tpu.memory_space<hbm>>
        tpu.wait_indirect_dma semaphore(%arg14 : memref<!tpu.dma_semaphore, #tpu.memory_space<semaphore_mem>>) src(%dma_wait3A_300 : memref<128x32xf32, #tpu.memory_space<vmem>>) dst(%dma_wait3A_306 : memref<819200x32xf32, #tpu.memory_space<hbm>>)
      }
    } else {
    }
    return
  }
}

</mosaic_0001>

<sc_bundles>
// kernel: kernel.3.cloned.1.call-start
scs
__scs_entry_jumppad:
0x0: {  	(pc) =	sbr.rel $0x88, $3  }
0x1: {  	(tag) =	ssettag $0x0;
	lr =	simm.s32 $0x1  }
0x2: {  	[smem:$0x3F9E] =	sst lr;
	_ =	strace $0xD0000000  }
0x3: {  	_ = 	snop  }
0x4: {  	_ = 	snop  }
0x5: {  	_ = 	snop  }
0x6: {  	_ = 	snop  }
0x7: {  	_ = 	snop  }
__scs_overlays_trampoline_lowered:
0x8: {  	[smem:$0x3FAD] =	sst s0  }
0x9: {  	[smem:$0x3FAE] =	sst s1  }
0xa: {  	[smem:$0x3FAF] =	sst s2  }
0xb: {  	[smem:$0x3FB0] =	sst s3  }
0xc: {  	[smem:$0x3FB1] =	sst s4  }
0xd: {  	[smem:$0x3FB2] =	sst s5  }
0xe: {  	[smem:$0x3FB3] =	sst s6  }
0xf: {  	[smem:$0x3FB4] =	sst s7  }
0x10: {  	[smem:$0x3FB5] =	sst s8  }
0x11: {  	[smem:$0x3FB6] =	sst s9;
	s0 =	simm.s32 @!p0 $0x0  }
0x12: {  	s1 =	sld [smem:$0x3F9C];
	s0 =	simm.s32 @p0 $0x1  }
0x13: {  	[smem:$0x3FB7] =	sst s0;
	s0 =	simm.s32 @!p1 $0x0  }
0x14: {  	s2 =	sld [smem:$0x3F9B];
	s0 =	simm.s32 @p1 $0x1  }
0x15: {  	[smem:$0x3FB8] =	sst s0;
	s0 =	simm.s32 @!p2 $0x0  }
0x16: {  	s3 =	sld [smem:$0x3FDB];
	s0 =	simm.s32 @p2 $0x1  }
0x17: {  	s4 =	simm.s32 $0x1BF5;
	[smem:$0x3FBA] =	sst s0  }
0x18: {  	s0 =	sld [smem:$0x3F9D];
	_ =	swait.ge [sflag:s4], $0x0  }
0x19: {  	s7 =	sld [smem:$0x3F9E]  }
0x1a: {  	s8 =	sadd.s32 $0xFFFFE003, lr  }
0x1b: {  	s9 =	sadd.s32 $0xFFFFFEF7, lr;
	s5 =	simm.s32 $0xFFFFFFFF;
	p2 =	slt.u32 s8, $0xFFFFF086  }
0x1c: {  	p1 =	slt.u32 s9, $0xF7A;
	s5 =	simm.s32 @!p2 $0x0  }
0x1d: {  	s5 =	simm.s32 @p1 $0x1;
	p0 =	seq.s32 s7, s2  }
0x1e: {  	s7 =	smul.u32 @!p0 $0xF7A, s2;
	p2 =	seq.s32 @!p0 s5, $0x0  }
0x1f: {  	s9 =	smul.u32 $0xF7A, s1;
	s8 =	simm.s32 @!p0 $0x1BF5;
	p2 =	por !p2, p0  }
0x20: {  	[sflag:s8] =	ssyncset.s32 @!p0 $0xFFFFF086;
	s6 =	sadd.s32 @!p0 s3, s7;
	s7 =	simm.s32 @!p0 $0x108  }
0x21: {  	s3 =	sadd.s32 s3, s9;
	s6 =	sadd.s32 @!p0 $0x88, s6;
	s7 =	simm.s32 @p2 $0x1082  }
0x22: {  	[simem:s7], [sflag:s8] =	dma.local @!p0 [hbm:s6], $0xF7A  }
0x23: {  	s9 =	sor.u32 $0xD0000000, s2;
	s6 =	simm.s32 $0x108;
	_ =	swait.ge @!p0 [sflag:s8], $0x0  }
0x24: {  	s3 =	sadd.s32 $0x88, s3;
	s6 =	simm.s32 @!p1 $0x1082;
	[sflag:s4] =	ssyncset.s32 $0xFFFFF086  }
0x25: {  	[simem:s6], [sflag:s4] =	dma.local [hbm:s3], $0xF7A  }
0x26: {  	[smem:$0x3F9E] =	sst s1;
	(tag) =	ssettag s2;
	_ =	strace s9  }
0x27: {  	s1 =	sld [smem:$0x3FAE]  }
0x28: {  	s2 =	sld [smem:$0x3FAF]  }
0x29: {  	s4 =	sld [smem:$0x3FB1]  }
0x2a: {  	p0 =	seq.s32 s5, $0x0;
	s5 =	sld [smem:$0x3FB2]  }
0x2b: {  	s6 =	sld [smem:$0x3FB3]  }
0x2c: {  	s7 =	sld [smem:$0x3FB4]  }
0x2d: {  	s3 =	simm.s32 $0x108;
	s8 =	sld [smem:$0x3FB5]  }
0x2e: {  	s3 =	simm.s32 @!p0 $0x1082;
	s9 =	sld [smem:$0x3FB6]  }
0x2f: {  	lr =	sadd.s32 s0, s3;
	s0 =	sld [smem:$0x3FAD]  }
0x30: {  	s3 =	sld [smem:$0x3FB0]  }
0x31: {  	[smem:$0x3FB9] =	sst s10  }
0x32: {  	s10 =	sld [smem:$0x3FB7];
	_ =	sdelay $0x3  }
0x33: {  	p0 =	seq.s32 s10, $0x1;
	s10 =	sld [smem:$0x3FB9];
	_ =	sdelay $0x3  }
0x34: {  	[smem:$0x3FB9] =	sst s10  }
0x35: {  	s10 =	sld [smem:$0x3FB8];
	_ =	sdelay $0x3  }
0x36: {  	p1 =	seq.s32 s10, $0x1;
	s10 =	sld [smem:$0x3FB9];
	_ =	sdelay $0x3  }
0x37: {  	[smem:$0x3FB9] =	sst s10  }
0x38: {  	s10 =	sld [smem:$0x3FBA]  }
0x39: {  	_ = 	snop;
	(pc) =	sbr.ind lr, $3  }
0x3a: {  	_ = 	snop  }
0x3b: {  	_ = 	snop  }
0x3c: {  	p2 =	seq.s32 s10, $0x1;
	s10 =	sld [smem:$0x3FB9]  }
0x3d: {  	_ =	shalt  }
0x3e: {  	_ =	shalt  }
0x3f: {  	_ =	shalt  }
0x40: {  	_ =	shalt  }
0x41: {  	_ =	shalt  }
0x42: {  	_ =	shalt  }
0x43: {  	_ =	shalt  }
0x44: {  	_ =	shalt  }
0x45: {  	_ =	shalt  }
0x46: {  	_ =	shalt  }
0x47: {  	_ =	shalt  }
0x48: {  	_ =	shalt  }
0x49: {  	_ =	shalt  }
0x4a: {  	_ =	shalt  }
0x4b: {  	_ =	shalt  }
0x4c: {  	_ =	shalt  }
0x4d: {  	_ =	shalt  }
0x4e: {  	_ =	shalt  }
0x4f: {  	_ =	shalt  }
0x50: {  	_ =	shalt  }
0x51: {  	_ =	shalt  }
0x52: {  	_ =	shalt  }
0x53: {  	_ =	shalt  }
0x54: {  	_ =	shalt  }
0x55: {  	_ =	shalt  }
0x56: {  	_ =	shalt  }
0x57: {  	_ =	shalt  }
0x58: {  	_ =	shalt  }
0x59: {  	_ =	shalt  }
0x5a: {  	_ =	shalt  }
0x5b: {  	_ =	shalt  }
0x5c: {  	_ =	shalt  }
0x5d: {  	_ =	shalt  }
0x5e: {  	_ =	shalt  }
0x5f: {  	_ =	shalt  }
0x60: {  	_ =	shalt  }
0x61: {  	_ =	shalt  }
0x62: {  	_ =	shalt  }
0x63: {  	_ =	shalt  }
0x64: {  	_ =	shalt  }
0x65: {  	_ =	shalt  }
0x66: {  	_ =	shalt  }
0x67: {  	_ =	shalt  }
0x68: {  	_ =	shalt  }
0x69: {  	_ =	shalt  }
0x6a: {  	_ =	shalt  }
0x6b: {  	_ =	shalt  }
0x6c: {  	_ =	shalt  }
0x6d: {  	_ =	shalt  }
0x6e: {  	_ =	shalt  }
0x6f: {  	_ =	shalt  }
0x70: {  	_ =	shalt  }
0x71: {  	_ =	shalt  }
0x72: {  	_ =	shalt  }
0x73: {  	_ =	shalt  }
0x74: {  	_ =	shalt  }
0x75: {  	_ =	shalt  }
0x76: {  	_ =	shalt  }
0x77: {  	_ =	shalt  }
0x78: {  	_ =	shalt  }
0x79: {  	_ =	shalt  }
0x7a: {  	_ =	shalt  }
0x7b: {  	_ =	shalt  }
0x7c: {  	_ =	shalt  }
0x7d: {  	_ =	shalt  }
0x7e: {  	_ =	shalt  }
0x7f: {  	_ =	shalt  }
0x80: {  	_ =	shalt  }
0x81: {  	_ =	shalt  }
0x82: {  	_ =	shalt  }
0x83: {  	_ =	shalt  }
0x84: {  	_ =	shalt  }
0x85: {  	_ =	shalt  }
0x86: {  	_ =	shalt  }
0x87: {  	_ =	shalt  }
.Lfunc_end0:
.L_simem_size_0:
called_computation.2_lowered:
.L_overlay_start_0:
0x88: {  	s2 =	sld [smem:$0x3FD9]  }
0x89: {  	s3 =	sld [smem:$0x3FFE];
	_ =	sdelay $0x1  }
0x8a: {  	s1 =	srdreg.scid  }
0x8b: {  	s0 =	sand.u32 $0x1, s1  }
0x8c: {  	s17 =	sshll.u32 s0, $0xA;
	s2 =	sadd.s32 s3, s2  }
0x8d: {  	s2 =	sadd.s32 s2, s17  }
0x8e: {  	[smem:$0x3FC5] =	sst s2  }
0x8f: {  	_ = 	snop  }
0x90: {  	s2 =	sld [smem:$0x3FD0];
	(tm) =	ssettm $0x1  }
0x91: {  	s18 =	sld [smem:$0x3FFB];
	_ =	sdelay $0x3  }
0x92: {  	_ =	strace s18  }
0x93: {  	s3 =	sld [smem:$0x3FFC];
	_ =	sdelay $0x3  }
0x94: {  	_ =	strace s3  }
0x95: {  	s3 =	sld [smem:$0x3FFD];
	_ =	sdelay $0x3  }
0x96: {  	_ =	strace s3  }
0x97: {  	_ =	strace $0x8FFFFFFF  }
0x98: {  	s19 =	sld [smem:$0x3FDB];
	_ =	sdelay $0x1  }
0x99: {  	s4 =	simm.s32 $_scs_section_size  }
0x9a: {  	s5 =	simm.s32 $_size__tile_overlayer_lowered;
	s6 =	simm.s32 $_tile_overlayer_lowered  }
0x9b: {  	s22 =	simm.s32 $0x1BFF;
	s21 =	sshll.u32 s6, $0x1;
	s3 =	sadd.s32 s4, s19  }
0x9c: {  	s7 =	simm.s32 $0x0;
	s20 =	sshll.u32 s5, $0x1;
	s5 =	sadd.s32 s21, s3  }
0x9d: {  	[timem:s7], [sflag:s22] =	dma.local [hbm:s5], s20  }
0x9e: {  	_ =	swait.ge [sflag:s22], s20  }
0x9f: {  	s4 =	ssub.s32 $0x0, s20;
	[sflag:s22] =	ssyncset.done $0x0  }
0xa0: {  	[sflag:s22] =	ssyncadd.s32 s4;
	_ =	sdelay $0x1  }
0xa1: {  	s23 =	simm.s32 $0x1B8B  }
0xa2: {  	_ =	swait.ge [sflag:s23], $0x1  }
0xa3: {  	[sflag:s23] =	ssyncset.done $0x0  }
0xa4: {  	s25 =	simm.s32 $0x1B8E;
	s24 =	sld [smem:$0x3FFE];
	[sflag:s23] =	ssyncadd.s32 $0xFFFFFFFF  }
0xa5: {  	s26 =	simm.s32 $execute0_lowered;
	[smem:$0x3FD2] =	sst s25  }
0xa6: {  	s5 =	sshll.u32 s26, $0x1;
	_ =	strace $0x80000046;
	[dreg:$0x1] =	wrdreg $0xFFFFFFFF  }
0xa7: {  	s28 =	simm.s32 $_size_execute0_lowered;
	s3 =	sadd.s32 s3, s5;
	[dreg:$0x0] =	wrdreg $0x0  }
0xa8: {  	s5 =	sshll.u32 s28, $0x1;
	[dreg:$0x2] =	wrdreg s3  }
0xa9: {  	[dreg:$0x3] =	wrdreg s5  }
0xaa: {  	[dreg:$0x4] =	wrdreg $0xC0  }
0xab: {  	_ =	task [dreg:s7], $0x5FFFF  }
0xac: {  	[dreg:$0x1] =	wrdreg $0xFFFFFFFF  }
0xad: {  	[dreg:$0x0] =	wrdreg $0x60  }
0xae: {  	[dreg:$0x2] =	wrdreg s24  }
0xaf: {  	[dreg:$0x3] =	wrdreg s2  }
0xb0: {  	[dreg:$0x4] =	wrdreg $0x9  }
0xb1: {  	_ =	task.clear_ibuf [dreg:s7], $0x5FFFF;
	_ =	strace $0x90000046  }
0xb2: {  	s29 =	simm.s32 $0x9;
	_ =	strace $0x80000048  }
0xb3: {  	_ =	swait.ge [sflag:s29], $0x1  }
0xb4: {  	[sflag:s29] =	ssyncadd.s32 $0xFFFFFFFF  }
0xb5: {  	_ =	strace $0x90000048  }
0xb6: {  	_ =	sfence  }
0xb7: {  	s30 =	sld [smem:$0x0];
	_ =	sdelay $0x2  }
0xb8: {  	s31 =	sshll.u32 s1, $0xD;
	s1 =	sshrl.u32 s1, $0x2  }
0xb9: {  	s3 =	sand.u32 $0x4000, s31;
	s1 =	sadd.s32 s1, s30  }
0xba: {  	s0 =	sor.u32 s3, s0;
	s1 =	sshll.u32 s1, $0x11  }
0xbb: {  	s0 =	sor.u32 s1, s0  }
0xbc: {  	s0 =	sadd.s32 $0x8F2B, s0  }
0xbd: {  	[sflag:s0] =	ssyncadd.remote.s32 $0x1  }
0xbe: {  	_ =	sfence.sel $0xFFFF  }
0xbf: {  	[dreg:$0x0] =	wrdreg $0xFFFFFFFF;
	(pc) =	sbr.abs _section_cstart, $3  }
0xc0: {  	[dreg:$0x1] =	wrdreg $0xFFFFFFFF  }
0xc1: {  	_ =	task.clear_ibuf [dreg:s7], $0x2FFFF;
	_ =	strace $0x9FFFFFFF  }
0xc2: {  	(tm) =	ssettm $0x7FFFFFFF  }
0xc3: {  	_ =	shalt  }
tec
execute0_lowered:
.L_overlay_start_1:
0x0: {  	(tag) =	ssettag $0x1  }
0x1: {  	s5 =	rddreg [dreg:$0x0];
	s1 =	srdreg.scid  }
0x2: {  	s0 =	stileid.u32;
	s2 =	rddreg [dreg:$0x1]  }
0x3: {  	s3 =	simm.s32 $0x0;
	s12 =	simm.s32 $0x80;
	s13 =	simm.s32 $0xFC80  }
0x4: {  	s14 =	simm.s32 $0x1;
	s15 =	simm.s32 $0x11C80;
	s16 =	simm.s32 $0x2  }
0x5: {  	s4 =	sand.u32 $0x1, s1;
	s6 =	sshll.u32 s0, $0x1;
	s8 =	smul.u32 $0xC800, s0  }
0x6: {  	s1 =	rddreg [dreg:$0x2];
	s6 =	sor.u32 s4, s6;
	s10 =	smul.u32 $0x6400, s4  }
0x7: {  	s17 =	simm.s32 $0x0;
	[smem:$0x7FF] =	sst s3;
	s6 =	smul.u32 $0x6400, s6  }
.Ltmp0:
0x8: {  	_ =	strace $0x80000047;
	s7 =	ssub.s32 $0x2, s4;
	(pc) =	sbr.rel .LBB2_1-.Ltmp0, $4  }
0x9: {  	s4 =	sadd.s32 $0x7BAE00, s5;
	s31 =	sshrl.u32 s7, $0x1;
	s6 =	sshrl.u32 s6, $0x3  }
0xa: {  	s11 =	ssub.s32 s7, s31;
	s8 =	sadd.s32 s10, s8;
	s9 =	sadd.s32 s6, s5  }
0xb: {  	s10 =	sadd.s32 $0x3200, s8;
	s5 =	sadd.s32 $0x9A3400, s5;
	s6 =	sadd.s32 $0xC00, s9  }
0xc: {  	v0 =	vlaneseq.u32;
	s7 =	sadd.s32 $0x1240, s9;
	s9 =	smax.u32 s11, $0x1;
	s11 =	simm.s32 $0x3  }
.LBB2_20:
0xd: {  	[sflag:s16] =	ssyncset.done $0x0  }
0xe: {  	[sflag:s16] =	ssyncadd.s32 $0xFFFFF000  }
.LBB2_21:
0xf: {  	s17 =	sadd.s32 $0x1, s17  }
0x10: {  	p0 =	sne.s32 s17, s9  }
.Ltmp1:
0x11: {  	_ = 	snop;
	(pc) =	sbr.rel @!p0 .LBB2_22-.Ltmp1, $1  }
0x12: {  	_ =	sdelay $0x3  }
.LBB2_1:
0x13: {  	[tilespmem:s3], [sflag:$0x3] =	stream.linear.gather [hbm4b:s6+s3], $0x3200, $0x38;
	[tilespmem:$0x11D80] =	vst v63  }
0x14: {  	_ =	swait.ge [sflag:s11], $0x3200  }
0x15: {  	[sflag:s11] =	ssyncset.done $0x0  }
0x16: {  	s18 =	simm.s32 $0x0;
	[sflag:s11] =	ssyncadd.s32 $0xFFFFCE00  }
0x17: {  	v1 =	vld [tilespmem:s18+$0x0];
	_ =	sdelay $0x4  }
0x18: {  	vm0 =	vlt.s32 v1, $0x7A120  }
0x19: {  	v2 =	vmpcnt.ones.xlane vm0;
	_ =	sdelay $0x1  }
0x1a: {  	(v2sf) =	vpush v2, $0x0;
	_ =	sdelay $0x3  }
0x1b: {  	[tilespmem:s3+$0x3200] =	vst.msk vm0, v1;
	v2 =	vor.u32 s8, v0  }
0x1c: {  	vm1 =	vge.s32 v1, $0x7A120;
	v1 =	vadd.s32 $0xFFF85EE0, v1;
	[tilespmem:s3+$0x64A0] =	vst.msk vm0, v2  }
0x1d: {  	[tilespmem:s3+$0x9740] =	vst.msk vm1, v1  }
0x1e: {  	s31 =	simm.s32 $0x10;
	[tilespmem:s3+$0xC9E0] =	vst.msk vm1, v2  }
0x1f: {  	v1 =	vld [tilespmem:s31+$0x0];
	_ =	sdelay $0x4  }
0x20: {  	vm0 =	vlt.s32 v1, $0x7A120  }
0x21: {  	v2 =	vmpcnt.ones.xlane vm0  }
0x22: {  	s20 =	simm.s32 $0x80;
	s19 =	spop (v2sf)  }
0x23: {  	(v2sf) =	vpush v2, $0x0;
	s18 =	sadd.s32 $0x0, s19;
	s21 =	ssub.s32 $0x0, s19;
	s19 =	smov.u32 s8  }
.LBB2_2:
0x24: {  	s21 =	sadd.s32 $0x10, s21  }
0x25: {  	s19 =	sadd.s32 $0x10, s19;
	s22 =	smov.u32 s20;
	s23 =	sadd.s32 $0x40, s20  }
0x26: {  	p0 =	sne.s32 s20, $0xC7C0;
	v2 =	vor.u32 s19, v0;
	[tilespmem:s18+$0x3200] =	vst.msk vm0, v1  }
0x27: {  	vm1 =	vge.s32 v1, $0x7A120;
	v1 =	vadd.s32 $0xFFF85EE0, v1;
	[tilespmem:s18+$0x64A0] =	vst.msk vm0, v2  }
0x28: {  	[tilespmem:s21+$0x9740] =	vst.msk vm1, v1  }
0x29: {  	s20 =	sshra.s32 s22, $0x2;
	[tilespmem:s21+$0xC9E0] =	vst.msk vm1, v2  }
0x2a: {  	v1 =	vld [tilespmem:s20+$0x0];
	_ =	sdelay $0x4  }
.Ltmp2:
0x2b: {  	vm0 =	vlt.s32 v1, $0x7A120;
	(pc) =	sbr.rel @p0 .LBB2_2-.Ltmp2, $3  }
0x2c: {  	v2 =	vmpcnt.ones.xlane vm0;
	_ =	sdelay $0x1  }
0x2d: {  	(v2sf) =	vpush v2, $0x0;
	s20 =	spop (v2sf)  }
0x2e: {  	s18 =	sadd.s32 s18, s20;
	s21 =	ssub.s32 s21, s20;
	s20 =	smov.u32 s23  }
0x2f: {  	_ =	sdelay $0xc  }
0x30: {  	s20 =	spop (v2sf)  }
0x31: {  	s22 =	sadd.s32 s18, s20  }
0x32: {  	p0 =	slt.s32 s22, $0x1  }
0x33: {  	s23 =	sadd.s32 @!p0 $0xFFFFFFFF, s22  }
0x34: {  	s19 =	sadd.s32 $0x10, s19;
	v2 =	vmov @!p0 s23  }
0x35: {  	[tilespmem:s18+$0x3200] =	vst.msk vm0, v1;
	v3 =	vor.u32 s19, v0  }
0x36: {  	s31 =	sadd.s32 $0x10, s21;
	vm1 =	vge.s32 v1, $0x7A120;
	v1 =	vadd.s32 $0xFFF85EE0, v1;
	[tilespmem:s18+$0x64A0] =	vst.msk vm0, v3  }
0x37: {  	[tilespmem:s31+$0x9740] =	vst.msk vm1, v1  }
0x38: {  	[tilespmem:s31+$0xC9E0] =	vst.msk vm1, v3;
	s18 =	simm.s32 @!p0 $0x3200  }
0x39: {  	s19 =	simm.s32 @!p0 $0x64A0;
	v1 =	vld.idx.msk @!p0 [tilespmem:v2+s18+$0x0], $0xffff  }
0x3a: {  	v2 =	vld.idx.msk @!p0 [tilespmem:v2+s19+$0x0], $0xffff;
	s19 =	sadd.s32 @!p0 $0x7F, s22  }
0x3b: {  	s21 =	sand.u32 @!p0 $0x7F, s19  }
0x3c: {  	p1 =	slt.s32 @!p0 s19, $0x0;
	p2 =	sne.s32 @!p0 s21, $0x0  }
0x3d: {  	s21 =	sshra.s32 @!p0 s19, $0x1F;
	p1 =	por @!p0 !p1, !p2  }
0x3e: {  	s24 =	sand.u32 @!p0 $0x7FFFFFF0, s22;
	s21 =	sshrl.u32 @!p0 s21, $0x19;
	p1 =	por @!p0 !p1, !p1  }
0x3f: {  	s19 =	sadd.s32 @!p0 s21, s19;
	s21 =	simm.s32 @!p0 $0x1;
	[tilespmem:s24+$0x3210] =	vst @!p0 v1;
	p1 =	por !p1, p0  }
0x40: {  	[tilespmem:s24+$0x64B0] =	vst @!p0 v2;
	s19 =	sshra.s32 @!p0 s19, $0x7;
	s21 =	simm.s32 @p1 $0x0  }
0x41: {  	v5 =	vlaneseq.u32 @!p0;
	[tilespmem:s24+$0x3220] =	vst @!p0 v1;
	s19 =	ssub.s32 @!p0 s19, s21  }
0x42: {  	v5 =	vor.u32 @!p0 s24, v5;
	[tilespmem:s24+$0x64C0] =	vst @!p0 v2;
	s21 =	sadd.s32 @!p0 $0x1, s19  }
0x43: {  	vm0 =	vlt.s32 @!p0 v5, s22;
	[tilespmem:s24+$0x3230] =	vst @!p0 v1;
	s22 =	sand.u32 @!p0 $0x1, s21  }
0x44: {  	[tilespmem:s24+$0x64D0] =	vst @!p0 v2;
	p1 =	slt.s32 @!p0 s19, $0x0;
	p2 =	seq.s32 @!p0 s22, $0x1  }
0x45: {  	[tilespmem:s24+$0x3240] =	vst @!p0 v1;
	p1 =	por @!p0 !p1, !p2  }
0x46: {  	[tilespmem:s24+$0x64E0] =	vst @!p0 v2;
	s22 =	sshrl.u32 @!p0 s21, $0x1F;
	p1 =	por @!p0 !p1, !p1  }
0x47: {  	[tilespmem:s24+$0x3250] =	vst @!p0 v1;
	s21 =	sadd.s32 @!p0 s22, s21;
	s22 =	simm.s32 @!p0 $0x1;
	p1 =	por !p1, p0  }
0x48: {  	[tilespmem:s24+$0x64F0] =	vst @!p0 v2;
	s21 =	sshra.s32 @!p0 s21, $0x1;
	s22 =	simm.s32 @p1 $0x0  }
0x49: {  	v3 =	vld @!p0 [tilespmem:s24+$0x3200];
	[tilespmem:s24+$0x3260] =	vst @!p0 v1;
	s21 =	ssub.s32 @!p0 s21, s22  }
0x4a: {  	v4 =	vld @!p0 [tilespmem:s24+$0x64A0];
	[tilespmem:s24+$0x6500] =	vst @!p0 v2;
	p1 =	slt.s32 @!p0 s21, $0x1  }
0x4b: {  	[tilespmem:s24+$0x3270] =	vst @!p0 v1;
	p1 =	por p0, p1  }
.Ltmp3:
0x4c: {  	[tilespmem:s24+$0x6510] =	vst @!p0 v2;
	(pc) =	sbr.rel @p1 .LBB2_7-.Ltmp3, $4  }
0x4d: {  	[tilespmem:s24+$0x3280] =	vst @!p0 v1  }
0x4e: {  	v3 =	vsel @!p0 vm0, v3, v1;
	[tilespmem:s24+$0x6520] =	vst @!p0 v2  }
0x4f: {  	s20 =	ssub.s32 s31, s20;
	[tilespmem:s24+$0x3200] =	vst @!p0 v3;
	v3 =	vsel @!p0 vm0, v4, v2  }
0x50: {  	s20 =	sadd.s32 $0x10, s20;
	s23 =	simm.s32 @!p0 $0x6520;
	[tilespmem:s24+$0x64A0] =	vst @!p0 v3;
	s22 =	simm.s32 @!p0 $0x1  }
0x51: {  	[tilespmem:s13], [sflag:$0x1] =	stream.indirect.gather [hbm4b:s4+s12], $0x20, s18, s12, $0xb8;
	[tilespmem:$0x11D80] =	vst v63  }
0x52: {  	_ =	swait.ge [sflag:s14], $0x1000  }
0x53: {  	[sflag:s14] =	ssyncset.done $0x0  }
0x54: {  	[sflag:s14] =	ssyncadd.s32 $0xFFFFF000  }
0x55: {  	v1 =	vld [tilespmem:s23+$0xFFFFFF80];
	_ =	sdelay $0x4  }
0x56: {  	[tilespmem:$0x11C80] =	vst v1  }
0x57: {  	v1 =	vld [tilespmem:s23+$0xFFFFFF90];
	_ =	sdelay $0x4  }
0x58: {  	[tilespmem:$0x11C90] =	vst v1  }
0x59: {  	v1 =	vld [tilespmem:s23+$0xFFFFFFA0];
	_ =	sdelay $0x4  }
0x5a: {  	[tilespmem:$0x11CA0] =	vst v1  }
0x5b: {  	v1 =	vld [tilespmem:s23+$0xFFFFFFB0];
	_ =	sdelay $0x4  }
0x5c: {  	[tilespmem:$0x11CB0] =	vst v1  }
0x5d: {  	v1 =	vld [tilespmem:s23+$0xFFFFFFC0];
	_ =	sdelay $0x4  }
0x5e: {  	[tilespmem:$0x11CC0] =	vst v1  }
0x5f: {  	v1 =	vld [tilespmem:s23+$0xFFFFFFD0];
	_ =	sdelay $0x4  }
0x60: {  	[tilespmem:$0x11CD0] =	vst v1  }
0x61: {  	v1 =	vld [tilespmem:s23+$0xFFFFFFE0];
	_ =	sdelay $0x4  }
0x62: {  	[tilespmem:$0x11CE0] =	vst v1  }
0x63: {  	v1 =	vld [tilespmem:s23+$0xFFFFFFF0];
	_ =	sdelay $0x3  }
0x64: {  	p0 =	sge.s32 s22, s19  }
0x65: {  	s24 =	sadd.s32 @!p0 $0x80, s18;
	[tilespmem:$0x11CF0] =	vst v1  }
0x66: {  	[hbm4b:s2+s12] =	stream.indirect.scatter [tilespmem:s13], [sflag:$0x2], $0x20, s15, s12, $0xb8;
	[tilespmem:$0x11D80] =	vst v63  }
0x67: {  	s25 =	simm.s32 @!p0 $0x80;
	s26 =	simm.s32 @!p0 $0x10C80;
	s28 =	simm.s32 @!p0 $0x1  }
0x68: {  	[tilespmem:s26], [sflag:$0x1] =	stream.indirect.gather @!p0 [hbm4b:s4+s25], $0x20, s24, s25, $0xb8;
	[tilespmem:$0x11D80] =	vst v63  }
0x69: {  	_ =	swait.ge @!p0 [sflag:s28], $0x1000  }
0x6a: {  	[sflag:s28] =	ssyncset.done @!p0 $0x0  }
0x6b: {  	[sflag:s28] =	ssyncadd.s32 @!p0 $0xFFFFF000  }
0x6c: {  	v1 =	vld @!p0 [tilespmem:s23+$0x0];
	_ =	sdelay $0x4  }
0x6d: {  	[tilespmem:$0x11D00] =	vst @!p0 v1  }
0x6e: {  	v1 =	vld @!p0 [tilespmem:s23+$0x10];
	_ =	sdelay $0x4  }
0x6f: {  	[tilespmem:$0x11D10] =	vst @!p0 v1  }
0x70: {  	v1 =	vld @!p0 [tilespmem:s23+$0x20];
	_ =	sdelay $0x4  }
0x71: {  	[tilespmem:$0x11D20] =	vst @!p0 v1  }
0x72: {  	v1 =	vld @!p0 [tilespmem:s23+$0x30];
	_ =	sdelay $0x4  }
0x73: {  	[tilespmem:$0x11D30] =	vst @!p0 v1  }
0x74: {  	v1 =	vld @!p0 [tilespmem:s23+$0x40];
	_ =	sdelay $0x4  }
0x75: {  	[tilespmem:$0x11D40] =	vst @!p0 v1  }
0x76: {  	v1 =	vld @!p0 [tilespmem:s23+$0x50];
	_ =	sdelay $0x4  }
0x77: {  	[tilespmem:$0x11D50] =	vst @!p0 v1  }
0x78: {  	v1 =	vld @!p0 [tilespmem:s23+$0x60];
	_ =	sdelay $0x4  }
0x79: {  	[tilespmem:$0x11D60] =	vst @!p0 v1  }
0x7a: {  	v1 =	vld @!p0 [tilespmem:s23+$0x70];
	_ =	sdelay $0x3  }
0x7b: {  	s21 =	sadd.s32 $0xFFFFFFFF, s21  }
0x7c: {  	p1 =	sne.s32 s21, $0x0;
	s24 =	simm.s32 @!p0 $0x11D00;
	[tilespmem:$0x11D70] =	vst @!p0 v1  }
0x7d: {  	[hbm4b:s2+s25] =	stream.indirect.scatter @!p0 [tilespmem:s26], [sflag:$0x2], $0x20, s24, s25, $0xb8;
	[tilespmem:$0x11D80] =	vst v63  }
.Ltmp4:
0x7e: {  	s28 =	simm.s32 @!p0 $0x2;
	(pc) =	sbr.rel @!p1 .LBB2_6-.Ltmp4, $4  }
0x7f: {  	_ =	swait.ge @!p0 [sflag:s28], $0x1000  }
0x80: {  	[sflag:s28] =	ssyncset.done @!p0 $0x0  }
0x81: {  	[sflag:s28] =	ssyncadd.s32 @!p0 $0xFFFFF000  }
0x82: {  	s22 =	sadd.s32 $0x2, s22;
	s23 =	sadd.s32 $0x100, s23;
	_ =	swait.ge [sflag:s16], $0x1000  }
.LBB2_5:
0x83: {  	s21 =	sadd.s32 $0xFFFFFFFF, s21;
	[sflag:s16] =	ssyncset.done $0x0;
	s18 =	sadd.s32 $0x100, s18  }
0x84: {  	p0 =	sne.s32 s21, $0x0;
	[sflag:s16] =	ssyncadd.s32 $0xFFFFF000  }
0x85: {  	[tilespmem:s13], [sflag:$0x1] =	stream.indirect.gather [hbm4b:s4+s12], $0x20, s18, s12, $0xb8;
	[tilespmem:$0x11D80] =	vst v63  }
0x86: {  	_ =	swait.ge [sflag:s14], $0x1000  }
0x87: {  	[sflag:s14] =	ssyncset.done $0x0  }
0x88: {  	[sflag:s14] =	ssyncadd.s32 $0xFFFFF000  }
0x89: {  	v1 =	vld [tilespmem:s23+$0xFFFFFF80];
	_ =	sdelay $0x4  }
0x8a: {  	[tilespmem:$0x11C80] =	vst v1  }
0x8b: {  	v1 =	vld [tilespmem:s23+$0xFFFFFF90];
	_ =	sdelay $0x4  }
0x8c: {  	[tilespmem:$0x11C90] =	vst v1  }
0x8d: {  	v1 =	vld [tilespmem:s23+$0xFFFFFFA0];
	_ =	sdelay $0x4  }
0x8e: {  	[tilespmem:$0x11CA0] =	vst v1  }
0x8f: {  	v1 =	vld [tilespmem:s23+$0xFFFFFFB0];
	_ =	sdelay $0x4  }
0x90: {  	[tilespmem:$0x11CB0] =	vst v1  }
0x91: {  	v1 =	vld [tilespmem:s23+$0xFFFFFFC0];
	_ =	sdelay $0x4  }
0x92: {  	[tilespmem:$0x11CC0] =	vst v1  }
0x93: {  	v1 =	vld [tilespmem:s23+$0xFFFFFFD0];
	_ =	sdelay $0x4  }
0x94: {  	[tilespmem:$0x11CD0] =	vst v1  }
0x95: {  	v1 =	vld [tilespmem:s23+$0xFFFFFFE0];
	_ =	sdelay $0x4  }
0x96: {  	[tilespmem:$0x11CE0] =	vst v1  }
0x97: {  	v1 =	vld [tilespmem:s23+$0xFFFFFFF0];
	_ =	sdelay $0x4  }
0x98: {  	p1 =	sge.s32 s22, s19;
	[tilespmem:$0x11CF0] =	vst v1  }
0x99: {  	s26 =	sadd.s32 @!p1 $0x80, s18;
	s24 =	simm.s32 @!p1 $0x80;
	s25 =	simm.s32 @!p1 $0x10C80  }
0x9a: {  	[hbm4b:s2+s12] =	stream.indirect.scatter [tilespmem:s13], [sflag:$0x2], $0x20, s15, s12, $0xb8;
	[tilespmem:$0x11D80] =	vst v63  }
0x9b: {  	s28 =	simm.s32 @!p1 $0x1  }
0x9c: {  	[tilespmem:s25], [sflag:$0x1] =	stream.indirect.gather @!p1 [hbm4b:s4+s24], $0x20, s26, s24, $0xb8;
	[tilespmem:$0x11D80] =	vst v63  }
0x9d: {  	_ =	swait.ge @!p1 [sflag:s28], $0x1000  }
0x9e: {  	[sflag:s28] =	ssyncset.done @!p1 $0x0  }
0x9f: {  	[sflag:s28] =	ssyncadd.s32 @!p1 $0xFFFFF000  }
0xa0: {  	v1 =	vld @!p1 [tilespmem:s23+$0x0];
	_ =	sdelay $0x4  }
0xa1: {  	[tilespmem:$0x11D00] =	vst @!p1 v1  }
0xa2: {  	v1 =	vld @!p1 [tilespmem:s23+$0x10];
	_ =	sdelay $0x4  }
0xa3: {  	[tilespmem:$0x11D10] =	vst @!p1 v1  }
0xa4: {  	v1 =	vld @!p1 [tilespmem:s23+$0x20];
	_ =	sdelay $0x4  }
0xa5: {  	[tilespmem:$0x11D20] =	vst @!p1 v1  }
0xa6: {  	v1 =	vld @!p1 [tilespmem:s23+$0x30];
	_ =	sdelay $0x4  }
0xa7: {  	[tilespmem:$0x11D30] =	vst @!p1 v1  }
0xa8: {  	v1 =	vld @!p1 [tilespmem:s23+$0x40];
	_ =	sdelay $0x4  }
0xa9: {  	[tilespmem:$0x11D40] =	vst @!p1 v1  }
0xaa: {  	v1 =	vld @!p1 [tilespmem:s23+$0x50];
	_ =	sdelay $0x4  }
0xab: {  	[tilespmem:$0x11D50] =	vst @!p1 v1  }
0xac: {  	v1 =	vld @!p1 [tilespmem:s23+$0x60];
	_ =	sdelay $0x4  }
0xad: {  	[tilespmem:$0x11D60] =	vst @!p1 v1  }
0xae: {  	v1 =	vld @!p1 [tilespmem:s23+$0x70];
	_ =	sdelay $0x3  }
0xaf: {  	s26 =	simm.s32 @!p1 $0x11D00  }
0xb0: {  	s28 =	simm.s32 @!p1 $0x2;
	[tilespmem:$0x11D70] =	vst @!p1 v1  }
0xb1: {  	[hbm4b:s2+s24] =	stream.indirect.scatter @!p1 [tilespmem:s25], [sflag:$0x2], $0x20, s26, s24, $0xb8;
	[tilespmem:$0x11D80] =	vst v63  }
.Ltmp5:
0xb2: {  	_ = 	snop;
	(pc) =	sbr.rel @p0 .LBB2_5-.Ltmp5, $4  }
0xb3: {  	_ =	swait.ge @!p1 [sflag:s28], $0x1000  }
0xb4: {  	[sflag:s28] =	ssyncset.done @!p1 $0x0  }
0xb5: {  	[sflag:s28] =	ssyncadd.s32 @!p1 $0xFFFFF000  }
0xb6: {  	s22 =	sadd.s32 $0x2, s22;
	s23 =	sadd.s32 $0x100, s23;
	_ =	swait.ge [sflag:s16], $0x1000  }
.LBB2_6:
0xb7: {  	[sflag:s16] =	ssyncset.done $0x0  }
0xb8: {  	[sflag:s16] =	ssyncadd.s32 $0xFFFFF000  }
.LBB2_7:
0xb9: {  	p0 =	slt.s32 s20, $0x1  }
0xba: {  	s18 =	sadd.s32 @!p0 $0xFFFFFFFF, s20  }
0xbb: {  	v1 =	vmov @!p0 s18;
	_ =	sdelay $0x3  }
0xbc: {  	s18 =	simm.s32 @!p0 $0x9740  }
0xbd: {  	s19 =	simm.s32 @!p0 $0xC9E0;
	s21 =	sand.u32 @!p0 $0x7FFFFFF0, s20;
	v5 =	vlaneseq.u32 @!p0;
	v2 =	vld.idx.msk @!p0 [tilespmem:v1+s18+$0x0], $0xffff  }
0xbe: {  	v5 =	vor.u32 @!p0 s21, v5;
	v1 =	vld.idx.msk @!p0 [tilespmem:v1+s19+$0x0], $0xffff;
	s19 =	sadd.s32 @!p0 $0x7F, s20  }
0xbf: {  	vm0 =	vlt.s32 @!p0 v5, s20;
	s20 =	sand.u32 @!p0 $0x7F, s19  }
0xc0: {  	p1 =	slt.s32 @!p0 s19, $0x0;
	p2 =	sne.s32 @!p0 s20, $0x0  }
0xc1: {  	s20 =	sshra.s32 @!p0 s19, $0x1F;
	p1 =	por @!p0 !p1, !p2  }
0xc2: {  	s20 =	sshrl.u32 @!p0 s20, $0x19;
	p1 =	por @!p0 !p1, !p1  }
0xc3: {  	s19 =	sadd.s32 @!p0 s20, s19;
	s20 =	simm.s32 @!p0 $0x1;
	[tilespmem:s21+$0x9750] =	vst @!p0 v2;
	p1 =	por !p1, p0  }
0xc4: {  	[tilespmem:s21+$0xC9F0] =	vst @!p0 v1;
	s19 =	sshra.s32 @!p0 s19, $0x7;
	s20 =	simm.s32 @p1 $0x0  }
0xc5: {  	[tilespmem:s21+$0x9760] =	vst @!p0 v2;
	s19 =	ssub.s32 @!p0 s19, s20  }
0xc6: {  	[tilespmem:s21+$0xCA00] =	vst @!p0 v1;
	s20 =	sadd.s32 @!p0 $0x1, s19  }
0xc7: {  	[tilespmem:s21+$0x9770] =	vst @!p0 v2;
	s22 =	sand.u32 @!p0 $0x1, s20  }
0xc8: {  	[tilespmem:s21+$0xCA10] =	vst @!p0 v1;
	p1 =	slt.s32 @!p0 s19, $0x0;
	p2 =	seq.s32 @!p0 s22, $0x1  }
0xc9: {  	[tilespmem:s21+$0x9780] =	vst @!p0 v2;
	p1 =	por @!p0 !p1, !p2  }
0xca: {  	[tilespmem:s21+$0xCA20] =	vst @!p0 v1;
	s22 =	sshrl.u32 @!p0 s20, $0x1F;
	p1 =	por @!p0 !p1, !p1  }
0xcb: {  	[tilespmem:s21+$0x9790] =	vst @!p0 v2;
	s20 =	sadd.s32 @!p0 s22, s20;
	s22 =	simm.s32 @!p0 $0x1;
	p1 =	por !p1, p0  }
0xcc: {  	[tilespmem:s21+$0xCA30] =	vst @!p0 v1;
	s20 =	sshra.s32 @!p0 s20, $0x1;
	s22 =	simm.s32 @p1 $0x0  }
0xcd: {  	v3 =	vld @!p0 [tilespmem:s21+$0x9740];
	[tilespmem:s21+$0x97A0] =	vst @!p0 v2;
	s20 =	ssub.s32 @!p0 s20, s22  }
0xce: {  	v4 =	vld @!p0 [tilespmem:s21+$0xC9E0];
	[tilespmem:s21+$0xCA40] =	vst @!p0 v1;
	p1 =	slt.s32 @!p0 s20, $0x1  }
0xcf: {  	[tilespmem:s21+$0x97B0] =	vst @!p0 v2;
	p1 =	por p0, p1  }
.Ltmp6:
0xd0: {  	[tilespmem:s21+$0xCA50] =	vst @!p0 v1;
	(pc) =	sbr.rel @p1 .LBB2_11-.Ltmp6, $4  }
0xd1: {  	[tilespmem:s21+$0x97C0] =	vst @!p0 v2  }
0xd2: {  	v3 =	vsel @!p0 vm0, v3, v2;
	[tilespmem:s21+$0xCA60] =	vst @!p0 v1  }
0xd3: {  	[tilespmem:s21+$0x9740] =	vst @!p0 v3;
	v3 =	vsel @!p0 vm0, v4, v1  }
0xd4: {  	[tilespmem:s21+$0xC9E0] =	vst @!p0 v3;
	s21 =	simm.s32 @!p0 $0x1;
	s22 =	simm.s32 @!p0 $0xCA60  }
0xd5: {  	[tilespmem:s13], [sflag:$0x1] =	stream.indirect.gather [hbm4b:s5+s12], $0x20, s18, s12, $0xb8;
	[tilespmem:$0x11D80] =	vst v63  }
0xd6: {  	_ =	swait.ge [sflag:s14], $0x1000  }
0xd7: {  	[sflag:s14] =	ssyncset.done $0x0  }
0xd8: {  	[sflag:s14] =	ssyncadd.s32 $0xFFFFF000  }
0xd9: {  	v1 =	vld [tilespmem:s22+$0xFFFFFF80];
	_ =	sdelay $0x4  }
0xda: {  	[tilespmem:$0x11C80] =	vst v1  }
0xdb: {  	v1 =	vld [tilespmem:s22+$0xFFFFFF90];
	_ =	sdelay $0x4  }
0xdc: {  	[tilespmem:$0x11C90] =	vst v1  }
0xdd: {  	v1 =	vld [tilespmem:s22+$0xFFFFFFA0];
	_ =	sdelay $0x4  }
0xde: {  	[tilespmem:$0x11CA0] =	vst v1  }
0xdf: {  	v1 =	vld [tilespmem:s22+$0xFFFFFFB0];
	_ =	sdelay $0x4  }
0xe0: {  	[tilespmem:$0x11CB0] =	vst v1  }
0xe1: {  	v1 =	vld [tilespmem:s22+$0xFFFFFFC0];
	_ =	sdelay $0x4  }
0xe2: {  	[tilespmem:$0x11CC0] =	vst v1  }
0xe3: {  	v1 =	vld [tilespmem:s22+$0xFFFFFFD0];
	_ =	sdelay $0x4  }
0xe4: {  	[tilespmem:$0x11CD0] =	vst v1  }
0xe5: {  	v1 =	vld [tilespmem:s22+$0xFFFFFFE0];
	_ =	sdelay $0x4  }
0xe6: {  	[tilespmem:$0x11CE0] =	vst v1  }
0xe7: {  	v1 =	vld [tilespmem:s22+$0xFFFFFFF0];
	_ =	sdelay $0x3  }
0xe8: {  	p0 =	sge.s32 s21, s19  }
0xe9: {  	s23 =	sadd.s32 @!p0 $0x80, s18;
	[tilespmem:$0x11CF0] =	vst v1  }
0xea: {  	[hbm4b:s2+s12] =	stream.indirect.scatter [tilespmem:s13], [sflag:$0x2], $0x20, s15, s12, $0xb8;
	[tilespmem:$0x11D80] =	vst v63  }
0xeb: {  	s24 =	simm.s32 @!p0 $0x80;
	s25 =	simm.s32 @!p0 $0x10C80;
	s26 =	simm.s32 @!p0 $0x1  }
0xec: {  	[tilespmem:s25], [sflag:$0x1] =	stream.indirect.gather @!p0 [hbm4b:s5+s24], $0x20, s23, s24, $0xb8;
	[tilespmem:$0x11D80] =	vst v63  }
0xed: {  	_ =	swait.ge @!p0 [sflag:s26], $0x1000  }
0xee: {  	[sflag:s26] =	ssyncset.done @!p0 $0x0  }
0xef: {  	[sflag:s26] =	ssyncadd.s32 @!p0 $0xFFFFF000  }
0xf0: {  	v1 =	vld @!p0 [tilespmem:s22+$0x0];
	_ =	sdelay $0x4  }
0xf1: {  	[tilespmem:$0x11D00] =	vst @!p0 v1  }
0xf2: {  	v1 =	vld @!p0 [tilespmem:s22+$0x10];
	_ =	sdelay $0x4  }
0xf3: {  	[tilespmem:$0x11D10] =	vst @!p0 v1  }
0xf4: {  	v1 =	vld @!p0 [tilespmem:s22+$0x20];
	_ =	sdelay $0x4  }
0xf5: {  	[tilespmem:$0x11D20] =	vst @!p0 v1  }
0xf6: {  	v1 =	vld @!p0 [tilespmem:s22+$0x30];
	_ =	sdelay $0x4  }
0xf7: {  	[tilespmem:$0x11D30] =	vst @!p0 v1  }
0xf8: {  	v1 =	vld @!p0 [tilespmem:s22+$0x40];
	_ =	sdelay $0x4  }
0xf9: {  	[tilespmem:$0x11D40] =	vst @!p0 v1  }
0xfa: {  	v1 =	vld @!p0 [tilespmem:s22+$0x50];
	_ =	sdelay $0x4  }
0xfb: {  	[tilespmem:$0x11D50] =	vst @!p0 v1  }
0xfc: {  	v1 =	vld @!p0 [tilespmem:s22+$0x60];
	_ =	sdelay $0x4  }
0xfd: {  	[tilespmem:$0x11D60] =	vst @!p0 v1  }
0xfe: {  	v1 =	vld @!p0 [tilespmem:s22+$0x70];
	_ =	sdelay $0x3  }
0xff: {  	s20 =	sadd.s32 $0xFFFFFFFF, s20  }
0x100: {  	p1 =	sne.s32 s20, $0x0;
	s23 =	simm.s32 @!p0 $0x11D00;
	[tilespmem:$0x11D70] =	vst @!p0 v1  }
0x101: {  	[hbm4b:s2+s24] =	stream.indirect.scatter @!p0 [tilespmem:s25], [sflag:$0x2], $0x20, s23, s24, $0xb8;
	[tilespmem:$0x11D80] =	vst v63  }
.Ltmp7:
0x102: {  	s26 =	simm.s32 @!p0 $0x2;
	(pc) =	sbr.rel @!p1 .LBB2_10-.Ltmp7, $4  }
0x103: {  	_ =	swait.ge @!p0 [sflag:s26], $0x1000  }
0x104: {  	[sflag:s26] =	ssyncset.done @!p0 $0x0  }
0x105: {  	[sflag:s26] =	ssyncadd.s32 @!p0 $0xFFFFF000  }
0x106: {  	s21 =	sadd.s32 $0x2, s21;
	s22 =	sadd.s32 $0x100, s22;
	_ =	swait.ge [sflag:s16], $0x1000  }
.LBB2_9:
0x107: {  	s20 =	sadd.s32 $0xFFFFFFFF, s20;
	[sflag:s16] =	ssyncset.done $0x0;
	s18 =	sadd.s32 $0x100, s18  }
0x108: {  	p0 =	sne.s32 s20, $0x0;
	[sflag:s16] =	ssyncadd.s32 $0xFFFFF000  }
0x109: {  	[tilespmem:s13], [sflag:$0x1] =	stream.indirect.gather [hbm4b:s5+s12], $0x20, s18, s12, $0xb8;
	[tilespmem:$0x11D80] =	vst v63  }
0x10a: {  	_ =	swait.ge [sflag:s14], $0x1000  }
0x10b: {  	[sflag:s14] =	ssyncset.done $0x0  }
0x10c: {  	[sflag:s14] =	ssyncadd.s32 $0xFFFFF000  }
0x10d: {  	v1 =	vld [tilespmem:s22+$0xFFFFFF80];
	_ =	sdelay $0x4  }
0x10e: {  	[tilespmem:$0x11C80] =	vst v1  }
0x10f: {  	v1 =	vld [tilespmem:s22+$0xFFFFFF90];
	_ =	sdelay $0x4  }
0x110: {  	[tilespmem:$0x11C90] =	vst v1  }
0x111: {  	v1 =	vld [tilespmem:s22+$0xFFFFFFA0];
	_ =	sdelay $0x4  }
0x112: {  	[tilespmem:$0x11CA0] =	vst v1  }
0x113: {  	v1 =	vld [tilespmem:s22+$0xFFFFFFB0];
	_ =	sdelay $0x4  }
0x114: {  	[tilespmem:$0x11CB0] =	vst v1  }
0x115: {  	v1 =	vld [tilespmem:s22+$0xFFFFFFC0];
	_ =	sdelay $0x4  }
0x116: {  	[tilespmem:$0x11CC0] =	vst v1  }
0x117: {  	v1 =	vld [tilespmem:s22+$0xFFFFFFD0];
	_ =	sdelay $0x4  }
0x118: {  	[tilespmem:$0x11CD0] =	vst v1  }
0x119: {  	v1 =	vld [tilespmem:s22+$0xFFFFFFE0];
	_ =	sdelay $0x4  }
0x11a: {  	[tilespmem:$0x11CE0] =	vst v1  }
0x11b: {  	v1 =	vld [tilespmem:s22+$0xFFFFFFF0];
	_ =	sdelay $0x4  }
0x11c: {  	p1 =	sge.s32 s21, s19;
	[tilespmem:$0x11CF0] =	vst v1  }
0x11d: {  	s25 =	sadd.s32 @!p1 $0x80, s18;
	s23 =	simm.s32 @!p1 $0x80;
	s24 =	simm.s32 @!p1 $0x10C80  }
0x11e: {  	[hbm4b:s2+s12] =	stream.indirect.scatter [tilespmem:s13], [sflag:$0x2], $0x20, s15, s12, $0xb8;
	[tilespmem:$0x11D80] =	vst v63  }
0x11f: {  	s26 =	simm.s32 @!p1 $0x1  }
0x120: {  	[tilespmem:s24], [sflag:$0x1] =	stream.indirect.gather @!p1 [hbm4b:s5+s23], $0x20, s25, s23, $0xb8;
	[tilespmem:$0x11D80] =	vst v63  }
0x121: {  	_ =	swait.ge @!p1 [sflag:s26], $0x1000  }
0x122: {  	[sflag:s26] =	ssyncset.done @!p1 $0x0  }
0x123: {  	[sflag:s26] =	ssyncadd.s32 @!p1 $0xFFFFF000  }
0x124: {  	v1 =	vld @!p1 [tilespmem:s22+$0x0];
	_ =	sdelay $0x4  }
0x125: {  	[tilespmem:$0x11D00] =	vst @!p1 v1  }
0x126: {  	v1 =	vld @!p1 [tilespmem:s22+$0x10];
	_ =	sdelay $0x4  }
0x127: {  	[tilespmem:$0x11D10] =	vst @!p1 v1  }
0x128: {  	v1 =	vld @!p1 [tilespmem:s22+$0x20];
	_ =	sdelay $0x4  }
0x129: {  	[tilespmem:$0x11D20] =	vst @!p1 v1  }
0x12a: {  	v1 =	vld @!p1 [tilespmem:s22+$0x30];
	_ =	sdelay $0x4  }
0x12b: {  	[tilespmem:$0x11D30] =	vst @!p1 v1  }
0x12c: {  	v1 =	vld @!p1 [tilespmem:s22+$0x40];
	_ =	sdelay $0x4  }
0x12d: {  	[tilespmem:$0x11D40] =	vst @!p1 v1  }
0x12e: {  	v1 =	vld @!p1 [tilespmem:s22+$0x50];
	_ =	sdelay $0x4  }
0x12f: {  	[tilespmem:$0x11D50] =	vst @!p1 v1  }
0x130: {  	v1 =	vld @!p1 [tilespmem:s22+$0x60];
	_ =	sdelay $0x4  }
0x131: {  	[tilespmem:$0x11D60] =	vst @!p1 v1  }
0x132: {  	v1 =	vld @!p1 [tilespmem:s22+$0x70];
	_ =	sdelay $0x3  }
0x133: {  	s25 =	simm.s32 @!p1 $0x11D00  }
0x134: {  	s26 =	simm.s32 @!p1 $0x2;
	[tilespmem:$0x11D70] =	vst @!p1 v1  }
0x135: {  	[hbm4b:s2+s23] =	stream.indirect.scatter @!p1 [tilespmem:s24], [sflag:$0x2], $0x20, s25, s23, $0xb8;
	[tilespmem:$0x11D80] =	vst v63  }
.Ltmp8:
0x136: {  	_ = 	snop;
	(pc) =	sbr.rel @p0 .LBB2_9-.Ltmp8, $4  }
0x137: {  	_ =	swait.ge @!p1 [sflag:s26], $0x1000  }
0x138: {  	[sflag:s26] =	ssyncset.done @!p1 $0x0  }
0x139: {  	[sflag:s26] =	ssyncadd.s32 @!p1 $0xFFFFF000  }
0x13a: {  	s21 =	sadd.s32 $0x2, s21;
	s22 =	sadd.s32 $0x100, s22;
	_ =	swait.ge [sflag:s16], $0x1000  }
.LBB2_10:
0x13b: {  	[sflag:s16] =	ssyncset.done $0x0  }
0x13c: {  	[sflag:s16] =	ssyncadd.s32 $0xFFFFF000  }
.LBB2_11:
0x13d: {  	s18 =	simm.s32 $0x0  }
0x13e: {  	[tilespmem:s18], [sflag:$0x3] =	stream.linear.gather [hbm4b:s7+s18], $0x3200, $0x38;
	[tilespmem:$0x11D80] =	vst v63  }
0x13f: {  	_ =	swait.ge [sflag:s11], $0x3200  }
0x140: {  	[sflag:s11] =	ssyncset.done $0x0  }
0x141: {  	s19 =	simm.s32 $0x0;
	[sflag:s11] =	ssyncadd.s32 $0xFFFFCE00  }
0x142: {  	v1 =	vld [tilespmem:s19+$0x0];
	_ =	sdelay $0x4  }
0x143: {  	vm0 =	vlt.s32 v1, $0x7A120  }
0x144: {  	v2 =	vmpcnt.ones.xlane vm0;
	_ =	sdelay $0x1  }
0x145: {  	(v2sf) =	vpush v2, $0x0;
	_ =	sdelay $0x3  }
0x146: {  	[tilespmem:s18+$0x3200] =	vst.msk vm0, v1;
	v2 =	vor.u32 s10, v0  }
0x147: {  	vm1 =	vge.s32 v1, $0x7A120;
	v1 =	vadd.s32 $0xFFF85EE0, v1;
	[tilespmem:s18+$0x64A0] =	vst.msk vm0, v2  }
0x148: {  	[tilespmem:s18+$0x9740] =	vst.msk vm1, v1  }
0x149: {  	s30 =	simm.s32 $0x10;
	[tilespmem:s18+$0xC9E0] =	vst.msk vm1, v2  }
0x14a: {  	v1 =	vld [tilespmem:s30+$0x0];
	_ =	sdelay $0x4  }
0x14b: {  	vm0 =	vlt.s32 v1, $0x7A120  }
0x14c: {  	v2 =	vmpcnt.ones.xlane vm0  }
0x14d: {  	s20 =	simm.s32 $0x80;
	s31 =	spop (v2sf)  }
0x14e: {  	s19 =	smov.u32 s10;
	(v2sf) =	vpush v2, $0x0;
	s18 =	sadd.s32 $0x0, s31;
	s21 =	ssub.s32 $0x0, s31  }
.LBB2_12:
0x14f: {  	s21 =	sadd.s32 $0x10, s21  }
0x150: {  	s19 =	sadd.s32 $0x10, s19;
	s22 =	smov.u32 s20;
	s23 =	sadd.s32 $0x40, s20  }
0x151: {  	p0 =	sne.s32 s20, $0xC7C0;
	v2 =	vor.u32 s19, v0;
	[tilespmem:s18+$0x3200] =	vst.msk vm0, v1  }
0x152: {  	vm1 =	vge.s32 v1, $0x7A120;
	v1 =	vadd.s32 $0xFFF85EE0, v1;
	[tilespmem:s18+$0x64A0] =	vst.msk vm0, v2  }
0x153: {  	[tilespmem:s21+$0x9740] =	vst.msk vm1, v1  }
0x154: {  	s20 =	sshra.s32 s22, $0x2;
	[tilespmem:s21+$0xC9E0] =	vst.msk vm1, v2  }
0x155: {  	v1 =	vld [tilespmem:s20+$0x0];
	_ =	sdelay $0x4  }
.Ltmp9:
0x156: {  	vm0 =	vlt.s32 v1, $0x7A120;
	(pc) =	sbr.rel @p0 .LBB2_12-.Ltmp9, $3  }
0x157: {  	v2 =	vmpcnt.ones.xlane vm0;
	_ =	sdelay $0x1  }
0x158: {  	(v2sf) =	vpush v2, $0x0;
	s20 =	spop (v2sf)  }
0x159: {  	s18 =	sadd.s32 s18, s20;
	s21 =	ssub.s32 s21, s20;
	s20 =	smov.u32 s23  }
0x15a: {  	_ =	sdelay $0xc  }
0x15b: {  	s20 =	spop (v2sf)  }
0x15c: {  	s22 =	sadd.s32 s18, s20  }
0x15d: {  	p0 =	slt.s32 s22, $0x1  }
0x15e: {  	s23 =	sadd.s32 @!p0 $0xFFFFFFFF, s22  }
0x15f: {  	s19 =	sadd.s32 $0x10, s19;
	v2 =	vmov @!p0 s23  }
0x160: {  	[tilespmem:s18+$0x3200] =	vst.msk vm0, v1;
	v3 =	vor.u32 s19, v0  }
0x161: {  	s31 =	sadd.s32 $0x10, s21;
	vm1 =	vge.s32 v1, $0x7A120;
	v1 =	vadd.s32 $0xFFF85EE0, v1;
	[tilespmem:s18+$0x64A0] =	vst.msk vm0, v3  }
0x162: {  	[tilespmem:s31+$0x9740] =	vst.msk vm1, v1  }
0x163: {  	[tilespmem:s31+$0xC9E0] =	vst.msk vm1, v3;
	s18 =	simm.s32 @!p0 $0x3200  }
0x164: {  	s19 =	simm.s32 @!p0 $0x64A0;
	v1 =	vld.idx.msk @!p0 [tilespmem:v2+s18+$0x0], $0xffff  }
0x165: {  	v2 =	vld.idx.msk @!p0 [tilespmem:v2+s19+$0x0], $0xffff;
	s19 =	sadd.s32 @!p0 $0x7F, s22  }
0x166: {  	s21 =	sand.u32 @!p0 $0x7F, s19  }
0x167: {  	p1 =	slt.s32 @!p0 s19, $0x0;
	p2 =	sne.s32 @!p0 s21, $0x0  }
0x168: {  	s21 =	sshra.s32 @!p0 s19, $0x1F;
	p1 =	por @!p0 !p1, !p2  }
0x169: {  	s24 =	sand.u32 @!p0 $0x7FFFFFF0, s22;
	s21 =	sshrl.u32 @!p0 s21, $0x19;
	p1 =	por @!p0 !p1, !p1  }
0x16a: {  	s19 =	sadd.s32 @!p0 s21, s19;
	s21 =	simm.s32 @!p0 $0x1;
	[tilespmem:s24+$0x3210] =	vst @!p0 v1;
	p1 =	por !p1, p0  }
0x16b: {  	[tilespmem:s24+$0x64B0] =	vst @!p0 v2;
	s19 =	sshra.s32 @!p0 s19, $0x7;
	s21 =	simm.s32 @p1 $0x0  }
0x16c: {  	v5 =	vlaneseq.u32 @!p0;
	[tilespmem:s24+$0x3220] =	vst @!p0 v1;
	s19 =	ssub.s32 @!p0 s19, s21  }
0x16d: {  	v5 =	vor.u32 @!p0 s24, v5;
	[tilespmem:s24+$0x64C0] =	vst @!p0 v2;
	s21 =	sadd.s32 @!p0 $0x1, s19  }
0x16e: {  	vm0 =	vlt.s32 @!p0 v5, s22;
	[tilespmem:s24+$0x3230] =	vst @!p0 v1;
	s22 =	sand.u32 @!p0 $0x1, s21  }
0x16f: {  	[tilespmem:s24+$0x64D0] =	vst @!p0 v2;
	p1 =	slt.s32 @!p0 s19, $0x0;
	p2 =	seq.s32 @!p0 s22, $0x1  }
0x170: {  	[tilespmem:s24+$0x3240] =	vst @!p0 v1;
	p1 =	por @!p0 !p1, !p2  }
0x171: {  	[tilespmem:s24+$0x64E0] =	vst @!p0 v2;
	s22 =	sshrl.u32 @!p0 s21, $0x1F;
	p1 =	por @!p0 !p1, !p1  }
0x172: {  	[tilespmem:s24+$0x3250] =	vst @!p0 v1;
	s21 =	sadd.s32 @!p0 s22, s21;
	s22 =	simm.s32 @!p0 $0x1;
	p1 =	por !p1, p0  }
0x173: {  	[tilespmem:s24+$0x64F0] =	vst @!p0 v2;
	s21 =	sshra.s32 @!p0 s21, $0x1;
	s22 =	simm.s32 @p1 $0x0  }
0x174: {  	v3 =	vld @!p0 [tilespmem:s24+$0x3200];
	[tilespmem:s24+$0x3260] =	vst @!p0 v1;
	s21 =	ssub.s32 @!p0 s21, s22  }
0x175: {  	v4 =	vld @!p0 [tilespmem:s24+$0x64A0];
	[tilespmem:s24+$0x6500] =	vst @!p0 v2;
	p1 =	slt.s32 @!p0 s21, $0x1  }
0x176: {  	[tilespmem:s24+$0x3270] =	vst @!p0 v1;
	p1 =	por p0, p1  }
.Ltmp10:
0x177: {  	[tilespmem:s24+$0x6510] =	vst @!p0 v2;
	(pc) =	sbr.rel @p1 .LBB2_17-.Ltmp10, $4  }
0x178: {  	[tilespmem:s24+$0x3280] =	vst @!p0 v1  }
0x179: {  	v3 =	vsel @!p0 vm0, v3, v1;
	[tilespmem:s24+$0x6520] =	vst @!p0 v2  }
0x17a: {  	s20 =	ssub.s32 s31, s20;
	[tilespmem:s24+$0x3200] =	vst @!p0 v3;
	v3 =	vsel @!p0 vm0, v4, v2  }
0x17b: {  	s20 =	sadd.s32 $0x10, s20;
	s23 =	simm.s32 @!p0 $0x6520;
	[tilespmem:s24+$0x64A0] =	vst @!p0 v3;
	s22 =	simm.s32 @!p0 $0x1  }
0x17c: {  	[tilespmem:s13], [sflag:$0x1] =	stream.indirect.gather [hbm4b:s4+s12], $0x20, s18, s12, $0xb8;
	[tilespmem:$0x11D80] =	vst v63  }
0x17d: {  	_ =	swait.ge [sflag:s14], $0x1000  }
0x17e: {  	[sflag:s14] =	ssyncset.done $0x0  }
0x17f: {  	[sflag:s14] =	ssyncadd.s32 $0xFFFFF000  }
0x180: {  	v1 =	vld [tilespmem:s23+$0xFFFFFF80];
	_ =	sdelay $0x4  }
0x181: {  	[tilespmem:$0x11C80] =	vst v1  }
0x182: {  	v1 =	vld [tilespmem:s23+$0xFFFFFF90];
	_ =	sdelay $0x4  }
0x183: {  	[tilespmem:$0x11C90] =	vst v1  }
0x184: {  	v1 =	vld [tilespmem:s23+$0xFFFFFFA0];
	_ =	sdelay $0x4  }
0x185: {  	[tilespmem:$0x11CA0] =	vst v1  }
0x186: {  	v1 =	vld [tilespmem:s23+$0xFFFFFFB0];
	_ =	sdelay $0x4  }
0x187: {  	[tilespmem:$0x11CB0] =	vst v1  }
0x188: {  	v1 =	vld [tilespmem:s23+$0xFFFFFFC0];
	_ =	sdelay $0x4  }
0x189: {  	[tilespmem:$0x11CC0] =	vst v1  }
0x18a: {  	v1 =	vld [tilespmem:s23+$0xFFFFFFD0];
	_ =	sdelay $0x4  }
0x18b: {  	[tilespmem:$0x11CD0] =	vst v1  }
0x18c: {  	v1 =	vld [tilespmem:s23+$0xFFFFFFE0];
	_ =	sdelay $0x4  }
0x18d: {  	[tilespmem:$0x11CE0] =	vst v1  }
0x18e: {  	v1 =	vld [tilespmem:s23+$0xFFFFFFF0];
	_ =	sdelay $0x3  }
0x18f: {  	p0 =	sge.s32 s22, s19  }
0x190: {  	s24 =	sadd.s32 @!p0 $0x80, s18;
	[tilespmem:$0x11CF0] =	vst v1  }
0x191: {  	[hbm4b:s2+s12] =	stream.indirect.scatter [tilespmem:s13], [sflag:$0x2], $0x20, s15, s12, $0xb8;
	[tilespmem:$0x11D80] =	vst v63  }
0x192: {  	s25 =	simm.s32 @!p0 $0x80;
	s26 =	simm.s32 @!p0 $0x10C80;
	s28 =	simm.s32 @!p0 $0x1  }
0x193: {  	[tilespmem:s26], [sflag:$0x1] =	stream.indirect.gather @!p0 [hbm4b:s4+s25], $0x20, s24, s25, $0xb8;
	[tilespmem:$0x11D80] =	vst v63  }
0x194: {  	_ =	swait.ge @!p0 [sflag:s28], $0x1000  }
0x195: {  	[sflag:s28] =	ssyncset.done @!p0 $0x0  }
0x196: {  	[sflag:s28] =	ssyncadd.s32 @!p0 $0xFFFFF000  }
0x197: {  	v1 =	vld @!p0 [tilespmem:s23+$0x0];
	_ =	sdelay $0x4  }
0x198: {  	[tilespmem:$0x11D00] =	vst @!p0 v1  }
0x199: {  	v1 =	vld @!p0 [tilespmem:s23+$0x10];
	_ =	sdelay $0x4  }
0x19a: {  	[tilespmem:$0x11D10] =	vst @!p0 v1  }
0x19b: {  	v1 =	vld @!p0 [tilespmem:s23+$0x20];
	_ =	sdelay $0x4  }
0x19c: {  	[tilespmem:$0x11D20] =	vst @!p0 v1  }
0x19d: {  	v1 =	vld @!p0 [tilespmem:s23+$0x30];
	_ =	sdelay $0x4  }
0x19e: {  	[tilespmem:$0x11D30] =	vst @!p0 v1  }
0x19f: {  	v1 =	vld @!p0 [tilespmem:s23+$0x40];
	_ =	sdelay $0x4  }
0x1a0: {  	[tilespmem:$0x11D40] =	vst @!p0 v1  }
0x1a1: {  	v1 =	vld @!p0 [tilespmem:s23+$0x50];
	_ =	sdelay $0x4  }
0x1a2: {  	[tilespmem:$0x11D50] =	vst @!p0 v1  }
0x1a3: {  	v1 =	vld @!p0 [tilespmem:s23+$0x60];
	_ =	sdelay $0x4  }
0x1a4: {  	[tilespmem:$0x11D60] =	vst @!p0 v1  }
0x1a5: {  	v1 =	vld @!p0 [tilespmem:s23+$0x70];
	_ =	sdelay $0x3  }
0x1a6: {  	s21 =	sadd.s32 $0xFFFFFFFF, s21  }
0x1a7: {  	p1 =	sne.s32 s21, $0x0;
	s24 =	simm.s32 @!p0 $0x11D00;
	[tilespmem:$0x11D70] =	vst @!p0 v1  }
0x1a8: {  	[hbm4b:s2+s25] =	stream.indirect.scatter @!p0 [tilespmem:s26], [sflag:$0x2], $0x20, s24, s25, $0xb8;
	[tilespmem:$0x11D80] =	vst v63  }
.Ltmp11:
0x1a9: {  	s28 =	simm.s32 @!p0 $0x2;
	(pc) =	sbr.rel @!p1 .LBB2_16-.Ltmp11, $4  }
0x1aa: {  	_ =	swait.ge @!p0 [sflag:s28], $0x1000  }
0x1ab: {  	[sflag:s28] =	ssyncset.done @!p0 $0x0  }
0x1ac: {  	[sflag:s28] =	ssyncadd.s32 @!p0 $0xFFFFF000  }
0x1ad: {  	s22 =	sadd.s32 $0x2, s22;
	s23 =	sadd.s32 $0x100, s23;
	_ =	swait.ge [sflag:s16], $0x1000  }
.LBB2_15:
0x1ae: {  	s21 =	sadd.s32 $0xFFFFFFFF, s21;
	[sflag:s16] =	ssyncset.done $0x0;
	s18 =	sadd.s32 $0x100, s18  }
0x1af: {  	p0 =	sne.s32 s21, $0x0;
	[sflag:s16] =	ssyncadd.s32 $0xFFFFF000  }
0x1b0: {  	[tilespmem:s13], [sflag:$0x1] =	stream.indirect.gather [hbm4b:s4+s12], $0x20, s18, s12, $0xb8;
	[tilespmem:$0x11D80] =	vst v63  }
0x1b1: {  	_ =	swait.ge [sflag:s14], $0x1000  }
0x1b2: {  	[sflag:s14] =	ssyncset.done $0x0  }
0x1b3: {  	[sflag:s14] =	ssyncadd.s32 $0xFFFFF000  }
0x1b4: {  	v1 =	vld [tilespmem:s23+$0xFFFFFF80];
	_ =	sdelay $0x4  }
0x1b5: {  	[tilespmem:$0x11C80] =	vst v1  }
0x1b6: {  	v1 =	vld [tilespmem:s23+$0xFFFFFF90];
	_ =	sdelay $0x4  }
0x1b7: {  	[tilespmem:$0x11C90] =	vst v1  }
0x1b8: {  	v1 =	vld [tilespmem:s23+$0xFFFFFFA0];
	_ =	sdelay $0x4  }
0x1b9: {  	[tilespmem:$0x11CA0] =	vst v1  }
0x1ba: {  	v1 =	vld [tilespmem:s23+$0xFFFFFFB0];
	_ =	sdelay $0x4  }
0x1bb: {  	[tilespmem:$0x11CB0] =	vst v1  }
0x1bc: {  	v1 =	vld [tilespmem:s23+$0xFFFFFFC0];
	_ =	sdelay $0x4  }
0x1bd: {  	[tilespmem:$0x11CC0] =	vst v1  }
0x1be: {  	v1 =	vld [tilespmem:s23+$0xFFFFFFD0];
	_ =	sdelay $0x4  }
0x1bf: {  	[tilespmem:$0x11CD0] =	vst v1  }
0x1c0: {  	v1 =	vld [tilespmem:s23+$0xFFFFFFE0];
	_ =	sdelay $0x4  }
0x1c1: {  	[tilespmem:$0x11CE0] =	vst v1  }
0x1c2: {  	v1 =	vld [tilespmem:s23+$0xFFFFFFF0];
	_ =	sdelay $0x4  }
0x1c3: {  	p1 =	sge.s32 s22, s19;
	[tilespmem:$0x11CF0] =	vst v1  }
0x1c4: {  	s26 =	sadd.s32 @!p1 $0x80, s18;
	s24 =	simm.s32 @!p1 $0x80;
	s25 =	simm.s32 @!p1 $0x10C80  }
0x1c5: {  	[hbm4b:s2+s12] =	stream.indirect.scatter [tilespmem:s13], [sflag:$0x2], $0x20, s15, s12, $0xb8;
	[tilespmem:$0x11D80] =	vst v63  }
0x1c6: {  	s28 =	simm.s32 @!p1 $0x1  }
0x1c7: {  	[tilespmem:s25], [sflag:$0x1] =	stream.indirect.gather @!p1 [hbm4b:s4+s24], $0x20, s26, s24, $0xb8;
	[tilespmem:$0x11D80] =	vst v63  }
0x1c8: {  	_ =	swait.ge @!p1 [sflag:s28], $0x1000  }
0x1c9: {  	[sflag:s28] =	ssyncset.done @!p1 $0x0  }
0x1ca: {  	[sflag:s28] =	ssyncadd.s32 @!p1 $0xFFFFF000  }
0x1cb: {  	v1 =	vld @!p1 [tilespmem:s23+$0x0];
	_ =	sdelay $0x4  }
0x1cc: {  	[tilespmem:$0x11D00] =	vst @!p1 v1  }
0x1cd: {  	v1 =	vld @!p1 [tilespmem:s23+$0x10];
	_ =	sdelay $0x4  }
0x1ce: {  	[tilespmem:$0x11D10] =	vst @!p1 v1  }
0x1cf: {  	v1 =	vld @!p1 [tilespmem:s23+$0x20];
	_ =	sdelay $0x4  }
0x1d0: {  	[tilespmem:$0x11D20] =	vst @!p1 v1  }
0x1d1: {  	v1 =	vld @!p1 [tilespmem:s23+$0x30];
	_ =	sdelay $0x4  }
0x1d2: {  	[tilespmem:$0x11D30] =	vst @!p1 v1  }
0x1d3: {  	v1 =	vld @!p1 [tilespmem:s23+$0x40];
	_ =	sdelay $0x4  }
0x1d4: {  	[tilespmem:$0x11D40] =	vst @!p1 v1  }
0x1d5: {  	v1 =	vld @!p1 [tilespmem:s23+$0x50];
	_ =	sdelay $0x4  }
0x1d6: {  	[tilespmem:$0x11D50] =	vst @!p1 v1  }
0x1d7: {  	v1 =	vld @!p1 [tilespmem:s23+$0x60];
	_ =	sdelay $0x4  }
0x1d8: {  	[tilespmem:$0x11D60] =	vst @!p1 v1  }
0x1d9: {  	v1 =	vld @!p1 [tilespmem:s23+$0x70];
	_ =	sdelay $0x3  }
0x1da: {  	s26 =	simm.s32 @!p1 $0x11D00  }
0x1db: {  	s28 =	simm.s32 @!p1 $0x2;
	[tilespmem:$0x11D70] =	vst @!p1 v1  }
0x1dc: {  	[hbm4b:s2+s24] =	stream.indirect.scatter @!p1 [tilespmem:s25], [sflag:$0x2], $0x20, s26, s24, $0xb8;
	[tilespmem:$0x11D80] =	vst v63  }
.Ltmp12:
0x1dd: {  	_ = 	snop;
	(pc) =	sbr.rel @p0 .LBB2_15-.Ltmp12, $4  }
0x1de: {  	_ =	swait.ge @!p1 [sflag:s28], $0x1000  }
0x1df: {  	[sflag:s28] =	ssyncset.done @!p1 $0x0  }
0x1e0: {  	[sflag:s28] =	ssyncadd.s32 @!p1 $0xFFFFF000  }
0x1e1: {  	s22 =	sadd.s32 $0x2, s22;
	s23 =	sadd.s32 $0x100, s23;
	_ =	swait.ge [sflag:s16], $0x1000  }
.LBB2_16:
0x1e2: {  	[sflag:s16] =	ssyncset.done $0x0  }
0x1e3: {  	[sflag:s16] =	ssyncadd.s32 $0xFFFFF000  }
.LBB2_17:
0x1e4: {  	p0 =	slt.s32 s20, $0x1  }
0x1e5: {  	s18 =	sadd.s32 @!p0 $0xFFFFFFFF, s20  }
0x1e6: {  	v1 =	vmov @!p0 s18;
	_ =	sdelay $0x3  }
0x1e7: {  	s18 =	simm.s32 @!p0 $0x9740  }
0x1e8: {  	s19 =	simm.s32 @!p0 $0xC9E0;
	s21 =	sand.u32 @!p0 $0x7FFFFFF0, s20;
	v5 =	vlaneseq.u32 @!p0;
	v2 =	vld.idx.msk @!p0 [tilespmem:v1+s18+$0x0], $0xffff  }
0x1e9: {  	v5 =	vor.u32 @!p0 s21, v5;
	v1 =	vld.idx.msk @!p0 [tilespmem:v1+s19+$0x0], $0xffff;
	s19 =	sadd.s32 @!p0 $0x7F, s20  }
0x1ea: {  	vm0 =	vlt.s32 @!p0 v5, s20;
	s20 =	sand.u32 @!p0 $0x7F, s19  }
0x1eb: {  	p1 =	slt.s32 @!p0 s19, $0x0;
	p2 =	sne.s32 @!p0 s20, $0x0  }
0x1ec: {  	s20 =	sshra.s32 @!p0 s19, $0x1F;
	p1 =	por @!p0 !p1, !p2  }
0x1ed: {  	s20 =	sshrl.u32 @!p0 s20, $0x19;
	p1 =	por @!p0 !p1, !p1  }
0x1ee: {  	s19 =	sadd.s32 @!p0 s20, s19;
	s20 =	simm.s32 @!p0 $0x1;
	[tilespmem:s21+$0x9750] =	vst @!p0 v2;
	p1 =	por !p1, p0  }
0x1ef: {  	[tilespmem:s21+$0xC9F0] =	vst @!p0 v1;
	s19 =	sshra.s32 @!p0 s19, $0x7;
	s20 =	simm.s32 @p1 $0x0  }
0x1f0: {  	[tilespmem:s21+$0x9760] =	vst @!p0 v2;
	s19 =	ssub.s32 @!p0 s19, s20  }
0x1f1: {  	[tilespmem:s21+$0xCA00] =	vst @!p0 v1;
	s20 =	sadd.s32 @!p0 $0x1, s19  }
0x1f2: {  	[tilespmem:s21+$0x9770] =	vst @!p0 v2;
	s22 =	sand.u32 @!p0 $0x1, s20  }
0x1f3: {  	[tilespmem:s21+$0xCA10] =	vst @!p0 v1;
	p1 =	slt.s32 @!p0 s19, $0x0;
	p2 =	seq.s32 @!p0 s22, $0x1  }
0x1f4: {  	[tilespmem:s21+$0x9780] =	vst @!p0 v2;
	p1 =	por @!p0 !p1, !p2  }
0x1f5: {  	[tilespmem:s21+$0xCA20] =	vst @!p0 v1;
	s22 =	sshrl.u32 @!p0 s20, $0x1F;
	p1 =	por @!p0 !p1, !p1  }
0x1f6: {  	[tilespmem:s21+$0x9790] =	vst @!p0 v2;
	s20 =	sadd.s32 @!p0 s22, s20;
	s22 =	simm.s32 @!p0 $0x1;
	p1 =	por !p1, p0  }
0x1f7: {  	[tilespmem:s21+$0xCA30] =	vst @!p0 v1;
	s20 =	sshra.s32 @!p0 s20, $0x1;
	s22 =	simm.s32 @p1 $0x0  }
0x1f8: {  	v3 =	vld @!p0 [tilespmem:s21+$0x9740];
	[tilespmem:s21+$0x97A0] =	vst @!p0 v2;
	s20 =	ssub.s32 @!p0 s20, s22  }
0x1f9: {  	v4 =	vld @!p0 [tilespmem:s21+$0xC9E0];
	[tilespmem:s21+$0xCA40] =	vst @!p0 v1;
	p1 =	slt.s32 @!p0 s20, $0x1  }
0x1fa: {  	[tilespmem:s21+$0x97B0] =	vst @!p0 v2;
	p1 =	por p0, p1  }
.Ltmp13:
0x1fb: {  	[tilespmem:s21+$0xCA50] =	vst @!p0 v1;
	(pc) =	sbr.rel @p1 .LBB2_21-.Ltmp13, $4  }
0x1fc: {  	[tilespmem:s21+$0x97C0] =	vst @!p0 v2  }
0x1fd: {  	v3 =	vsel @!p0 vm0, v3, v2;
	[tilespmem:s21+$0xCA60] =	vst @!p0 v1  }
0x1fe: {  	[tilespmem:s21+$0x9740] =	vst @!p0 v3;
	v3 =	vsel @!p0 vm0, v4, v1  }
0x1ff: {  	[tilespmem:s21+$0xC9E0] =	vst @!p0 v3;
	s21 =	simm.s32 @!p0 $0x1;
	s22 =	simm.s32 @!p0 $0xCA60  }
0x200: {  	[tilespmem:s13], [sflag:$0x1] =	stream.indirect.gather [hbm4b:s5+s12], $0x20, s18, s12, $0xb8;
	[tilespmem:$0x11D80] =	vst v63  }
0x201: {  	_ =	swait.ge [sflag:s14], $0x1000  }
0x202: {  	[sflag:s14] =	ssyncset.done $0x0  }
0x203: {  	[sflag:s14] =	ssyncadd.s32 $0xFFFFF000  }
0x204: {  	v1 =	vld [tilespmem:s22+$0xFFFFFF80];
	_ =	sdelay $0x4  }
0x205: {  	[tilespmem:$0x11C80] =	vst v1  }
0x206: {  	v1 =	vld [tilespmem:s22+$0xFFFFFF90];
	_ =	sdelay $0x4  }
0x207: {  	[tilespmem:$0x11C90] =	vst v1  }
0x208: {  	v1 =	vld [tilespmem:s22+$0xFFFFFFA0];
	_ =	sdelay $0x4  }
0x209: {  	[tilespmem:$0x11CA0] =	vst v1  }
0x20a: {  	v1 =	vld [tilespmem:s22+$0xFFFFFFB0];
	_ =	sdelay $0x4  }
0x20b: {  	[tilespmem:$0x11CB0] =	vst v1  }
0x20c: {  	v1 =	vld [tilespmem:s22+$0xFFFFFFC0];
	_ =	sdelay $0x4  }
0x20d: {  	[tilespmem:$0x11CC0] =	vst v1  }
0x20e: {  	v1 =	vld [tilespmem:s22+$0xFFFFFFD0];
	_ =	sdelay $0x4  }
0x20f: {  	[tilespmem:$0x11CD0] =	vst v1  }
0x210: {  	v1 =	vld [tilespmem:s22+$0xFFFFFFE0];
	_ =	sdelay $0x4  }
0x211: {  	[tilespmem:$0x11CE0] =	vst v1  }
0x212: {  	v1 =	vld [tilespmem:s22+$0xFFFFFFF0];
	_ =	sdelay $0x3  }
0x213: {  	p0 =	sge.s32 s21, s19  }
0x214: {  	s23 =	sadd.s32 @!p0 $0x80, s18;
	[tilespmem:$0x11CF0] =	vst v1  }
0x215: {  	[hbm4b:s2+s12] =	stream.indirect.scatter [tilespmem:s13], [sflag:$0x2], $0x20, s15, s12, $0xb8;
	[tilespmem:$0x11D80] =	vst v63  }
0x216: {  	s24 =	simm.s32 @!p0 $0x80;
	s25 =	simm.s32 @!p0 $0x10C80;
	s26 =	simm.s32 @!p0 $0x1  }
0x217: {  	[tilespmem:s25], [sflag:$0x1] =	stream.indirect.gather @!p0 [hbm4b:s5+s24], $0x20, s23, s24, $0xb8;
	[tilespmem:$0x11D80] =	vst v63  }
0x218: {  	_ =	swait.ge @!p0 [sflag:s26], $0x1000  }
0x219: {  	[sflag:s26] =	ssyncset.done @!p0 $0x0  }
0x21a: {  	[sflag:s26] =	ssyncadd.s32 @!p0 $0xFFFFF000  }
0x21b: {  	v1 =	vld @!p0 [tilespmem:s22+$0x0];
	_ =	sdelay $0x4  }
0x21c: {  	[tilespmem:$0x11D00] =	vst @!p0 v1  }
0x21d: {  	v1 =	vld @!p0 [tilespmem:s22+$0x10];
	_ =	sdelay $0x4  }
0x21e: {  	[tilespmem:$0x11D10] =	vst @!p0 v1  }
0x21f: {  	v1 =	vld @!p0 [tilespmem:s22+$0x20];
	_ =	sdelay $0x4  }
0x220: {  	[tilespmem:$0x11D20] =	vst @!p0 v1  }
0x221: {  	v1 =	vld @!p0 [tilespmem:s22+$0x30];
	_ =	sdelay $0x4  }
0x222: {  	[tilespmem:$0x11D30] =	vst @!p0 v1  }
0x223: {  	v1 =	vld @!p0 [tilespmem:s22+$0x40];
	_ =	sdelay $0x4  }
0x224: {  	[tilespmem:$0x11D40] =	vst @!p0 v1  }
0x225: {  	v1 =	vld @!p0 [tilespmem:s22+$0x50];
	_ =	sdelay $0x4  }
0x226: {  	[tilespmem:$0x11D50] =	vst @!p0 v1  }
0x227: {  	v1 =	vld @!p0 [tilespmem:s22+$0x60];
	_ =	sdelay $0x4  }
0x228: {  	[tilespmem:$0x11D60] =	vst @!p0 v1  }
0x229: {  	v1 =	vld @!p0 [tilespmem:s22+$0x70];
	_ =	sdelay $0x3  }
0x22a: {  	s20 =	sadd.s32 $0xFFFFFFFF, s20  }
0x22b: {  	p1 =	sne.s32 s20, $0x0;
	s23 =	simm.s32 @!p0 $0x11D00;
	[tilespmem:$0x11D70] =	vst @!p0 v1  }
0x22c: {  	[hbm4b:s2+s24] =	stream.indirect.scatter @!p0 [tilespmem:s25], [sflag:$0x2], $0x20, s23, s24, $0xb8;
	[tilespmem:$0x11D80] =	vst v63  }
.Ltmp14:
0x22d: {  	s26 =	simm.s32 @!p0 $0x2;
	(pc) =	sbr.rel @!p1 .LBB2_20-.Ltmp14, $4  }
0x22e: {  	_ =	swait.ge @!p0 [sflag:s26], $0x1000  }
0x22f: {  	[sflag:s26] =	ssyncset.done @!p0 $0x0  }
0x230: {  	[sflag:s26] =	ssyncadd.s32 @!p0 $0xFFFFF000  }
0x231: {  	s21 =	sadd.s32 $0x2, s21;
	s22 =	sadd.s32 $0x100, s22;
	_ =	swait.ge [sflag:s16], $0x1000  }
.LBB2_19:
0x232: {  	s20 =	sadd.s32 $0xFFFFFFFF, s20;
	[sflag:s16] =	ssyncset.done $0x0;
	s18 =	sadd.s32 $0x100, s18  }
0x233: {  	p0 =	sne.s32 s20, $0x0;
	[sflag:s16] =	ssyncadd.s32 $0xFFFFF000  }
0x234: {  	[tilespmem:s13], [sflag:$0x1] =	stream.indirect.gather [hbm4b:s5+s12], $0x20, s18, s12, $0xb8;
	[tilespmem:$0x11D80] =	vst v63  }
0x235: {  	_ =	swait.ge [sflag:s14], $0x1000  }
0x236: {  	[sflag:s14] =	ssyncset.done $0x0  }
0x237: {  	[sflag:s14] =	ssyncadd.s32 $0xFFFFF000  }
0x238: {  	v1 =	vld [tilespmem:s22+$0xFFFFFF80];
	_ =	sdelay $0x4  }
0x239: {  	[tilespmem:$0x11C80] =	vst v1  }
0x23a: {  	v1 =	vld [tilespmem:s22+$0xFFFFFF90];
	_ =	sdelay $0x4  }
0x23b: {  	[tilespmem:$0x11C90] =	vst v1  }
0x23c: {  	v1 =	vld [tilespmem:s22+$0xFFFFFFA0];
	_ =	sdelay $0x4  }
0x23d: {  	[tilespmem:$0x11CA0] =	vst v1  }
0x23e: {  	v1 =	vld [tilespmem:s22+$0xFFFFFFB0];
	_ =	sdelay $0x4  }
0x23f: {  	[tilespmem:$0x11CB0] =	vst v1  }
0x240: {  	v1 =	vld [tilespmem:s22+$0xFFFFFFC0];
	_ =	sdelay $0x4  }
0x241: {  	[tilespmem:$0x11CC0] =	vst v1  }
0x242: {  	v1 =	vld [tilespmem:s22+$0xFFFFFFD0];
	_ =	sdelay $0x4  }
0x243: {  	[tilespmem:$0x11CD0] =	vst v1  }
0x244: {  	v1 =	vld [tilespmem:s22+$0xFFFFFFE0];
	_ =	sdelay $0x4  }
0x245: {  	[tilespmem:$0x11CE0] =	vst v1  }
0x246: {  	v1 =	vld [tilespmem:s22+$0xFFFFFFF0];
	_ =	sdelay $0x4  }
0x247: {  	p1 =	sge.s32 s21, s19;
	[tilespmem:$0x11CF0] =	vst v1  }
0x248: {  	s25 =	sadd.s32 @!p1 $0x80, s18;
	s23 =	simm.s32 @!p1 $0x80;
	s24 =	simm.s32 @!p1 $0x10C80  }
0x249: {  	[hbm4b:s2+s12] =	stream.indirect.scatter [tilespmem:s13], [sflag:$0x2], $0x20, s15, s12, $0xb8;
	[tilespmem:$0x11D80] =	vst v63  }
0x24a: {  	s26 =	simm.s32 @!p1 $0x1  }
0x24b: {  	[tilespmem:s24], [sflag:$0x1] =	stream.indirect.gather @!p1 [hbm4b:s5+s23], $0x20, s25, s23, $0xb8;
	[tilespmem:$0x11D80] =	vst v63  }
0x24c: {  	_ =	swait.ge @!p1 [sflag:s26], $0x1000  }
0x24d: {  	[sflag:s26] =	ssyncset.done @!p1 $0x0  }
0x24e: {  	[sflag:s26] =	ssyncadd.s32 @!p1 $0xFFFFF000  }
0x24f: {  	v1 =	vld @!p1 [tilespmem:s22+$0x0];
	_ =	sdelay $0x4  }
0x250: {  	[tilespmem:$0x11D00] =	vst @!p1 v1  }
0x251: {  	v1 =	vld @!p1 [tilespmem:s22+$0x10];
	_ =	sdelay $0x4  }
0x252: {  	[tilespmem:$0x11D10] =	vst @!p1 v1  }
0x253: {  	v1 =	vld @!p1 [tilespmem:s22+$0x20];
	_ =	sdelay $0x4  }
0x254: {  	[tilespmem:$0x11D20] =	vst @!p1 v1  }
0x255: {  	v1 =	vld @!p1 [tilespmem:s22+$0x30];
	_ =	sdelay $0x4  }
0x256: {  	[tilespmem:$0x11D30] =	vst @!p1 v1  }
0x257: {  	v1 =	vld @!p1 [tilespmem:s22+$0x40];
	_ =	sdelay $0x4  }
0x258: {  	[tilespmem:$0x11D40] =	vst @!p1 v1  }
0x259: {  	v1 =	vld @!p1 [tilespmem:s22+$0x50];
	_ =	sdelay $0x4  }
0x25a: {  	[tilespmem:$0x11D50] =	vst @!p1 v1  }
0x25b: {  	v1 =	vld @!p1 [tilespmem:s22+$0x60];
	_ =	sdelay $0x4  }
0x25c: {  	[tilespmem:$0x11D60] =	vst @!p1 v1  }
0x25d: {  	v1 =	vld @!p1 [tilespmem:s22+$0x70];
	_ =	sdelay $0x3  }
0x25e: {  	s25 =	simm.s32 @!p1 $0x11D00  }
0x25f: {  	s26 =	simm.s32 @!p1 $0x2;
	[tilespmem:$0x11D70] =	vst @!p1 v1  }
0x260: {  	[hbm4b:s2+s23] =	stream.indirect.scatter @!p1 [tilespmem:s24], [sflag:$0x2], $0x20, s25, s23, $0xb8;
	[tilespmem:$0x11D80] =	vst v63  }
.Ltmp15:
0x261: {  	_ = 	snop;
	(pc) =	sbr.rel @p0 .LBB2_19-.Ltmp15, $4  }
0x262: {  	_ =	swait.ge @!p1 [sflag:s26], $0x1000  }
0x263: {  	[sflag:s26] =	ssyncset.done @!p1 $0x0  }
0x264: {  	[sflag:s26] =	ssyncadd.s32 @!p1 $0xFFFFF000  }
0x265: {  	s21 =	sadd.s32 $0x2, s21;
	s22 =	sadd.s32 $0x100, s22;
	_ =	swait.ge [sflag:s16], $0x1000  }
.Ltmp16:
0x266: {  	_ = 	snop;
	(pc) =	sbr.rel .LBB2_20-.Ltmp16, $1  }
0x267: {  	_ =	sdelay $0x3  }
.LBB2_22:
0x268: {  	_ =	sfence.sel $0x180000  }
0x269: {  	[bflag:$0x0] =	sbarrier.arrive $0xFFFF  }
0x26a: {  	p0 =	sne.s32 s0, $0x0;
	_ =	strace $0x90000047  }
0x26b: {  	s0 =	sadd.s32 @!p0 $0x100000, s1;
	[bflag:$0x2] =	sbarrier.arrive $0xFFFF  }
0x26c: {  	[sflag:s0] =	ssyncadd.tile.s32 @!p0 $0x1;
	_ =	shalt  }
.Lfunc_end2:
_tile_overlayer_lowered:
.L_overlay_start_2:
0x26d: {  	(tag) =	ssettag $0x2  }
0x26e: {  	s0 =	rddreg [dreg:$0x0];
	s2 =	stileid.u32  }
0x26f: {  	s1 =	rddreg [dreg:$0x1];
	p0 =	sne.s32 s2, $0x0  }
0x270: {  	s3 =	rddreg [dreg:$0x2];
	[bflag:$0x3] =	sbarrier.arrive $0xFFFF;
	s2 =	simm.s32 @!p0 $0x1C03  }
0x271: {  	[timem:s3], [sflag:s2] =	dma.local @!p0 [hbm:s0], s1  }
0x272: {  	s0 =	simm.s32 @!p0 $0x3  }
0x273: {  	_ =	swait.ge @!p0 [sflag:s0], s1  }
0x274: {  	s1 =	ssub.s32 @!p0 $0x0, s1;
	[sflag:s0] =	ssyncset.done @!p0 $0x0  }
0x275: {  	[sflag:s0] =	ssyncadd.s32 @!p0 s1  }
0x276: {  	[bflag:$0x3] =	sbarrier.arrive $0xFFFF  }
0x277: {  	_ =	shalt  }

// kernel: sparse-core-data-format-call.1.cloned.1.call-start
scs
called_computation.1_lowered:
.L_overlay_start_0:
0x0: {  	s2 =	sld [smem:$0x3FD9]  }
0x1: {  	s3 =	sld [smem:$0x3FFE];
	_ =	sdelay $0x1  }
0x2: {  	s1 =	srdreg.scid  }
0x3: {  	s0 =	sand.u32 $0x1, s1  }
0x4: {  	s18 =	sshll.u32 s0, $0xA;
	s2 =	sadd.s32 s3, s2  }
0x5: {  	s2 =	sadd.s32 s2, s18  }
0x6: {  	[smem:$0x3FC5] =	sst s2  }
0x7: {  	_ = 	snop  }
0x8: {  	s2 =	sld [smem:$0x3FD0];
	(tm) =	ssettm $0x1  }
0x9: {  	s19 =	sld [smem:$0x3FFB];
	_ =	sdelay $0x3  }
0xa: {  	_ =	strace s19  }
0xb: {  	s3 =	sld [smem:$0x3FFC];
	_ =	sdelay $0x3  }
0xc: {  	_ =	strace s3  }
0xd: {  	s3 =	sld [smem:$0x3FFD];
	_ =	sdelay $0x3  }
0xe: {  	_ =	strace s3  }
0xf: {  	_ =	strace $0x8FFFFFFF  }
0x10: {  	s20 =	sld [smem:$0x3FDB];
	_ =	sdelay $0x1  }
0x11: {  	s4 =	simm.s32 $_scs_section_size  }
0x12: {  	s5 =	simm.s32 $_size__tile_overlayer_lowered;
	s6 =	simm.s32 $_tile_overlayer_lowered  }
0x13: {  	s23 =	simm.s32 $0x1BFF;
	s22 =	sshll.u32 s6, $0x1;
	s3 =	sadd.s32 s4, s20  }
0x14: {  	s7 =	simm.s32 $0x0;
	s21 =	sshll.u32 s5, $0x1;
	s5 =	sadd.s32 s22, s3  }
0x15: {  	[timem:s7], [sflag:s23] =	dma.local [hbm:s5], s21  }
0x16: {  	_ =	swait.ge [sflag:s23], s21  }
0x17: {  	s4 =	ssub.s32 $0x0, s21;
	[sflag:s23] =	ssyncset.done $0x0  }
0x18: {  	[sflag:s23] =	ssyncadd.s32 s4;
	_ =	sdelay $0x1  }
0x19: {  	s24 =	simm.s32 $0x1B8B  }
0x1a: {  	_ =	swait.ge [sflag:s24], $0x1  }
0x1b: {  	[sflag:s24] =	ssyncset.done $0x0  }
0x1c: {  	s26 =	simm.s32 $0x1B8E;
	s25 =	sld [smem:$0x3FFE];
	[sflag:s24] =	ssyncadd.s32 $0xFFFFFFFF  }
0x1d: {  	s27 =	simm.s32 $execute0_lowered;
	[smem:$0x3FD2] =	sst s26  }
0x1e: {  	s5 =	sshll.u32 s27, $0x1;
	_ =	strace $0x80000049;
	[dreg:$0x1] =	wrdreg $0xFFFFFFFF  }
0x1f: {  	s28 =	simm.s32 $_size_execute0_lowered;
	s3 =	sadd.s32 s3, s5;
	[dreg:$0x0] =	wrdreg $0x0  }
0x20: {  	s5 =	sshll.u32 s28, $0x1;
	[dreg:$0x2] =	wrdreg s3  }
0x21: {  	[dreg:$0x3] =	wrdreg s5  }
0x22: {  	[dreg:$0x4] =	wrdreg $0xC0  }
0x23: {  	_ =	task [dreg:s7], $0x5FFFF  }
0x24: {  	[dreg:$0x1] =	wrdreg $0xFFFFFFFF  }
0x25: {  	[dreg:$0x0] =	wrdreg $0x60  }
0x26: {  	[dreg:$0x2] =	wrdreg s25  }
0x27: {  	[dreg:$0x3] =	wrdreg s2  }
0x28: {  	[dreg:$0x4] =	wrdreg $0x9  }
0x29: {  	_ =	task.clear_ibuf [dreg:s7], $0x5FFFF;
	_ =	strace $0x90000049  }
0x2a: {  	s29 =	simm.s32 $0x9;
	_ =	strace $0x8000004B  }
0x2b: {  	_ =	swait.ge [sflag:s29], $0x1  }
0x2c: {  	[sflag:s29] =	ssyncadd.s32 $0xFFFFFFFF  }
0x2d: {  	_ =	strace $0x9000004B  }
0x2e: {  	_ =	sfence  }
0x2f: {  	s30 =	sld [smem:$0x0];
	_ =	sdelay $0x2  }
0x30: {  	s31 =	sshll.u32 s1, $0xD;
	s1 =	sshrl.u32 s1, $0x2  }
0x31: {  	s3 =	sand.u32 $0x4000, s31;
	s1 =	sadd.s32 s1, s30  }
0x32: {  	s0 =	sor.u32 s3, s0;
	s1 =	sshll.u32 s1, $0x11  }
0x33: {  	s0 =	sor.u32 s1, s0  }
0x34: {  	s0 =	sadd.s32 $0x8F2B, s0  }
0x35: {  	[sflag:s0] =	ssyncadd.remote.s32 $0x1  }
0x36: {  	_ =	sfence.sel $0xFFFF  }
0x37: {  	[dreg:$0x0] =	wrdreg $0xFFFFFFFF;
	(pc) =	sbr.abs _section_cstart, $3  }
0x38: {  	[dreg:$0x1] =	wrdreg $0xFFFFFFFF  }
0x39: {  	_ =	task.clear_ibuf [dreg:s7], $0x2FFFF;
	_ =	strace $0x9FFFFFFF  }
0x3a: {  	(tm) =	ssettm $0x7FFFFFFF  }
0x3b: {  	_ =	shalt  }
tec
execute0_lowered:
.L_overlay_start_1:
0x0: {  	(tag) =	ssettag $0x1  }
0x1: {  	s0 =	srdreg.scid  }
0x2: {  	s1 =	sshll.u32 s0, $0x4  }
0x3: {  	s4 =	rddreg [dreg:$0x0];
	s0 =	stileid.u32;
	s1 =	sand.u32 $0x10, s1  }
0x4: {  	s2 =	rddreg [dreg:$0x1];
	s7 =	simm.s32 $0x1;
	s1 =	sor.u32 s0, s1  }
0x5: {  	s8 =	simm.s32 $0x2;
	s11 =	simm.s32 $0x0;
	s3 =	sshll.u32 s1, $0x7  }
0x6: {  	s10 =	simm.s32 $0x0;
	s4 =	sadd.s32 $0xC00, s4;
	s6 =	ssub.s32 $0xC8000, s3  }
.Ltmp0:
0x7: {  	s1 =	rddreg [dreg:$0x2];
	s5 =	sand.u32 $0xF80, s6;
	(pc) =	sbr.rel .LBB1_1-.Ltmp0, $4  }
0x8: {  	_ =	strace $0x8000004A;
	s9 =	smov.u32 s3;
	p0 =	sne.s32 s5, $0x0  }
0x9: {  	s6 =	sshrl.u32 s6, $0xC;
	s5 =	simm.s32 $0x1;
	s7 =	simm.s32 @!p0 $0x0  }
0xa: {  	[sflag:s5] =	ssyncpa.u1 $0x0;
	p0 =	por $0x0, $0x0;
	s6 =	sadd.s32 s7, s6  }
0xb: {  	[sflag:s8] =	ssyncpa.u1 $0x0;
	s8 =	simm.s32 $0x640000;
	s7 =	sadd.s32 $0x1, s6  }
.LBB1_4:
0xc: {  	s14 =	sshll.u32 s11, $0x3  }
0xd: {  	s30 =	sand.u32 $0x7F, s11;
	s15 =	sand.u32 $0xFFFFFC00, s14  }
0xe: {  	s11 =	sor.u32 s30, s15  }
0xf: {  	s15 =	smulhi.u32 $0x51EB851F, s11  }
0x10: {  	s14 =	smulhi.u32 $0x51EB851F, s14  }
0x11: {  	s15 =	sshrl.u32 s15, $0x12  }
0x12: {  	s14 =	sshrl.u32 s14, $0x12;
	s15 =	smul.u32 $0xC8000, s15  }
0x13: {  	s14 =	sand.u32 $0x1F, s14  }
0x14: {  	s14 =	smul.u32 $0x19000, s14;
	s11 =	ssub.s32 s11, s15  }
0x15: {  	s15 =	sand.u32 $0x7, s11  }
0x16: {  	s14 =	sadd.s32 s2, s14;
	s11 =	sshrl.u32 s11, $0x3;
	s15 =	sshll.u32 s15, $0x12  }
0x17: {  	[tilespmem:s13+$0x0 ss:$0x81] =	vst.msk $0xffff, v0;
	s11 =	sadd.s32 s11, s14;
	s31 =	sor.u32 $0x400, s15  }
0x18: {  	[hbm4b:s11+s31] =	stream.strided.scatter [tilespmem:s12], [sflag:$0x2], $0x1000, s8, s31, $0x20;
	[tilespmem:$0x4040] =	vst v63  }
.LBB1_5:
0x19: {  	s13 =	sadd.s32 $0x1000, s9  }
0x1a: {  	p2 =	sgt.s32 s13, $0xC7FFF  }
0x1b: {  	s13 =	smov.u32 @p2 s3;
	p2 =	sne.s32 s10, s7  }
.Ltmp1:
0x1c: {  	p1 =	slt.u32 s10, $0x2;
	(pc) =	sbr.rel @!p2 .LBB1_6-.Ltmp1, $4  }
0x1d: {  	s12 =	simm.s32 @!p1 $0x2  }
0x1e: {  	s14 =	sadd.s32 $0x1, s10;
	_ =	swait.ge @!p1 [sflag:s12], $0x1000  }
0x1f: {  	s11 =	smov.u32 s9;
	p0 =	por !p0, !p0;
	[sflag:s12] =	ssyncset.done @!p1 $0x0  }
0x20: {  	s10 =	smov.u32 s14;
	s9 =	smov.u32 s13;
	[sflag:s12] =	ssyncadd.s32 @!p1 $0xFFFFF000  }
.LBB1_1:
0x21: {  	p1 =	sge.u32 s10, s6  }
0x22: {  	s12 =	sand.u32 @!p1 $0x1FFFFFF, s9  }
0x23: {  	s13 =	smulhi.u32 @!p1 $0x147AE15, s12;
	_ =	sdelay $0x1  }
0x24: {  	s13 =	sshrl.u32 @!p1 s13, $0xC  }
0x25: {  	s13 =	smul.u32 @!p1 $0xC8000, s13;
	_ =	sdelay $0x1  }
0x26: {  	s31 =	sadd.s32 $0xFFFFFFFF, s10;
	s14 =	sxor.u32 @!p1 $0xFFFFFFFF, s10;
	s12 =	ssub.s32 @!p1 s12, s13  }
0x27: {  	s15 =	simm.s32 @!p1 $0x80;
	s14 =	sshll.u32 @!p1 s14, $0xC;
	s12 =	sshll.u32 @!p1 s12, $0x4  }
0x28: {  	s13 =	sand.u32 @!p1 $0x1000, s14;
	s14 =	simm.s32 @!p1 $0x20;
	s12 =	sadd.s32 @!p1 s4, s12  }
0x29: {  	[tilespmem:s13], [sflag:$0x1] =	stream.strided.gather @!p1 [hbm4b:s12+s14], $0x1000, s15, s14, $0x38;
	[tilespmem:$0x4040] =	vst v63  }
0x2a: {  	p1 =	sge.u32 s31, s6  }
.Ltmp2:
0x2b: {  	_ = 	snop;
	(pc) =	sbr.rel @p1 .LBB1_5-.Ltmp2, $1  }
0x2c: {  	_ =	sdelay $0x3  }
0x2d: {  	s12 =	simm.s32 $0x1  }
0x2e: {  	_ =	swait.ge [sflag:s5], $0x1000;
	s12 =	simm.s32 @!p0 $0x0  }
0x2f: {  	[sflag:s5] =	ssyncset.done $0x0;
	s13 =	sshll.u32 s12, $0xC  }
0x30: {  	[sflag:s5] =	ssyncadd.s32 $0xFFFFF000;
	s16 =	sor.u32 $0x10, s13  }
0x31: {  	s12 =	smul.u32 $0x4080, s12;
	v1 =	vld [tilespmem:s16+$0x0]  }
0x32: {  	s30 =	sand.u32 $0x1, s10;
	v0 =	vld [tilespmem:s16+$0xFFFFFFF0]  }
0x33: {  	s13 =	smul.u32 $0x4080, s30;
	s12 =	sshrl.u32 s12, $0x2  }
0x34: {  	s14 =	sor.u32 $0x2000, s12  }
0x35: {  	s31 =	sshrl.u32 s13, $0x2;
	s13 =	sadd.s32 $0x0, s14  }
0x36: {  	s15 =	simm.s32 $0x4;
	s16 =	sadd.s32 $0x20, s16;
	s12 =	sor.u32 $0x2000, s31;
	[tilespmem:s13+$0x810 ss:$0x81] =	vst.msk $0xffff, v1  }
.LBB1_3:
0x37: {  	v1 =	vld [tilespmem:s16+$0x0];
	p1 =	sne.s32 s15, $0x1FC;
	[tilespmem:s13+$0x0 ss:$0x81] =	vst.msk $0xffff, v0;
	s13 =	smov.u32 s15;
	s15 =	sadd.s32 $0x4, s15  }
.Ltmp3:
0x38: {  	v0 =	vld [tilespmem:s16+$0xFFFFFFF0];
	(pc) =	sbr.rel @p1 .LBB1_3-.Ltmp3, $4  }
0x39: {  	_ = 	snop  }
0x3a: {  	s13 =	sshra.s32 s13, $0x2  }
0x3b: {  	s13 =	sadd.s32 s13, s14  }
0x3c: {  	s16 =	sadd.s32 $0x20, s16;
	[tilespmem:s13+$0x810 ss:$0x81] =	vst.msk $0xffff, v1  }
.Ltmp4:
0x3d: {  	_ = 	snop;
	(pc) =	sbr.rel .LBB1_4-.Ltmp4, $1  }
0x3e: {  	_ =	sdelay $0x3  }
.LBB1_6:
0x3f: {  	_ =	sfence.sel $0x180000  }
0x40: {  	s2 =	simm.s32 $0x1;
	[bflag:$0x0] =	sbarrier.arrive $0xFFFF  }
0x41: {  	s31 =	simm.s32 $0x2;
	[sflag:s2] =	ssyncpa.u1 $0x1  }
0x42: {  	[sflag:s31] =	ssyncpa.u1 $0x1  }
0x43: {  	p0 =	sne.s32 s0, $0x0;
	_ =	strace $0x9000004A  }
0x44: {  	s0 =	sadd.s32 @!p0 $0x100000, s1;
	[bflag:$0x2] =	sbarrier.arrive $0xFFFF  }
0x45: {  	[sflag:s0] =	ssyncadd.tile.s32 @!p0 $0x1;
	_ =	shalt  }
.Lfunc_end1:
_tile_overlayer_lowered:
.L_overlay_start_2:
0x46: {  	(tag) =	ssettag $0x2  }
0x47: {  	s0 =	rddreg [dreg:$0x0];
	s2 =	stileid.u32  }
0x48: {  	s1 =	rddreg [dreg:$0x1];
	p0 =	sne.s32 s2, $0x0  }
0x49: {  	s3 =	rddreg [dreg:$0x2];
	[bflag:$0x3] =	sbarrier.arrive $0xFFFF;
	s2 =	simm.s32 @!p0 $0x1C01  }
0x4a: {  	[timem:s3], [sflag:s2] =	dma.local @!p0 [hbm:s0], s1  }
0x4b: {  	s0 =	simm.s32 @!p0 $0x1  }
0x4c: {  	_ =	swait.ge @!p0 [sflag:s0], s1  }
0x4d: {  	s1 =	ssub.s32 @!p0 $0x0, s1;
	[sflag:s0] =	ssyncset.done @!p0 $0x0  }
0x4e: {  	[sflag:s0] =	ssyncadd.s32 @!p0 s1  }
0x4f: {  	[bflag:$0x3] =	sbarrier.arrive $0xFFFF  }
0x50: {  	_ =	shalt  }

// kernel: sparse-core-data-format-call.cloned.1.call-start
scs
called_computation_lowered:
.L_overlay_start_0:
0x0: {  	s2 =	sld [smem:$0x3FD9]  }
0x1: {  	s3 =	sld [smem:$0x3FFE];
	_ =	sdelay $0x1  }
0x2: {  	s1 =	srdreg.scid  }
0x3: {  	s0 =	sand.u32 $0x1, s1  }
0x4: {  	s18 =	sshll.u32 s0, $0xA;
	s2 =	sadd.s32 s3, s2  }
0x5: {  	s2 =	sadd.s32 s2, s18  }
0x6: {  	[smem:$0x3FC5] =	sst s2  }
0x7: {  	_ = 	snop  }
0x8: {  	s2 =	sld [smem:$0x3FD0];
	(tm) =	ssettm $0x1  }
0x9: {  	s19 =	sld [smem:$0x3FFB];
	_ =	sdelay $0x3  }
0xa: {  	_ =	strace s19  }
0xb: {  	s3 =	sld [smem:$0x3FFC];
	_ =	sdelay $0x3  }
0xc: {  	_ =	strace s3  }
0xd: {  	s3 =	sld [smem:$0x3FFD];
	_ =	sdelay $0x3  }
0xe: {  	_ =	strace s3  }
0xf: {  	_ =	strace $0x8FFFFFFF  }
0x10: {  	s20 =	sld [smem:$0x3FDB];
	_ =	sdelay $0x1  }
0x11: {  	s4 =	simm.s32 $_scs_section_size  }
0x12: {  	s5 =	simm.s32 $_size__tile_overlayer_lowered;
	s6 =	simm.s32 $_tile_overlayer_lowered  }
0x13: {  	s23 =	simm.s32 $0x1BFF;
	s22 =	sshll.u32 s6, $0x1;
	s3 =	sadd.s32 s4, s20  }
0x14: {  	s7 =	simm.s32 $0x0;
	s21 =	sshll.u32 s5, $0x1;
	s5 =	sadd.s32 s22, s3  }
0x15: {  	[timem:s7], [sflag:s23] =	dma.local [hbm:s5], s21  }
0x16: {  	_ =	swait.ge [sflag:s23], s21  }
0x17: {  	s4 =	ssub.s32 $0x0, s21;
	[sflag:s23] =	ssyncset.done $0x0  }
0x18: {  	[sflag:s23] =	ssyncadd.s32 s4;
	_ =	sdelay $0x1  }
0x19: {  	s24 =	simm.s32 $0x1B8B  }
0x1a: {  	_ =	swait.ge [sflag:s24], $0x1  }
0x1b: {  	[sflag:s24] =	ssyncset.done $0x0  }
0x1c: {  	s26 =	simm.s32 $0x1B8E;
	s25 =	sld [smem:$0x3FFE];
	[sflag:s24] =	ssyncadd.s32 $0xFFFFFFFF  }
0x1d: {  	s27 =	simm.s32 $execute0_lowered;
	[smem:$0x3FD2] =	sst s26  }
0x1e: {  	s5 =	sshll.u32 s27, $0x1;
	_ =	strace $0x8000004C;
	[dreg:$0x1] =	wrdreg $0xFFFFFFFF  }
0x1f: {  	s28 =	simm.s32 $_size_execute0_lowered;
	s3 =	sadd.s32 s3, s5;
	[dreg:$0x0] =	wrdreg $0x0  }
0x20: {  	s5 =	sshll.u32 s28, $0x1;
	[dreg:$0x2] =	wrdreg s3  }
0x21: {  	[dreg:$0x3] =	wrdreg s5  }
0x22: {  	[dreg:$0x4] =	wrdreg $0xC0  }
0x23: {  	_ =	task [dreg:s7], $0x5FFFF  }
0x24: {  	[dreg:$0x1] =	wrdreg $0xFFFFFFFF  }
0x25: {  	[dreg:$0x0] =	wrdreg $0x60  }
0x26: {  	[dreg:$0x2] =	wrdreg s25  }
0x27: {  	[dreg:$0x3] =	wrdreg s2  }
0x28: {  	[dreg:$0x4] =	wrdreg $0x9  }
0x29: {  	_ =	task.clear_ibuf [dreg:s7], $0x5FFFF;
	_ =	strace $0x9000004C  }
0x2a: {  	s29 =	simm.s32 $0x9;
	_ =	strace $0x8000004E  }
0x2b: {  	_ =	swait.ge [sflag:s29], $0x1  }
0x2c: {  	[sflag:s29] =	ssyncadd.s32 $0xFFFFFFFF  }
0x2d: {  	_ =	strace $0x9000004E  }
0x2e: {  	_ =	sfence  }
0x2f: {  	s30 =	sld [smem:$0x0];
	_ =	sdelay $0x2  }
0x30: {  	s31 =	sshll.u32 s1, $0xD;
	s1 =	sshrl.u32 s1, $0x2  }
0x31: {  	s3 =	sand.u32 $0x4000, s31;
	s1 =	sadd.s32 s1, s30  }
0x32: {  	s0 =	sor.u32 s3, s0;
	s1 =	sshll.u32 s1, $0x11  }
0x33: {  	s0 =	sor.u32 s1, s0  }
0x34: {  	s0 =	sadd.s32 $0x8F2B, s0  }
0x35: {  	[sflag:s0] =	ssyncadd.remote.s32 $0x1  }
0x36: {  	_ =	sfence.sel $0xFFFF  }
0x37: {  	[dreg:$0x0] =	wrdreg $0xFFFFFFFF;
	(pc) =	sbr.abs _section_cstart, $3  }
0x38: {  	[dreg:$0x1] =	wrdreg $0xFFFFFFFF  }
0x39: {  	_ =	task.clear_ibuf [dreg:s7], $0x2FFFF;
	_ =	strace $0x9FFFFFFF  }
0x3a: {  	(tm) =	ssettm $0x7FFFFFFF  }
0x3b: {  	_ =	shalt  }
tec
execute0_lowered:
.L_overlay_start_1:
0x0: {  	(tag) =	ssettag $0x1  }
0x1: {  	s8 =	rddreg [dreg:$0x0]  }
0x2: {  	s2 =	rddreg [dreg:$0x1];
	s1 =	stileid.u32  }
0x3: {  	s4 =	srdreg.scid;
	s0 =	rddreg [dreg:$0x2];
	_ =	strace $0x8000004D  }
0x4: {  	s9 =	simm.s32 $0x1;
	s31 =	simm.s32 $0x2;
	s16 =	simm.s32 $0x0  }
0x5: {  	s17 =	simm.s32 $0x0;
	s11 =	simm.s32 $0x0;
	s12 =	simm.s32 $0x0  }
0x6: {  	s15 =	simm.s32 $0x0;
	s3 =	sshll.u32 s1, $0x1;
	s4 =	sshll.u32 s4, $0x7  }
0x7: {  	s4 =	sand.u32 $0x80, s4;
	s5 =	ssub.s32 $0x20, s3;
	s14 =	smov.u32 s3  }
0x8: {  	s6 =	sshrl.u32 s5, $0x5;
	s5 =	sand.u32 $0x1E, s5;
	s7 =	ssub.s32 $0x4000, s4  }
0x9: {  	p0 =	sne.s32 s5, $0x0;
	s30 =	sshrl.u32 s7, $0x7;
	s7 =	sshrl.u32 s7, $0x8  }
.Ltmp0:
0xa: {  	s9 =	simm.s32 @!p0 $0x0;
	s10 =	sand.u32 $0x1, s30;
	(pc) =	sbr.rel .LBB1_1-.Ltmp0, $4  }
0xb: {  	s5 =	simm.s32 $0x1;
	s6 =	sadd.s32 s9, s6;
	s7 =	sadd.s32 s7, s10  }
0xc: {  	s13 =	smov.u32 s4;
	[sflag:s5] =	ssyncpa.u1 $0x0;
	s6 =	smul.u32 s6, s7  }
0xd: {  	p0 =	por $0x0, $0x0;
	[sflag:s31] =	ssyncpa.u1 $0x0;
	s10 =	simm.s32 $0x80000  }
0xe: {  	s7 =	sadd.s32 $0xC00, s8;
	s8 =	sadd.s32 $0x40C00, s8;
	s9 =	sadd.s32 $0x1, s6  }
.LBB1_7:
0xf: {  	p1 =	slt.u32 s15, $0x2  }
0x10: {  	s19 =	smov.u32 s17;
	p2 =	sgt.s32 @!p1 s17, $0x1E;
	s18 =	sshra.s32 @!p1 s17, $0x1F  }
0x11: {  	p3 =	sgt.s32 @!p1 s16, $0x3F80;
	s20 =	sshra.s32 @!p1 s16, $0x1F;
	p2 =	por !p2, p1  }
0x12: {  	s17 =	sand.u32 @!p1 s18, s17;
	p3 =	por !p3, p1;
	s18 =	smov.u32 s16  }
0x13: {  	s16 =	sand.u32 @!p1 s20, s16;
	s19 =	simm.s32 @p2 $0x1E;
	s18 =	simm.s32 @p3 $0x3F80  }
0x14: {  	s20 =	smov.u32 s14;
	s17 =	ssub.s32 @!p1 s19, s17;
	s16 =	ssub.s32 @!p1 s18, s16  }
0x15: {  	s18 =	sadd.s32 @!p1 $0xFFFFFFE2, s17;
	s17 =	ssub.s32 @!p1 $0x20, s17;
	s19 =	sadd.s32 @!p1 $0xFFFFC080, s16  }
0x16: {  	p2 =	sgt.s32 @!p1 s18, $0x1;
	s17 =	smul.u32 @!p1 $0x32, s17;
	p3 =	sgt.s32 @!p1 s19, $0x7F  }
0x17: {  	s16 =	ssub.s32 @!p1 $0x4000, s16;
	p2 =	por !p2, p1;
	p3 =	por !p3, p1  }
0x18: {  	s18 =	sadd.s32 $0x100, s13;
	s17 =	simm.s32 @!p2 $0x0;
	s16 =	simm.s32 @!p3 $0x0  }
0x19: {  	p2 =	sgt.s32 s18, $0x3FFF;
	s16 =	smul.u32 @!p1 s16, s17;
	s17 =	sadd.s32 $0x20, s14  }
0x1a: {  	s20 =	smov.u32 @p2 s17  }
0x1b: {  	s18 =	smov.u32 @p2 s4;
	p2 =	sgt.s32 s20, $0x1F  }
0x1c: {  	s20 =	smov.u32 @p2 s3;
	p2 =	sne.s32 s15, s9  }
.Ltmp1:
0x1d: {  	p0 =	por !p0, !p0;
	s19 =	simm.s32 @!p1 $0x2;
	(pc) =	sbr.rel @!p2 .LBB1_8-.Ltmp1, $4  }
0x1e: {  	s17 =	smov.u32 s12;
	s12 =	smov.u32 s14;
	s16 =	sand.u32 @!p1 $0x3FFFFFFE, s16  }
0x1f: {  	_ =	swait.ge @!p1 [sflag:s19], s16;
	s21 =	ssub.s32 @!p1 $0x0, s16;
	s16 =	smov.u32 s11  }
0x20: {  	s15 =	sadd.s32 $0x1, s15;
	s11 =	smov.u32 s13;
	[sflag:s19] =	ssyncset.done @!p1 $0x0  }
0x21: {  	s13 =	smov.u32 s18;
	s14 =	smov.u32 s20;
	[sflag:s19] =	ssyncadd.s32 @!p1 s21  }
.LBB1_1:
0x22: {  	p1 =	sge.u32 s15, s6  }
0x23: {  	s18 =	sxor.u32 @!p1 $0xFFFFFFFF, s15;
	s19 =	sshll.u32 @!p1 s14, $0x12  }
0x24: {  	s20 =	sshll.u32 @!p1 s13, $0x4;
	s22 =	simm.s32 @!p1 $0x40;
	s23 =	simm.s32 @!p1 $0x80  }
0x25: {  	s18 =	sshll.u32 @!p1 s18, $0xE;
	s20 =	sand.u32 @!p1 $0x3FFF0, s20;
	s21 =	sadd.s32 @!p1 s7, s19  }
0x26: {  	s19 =	sadd.s32 @!p1 s19, s8;
	s18 =	sand.u32 @!p1 $0x4000, s18;
	s21 =	sadd.s32 @!p1 s20, s21  }
0x27: {  	[tilespmem:s18], [sflag:$0x1] =	stream.strided.gather @!p1 [hbm4b:s21+s22], $0x2000, s23, s22, $0x38;
	[tilespmem:$0x10100] =	vst v63  }
0x28: {  	s31 =	sadd.s32 $0xFFFFFFFF, s15;
	s19 =	sadd.s32 @!p1 s20, s19;
	s18 =	sor.u32 @!p1 $0x2000, s18  }
0x29: {  	[tilespmem:s18], [sflag:$0x1] =	stream.strided.gather @!p1 [hbm4b:s19+s22], $0x2000, s23, s22, $0x38;
	[tilespmem:$0x10100] =	vst v63  }
0x2a: {  	p1 =	sge.u32 s31, s6  }
.Ltmp2:
0x2b: {  	_ = 	snop;
	(pc) =	sbr.rel @p1 .LBB1_7-.Ltmp2, $1  }
0x2c: {  	_ =	sdelay $0x3  }
0x2d: {  	s18 =	simm.s32 $0x1;
	s20 =	sand.u32 $0x1, s15  }
0x2e: {  	_ =	swait.ge [sflag:s5], $0x4000;
	s18 =	simm.s32 @!p0 $0x0;
	s20 =	smul.u32 $0x10200, s20  }
0x2f: {  	p2 =	por $0x1, $0x1;
	[sflag:s5] =	ssyncset.done $0x0;
	s19 =	smul.u32 $0x10200, s18  }
0x30: {  	s21 =	sshll.u32 s18, $0x10;
	[sflag:s5] =	ssyncadd.s32 $0xFFFFC000;
	s30 =	sshrl.u32 s20, $0x2  }
0x31: {  	s31 =	sshrl.u32 s21, $0x2;
	s21 =	simm.s32 $0x0;
	s19 =	sshrl.u32 s19, $0x2  }
0x32: {  	s18 =	sor.u32 $0x8000, s30;
	s20 =	sadd.s32 $0x20, s31;
	s19 =	sor.u32 $0x8000, s19  }
.LBB1_3:
0x33: {  	s22 =	sshll.u32 s21, $0xD  }
0x34: {  	s22 =	sand.u32 $0x3FFFE000, s22  }
0x35: {  	s24 =	sadd.s32 s22, s20  }
0x36: {  	s31 =	smul.u32 $0x204, s21;
	v3 =	vld [tilespmem:s24+$0x10]  }
0x37: {  	v1 =	vld [tilespmem:s24+$0xFFFFFFF0]  }
0x38: {  	s21 =	sshra.s32 s31, $0x2;
	v0 =	vld [tilespmem:s24+$0x0]  }
0x39: {  	s21 =	sadd.s32 s21, s19;
	v2 =	vld [tilespmem:s24+$0xFFFFFFE0]  }
0x3a: {  	s22 =	sadd.s32 $0x0, s21  }
0x3b: {  	p1 =	por p2, p2;
	s23 =	simm.s32 $0x4;
	s24 =	sadd.s32 $0x40, s24;
	[tilespmem:s22+$0x3060 ss:$0x102] =	vst.msk $0xffff, v3  }
.LBB1_4:
0x3c: {  	v3 =	vld [tilespmem:s24+$0x10];
	p2 =	sne.s32 s23, $0x1FC;
	[tilespmem:s22+$0x1020 ss:$0x102] =	vst.msk $0xffff, v1;
	s25 =	smov.u32 s23;
	s23 =	sadd.s32 $0x4, s23  }
.Ltmp3:
0x3d: {  	v1 =	vld [tilespmem:s24+$0xFFFFFFF0];
	[tilespmem:s22+$0x2040 ss:$0x102] =	vst.msk $0xffff, v0;
	(pc) =	sbr.rel @p2 .LBB1_4-.Ltmp3, $4  }
0x3e: {  	v0 =	vld [tilespmem:s24+$0x0];
	[tilespmem:s22+$0x0 ss:$0x102] =	vst.msk $0xffff, v2  }
0x3f: {  	s22 =	sshra.s32 s25, $0x2;
	v2 =	vld [tilespmem:s24+$0xFFFFFFE0]  }
0x40: {  	s22 =	sadd.s32 s22, s21  }
0x41: {  	s24 =	sadd.s32 $0x40, s24;
	[tilespmem:s22+$0x3060 ss:$0x102] =	vst.msk $0xffff, v3  }
.Ltmp4:
0x42: {  	(pc) =	sbr.rel @p1 .LBB1_3-.Ltmp4, $4  }
0x43: {  	_ = 	snop  }
0x44: {  	[tilespmem:s22+$0x1020 ss:$0x102] =	vst.msk $0xffff, v1  }
0x45: {  	[tilespmem:s22+$0x2040 ss:$0x102] =	vst.msk $0xffff, v0  }
0x46: {  	s21 =	simm.s32 $0x1;
	p2 =	por $0x0, $0x0;
	[tilespmem:s22+$0x0 ss:$0x102] =	vst.msk $0xffff, v2  }
0x47: {  	s19 =	sand.u32 $0x78, s11;
	p1 =	sgt.s32 s12, $0x1E;
	s20 =	smov.u32 s12  }
0x48: {  	s21 =	sshra.s32 s12, $0x1F;
	s22 =	sshll.u32 s12, $0xE;
	s23 =	sshll.u32 s11, $0x3  }
0x49: {  	s30 =	sshra.s32 s11, $0x1F;
	s25 =	sshll.u32 s12, $0x7;
	s20 =	simm.s32 @!p1 $0x1E  }
0x4a: {  	s21 =	sand.u32 s21, s12;
	s22 =	sand.u32 $0x60000, s22;
	p1 =	sgt.s32 s11, $0x3F80  }
0x4b: {  	s25 =	sand.u32 $0x380, s25;
	s20 =	ssub.s32 s20, s21;
	s21 =	smov.u32 s11  }
0x4c: {  	s22 =	sadd.s32 s22, s23;
	s24 =	sadd.s32 $0xFFFFFFE2, s20;
	s21 =	simm.s32 @!p1 $0x3F80  }
0x4d: {  	s20 =	ssub.s32 $0x20, s20;
	p1 =	sgt.s32 s24, $0x1;
	s24 =	sand.u32 s30, s11  }
0x4e: {  	s23 =	sand.u32 $0x3C00, s23;
	s20 =	smul.u32 $0x32, s20;
	s21 =	ssub.s32 s21, s24  }
0x4f: {  	s19 =	sor.u32 s25, s19;
	s22 =	sand.u32 $0x7C000, s22;
	s24 =	sadd.s32 $0xFFFFC080, s21  }
0x50: {  	s20 =	simm.s32 @p1 $0x0;
	s21 =	ssub.s32 $0x4000, s21;
	p1 =	sgt.s32 s24, $0x7F  }
.Ltmp5:
0x51: {  	s19 =	sor.u32 s23, s19;
	s21 =	simm.s32 @p1 $0x0;
	(pc) =	sbr.rel .LBB1_7-.Ltmp5, $4  }
0x52: {  	s31 =	sand.u32 $0x7, s11;
	s19 =	sor.u32 s22, s19;
	s20 =	smul.u32 s21, s20  }
0x53: {  	s19 =	sshrl.u32 s19, $0x3;
	s21 =	sshll.u32 s31, $0x12  }
0x54: {  	s19 =	sadd.s32 s2, s19;
	s21 =	sor.u32 $0x100, s21;
	s20 =	sand.u32 $0x3FFFFFFE, s20  }
0x55: {  	[hbm4b:s19+s21] =	stream.strided.scatter [tilespmem:s18], [sflag:$0x2], s20, s10, s21, $0x20;
	[tilespmem:$0x10100] =	vst v63  }
.LBB1_8:
0x56: {  	_ =	sfence.sel $0x180000  }
0x57: {  	s2 =	simm.s32 $0x1;
	[bflag:$0x0] =	sbarrier.arrive $0xFFFF  }
0x58: {  	s31 =	simm.s32 $0x2;
	[sflag:s2] =	ssyncpa.u1 $0x1  }
0x59: {  	[sflag:s31] =	ssyncpa.u1 $0x1  }
0x5a: {  	p0 =	sne.s32 s1, $0x0;
	_ =	strace $0x9000004D  }
0x5b: {  	s0 =	sadd.s32 @!p0 $0x100000, s0;
	[bflag:$0x2] =	sbarrier.arrive $0xFFFF  }
0x5c: {  	[sflag:s0] =	ssyncadd.tile.s32 @!p0 $0x1;
	_ =	shalt  }
.Lfunc_end1:
_tile_overlayer_lowered:
.L_overlay_start_2:
0x5d: {  	(tag) =	ssettag $0x2  }
0x5e: {  	s0 =	rddreg [dreg:$0x0];
	s2 =	stileid.u32  }
0x5f: {  	s1 =	rddreg [dreg:$0x1];
	p0 =	sne.s32 s2, $0x0  }
0x60: {  	s3 =	rddreg [dreg:$0x2];
	[bflag:$0x3] =	sbarrier.arrive $0xFFFF;
	s2 =	simm.s32 @!p0 $0x1C01  }
0x61: {  	[timem:s3], [sflag:s2] =	dma.local @!p0 [hbm:s0], s1  }
0x62: {  	s0 =	simm.s32 @!p0 $0x1  }
0x63: {  	_ =	swait.ge @!p0 [sflag:s0], s1  }
0x64: {  	s1 =	ssub.s32 @!p0 $0x0, s1;
	[sflag:s0] =	ssyncset.done @!p0 $0x0  }
0x65: {  	[sflag:s0] =	ssyncadd.s32 @!p0 s1  }
0x66: {  	[bflag:$0x3] =	sbarrier.arrive $0xFFFF  }
0x67: {  	_ =	shalt  }

</sc_bundles>
